<compile_context>
chip_gen: v7x
topology: tpu7x:2x2x1
jax: 0.10.2.dev20260603
libtpu: 0.0.44.dev20260713+nightly
codegen_flags: <defaults>
</compile_context>

<pallas_src>
import functools

import jax
import jax.numpy as jnp
from jax import lax
from jax.experimental import pallas as pl
from jax.experimental.pallas import tpu as pltpu
from jax.experimental.pallas import tpu_sc as plsc

N = 10000
NPAD = 10240
F = 128
HID = 512
NC, NS, L = 2, 16, 16
NW = NC * NS
B = 112
SR = NPAD // NS
MT = 256
GRID_M = NPAD // MT


def _vmesh():
    return plsc.VectorSubcoreMesh(
        core_axis_name="c", subcore_axis_name="s",
        num_cores=NC, num_subcores=NS)


def _deg_body(dst_hbm, out_hbm, dstv, degl, tmp, acc, shared):
    nblk = dst_hbm.shape[1]
    c = lax.axis_index("c")
    s = lax.axis_index("s")
    w = s * NC + c

    pltpu.sync_copy(dst_hbm.at[w], dstv)

    def zero_deg(i, _):
        degl[pl.ds(i * L, L)] = jnp.zeros((L,), jnp.float32)
        return 0
    lax.fori_loop(0, NPAD // L, zero_deg, 0)

    ones16 = jnp.ones((L,), jnp.float32)

    def blk(j, _):
        for k in range(B // L):
            idx = dstv[j, pl.ds(k * L, L)]
            plsc.addupdate_scatter(degl, [idx], ones16)
        return 0
    lax.fori_loop(0, nblk, blk, 0)

    pltpu.sync_copy(degl, shared.at[s])
    plsc.subcore_barrier()

    def zero_acc(i, _):
        acc[pl.ds(i * L, L)] = jnp.zeros((L,), jnp.float32)
        return 0
    lax.fori_loop(0, SR // L, zero_acc, 0)

    def red(t, _):
        pltpu.sync_copy(shared.at[t, pl.ds(s * SR, SR)], tmp)

        def add(i, __):
            acc[pl.ds(i * L, L)] = acc[pl.ds(i * L, L)] + tmp[pl.ds(i * L, L)]
            return 0
        lax.fori_loop(0, SR // L, add, 0)
        return 0
    lax.fori_loop(0, NS, red, 0)

    pltpu.sync_copy(acc, out_hbm.at[c, pl.ds(s * SR, SR)])


def _deg_halves(dst_t):
    nblk = dst_t.shape[1]
    return pl.kernel(
        _deg_body,
        out_type=jax.ShapeDtypeStruct((NC, NPAD), jnp.float32),
        mesh=_vmesh(),
        compiler_params=pltpu.CompilerParams(needs_layout_passes=False),
        scratch_types=[
            pltpu.VMEM((nblk, B), jnp.int32),
            pltpu.VMEM((NPAD,), jnp.float32),
            pltpu.VMEM((SR,), jnp.float32),
            pltpu.VMEM((SR,), jnp.float32),
            pltpu.VMEM_SHARED((NS, NPAD), jnp.float32),
        ],
    )(dst_t)


NBUF = 2


def _agg_body(table, pkb, out, pkv, sbuf, dbuf, rows, sem0, sem1, shared):
    nblk = pkb.shape[1]
    sems = (sem0, sem1)
    c = lax.axis_index("c")
    s = lax.axis_index("s")
    w = s * NC + c

    pltpu.sync_copy(pkb.at[w], pkv)

    def unpack(j, b):
        for k in range(B // L):
            v = pkv[j, pl.ds(k * L, L)]
            dbuf[b, pl.ds(k * L, L)] = lax.shift_right_logical(v, 16)
            sbuf[b, pl.ds(k * L, L)] = lax.bitwise_and(v, 0xFFFF)

    @pl.when(c == 0)
    def _():
        pltpu.sync_copy(table.at[pl.ds(s * SR, SR)],
                        shared.at[pl.ds(s * SR, SR)])

    @pl.when(c == 1)
    def _():
        zch = 80
        def zr(i, _):
            for k in range(F // L):
                rows[0, i, pl.ds(k * L, L)] = jnp.zeros((L,), jnp.float32)
            return 0
        lax.fori_loop(0, zch, zr, 0)
        for t in range(SR // zch):
            pltpu.sync_copy(rows.at[0, pl.ds(0, zch)],
                            shared.at[pl.ds(s * SR + t * zch, zch)])

    plsc.subcore_barrier()

    for b in range(NBUF):
        unpack(b, b)
        pltpu.async_copy(table.at[sbuf.at[b]], rows.at[b], sems[b])

    def blk(g, _):
        for b in range(NBUF):
            j = g * NBUF + b
            pltpu.make_async_copy(table.at[pl.ds(0, B)], rows.at[b],
                                  sems[b]).wait()
            pltpu.sync_copy(rows.at[b], shared.at[dbuf.at[b]], add=True)

            @pl.when(j + NBUF < nblk)
            def _():
                unpack(j + NBUF, b)
                pltpu.async_copy(table.at[sbuf.at[b]], rows.at[b],
                                 sems[b])
        return 0
    lax.fori_loop(0, nblk // NBUF, blk, 0)

    plsc.subcore_barrier()
    pltpu.sync_copy(shared.at[pl.ds(s * SR, SR)],
                    out.at[c, pl.ds(s * SR, SR)])


def _agg_halves(table, pk_t):
    nblk = pk_t.shape[1]
    return pl.kernel(
        _agg_body,
        out_type=jax.ShapeDtypeStruct((NC, NPAD, F), jnp.float32),
        mesh=_vmesh(),
        compiler_params=pltpu.CompilerParams(needs_layout_passes=False),
        scratch_types=[
            pltpu.VMEM((nblk, B), jnp.int32),
            pltpu.VMEM((NBUF, B), jnp.int32),
            pltpu.VMEM((NBUF, B), jnp.int32),
            pltpu.VMEM((NBUF, B, F), jnp.float32),
            pltpu.SemaphoreType.DMA,
            pltpu.SemaphoreType.DMA,
            pltpu.VMEM_SHARED((NPAD, F), jnp.float32),
        ],
    )(table, pk_t)


def _dinv_tile(i, d0_ref, d1_ref):
    rows = i * MT + lax.broadcasted_iota(jnp.int32, (MT, 1), 0)
    deg = d0_ref[...] + d1_ref[...] + 1.0
    return jnp.where(rows < N, lax.rsqrt(deg), 0.0)


def _scale_body(x_ref, d0_ref, d1_ref, o_ref):
    o_ref[...] = x_ref[...] * _dinv_tile(pl.program_id(0), d0_ref, d1_ref)


def _scale(x_pad, d0, d1):
    return pl.pallas_call(
        _scale_body,
        grid=(GRID_M,),
        in_specs=[
            pl.BlockSpec((MT, F), lambda i: (i, 0)),
            pl.BlockSpec((MT, 1), lambda i: (i, 0)),
            pl.BlockSpec((MT, 1), lambda i: (i, 0)),
        ],
        out_specs=pl.BlockSpec((MT, F), lambda i: (i, 0)),
        out_shape=jax.ShapeDtypeStruct((NPAD, F), jnp.float32),
    )(x_pad, d0, d1)


def _mm1_body(a0, a1, d0, d1, w_ref, b_ref, o_ref):
    av = (a0[...] + a1[...]) * _dinv_tile(pl.program_id(0), d0, d1)
    h = jnp.dot(av, w_ref[...], preferred_element_type=jnp.float32)
    o_ref[...] = jnp.maximum(h + b_ref[...], 0.0)


def _mm1(a0, a1, d0, d1, W1, b1r):
    return pl.pallas_call(
        _mm1_body,
        grid=(GRID_M,),
        in_specs=[
            pl.BlockSpec((MT, F), lambda i: (i, 0)),
            pl.BlockSpec((MT, F), lambda i: (i, 0)),
            pl.BlockSpec((MT, 1), lambda i: (i, 0)),
            pl.BlockSpec((MT, 1), lambda i: (i, 0)),
            pl.BlockSpec((F, HID), lambda i: (0, 0)),
            pl.BlockSpec((1, HID), lambda i: (0, 0)),
        ],
        out_specs=pl.BlockSpec((MT, HID), lambda i: (i, 0)),
        out_shape=jax.ShapeDtypeStruct((NPAD, HID), jnp.float32),
    )(a0, a1, d0, d1, W1, b1r)


def _mm2_body(h_ref, d0, d1, w_ref, o_ref):
    y = jnp.dot(h_ref[...], w_ref[...], preferred_element_type=jnp.float32)
    o_ref[...] = y * _dinv_tile(pl.program_id(0), d0, d1)


def _mm2(h1, d0, d1, W2):
    return pl.pallas_call(
        _mm2_body,
        grid=(GRID_M,),
        in_specs=[
            pl.BlockSpec((MT, HID), lambda i: (i, 0)),
            pl.BlockSpec((MT, 1), lambda i: (i, 0)),
            pl.BlockSpec((MT, 1), lambda i: (i, 0)),
            pl.BlockSpec((HID, F), lambda i: (0, 0)),
        ],
        out_specs=pl.BlockSpec((MT, F), lambda i: (i, 0)),
        out_shape=jax.ShapeDtypeStruct((NPAD, F), jnp.float32),
    )(h1, d0, d1, W2)


def _final_body(a0, a1, d0, d1, b2_ref, wc_ref, bc_ref, o_ref, acc_ref):
    i = pl.program_id(0)
    rows = i * MT + lax.broadcasted_iota(jnp.int32, (MT, 1), 0)
    h2 = (a0[...] + a1[...]) * _dinv_tile(i, d0, d1) + b2_ref[...]
    h2 = jnp.where(rows < N, jnp.maximum(h2, 0.0), 0.0)

    @pl.when(i == 0)
    def _():
        acc_ref[...] = jnp.zeros_like(acc_ref)

    acc_ref[...] += jnp.sum(h2, axis=0, keepdims=True)

    @pl.when(i == GRID_M - 1)
    def _():
        g = acc_ref[...] * (1.0 / N)
        logits = jnp.dot(g, wc_ref[...], preferred_element_type=jnp.float32)
        o_ref[...] = jax.nn.sigmoid(logits + bc_ref[...])


def _final(a0, a1, d0, d1, b2r, wc_pad, bc_pad):
    return pl.pallas_call(
        _final_body,
        grid=(GRID_M,),
        in_specs=[
            pl.BlockSpec((MT, F), lambda i: (i, 0)),
            pl.BlockSpec((MT, F), lambda i: (i, 0)),
            pl.BlockSpec((MT, 1), lambda i: (i, 0)),
            pl.BlockSpec((MT, 1), lambda i: (i, 0)),
            pl.BlockSpec((1, F), lambda i: (0, 0)),
            pl.BlockSpec((F, F), lambda i: (0, 0)),
            pl.BlockSpec((1, F), lambda i: (0, 0)),
        ],
        out_specs=pl.BlockSpec((1, F), lambda i: (0, 0)),
        out_shape=jax.ShapeDtypeStruct((1, F), jnp.float32),
        scratch_shapes=[pltpu.VMEM((1, F), jnp.float32)],
    )(a0, a1, d0, d1, b2r, wc_pad, bc_pad)


def kernel(x, edge_index, W1, b1, W2, b2, Wc, bc):
    E = edge_index.shape[1]
    nblk = -(-E // (NW * B))
    nblk = -(-nblk // NBUF) * NBUF
    epad = NW * nblk * B

    src = edge_index[0].astype(jnp.int32)
    dst = edge_index[1].astype(jnp.int32)
    pad = jnp.full((epad - E,), N, jnp.int32)
    dst_t = jnp.concatenate([dst, pad]).reshape(NW, nblk, B)
    pk = jnp.concatenate([src, pad]) | (jnp.concatenate([dst, pad]) << 16)
    pk_t = pk.reshape(NW, nblk, B)

    x_pad = jnp.zeros((NPAD, F), jnp.float32).at[:N].set(x)

    deg = _deg_halves(dst_t)
    d0 = deg[0].reshape(NPAD, 1)
    d1 = deg[1].reshape(NPAD, 1)

    xs = _scale(x_pad, d0, d1)
    a = _agg_halves(xs, pk_t)
    h1 = _mm1(a[0], a[1], d0, d1, W1, b1.reshape(1, HID))
    ys2 = _mm2(h1, d0, d1, W2)
    b = _agg_halves(ys2, pk_t)

    wc_pad = jnp.zeros((F, F), jnp.float32).at[:, :10].set(Wc)
    bc_pad = jnp.zeros((1, F), jnp.float32).at[0, :10].set(bc)
    out = _final(b[0], b[1], d0, d1, b2.reshape(1, F), wc_pad, bc_pad)
    return out[:, :10]

# --- scband reference (transcript-rebuilt; emitter-appended) ---
"""Pipeline reference for scband-gcn2-23304492548677 (READ-ONLY COPY).

The authoritative reference and input builder live on the scoring server;
editing this copy changes nothing except your own understanding.
"""

import jax, jax.numpy as jnp
import numpy as np

N_NODES = 10000


def _glorot(key, shape):
    fan_in, fan_out = shape[0], shape[1]
    limit = float(np.sqrt(6.0 / (fan_in + fan_out)))
    return jax.random.uniform(key, shape, minval=-limit, maxval=limit, dtype=jnp.float32)


def setup_inputs(seed: int = 0) -> dict:
    key = jax.random.key(seed)
    ks = jax.random.split(key, 8)
    x = jax.random.normal(ks[0], (N_NODES, 128), dtype=jnp.float32)
    edge_index = jax.random.randint(ks[1], (2, 320000), 0, N_NODES, dtype=jnp.int64)
    W1 = _glorot(ks[2], (128, 512))
    b1 = jnp.zeros((512,), dtype=jnp.float32)
    W2 = _glorot(ks[3], (512, 128))
    b2 = jnp.zeros((128,), dtype=jnp.float32)
    Wc = _glorot(ks[4], (128, 10))
    bc = jnp.zeros((10,), dtype=jnp.float32)
    return {"x": x, "edge_index": edge_index, "W1": W1, "b1": b1, "W2": W2, "b2": b2, "Wc": Wc, "bc": bc}


def _gcn_conv(x, edge_index, W, b, num_nodes):
    # PyG GCNConv: add self loops, symmetric normalization, linear transform, scatter-add aggregate
    src = edge_index[0]
    dst = edge_index[1]
    self_idx = jnp.arange(num_nodes, dtype=src.dtype)
    src = jnp.concatenate([src, self_idx], axis=0)
    dst = jnp.concatenate([dst, self_idx], axis=0)
    deg = jnp.zeros((num_nodes,), dtype=x.dtype).at[dst].add(jnp.ones_like(dst, dtype=x.dtype))
    deg_inv_sqrt = jnp.where(deg > 0, jax.lax.rsqrt(jnp.maximum(deg, 1e-12)), 0.0)
    norm = deg_inv_sqrt[src] * deg_inv_sqrt[dst]
    h = x @ W
    msgs = h[src] * norm[:, None]
    out = jnp.zeros((num_nodes, h.shape[1]), dtype=h.dtype).at[dst].add(msgs)
    return out + b


def reference(x, edge_index, W1, b1, W2, b2, Wc, bc):
    num_nodes = x.shape[0]
    h = _gcn_conv(x, edge_index, W1, b1, num_nodes)
    h = jax.nn.relu(h)
    # dropout is identity in eval mode
    h = _gcn_conv(h, edge_index, W2, b2, num_nodes)
    h = jax.nn.relu(h)
    # batch defaults to all zeros -> single graph: global_mean_pool == mean over all nodes
    g = jnp.mean(h, axis=0, keepdims=True)
    logits = g @ Wc + bc
    return jax.nn.sigmoid(logits)

if __name__ == "__main__":
    import jax
    _d = setup_inputs()
    print(jax.jit(kernel)(*tuple(_d.values())))

</pallas_src>

<mosaic_0001>
#map = affine_map<(d0, d1) -> (0, 0)>
#map1 = affine_map<(d0, d1) -> (0, 0, 0)>
module attributes {stable_mosaic.version = 14 : i64} {
  func.func @_agg_body(%arg0: i32, %arg1: i32, %arg2: memref<10240x128xf32, #tpu.memory_space<hbm>>, %arg3: memref<32x90x112xi32, #tpu.memory_space<hbm>>, %arg4: memref<2x10240x128xf32, #tpu.memory_space<hbm>>, %arg5: memref<90x112xi32, #tpu.memory_space<vmem>>, %arg6: memref<2x112xi32, #tpu.memory_space<vmem>>, %arg7: memref<2x112xi32, #tpu.memory_space<vmem>>, %arg8: memref<2x112x128xf32, #tpu.memory_space<vmem>>, %arg9: memref<!tpu.dma_semaphore, #tpu.memory_space<semaphore_mem>>, %arg10: memref<!tpu.dma_semaphore, #tpu.memory_space<semaphore_mem>>, %arg11: memref<10240x128xf32, #tpu.memory_space<vmem_shared>>) attributes {dimension_semantics = [#tpu.dimension_semantics<core_parallel>, #tpu.dimension_semantics<subcore_parallel>], iteration_bounds = array<i64: 2, 16>, scalar_prefetch = 0 : i64, scratch_operands = 7 : i64, tpu.core_type = #tpu.core_type<sc_vector_subcore>, window_params = [{transform_indices = #map}, {transform_indices = #map1}, {transform_indices = #map1}]} {
    %mul3A = arith.constant 2 : i32
    %mul3A_0 = arith.muli %arg1, %mul3A : i32
    %add3A = arith.addi %mul3A_0, %arg0 : i32
    "tpu.region"() ({
      %run_scoped3A = tpu.sem_alloc : memref<!tpu.dma_semaphore, #tpu.memory_space<semaphore_mem>>
      %dma_start3A_290 = arith.constant 0 : i32
      %dma_start3A_291 = arith.constant 0 : i32
      %dma_start3A_292 = tpu.memref_slice %arg3[%add3A, %dma_start3A_290, %dma_start3A_291] : memref<32x90x112xi32, #tpu.memory_space<hbm>> -> memref<1x90x112xi32, #tpu.memory_space<hbm>>
      %dma_start3A_293 = tpu.memref_squeeze %dma_start3A_292 : memref<1x90x112xi32, #tpu.memory_space<hbm>> -> memref<90x112xi32, #tpu.memory_space<hbm>>
      %dma_start3A_294 = arith.constant 0 : i32
      %dma_start3A_295 = arith.constant 0 : i32
      %dma_start3A_296 = tpu.memref_slice %arg3[%add3A, %dma_start3A_294, %dma_start3A_295] : memref<32x90x112xi32, #tpu.memory_space<hbm>> -> memref<1x90x112xi32, #tpu.memory_space<hbm>>
      %dma_start3A_297 = tpu.memref_squeeze %dma_start3A_296 : memref<1x90x112xi32, #tpu.memory_space<hbm>> -> memref<90x112xi32, #tpu.memory_space<hbm>>
      tpu.enqueue_dma source(%dma_start3A_297 : memref<90x112xi32, #tpu.memory_space<hbm>>) target(%arg5 : memref<90x112xi32, #tpu.memory_space<vmem>>) target_semaphore(%run_scoped3A : memref<!tpu.dma_semaphore, #tpu.memory_space<semaphore_mem>>)
      %dma_wait3A = arith.constant 0 : i32
      %dma_wait3A_298 = arith.constant 0 : i32
      %dma_wait3A_299 = tpu.memref_slice %arg3[%add3A, %dma_wait3A, %dma_wait3A_298] : memref<32x90x112xi32, #tpu.memory_space<hbm>> -> memref<1x90x112xi32, #tpu.memory_space<hbm>>
      %dma_wait3A_300 = tpu.memref_squeeze %dma_wait3A_299 : memref<1x90x112xi32, #tpu.memory_space<hbm>> -> memref<90x112xi32, #tpu.memory_space<hbm>>
      %dma_wait3A_301 = arith.constant 0 : i32
      %dma_wait3A_302 = arith.constant 0 : i32
      %dma_wait3A_303 = tpu.memref_slice %arg3[%add3A, %dma_wait3A_301, %dma_wait3A_302] : memref<32x90x112xi32, #tpu.memory_space<hbm>> -> memref<1x90x112xi32, #tpu.memory_space<hbm>>
      %dma_wait3A_304 = tpu.memref_squeeze %dma_wait3A_303 : memref<1x90x112xi32, #tpu.memory_space<hbm>> -> memref<90x112xi32, #tpu.memory_space<hbm>>
      tpu.wait_dma2 semaphore(%run_scoped3A : memref<!tpu.dma_semaphore, #tpu.memory_space<semaphore_mem>>) src(%dma_wait3A_304 : memref<90x112xi32, #tpu.memory_space<hbm>>) dst(%arg5 : memref<90x112xi32, #tpu.memory_space<vmem>>)
      tpu.yield
    }) : () -> ()
    %eq3A = arith.constant 0 : i32
    %eq3A_1 = arith.cmpi eq, %arg0, %eq3A : i32
    %convert_element_type3A = arith.extui %eq3A_1 : i1 to i32
    %cond3A = arith.constant 0 : i32
    %cond3A_2 = arith.cmpi ne, %convert_element_type3A, %cond3A : i32
    scf.if %cond3A_2 {
      %mul3A_290 = arith.constant 640 : i32
      %mul3A_291 = arith.muli %arg1, %mul3A_290 : i32
      %mul3A_292 = arith.constant 640 : i32
      %mul3A_293 = arith.muli %arg1, %mul3A_292 : i32
      "tpu.region"() ({
        %run_scoped3A = tpu.sem_alloc : memref<!tpu.dma_semaphore, #tpu.memory_space<semaphore_mem>>
        %dma_start3A_294 = arith.constant 0 : i32
        %dma_start3A_295 = tpu.memref_slice %arg11[%mul3A_293, %dma_start3A_294] : memref<10240x128xf32, #tpu.memory_space<vmem_shared>> -> memref<640x128xf32, #tpu.memory_space<vmem_shared>>
        %dma_start3A_296 = arith.constant 0 : i32
        %dma_start3A_297 = tpu.memref_slice %arg2[%mul3A_291, %dma_start3A_296] : memref<10240x128xf32, #tpu.memory_space<hbm>> -> memref<640x128xf32, #tpu.memory_space<hbm>>
        tpu.enqueue_dma source(%dma_start3A_297 : memref<640x128xf32, #tpu.memory_space<hbm>>) target(%dma_start3A_295 : memref<640x128xf32, #tpu.memory_space<vmem_shared>>) target_semaphore(%run_scoped3A : memref<!tpu.dma_semaphore, #tpu.memory_space<semaphore_mem>>)
        %dma_wait3A = arith.constant 0 : i32
        %dma_wait3A_298 = tpu.memref_slice %arg11[%mul3A_293, %dma_wait3A] : memref<10240x128xf32, #tpu.memory_space<vmem_shared>> -> memref<640x128xf32, #tpu.memory_space<vmem_shared>>
        %dma_wait3A_299 = arith.constant 0 : i32
        %dma_wait3A_300 = tpu.memref_slice %arg2[%mul3A_291, %dma_wait3A_299] : memref<10240x128xf32, #tpu.memory_space<hbm>> -> memref<640x128xf32, #tpu.memory_space<hbm>>
        tpu.wait_dma2 semaphore(%run_scoped3A : memref<!tpu.dma_semaphore, #tpu.memory_space<semaphore_mem>>) src(%dma_wait3A_300 : memref<640x128xf32, #tpu.memory_space<hbm>>) dst(%dma_wait3A_298 : memref<640x128xf32, #tpu.memory_space<vmem_shared>>)
        tpu.yield
      }) : () -> ()
    } else {
    }
    %eq3A_3 = arith.constant 1 : i32
    %eq3A_4 = arith.cmpi eq, %arg0, %eq3A_3 : i32
    %convert_element_type3A_5 = arith.extui %eq3A_4 : i1 to i32
    %cond3A_6 = arith.constant 0 : i32
    %cond3A_7 = arith.cmpi ne, %convert_element_type3A_5, %cond3A_6 : i32
    scf.if %cond3A_7 {
      %scan3A_290 = arith.constant 0 : i32
      %scan3A_291 = arith.constant 0 : i32
      %scan3A_292 = arith.constant 80 : i32
      %scan3A_293 = arith.addi %scan3A_291, %scan3A_292 : i32
      %scan3A_294 = arith.constant 1 : i32
      %scan3A_295 = scf.for %scan3A_336 = %scan3A_291 to %scan3A_293 step %scan3A_294 iter_args(%scan3A_337 = %scan3A_290) -> (i32)  : i32 {
        %broadcast_in_dim3A = arith.constant 0.000000e+00 : f32
        %broadcast_in_dim3A_338 = vector.broadcast %broadcast_in_dim3A : f32 to vector<16xf32>
        %swap3A_339 = arith.constant 0 : i32
        %swap3A_340 = arith.index_cast %swap3A_339 : i32 to index
        %swap3A_341 = arith.index_cast %scan3A_336 : i32 to index
        %swap3A_342 = arith.constant 0 : index
        %swap3A_343 = tpu.vector_load %arg8[%swap3A_340, %swap3A_341, %swap3A_342] {strides = array<i32>} : memref<2x112x128xf32, #tpu.memory_space<vmem>>, vector<16xf32>,
        tpu.vector_store %arg8[%swap3A_340, %swap3A_341, %swap3A_342], %broadcast_in_dim3A_338 {strides = array<i32>} : memref<2x112x128xf32, #tpu.memory_space<vmem>>, vector<16xf32>,
        %broadcast_in_dim3A_344 = arith.constant 0.000000e+00 : f32
        %broadcast_in_dim3A_345 = vector.broadcast %broadcast_in_dim3A_344 : f32 to vector<16xf32>
        %swap3A_346 = arith.constant 0 : i32
        %swap3A_347 = arith.index_cast %swap3A_346 : i32 to index
        %swap3A_348 = arith.index_cast %scan3A_336 : i32 to index
        %swap3A_349 = arith.constant 16 : index
        %swap3A_350 = tpu.vector_load %arg8[%swap3A_347, %swap3A_348, %swap3A_349] {strides = array<i32>} : memref<2x112x128xf32, #tpu.memory_space<vmem>>, vector<16xf32>,
        tpu.vector_store %arg8[%swap3A_347, %swap3A_348, %swap3A_349], %broadcast_in_dim3A_345 {strides = array<i32>} : memref<2x112x128xf32, #tpu.memory_space<vmem>>, vector<16xf32>,
        %broadcast_in_dim3A_351 = arith.constant 0.000000e+00 : f32
        %broadcast_in_dim3A_352 = vector.broadcast %broadcast_in_dim3A_351 : f32 to vector<16xf32>
        %swap3A_353 = arith.constant 0 : i32
        %swap3A_354 = arith.index_cast %swap3A_353 : i32 to index
        %swap3A_355 = arith.index_cast %scan3A_336 : i32 to index
        %swap3A_356 = arith.constant 32 : index
        %swap3A_357 = tpu.vector_load %arg8[%swap3A_354, %swap3A_355, %swap3A_356] {strides = array<i32>} : memref<2x112x128xf32, #tpu.memory_space<vmem>>, vector<16xf32>,
        tpu.vector_store %arg8[%swap3A_354, %swap3A_355, %swap3A_356], %broadcast_in_dim3A_352 {strides = array<i32>} : memref<2x112x128xf32, #tpu.memory_space<vmem>>, vector<16xf32>,
        %broadcast_in_dim3A_358 = arith.constant 0.000000e+00 : f32
        %broadcast_in_dim3A_359 = vector.broadcast %broadcast_in_dim3A_358 : f32 to vector<16xf32>
        %swap3A_360 = arith.constant 0 : i32
        %swap3A_361 = arith.index_cast %swap3A_360 : i32 to index
        %swap3A_362 = arith.index_cast %scan3A_336 : i32 to index
        %swap3A_363 = arith.constant 48 : index
        %swap3A_364 = tpu.vector_load %arg8[%swap3A_361, %swap3A_362, %swap3A_363] {strides = array<i32>} : memref<2x112x128xf32, #tpu.memory_space<vmem>>, vector<16xf32>,
        tpu.vector_store %arg8[%swap3A_361, %swap3A_362, %swap3A_363], %broadcast_in_dim3A_359 {strides = array<i32>} : memref<2x112x128xf32, #tpu.memory_space<vmem>>, vector<16xf32>,
        %broadcast_in_dim3A_365 = arith.constant 0.000000e+00 : f32
        %broadcast_in_dim3A_366 = vector.broadcast %broadcast_in_dim3A_365 : f32 to vector<16xf32>
        %swap3A_367 = arith.constant 0 : i32
        %swap3A_368 = arith.index_cast %swap3A_367 : i32 to index
        %swap3A_369 = arith.index_cast %scan3A_336 : i32 to index
        %swap3A_370 = arith.constant 64 : index
        %swap3A_371 = tpu.vector_load %arg8[%swap3A_368, %swap3A_369, %swap3A_370] {strides = array<i32>} : memref<2x112x128xf32, #tpu.memory_space<vmem>>, vector<16xf32>,
        tpu.vector_store %arg8[%swap3A_368, %swap3A_369, %swap3A_370], %broadcast_in_dim3A_366 {strides = array<i32>} : memref<2x112x128xf32, #tpu.memory_space<vmem>>, vector<16xf32>,
        %broadcast_in_dim3A_372 = arith.constant 0.000000e+00 : f32
        %broadcast_in_dim3A_373 = vector.broadcast %broadcast_in_dim3A_372 : f32 to vector<16xf32>
        %swap3A_374 = arith.constant 0 : i32
        %swap3A_375 = arith.index_cast %swap3A_374 : i32 to index
        %swap3A_376 = arith.index_cast %scan3A_336 : i32 to index
        %swap3A_377 = arith.constant 80 : index
        %swap3A_378 = tpu.vector_load %arg8[%swap3A_375, %swap3A_376, %swap3A_377] {strides = array<i32>} : memref<2x112x128xf32, #tpu.memory_space<vmem>>, vector<16xf32>,
        tpu.vector_store %arg8[%swap3A_375, %swap3A_376, %swap3A_377], %broadcast_in_dim3A_373 {strides = array<i32>} : memref<2x112x128xf32, #tpu.memory_space<vmem>>, vector<16xf32>,
        %broadcast_in_dim3A_379 = arith.constant 0.000000e+00 : f32
        %broadcast_in_dim3A_380 = vector.broadcast %broadcast_in_dim3A_379 : f32 to vector<16xf32>
        %swap3A_381 = arith.constant 0 : i32
        %swap3A_382 = arith.index_cast %swap3A_381 : i32 to index
        %swap3A_383 = arith.index_cast %scan3A_336 : i32 to index
        %swap3A_384 = arith.constant 96 : index
        %swap3A_385 = tpu.vector_load %arg8[%swap3A_382, %swap3A_383, %swap3A_384] {strides = array<i32>} : memref<2x112x128xf32, #tpu.memory_space<vmem>>, vector<16xf32>,
        tpu.vector_store %arg8[%swap3A_382, %swap3A_383, %swap3A_384], %broadcast_in_dim3A_380 {strides = array<i32>} : memref<2x112x128xf32, #tpu.memory_space<vmem>>, vector<16xf32>,
        %broadcast_in_dim3A_386 = arith.constant 0.000000e+00 : f32
        %broadcast_in_dim3A_387 = vector.broadcast %broadcast_in_dim3A_386 : f32 to vector<16xf32>
        %swap3A_388 = arith.constant 0 : i32
        %swap3A_389 = arith.index_cast %swap3A_388 : i32 to index
        %swap3A_390 = arith.index_cast %scan3A_336 : i32 to index
        %swap3A_391 = arith.constant 112 : index
        %swap3A_392 = tpu.vector_load %arg8[%swap3A_389, %swap3A_390, %swap3A_391] {strides = array<i32>} : memref<2x112x128xf32, #tpu.memory_space<vmem>>, vector<16xf32>,
        tpu.vector_store %arg8[%swap3A_389, %swap3A_390, %swap3A_391], %broadcast_in_dim3A_387 {strides = array<i32>} : memref<2x112x128xf32, #tpu.memory_space<vmem>>, vector<16xf32>,
        %scan3A_393 = arith.constant 0 : i32
        scf.yield %scan3A_393 : i32
      }
      %scan3A_296 = arith.constant 80 : i32
      %mul3A_297 = arith.constant 640 : i32
      %mul3A_298 = arith.muli %arg1, %mul3A_297 : i32
      %add3A_299 = arith.constant 0 : i32
      %add3A_300 = arith.addi %mul3A_298, %add3A_299 : i32
      %run_scoped3A = arith.constant 0 : i32
      "tpu.region"() ({
        %run_scoped3A_336 = tpu.sem_alloc : memref<!tpu.dma_semaphore, #tpu.memory_space<semaphore_mem>>
        %dma_start3A_337 = arith.constant 0 : i32
        %dma_start3A_338 = arith.constant 0 : i32
        %dma_start3A_339 = tpu.memref_slice %arg8[%run_scoped3A, %dma_start3A_337, %dma_start3A_338] : memref<2x112x128xf32, #tpu.memory_space<vmem>> -> memref<1x80x128xf32, #tpu.memory_space<vmem>>
        %dma_start3A_340 = tpu.memref_squeeze %dma_start3A_339 : memref<1x80x128xf32, #tpu.memory_space<vmem>> -> memref<80x128xf32, #tpu.memory_space<vmem>>
        %dma_start3A_341 = arith.constant 0 : i32
        %dma_start3A_342 = tpu.memref_slice %arg11[%add3A_300, %dma_start3A_341] : memref<10240x128xf32, #tpu.memory_space<vmem_shared>> -> memref<80x128xf32, #tpu.memory_space<vmem_shared>>
        %dma_start3A_343 = arith.constant 0 : i32
        %dma_start3A_344 = tpu.memref_slice %arg11[%add3A_300, %dma_start3A_343] : memref<10240x128xf32, #tpu.memory_space<vmem_shared>> -> memref<80x128xf32, #tpu.memory_space<vmem_shared>>
        %dma_start3A_345 = arith.constant 0 : i32
        %dma_start3A_346 = arith.constant 0 : i32
        %dma_start3A_347 = tpu.memref_slice %arg8[%run_scoped3A, %dma_start3A_345, %dma_start3A_346] : memref<2x112x128xf32, #tpu.memory_space<vmem>> -> memref<1x80x128xf32, #tpu.memory_space<vmem>>
        %dma_start3A_348 = tpu.memref_squeeze %dma_start3A_347 : memref<1x80x128xf32, #tpu.memory_space<vmem>> -> memref<80x128xf32, #tpu.memory_space<vmem>>
        tpu.enqueue_dma source(%dma_start3A_348 : memref<80x128xf32, #tpu.memory_space<vmem>>) target(%dma_start3A_344 : memref<80x128xf32, #tpu.memory_space<vmem_shared>>) target_semaphore(%run_scoped3A_336 : memref<!tpu.dma_semaphore, #tpu.memory_space<semaphore_mem>>)
        %dma_wait3A = arith.constant 0 : i32
        %dma_wait3A_349 = arith.constant 0 : i32
        %dma_wait3A_350 = tpu.memref_slice %arg8[%run_scoped3A, %dma_wait3A, %dma_wait3A_349] : memref<2x112x128xf32, #tpu.memory_space<vmem>> -> memref<1x80x128xf32, #tpu.memory_space<vmem>>
        %dma_wait3A_351 = tpu.memref_squeeze %dma_wait3A_350 : memref<1x80x128xf32, #tpu.memory_space<vmem>> -> memref<80x128xf32, #tpu.memory_space<vmem>>
        %dma_wait3A_352 = arith.constant 0 : i32
        %dma_wait3A_353 = tpu.memref_slice %arg11[%add3A_300, %dma_wait3A_352] : memref<10240x128xf32, #tpu.memory_space<vmem_shared>> -> memref<80x128xf32, #tpu.memory_space<vmem_shared>>
        %dma_wait3A_354 = arith.constant 0 : i32
        %dma_wait3A_355 = tpu.memref_slice %arg11[%add3A_300, %dma_wait3A_354] : memref<10240x128xf32, #tpu.memory_space<vmem_shared>> -> memref<80x128xf32, #tpu.memory_space<vmem_shared>>
        %dma_wait3A_356 = arith.constant 0 : i32
        %dma_wait3A_357 = arith.constant 0 : i32
        %dma_wait3A_358 = tpu.memref_slice %arg8[%run_scoped3A, %dma_wait3A_356, %dma_wait3A_357] : memref<2x112x128xf32, #tpu.memory_space<vmem>> -> memref<1x80x128xf32, #tpu.memory_space<vmem>>
        %dma_wait3A_359 = tpu.memref_squeeze %dma_wait3A_358 : memref<1x80x128xf32, #tpu.memory_space<vmem>> -> memref<80x128xf32, #tpu.memory_space<vmem>>
        tpu.wait_dma2 semaphore(%run_scoped3A_336 : memref<!tpu.dma_semaphore, #tpu.memory_space<semaphore_mem>>) src(%dma_wait3A_359 : memref<80x128xf32, #tpu.memory_space<vmem>>) dst(%dma_wait3A_355 : memref<80x128xf32, #tpu.memory_space<vmem_shared>>)
        tpu.yield
      }) : () -> ()
      %mul3A_301 = arith.constant 640 : i32
      %mul3A_302 = arith.muli %arg1, %mul3A_301 : i32
      %add3A_303 = arith.constant 80 : i32
      %add3A_304 = arith.addi %mul3A_302, %add3A_303 : i32
      %run_scoped3A_305 = arith.constant 0 : i32
      "tpu.region"() ({
        %run_scoped3A_336 = tpu.sem_alloc : memref<!tpu.dma_semaphore, #tpu.memory_space<semaphore_mem>>
        %dma_start3A_337 = arith.constant 0 : i32
        %dma_start3A_338 = arith.constant 0 : i32
        %dma_start3A_339 = tpu.memref_slice %arg8[%run_scoped3A_305, %dma_start3A_337, %dma_start3A_338] : memref<2x112x128xf32, #tpu.memory_space<vmem>> -> memref<1x80x128xf32, #tpu.memory_space<vmem>>
        %dma_start3A_340 = tpu.memref_squeeze %dma_start3A_339 : memref<1x80x128xf32, #tpu.memory_space<vmem>> -> memref<80x128xf32, #tpu.memory_space<vmem>>
        %dma_start3A_341 = arith.constant 0 : i32
        %dma_start3A_342 = tpu.memref_slice %arg11[%add3A_304, %dma_start3A_341] : memref<10240x128xf32, #tpu.memory_space<vmem_shared>> -> memref<80x128xf32, #tpu.memory_space<vmem_shared>>
        %dma_start3A_343 = arith.constant 0 : i32
        %dma_start3A_344 = tpu.memref_slice %arg11[%add3A_304, %dma_start3A_343] : memref<10240x128xf32, #tpu.memory_space<vmem_shared>> -> memref<80x128xf32, #tpu.memory_space<vmem_shared>>
        %dma_start3A_345 = arith.constant 0 : i32
        %dma_start3A_346 = arith.constant 0 : i32
        %dma_start3A_347 = tpu.memref_slice %arg8[%run_scoped3A_305, %dma_start3A_345, %dma_start3A_346] : memref<2x112x128xf32, #tpu.memory_space<vmem>> -> memref<1x80x128xf32, #tpu.memory_space<vmem>>
        %dma_start3A_348 = tpu.memref_squeeze %dma_start3A_347 : memref<1x80x128xf32, #tpu.memory_space<vmem>> -> memref<80x128xf32, #tpu.memory_space<vmem>>
        tpu.enqueue_dma source(%dma_start3A_348 : memref<80x128xf32, #tpu.memory_space<vmem>>) target(%dma_start3A_344 : memref<80x128xf32, #tpu.memory_space<vmem_shared>>) target_semaphore(%run_scoped3A_336 : memref<!tpu.dma_semaphore, #tpu.memory_space<semaphore_mem>>)
        %dma_wait3A = arith.constant 0 : i32
        %dma_wait3A_349 = arith.constant 0 : i32
        %dma_wait3A_350 = tpu.memref_slice %arg8[%run_scoped3A_305, %dma_wait3A, %dma_wait3A_349] : memref<2x112x128xf32, #tpu.memory_space<vmem>> -> memref<1x80x128xf32, #tpu.memory_space<vmem>>
        %dma_wait3A_351 = tpu.memref_squeeze %dma_wait3A_350 : memref<1x80x128xf32, #tpu.memory_space<vmem>> -> memref<80x128xf32, #tpu.memory_space<vmem>>
        %dma_wait3A_352 = arith.constant 0 : i32
        %dma_wait3A_353 = tpu.memref_slice %arg11[%add3A_304, %dma_wait3A_352] : memref<10240x128xf32, #tpu.memory_space<vmem_shared>> -> memref<80x128xf32, #tpu.memory_space<vmem_shared>>
        %dma_wait3A_354 = arith.constant 0 : i32
        %dma_wait3A_355 = tpu.memref_slice %arg11[%add3A_304, %dma_wait3A_354] : memref<10240x128xf32, #tpu.memory_space<vmem_shared>> -> memref<80x128xf32, #tpu.memory_space<vmem_shared>>
        %dma_wait3A_356 = arith.constant 0 : i32
        %dma_wait3A_357 = arith.constant 0 : i32
        %dma_wait3A_358 = tpu.memref_slice %arg8[%run_scoped3A_305, %dma_wait3A_356, %dma_wait3A_357] : memref<2x112x128xf32, #tpu.memory_space<vmem>> -> memref<1x80x128xf32, #tpu.memory_space<vmem>>
        %dma_wait3A_359 = tpu.memref_squeeze %dma_wait3A_358 : memref<1x80x128xf32, #tpu.memory_space<vmem>> -> memref<80x128xf32, #tpu.memory_space<vmem>>
        tpu.wait_dma2 semaphore(%run_scoped3A_336 : memref<!tpu.dma_semaphore, #tpu.memory_space<semaphore_mem>>) src(%dma_wait3A_359 : memref<80x128xf32, #tpu.memory_space<vmem>>) dst(%dma_wait3A_355 : memref<80x128xf32, #tpu.memory_space<vmem_shared>>)
        tpu.yield
      }) : () -> ()
      %mul3A_306 = arith.constant 640 : i32
      %mul3A_307 = arith.muli %arg1, %mul3A_306 : i32
      %add3A_308 = arith.constant 160 : i32
      %add3A_309 = arith.addi %mul3A_307, %add3A_308 : i32
      %run_scoped3A_310 = arith.constant 0 : i32
      "tpu.region"() ({
        %run_scoped3A_336 = tpu.sem_alloc : memref<!tpu.dma_semaphore, #tpu.memory_space<semaphore_mem>>
        %dma_start3A_337 = arith.constant 0 : i32
        %dma_start3A_338 = arith.constant 0 : i32
        %dma_start3A_339 = tpu.memref_slice %arg8[%run_scoped3A_310, %dma_start3A_337, %dma_start3A_338] : memref<2x112x128xf32, #tpu.memory_space<vmem>> -> memref<1x80x128xf32, #tpu.memory_space<vmem>>
        %dma_start3A_340 = tpu.memref_squeeze %dma_start3A_339 : memref<1x80x128xf32, #tpu.memory_space<vmem>> -> memref<80x128xf32, #tpu.memory_space<vmem>>
        %dma_start3A_341 = arith.constant 0 : i32
        %dma_start3A_342 = tpu.memref_slice %arg11[%add3A_309, %dma_start3A_341] : memref<10240x128xf32, #tpu.memory_space<vmem_shared>> -> memref<80x128xf32, #tpu.memory_space<vmem_shared>>
        %dma_start3A_343 = arith.constant 0 : i32
        %dma_start3A_344 = tpu.memref_slice %arg11[%add3A_309, %dma_start3A_343] : memref<10240x128xf32, #tpu.memory_space<vmem_shared>> -> memref<80x128xf32, #tpu.memory_space<vmem_shared>>
        %dma_start3A_345 = arith.constant 0 : i32
        %dma_start3A_346 = arith.constant 0 : i32
        %dma_start3A_347 = tpu.memref_slice %arg8[%run_scoped3A_310, %dma_start3A_345, %dma_start3A_346] : memref<2x112x128xf32, #tpu.memory_space<vmem>> -> memref<1x80x128xf32, #tpu.memory_space<vmem>>
        %dma_start3A_348 = tpu.memref_squeeze %dma_start3A_347 : memref<1x80x128xf32, #tpu.memory_space<vmem>> -> memref<80x128xf32, #tpu.memory_space<vmem>>
        tpu.enqueue_dma source(%dma_start3A_348 : memref<80x128xf32, #tpu.memory_space<vmem>>) target(%dma_start3A_344 : memref<80x128xf32, #tpu.memory_space<vmem_shared>>) target_semaphore(%run_scoped3A_336 : memref<!tpu.dma_semaphore, #tpu.memory_space<semaphore_mem>>)
        %dma_wait3A = arith.constant 0 : i32
        %dma_wait3A_349 = arith.constant 0 : i32
        %dma_wait3A_350 = tpu.memref_slice %arg8[%run_scoped3A_310, %dma_wait3A, %dma_wait3A_349] : memref<2x112x128xf32, #tpu.memory_space<vmem>> -> memref<1x80x128xf32, #tpu.memory_space<vmem>>
        %dma_wait3A_351 = tpu.memref_squeeze %dma_wait3A_350 : memref<1x80x128xf32, #tpu.memory_space<vmem>> -> memref<80x128xf32, #tpu.memory_space<vmem>>
        %dma_wait3A_352 = arith.constant 0 : i32
        %dma_wait3A_353 = tpu.memref_slice %arg11[%add3A_309, %dma_wait3A_352] : memref<10240x128xf32, #tpu.memory_space<vmem_shared>> -> memref<80x128xf32, #tpu.memory_space<vmem_shared>>
        %dma_wait3A_354 = arith.constant 0 : i32
        %dma_wait3A_355 = tpu.memref_slice %arg11[%add3A_309, %dma_wait3A_354] : memref<10240x128xf32, #tpu.memory_space<vmem_shared>> -> memref<80x128xf32, #tpu.memory_space<vmem_shared>>
        %dma_wait3A_356 = arith.constant 0 : i32
        %dma_wait3A_357 = arith.constant 0 : i32
        %dma_wait3A_358 = tpu.memref_slice %arg8[%run_scoped3A_310, %dma_wait3A_356, %dma_wait3A_357] : memref<2x112x128xf32, #tpu.memory_space<vmem>> -> memref<1x80x128xf32, #tpu.memory_space<vmem>>
        %dma_wait3A_359 = tpu.memref_squeeze %dma_wait3A_358 : memref<1x80x128xf32, #tpu.memory_space<vmem>> -> memref<80x128xf32, #tpu.memory_space<vmem>>
        tpu.wait_dma2 semaphore(%run_scoped3A_336 : memref<!tpu.dma_semaphore, #tpu.memory_space<semaphore_mem>>) src(%dma_wait3A_359 : memref<80x128xf32, #tpu.memory_space<vmem>>) dst(%dma_wait3A_355 : memref<80x128xf32, #tpu.memory_space<vmem_shared>>)
        tpu.yield
      }) : () -> ()
      %mul3A_311 = arith.constant 640 : i32
      %mul3A_312 = arith.muli %arg1, %mul3A_311 : i32
      %add3A_313 = arith.constant 240 : i32
      %add3A_314 = arith.addi %mul3A_312, %add3A_313 : i32
      %run_scoped3A_315 = arith.constant 0 : i32
      "tpu.region"() ({
        %run_scoped3A_336 = tpu.sem_alloc : memref<!tpu.dma_semaphore, #tpu.memory_space<semaphore_mem>>
        %dma_start3A_337 = arith.constant 0 : i32
        %dma_start3A_338 = arith.constant 0 : i32
        %dma_start3A_339 = tpu.memref_slice %arg8[%run_scoped3A_315, %dma_start3A_337, %dma_start3A_338] : memref<2x112x128xf32, #tpu.memory_space<vmem>> -> memref<1x80x128xf32, #tpu.memory_space<vmem>>
        %dma_start3A_340 = tpu.memref_squeeze %dma_start3A_339 : memref<1x80x128xf32, #tpu.memory_space<vmem>> -> memref<80x128xf32, #tpu.memory_space<vmem>>
        %dma_start3A_341 = arith.constant 0 : i32
        %dma_start3A_342 = tpu.memref_slice %arg11[%add3A_314, %dma_start3A_341] : memref<10240x128xf32, #tpu.memory_space<vmem_shared>> -> memref<80x128xf32, #tpu.memory_space<vmem_shared>>
        %dma_start3A_343 = arith.constant 0 : i32
        %dma_start3A_344 = tpu.memref_slice %arg11[%add3A_314, %dma_start3A_343] : memref<10240x128xf32, #tpu.memory_space<vmem_shared>> -> memref<80x128xf32, #tpu.memory_space<vmem_shared>>
        %dma_start3A_345 = arith.constant 0 : i32
        %dma_start3A_346 = arith.constant 0 : i32
        %dma_start3A_347 = tpu.memref_slice %arg8[%run_scoped3A_315, %dma_start3A_345, %dma_start3A_346] : memref<2x112x128xf32, #tpu.memory_space<vmem>> -> memref<1x80x128xf32, #tpu.memory_space<vmem>>
        %dma_start3A_348 = tpu.memref_squeeze %dma_start3A_347 : memref<1x80x128xf32, #tpu.memory_space<vmem>> -> memref<80x128xf32, #tpu.memory_space<vmem>>
        tpu.enqueue_dma source(%dma_start3A_348 : memref<80x128xf32, #tpu.memory_space<vmem>>) target(%dma_start3A_344 : memref<80x128xf32, #tpu.memory_space<vmem_shared>>) target_semaphore(%run_scoped3A_336 : memref<!tpu.dma_semaphore, #tpu.memory_space<semaphore_mem>>)
        %dma_wait3A = arith.constant 0 : i32
        %dma_wait3A_349 = arith.constant 0 : i32
        %dma_wait3A_350 = tpu.memref_slice %arg8[%run_scoped3A_315, %dma_wait3A, %dma_wait3A_349] : memref<2x112x128xf32, #tpu.memory_space<vmem>> -> memref<1x80x128xf32, #tpu.memory_space<vmem>>
        %dma_wait3A_351 = tpu.memref_squeeze %dma_wait3A_350 : memref<1x80x128xf32, #tpu.memory_space<vmem>> -> memref<80x128xf32, #tpu.memory_space<vmem>>
        %dma_wait3A_352 = arith.constant 0 : i32
        %dma_wait3A_353 = tpu.memref_slice %arg11[%add3A_314, %dma_wait3A_352] : memref<10240x128xf32, #tpu.memory_space<vmem_shared>> -> memref<80x128xf32, #tpu.memory_space<vmem_shared>>
        %dma_wait3A_354 = arith.constant 0 : i32
        %dma_wait3A_355 = tpu.memref_slice %arg11[%add3A_314, %dma_wait3A_354] : memref<10240x128xf32, #tpu.memory_space<vmem_shared>> -> memref<80x128xf32, #tpu.memory_space<vmem_shared>>
        %dma_wait3A_356 = arith.constant 0 : i32
        %dma_wait3A_357 = arith.constant 0 : i32
        %dma_wait3A_358 = tpu.memref_slice %arg8[%run_scoped3A_315, %dma_wait3A_356, %dma_wait3A_357] : memref<2x112x128xf32, #tpu.memory_space<vmem>> -> memref<1x80x128xf32, #tpu.memory_space<vmem>>
        %dma_wait3A_359 = tpu.memref_squeeze %dma_wait3A_358 : memref<1x80x128xf32, #tpu.memory_space<vmem>> -> memref<80x128xf32, #tpu.memory_space<vmem>>
        tpu.wait_dma2 semaphore(%run_scoped3A_336 : memref<!tpu.dma_semaphore, #tpu.memory_space<semaphore_mem>>) src(%dma_wait3A_359 : memref<80x128xf32, #tpu.memory_space<vmem>>) dst(%dma_wait3A_355 : memref<80x128xf32, #tpu.memory_space<vmem_shared>>)
        tpu.yield
      }) : () -> ()
      %mul3A_316 = arith.constant 640 : i32
      %mul3A_317 = arith.muli %arg1, %mul3A_316 : i32
      %add3A_318 = arith.constant 320 : i32
      %add3A_319 = arith.addi %mul3A_317, %add3A_318 : i32
      %run_scoped3A_320 = arith.constant 0 : i32
      "tpu.region"() ({
        %run_scoped3A_336 = tpu.sem_alloc : memref<!tpu.dma_semaphore, #tpu.memory_space<semaphore_mem>>
        %dma_start3A_337 = arith.constant 0 : i32
        %dma_start3A_338 = arith.constant 0 : i32
        %dma_start3A_339 = tpu.memref_slice %arg8[%run_scoped3A_320, %dma_start3A_337, %dma_start3A_338] : memref<2x112x128xf32, #tpu.memory_space<vmem>> -> memref<1x80x128xf32, #tpu.memory_space<vmem>>
        %dma_start3A_340 = tpu.memref_squeeze %dma_start3A_339 : memref<1x80x128xf32, #tpu.memory_space<vmem>> -> memref<80x128xf32, #tpu.memory_space<vmem>>
        %dma_start3A_341 = arith.constant 0 : i32
        %dma_start3A_342 = tpu.memref_slice %arg11[%add3A_319, %dma_start3A_341] : memref<10240x128xf32, #tpu.memory_space<vmem_shared>> -> memref<80x128xf32, #tpu.memory_space<vmem_shared>>
        %dma_start3A_343 = arith.constant 0 : i32
        %dma_start3A_344 = tpu.memref_slice %arg11[%add3A_319, %dma_start3A_343] : memref<10240x128xf32, #tpu.memory_space<vmem_shared>> -> memref<80x128xf32, #tpu.memory_space<vmem_shared>>
        %dma_start3A_345 = arith.constant 0 : i32
        %dma_start3A_346 = arith.constant 0 : i32
        %dma_start3A_347 = tpu.memref_slice %arg8[%run_scoped3A_320, %dma_start3A_345, %dma_start3A_346] : memref<2x112x128xf32, #tpu.memory_space<vmem>> -> memref<1x80x128xf32, #tpu.memory_space<vmem>>
        %dma_start3A_348 = tpu.memref_squeeze %dma_start3A_347 : memref<1x80x128xf32, #tpu.memory_space<vmem>> -> memref<80x128xf32, #tpu.memory_space<vmem>>
        tpu.enqueue_dma source(%dma_start3A_348 : memref<80x128xf32, #tpu.memory_space<vmem>>) target(%dma_start3A_344 : memref<80x128xf32, #tpu.memory_space<vmem_shared>>) target_semaphore(%run_scoped3A_336 : memref<!tpu.dma_semaphore, #tpu.memory_space<semaphore_mem>>)
        %dma_wait3A = arith.constant 0 : i32
        %dma_wait3A_349 = arith.constant 0 : i32
        %dma_wait3A_350 = tpu.memref_slice %arg8[%run_scoped3A_320, %dma_wait3A, %dma_wait3A_349] : memref<2x112x128xf32, #tpu.memory_space<vmem>> -> memref<1x80x128xf32, #tpu.memory_space<vmem>>
        %dma_wait3A_351 = tpu.memref_squeeze %dma_wait3A_350 : memref<1x80x128xf32, #tpu.memory_space<vmem>> -> memref<80x128xf32, #tpu.memory_space<vmem>>
        %dma_wait3A_352 = arith.constant 0 : i32
        %dma_wait3A_353 = tpu.memref_slice %arg11[%add3A_319, %dma_wait3A_352] : memref<10240x128xf32, #tpu.memory_space<vmem_shared>> -> memref<80x128xf32, #tpu.memory_space<vmem_shared>>
        %dma_wait3A_354 = arith.constant 0 : i32
        %dma_wait3A_355 = tpu.memref_slice %arg11[%add3A_319, %dma_wait3A_354] : memref<10240x128xf32, #tpu.memory_space<vmem_shared>> -> memref<80x128xf32, #tpu.memory_space<vmem_shared>>
        %dma_wait3A_356 = arith.constant 0 : i32
        %dma_wait3A_357 = arith.constant 0 : i32
        %dma_wait3A_358 = tpu.memref_slice %arg8[%run_scoped3A_320, %dma_wait3A_356, %dma_wait3A_357] : memref<2x112x128xf32, #tpu.memory_space<vmem>> -> memref<1x80x128xf32, #tpu.memory_space<vmem>>
        %dma_wait3A_359 = tpu.memref_squeeze %dma_wait3A_358 : memref<1x80x128xf32, #tpu.memory_space<vmem>> -> memref<80x128xf32, #tpu.memory_space<vmem>>
        tpu.wait_dma2 semaphore(%run_scoped3A_336 : memref<!tpu.dma_semaphore, #tpu.memory_space<semaphore_mem>>) src(%dma_wait3A_359 : memref<80x128xf32, #tpu.memory_space<vmem>>) dst(%dma_wait3A_355 : memref<80x128xf32, #tpu.memory_space<vmem_shared>>)
        tpu.yield
      }) : () -> ()
      %mul3A_321 = arith.constant 640 : i32
      %mul3A_322 = arith.muli %arg1, %mul3A_321 : i32
      %add3A_323 = arith.constant 400 : i32
      %add3A_324 = arith.addi %mul3A_322, %add3A_323 : i32
      %run_scoped3A_325 = arith.constant 0 : i32
      "tpu.region"() ({
        %run_scoped3A_336 = tpu.sem_alloc : memref<!tpu.dma_semaphore, #tpu.memory_space<semaphore_mem>>
        %dma_start3A_337 = arith.constant 0 : i32
        %dma_start3A_338 = arith.constant 0 : i32
        %dma_start3A_339 = tpu.memref_slice %arg8[%run_scoped3A_325, %dma_start3A_337, %dma_start3A_338] : memref<2x112x128xf32, #tpu.memory_space<vmem>> -> memref<1x80x128xf32, #tpu.memory_space<vmem>>
        %dma_start3A_340 = tpu.memref_squeeze %dma_start3A_339 : memref<1x80x128xf32, #tpu.memory_space<vmem>> -> memref<80x128xf32, #tpu.memory_space<vmem>>
        %dma_start3A_341 = arith.constant 0 : i32
        %dma_start3A_342 = tpu.memref_slice %arg11[%add3A_324, %dma_start3A_341] : memref<10240x128xf32, #tpu.memory_space<vmem_shared>> -> memref<80x128xf32, #tpu.memory_space<vmem_shared>>
        %dma_start3A_343 = arith.constant 0 : i32
        %dma_start3A_344 = tpu.memref_slice %arg11[%add3A_324, %dma_start3A_343] : memref<10240x128xf32, #tpu.memory_space<vmem_shared>> -> memref<80x128xf32, #tpu.memory_space<vmem_shared>>
        %dma_start3A_345 = arith.constant 0 : i32
        %dma_start3A_346 = arith.constant 0 : i32
        %dma_start3A_347 = tpu.memref_slice %arg8[%run_scoped3A_325, %dma_start3A_345, %dma_start3A_346] : memref<2x112x128xf32, #tpu.memory_space<vmem>> -> memref<1x80x128xf32, #tpu.memory_space<vmem>>
        %dma_start3A_348 = tpu.memref_squeeze %dma_start3A_347 : memref<1x80x128xf32, #tpu.memory_space<vmem>> -> memref<80x128xf32, #tpu.memory_space<vmem>>
        tpu.enqueue_dma source(%dma_start3A_348 : memref<80x128xf32, #tpu.memory_space<vmem>>) target(%dma_start3A_344 : memref<80x128xf32, #tpu.memory_space<vmem_shared>>) target_semaphore(%run_scoped3A_336 : memref<!tpu.dma_semaphore, #tpu.memory_space<semaphore_mem>>)
        %dma_wait3A = arith.constant 0 : i32
        %dma_wait3A_349 = arith.constant 0 : i32
        %dma_wait3A_350 = tpu.memref_slice %arg8[%run_scoped3A_325, %dma_wait3A, %dma_wait3A_349] : memref<2x112x128xf32, #tpu.memory_space<vmem>> -> memref<1x80x128xf32, #tpu.memory_space<vmem>>
        %dma_wait3A_351 = tpu.memref_squeeze %dma_wait3A_350 : memref<1x80x128xf32, #tpu.memory_space<vmem>> -> memref<80x128xf32, #tpu.memory_space<vmem>>
        %dma_wait3A_352 = arith.constant 0 : i32
        %dma_wait3A_353 = tpu.memref_slice %arg11[%add3A_324, %dma_wait3A_352] : memref<10240x128xf32, #tpu.memory_space<vmem_shared>> -> memref<80x128xf32, #tpu.memory_space<vmem_shared>>
        %dma_wait3A_354 = arith.constant 0 : i32
        %dma_wait3A_355 = tpu.memref_slice %arg11[%add3A_324, %dma_wait3A_354] : memref<10240x128xf32, #tpu.memory_space<vmem_shared>> -> memref<80x128xf32, #tpu.memory_space<vmem_shared>>
        %dma_wait3A_356 = arith.constant 0 : i32
        %dma_wait3A_357 = arith.constant 0 : i32
        %dma_wait3A_358 = tpu.memref_slice %arg8[%run_scoped3A_325, %dma_wait3A_356, %dma_wait3A_357] : memref<2x112x128xf32, #tpu.memory_space<vmem>> -> memref<1x80x128xf32, #tpu.memory_space<vmem>>
        %dma_wait3A_359 = tpu.memref_squeeze %dma_wait3A_358 : memref<1x80x128xf32, #tpu.memory_space<vmem>> -> memref<80x128xf32, #tpu.memory_space<vmem>>
        tpu.wait_dma2 semaphore(%run_scoped3A_336 : memref<!tpu.dma_semaphore, #tpu.memory_space<semaphore_mem>>) src(%dma_wait3A_359 : memref<80x128xf32, #tpu.memory_space<vmem>>) dst(%dma_wait3A_355 : memref<80x128xf32, #tpu.memory_space<vmem_shared>>)
        tpu.yield
      }) : () -> ()
      %mul3A_326 = arith.constant 640 : i32
      %mul3A_327 = arith.muli %arg1, %mul3A_326 : i32
      %add3A_328 = arith.constant 480 : i32
      %add3A_329 = arith.addi %mul3A_327, %add3A_328 : i32
      %run_scoped3A_330 = arith.constant 0 : i32
      "tpu.region"() ({
        %run_scoped3A_336 = tpu.sem_alloc : memref<!tpu.dma_semaphore, #tpu.memory_space<semaphore_mem>>
        %dma_start3A_337 = arith.constant 0 : i32
        %dma_start3A_338 = arith.constant 0 : i32
        %dma_start3A_339 = tpu.memref_slice %arg8[%run_scoped3A_330, %dma_start3A_337, %dma_start3A_338] : memref<2x112x128xf32, #tpu.memory_space<vmem>> -> memref<1x80x128xf32, #tpu.memory_space<vmem>>
        %dma_start3A_340 = tpu.memref_squeeze %dma_start3A_339 : memref<1x80x128xf32, #tpu.memory_space<vmem>> -> memref<80x128xf32, #tpu.memory_space<vmem>>
        %dma_start3A_341 = arith.constant 0 : i32
        %dma_start3A_342 = tpu.memref_slice %arg11[%add3A_329, %dma_start3A_341] : memref<10240x128xf32, #tpu.memory_space<vmem_shared>> -> memref<80x128xf32, #tpu.memory_space<vmem_shared>>
        %dma_start3A_343 = arith.constant 0 : i32
        %dma_start3A_344 = tpu.memref_slice %arg11[%add3A_329, %dma_start3A_343] : memref<10240x128xf32, #tpu.memory_space<vmem_shared>> -> memref<80x128xf32, #tpu.memory_space<vmem_shared>>
        %dma_start3A_345 = arith.constant 0 : i32
        %dma_start3A_346 = arith.constant 0 : i32
        %dma_start3A_347 = tpu.memref_slice %arg8[%run_scoped3A_330, %dma_start3A_345, %dma_start3A_346] : memref<2x112x128xf32, #tpu.memory_space<vmem>> -> memref<1x80x128xf32, #tpu.memory_space<vmem>>
        %dma_start3A_348 = tpu.memref_squeeze %dma_start3A_347 : memref<1x80x128xf32, #tpu.memory_space<vmem>> -> memref<80x128xf32, #tpu.memory_space<vmem>>
        tpu.enqueue_dma source(%dma_start3A_348 : memref<80x128xf32, #tpu.memory_space<vmem>>) target(%dma_start3A_344 : memref<80x128xf32, #tpu.memory_space<vmem_shared>>) target_semaphore(%run_scoped3A_336 : memref<!tpu.dma_semaphore, #tpu.memory_space<semaphore_mem>>)
        %dma_wait3A = arith.constant 0 : i32
        %dma_wait3A_349 = arith.constant 0 : i32
        %dma_wait3A_350 = tpu.memref_slice %arg8[%run_scoped3A_330, %dma_wait3A, %dma_wait3A_349] : memref<2x112x128xf32, #tpu.memory_space<vmem>> -> memref<1x80x128xf32, #tpu.memory_space<vmem>>
        %dma_wait3A_351 = tpu.memref_squeeze %dma_wait3A_350 : memref<1x80x128xf32, #tpu.memory_space<vmem>> -> memref<80x128xf32, #tpu.memory_space<vmem>>
        %dma_wait3A_352 = arith.constant 0 : i32
        %dma_wait3A_353 = tpu.memref_slice %arg11[%add3A_329, %dma_wait3A_352] : memref<10240x128xf32, #tpu.memory_space<vmem_shared>> -> memref<80x128xf32, #tpu.memory_space<vmem_shared>>
        %dma_wait3A_354 = arith.constant 0 : i32
        %dma_wait3A_355 = tpu.memref_slice %arg11[%add3A_329, %dma_wait3A_354] : memref<10240x128xf32, #tpu.memory_space<vmem_shared>> -> memref<80x128xf32, #tpu.memory_space<vmem_shared>>
        %dma_wait3A_356 = arith.constant 0 : i32
        %dma_wait3A_357 = arith.constant 0 : i32
        %dma_wait3A_358 = tpu.memref_slice %arg8[%run_scoped3A_330, %dma_wait3A_356, %dma_wait3A_357] : memref<2x112x128xf32, #tpu.memory_space<vmem>> -> memref<1x80x128xf32, #tpu.memory_space<vmem>>
        %dma_wait3A_359 = tpu.memref_squeeze %dma_wait3A_358 : memref<1x80x128xf32, #tpu.memory_space<vmem>> -> memref<80x128xf32, #tpu.memory_space<vmem>>
        tpu.wait_dma2 semaphore(%run_scoped3A_336 : memref<!tpu.dma_semaphore, #tpu.memory_space<semaphore_mem>>) src(%dma_wait3A_359 : memref<80x128xf32, #tpu.memory_space<vmem>>) dst(%dma_wait3A_355 : memref<80x128xf32, #tpu.memory_space<vmem_shared>>)
        tpu.yield
      }) : () -> ()
      %mul3A_331 = arith.constant 640 : i32
      %mul3A_332 = arith.muli %arg1, %mul3A_331 : i32
      %add3A_333 = arith.constant 560 : i32
      %add3A_334 = arith.addi %mul3A_332, %add3A_333 : i32
      %run_scoped3A_335 = arith.constant 0 : i32
      "tpu.region"() ({
        %run_scoped3A_336 = tpu.sem_alloc : memref<!tpu.dma_semaphore, #tpu.memory_space<semaphore_mem>>
        %dma_start3A_337 = arith.constant 0 : i32
        %dma_start3A_338 = arith.constant 0 : i32
        %dma_start3A_339 = tpu.memref_slice %arg8[%run_scoped3A_335, %dma_start3A_337, %dma_start3A_338] : memref<2x112x128xf32, #tpu.memory_space<vmem>> -> memref<1x80x128xf32, #tpu.memory_space<vmem>>
        %dma_start3A_340 = tpu.memref_squeeze %dma_start3A_339 : memref<1x80x128xf32, #tpu.memory_space<vmem>> -> memref<80x128xf32, #tpu.memory_space<vmem>>
        %dma_start3A_341 = arith.constant 0 : i32
        %dma_start3A_342 = tpu.memref_slice %arg11[%add3A_334, %dma_start3A_341] : memref<10240x128xf32, #tpu.memory_space<vmem_shared>> -> memref<80x128xf32, #tpu.memory_space<vmem_shared>>
        %dma_start3A_343 = arith.constant 0 : i32
        %dma_start3A_344 = tpu.memref_slice %arg11[%add3A_334, %dma_start3A_343] : memref<10240x128xf32, #tpu.memory_space<vmem_shared>> -> memref<80x128xf32, #tpu.memory_space<vmem_shared>>
        %dma_start3A_345 = arith.constant 0 : i32
        %dma_start3A_346 = arith.constant 0 : i32
        %dma_start3A_347 = tpu.memref_slice %arg8[%run_scoped3A_335, %dma_start3A_345, %dma_start3A_346] : memref<2x112x128xf32, #tpu.memory_space<vmem>> -> memref<1x80x128xf32, #tpu.memory_space<vmem>>
        %dma_start3A_348 = tpu.memref_squeeze %dma_start3A_347 : memref<1x80x128xf32, #tpu.memory_space<vmem>> -> memref<80x128xf32, #tpu.memory_space<vmem>>
        tpu.enqueue_dma source(%dma_start3A_348 : memref<80x128xf32, #tpu.memory_space<vmem>>) target(%dma_start3A_344 : memref<80x128xf32, #tpu.memory_space<vmem_shared>>) target_semaphore(%run_scoped3A_336 : memref<!tpu.dma_semaphore, #tpu.memory_space<semaphore_mem>>)
        %dma_wait3A = arith.constant 0 : i32
        %dma_wait3A_349 = arith.constant 0 : i32
        %dma_wait3A_350 = tpu.memref_slice %arg8[%run_scoped3A_335, %dma_wait3A, %dma_wait3A_349] : memref<2x112x128xf32, #tpu.memory_space<vmem>> -> memref<1x80x128xf32, #tpu.memory_space<vmem>>
        %dma_wait3A_351 = tpu.memref_squeeze %dma_wait3A_350 : memref<1x80x128xf32, #tpu.memory_space<vmem>> -> memref<80x128xf32, #tpu.memory_space<vmem>>
        %dma_wait3A_352 = arith.constant 0 : i32
        %dma_wait3A_353 = tpu.memref_slice %arg11[%add3A_334, %dma_wait3A_352] : memref<10240x128xf32, #tpu.memory_space<vmem_shared>> -> memref<80x128xf32, #tpu.memory_space<vmem_shared>>
        %dma_wait3A_354 = arith.constant 0 : i32
        %dma_wait3A_355 = tpu.memref_slice %arg11[%add3A_334, %dma_wait3A_354] : memref<10240x128xf32, #tpu.memory_space<vmem_shared>> -> memref<80x128xf32, #tpu.memory_space<vmem_shared>>
        %dma_wait3A_356 = arith.constant 0 : i32
        %dma_wait3A_357 = arith.constant 0 : i32
        %dma_wait3A_358 = tpu.memref_slice %arg8[%run_scoped3A_335, %dma_wait3A_356, %dma_wait3A_357] : memref<2x112x128xf32, #tpu.memory_space<vmem>> -> memref<1x80x128xf32, #tpu.memory_space<vmem>>
        %dma_wait3A_359 = tpu.memref_squeeze %dma_wait3A_358 : memref<1x80x128xf32, #tpu.memory_space<vmem>> -> memref<80x128xf32, #tpu.memory_space<vmem>>
        tpu.wait_dma2 semaphore(%run_scoped3A_336 : memref<!tpu.dma_semaphore, #tpu.memory_space<semaphore_mem>>) src(%dma_wait3A_359 : memref<80x128xf32, #tpu.memory_space<vmem>>) dst(%dma_wait3A_355 : memref<80x128xf32, #tpu.memory_space<vmem_shared>>)
        tpu.yield
      }) : () -> ()
    } else {
    }
    %barrier3A = arith.constant 0 : index
    tpu.barrier barrier_id(%barrier3A)
    %get3A = arith.constant 0 : i32
    %get3A_8 = arith.index_cast %get3A : i32 to index
    %get3A_9 = arith.constant 0 : index
    %get3A_10 = tpu.vector_load %arg5[%get3A_8, %get3A_9] {strides = array<i32>} : memref<90x112xi32, #tpu.memory_space<vmem>>, vector<16xi32>,
    %shift_right_logical3A = arith.constant 16 : i32
    %shift_right_logical3A_11 = vector.broadcast %shift_right_logical3A : i32 to vector<16xi32>
    %shift_right_logical3A_12 = arith.shrui %get3A_10, %shift_right_logical3A_11 : vector<16xi32>
    %swap3A = arith.constant 0 : i32
    %swap3A_13 = arith.index_cast %swap3A : i32 to index
    %swap3A_14 = arith.constant 0 : index
    %swap3A_15 = tpu.vector_load %arg7[%swap3A_13, %swap3A_14] {strides = array<i32>} : memref<2x112xi32, #tpu.memory_space<vmem>>, vector<16xi32>,
    tpu.vector_store %arg7[%swap3A_13, %swap3A_14], %shift_right_logical3A_12 {strides = array<i32>} : memref<2x112xi32, #tpu.memory_space<vmem>>, vector<16xi32>,
    %and3A = arith.constant 65535 : i32
    %and3A_16 = vector.broadcast %and3A : i32 to vector<16xi32>
    %and3A_17 = arith.andi %get3A_10, %and3A_16 : vector<16xi32>
    %swap3A_18 = arith.constant 0 : i32
    %swap3A_19 = arith.index_cast %swap3A_18 : i32 to index
    %swap3A_20 = arith.constant 0 : index
    %swap3A_21 = tpu.vector_load %arg6[%swap3A_19, %swap3A_20] {strides = array<i32>} : memref<2x112xi32, #tpu.memory_space<vmem>>, vector<16xi32>,
    tpu.vector_store %arg6[%swap3A_19, %swap3A_20], %and3A_17 {strides = array<i32>} : memref<2x112xi32, #tpu.memory_space<vmem>>, vector<16xi32>,
    %get3A_22 = arith.constant 0 : i32
    %get3A_23 = arith.index_cast %get3A_22 : i32 to index
    %get3A_24 = arith.constant 16 : index
    %get3A_25 = tpu.vector_load %arg5[%get3A_23, %get3A_24] {strides = array<i32>} : memref<90x112xi32, #tpu.memory_space<vmem>>, vector<16xi32>,
    %shift_right_logical3A_26 = arith.constant 16 : i32
    %shift_right_logical3A_27 = vector.broadcast %shift_right_logical3A_26 : i32 to vector<16xi32>
    %shift_right_logical3A_28 = arith.shrui %get3A_25, %shift_right_logical3A_27 : vector<16xi32>
    %swap3A_29 = arith.constant 0 : i32
    %swap3A_30 = arith.index_cast %swap3A_29 : i32 to index
    %swap3A_31 = arith.constant 16 : index
    %swap3A_32 = tpu.vector_load %arg7[%swap3A_30, %swap3A_31] {strides = array<i32>} : memref<2x112xi32, #tpu.memory_space<vmem>>, vector<16xi32>,
    tpu.vector_store %arg7[%swap3A_30, %swap3A_31], %shift_right_logical3A_28 {strides = array<i32>} : memref<2x112xi32, #tpu.memory_space<vmem>>, vector<16xi32>,
    %and3A_33 = arith.constant 65535 : i32
    %and3A_34 = vector.broadcast %and3A_33 : i32 to vector<16xi32>
    %and3A_35 = arith.andi %get3A_25, %and3A_34 : vector<16xi32>
    %swap3A_36 = arith.constant 0 : i32
    %swap3A_37 = arith.index_cast %swap3A_36 : i32 to index
    %swap3A_38 = arith.constant 16 : index
    %swap3A_39 = tpu.vector_load %arg6[%swap3A_37, %swap3A_38] {strides = array<i32>} : memref<2x112xi32, #tpu.memory_space<vmem>>, vector<16xi32>,
    tpu.vector_store %arg6[%swap3A_37, %swap3A_38], %and3A_35 {strides = array<i32>} : memref<2x112xi32, #tpu.memory_space<vmem>>, vector<16xi32>,
    %get3A_40 = arith.constant 0 : i32
    %get3A_41 = arith.index_cast %get3A_40 : i32 to index
    %get3A_42 = arith.constant 32 : index
    %get3A_43 = tpu.vector_load %arg5[%get3A_41, %get3A_42] {strides = array<i32>} : memref<90x112xi32, #tpu.memory_space<vmem>>, vector<16xi32>,
    %shift_right_logical3A_44 = arith.constant 16 : i32
    %shift_right_logical3A_45 = vector.broadcast %shift_right_logical3A_44 : i32 to vector<16xi32>
    %shift_right_logical3A_46 = arith.shrui %get3A_43, %shift_right_logical3A_45 : vector<16xi32>
    %swap3A_47 = arith.constant 0 : i32
    %swap3A_48 = arith.index_cast %swap3A_47 : i32 to index
    %swap3A_49 = arith.constant 32 : index
    %swap3A_50 = tpu.vector_load %arg7[%swap3A_48, %swap3A_49] {strides = array<i32>} : memref<2x112xi32, #tpu.memory_space<vmem>>, vector<16xi32>,
    tpu.vector_store %arg7[%swap3A_48, %swap3A_49], %shift_right_logical3A_46 {strides = array<i32>} : memref<2x112xi32, #tpu.memory_space<vmem>>, vector<16xi32>,
    %and3A_51 = arith.constant 65535 : i32
    %and3A_52 = vector.broadcast %and3A_51 : i32 to vector<16xi32>
    %and3A_53 = arith.andi %get3A_43, %and3A_52 : vector<16xi32>
    %swap3A_54 = arith.constant 0 : i32
    %swap3A_55 = arith.index_cast %swap3A_54 : i32 to index
    %swap3A_56 = arith.constant 32 : index
    %swap3A_57 = tpu.vector_load %arg6[%swap3A_55, %swap3A_56] {strides = array<i32>} : memref<2x112xi32, #tpu.memory_space<vmem>>, vector<16xi32>,
    tpu.vector_store %arg6[%swap3A_55, %swap3A_56], %and3A_53 {strides = array<i32>} : memref<2x112xi32, #tpu.memory_space<vmem>>, vector<16xi32>,
    %get3A_58 = arith.constant 0 : i32
    %get3A_59 = arith.index_cast %get3A_58 : i32 to index
    %get3A_60 = arith.constant 48 : index
    %get3A_61 = tpu.vector_load %arg5[%get3A_59, %get3A_60] {strides = array<i32>} : memref<90x112xi32, #tpu.memory_space<vmem>>, vector<16xi32>,
    %shift_right_logical3A_62 = arith.constant 16 : i32
    %shift_right_logical3A_63 = vector.broadcast %shift_right_logical3A_62 : i32 to vector<16xi32>
    %shift_right_logical3A_64 = arith.shrui %get3A_61, %shift_right_logical3A_63 : vector<16xi32>
    %swap3A_65 = arith.constant 0 : i32
    %swap3A_66 = arith.index_cast %swap3A_65 : i32 to index
    %swap3A_67 = arith.constant 48 : index
    %swap3A_68 = tpu.vector_load %arg7[%swap3A_66, %swap3A_67] {strides = array<i32>} : memref<2x112xi32, #tpu.memory_space<vmem>>, vector<16xi32>,
    tpu.vector_store %arg7[%swap3A_66, %swap3A_67], %shift_right_logical3A_64 {strides = array<i32>} : memref<2x112xi32, #tpu.memory_space<vmem>>, vector<16xi32>,
    %and3A_69 = arith.constant 65535 : i32
    %and3A_70 = vector.broadcast %and3A_69 : i32 to vector<16xi32>
    %and3A_71 = arith.andi %get3A_61, %and3A_70 : vector<16xi32>
    %swap3A_72 = arith.constant 0 : i32
    %swap3A_73 = arith.index_cast %swap3A_72 : i32 to index
    %swap3A_74 = arith.constant 48 : index
    %swap3A_75 = tpu.vector_load %arg6[%swap3A_73, %swap3A_74] {strides = array<i32>} : memref<2x112xi32, #tpu.memory_space<vmem>>, vector<16xi32>,
    tpu.vector_store %arg6[%swap3A_73, %swap3A_74], %and3A_71 {strides = array<i32>} : memref<2x112xi32, #tpu.memory_space<vmem>>, vector<16xi32>,
    %get3A_76 = arith.constant 0 : i32
    %get3A_77 = arith.index_cast %get3A_76 : i32 to index
    %get3A_78 = arith.constant 64 : index
    %get3A_79 = tpu.vector_load %arg5[%get3A_77, %get3A_78] {strides = array<i32>} : memref<90x112xi32, #tpu.memory_space<vmem>>, vector<16xi32>,
    %shift_right_logical3A_80 = arith.constant 16 : i32
    %shift_right_logical3A_81 = vector.broadcast %shift_right_logical3A_80 : i32 to vector<16xi32>
    %shift_right_logical3A_82 = arith.shrui %get3A_79, %shift_right_logical3A_81 : vector<16xi32>
    %swap3A_83 = arith.constant 0 : i32
    %swap3A_84 = arith.index_cast %swap3A_83 : i32 to index
    %swap3A_85 = arith.constant 64 : index
    %swap3A_86 = tpu.vector_load %arg7[%swap3A_84, %swap3A_85] {strides = array<i32>} : memref<2x112xi32, #tpu.memory_space<vmem>>, vector<16xi32>,
    tpu.vector_store %arg7[%swap3A_84, %swap3A_85], %shift_right_logical3A_82 {strides = array<i32>} : memref<2x112xi32, #tpu.memory_space<vmem>>, vector<16xi32>,
    %and3A_87 = arith.constant 65535 : i32
    %and3A_88 = vector.broadcast %and3A_87 : i32 to vector<16xi32>
    %and3A_89 = arith.andi %get3A_79, %and3A_88 : vector<16xi32>
    %swap3A_90 = arith.constant 0 : i32
    %swap3A_91 = arith.index_cast %swap3A_90 : i32 to index
    %swap3A_92 = arith.constant 64 : index
    %swap3A_93 = tpu.vector_load %arg6[%swap3A_91, %swap3A_92] {strides = array<i32>} : memref<2x112xi32, #tpu.memory_space<vmem>>, vector<16xi32>,
    tpu.vector_store %arg6[%swap3A_91, %swap3A_92], %and3A_89 {strides = array<i32>} : memref<2x112xi32, #tpu.memory_space<vmem>>, vector<16xi32>,
    %get3A_94 = arith.constant 0 : i32
    %get3A_95 = arith.index_cast %get3A_94 : i32 to index
    %get3A_96 = arith.constant 80 : index
    %get3A_97 = tpu.vector_load %arg5[%get3A_95, %get3A_96] {strides = array<i32>} : memref<90x112xi32, #tpu.memory_space<vmem>>, vector<16xi32>,
    %shift_right_logical3A_98 = arith.constant 16 : i32
    %shift_right_logical3A_99 = vector.broadcast %shift_right_logical3A_98 : i32 to vector<16xi32>
    %shift_right_logical3A_100 = arith.shrui %get3A_97, %shift_right_logical3A_99 : vector<16xi32>
    %swap3A_101 = arith.constant 0 : i32
    %swap3A_102 = arith.index_cast %swap3A_101 : i32 to index
    %swap3A_103 = arith.constant 80 : index
    %swap3A_104 = tpu.vector_load %arg7[%swap3A_102, %swap3A_103] {strides = array<i32>} : memref<2x112xi32, #tpu.memory_space<vmem>>, vector<16xi32>,
    tpu.vector_store %arg7[%swap3A_102, %swap3A_103], %shift_right_logical3A_100 {strides = array<i32>} : memref<2x112xi32, #tpu.memory_space<vmem>>, vector<16xi32>,
    %and3A_105 = arith.constant 65535 : i32
    %and3A_106 = vector.broadcast %and3A_105 : i32 to vector<16xi32>
    %and3A_107 = arith.andi %get3A_97, %and3A_106 : vector<16xi32>
    %swap3A_108 = arith.constant 0 : i32
    %swap3A_109 = arith.index_cast %swap3A_108 : i32 to index
    %swap3A_110 = arith.constant 80 : index
    %swap3A_111 = tpu.vector_load %arg6[%swap3A_109, %swap3A_110] {strides = array<i32>} : memref<2x112xi32, #tpu.memory_space<vmem>>, vector<16xi32>,
    tpu.vector_store %arg6[%swap3A_109, %swap3A_110], %and3A_107 {strides = array<i32>} : memref<2x112xi32, #tpu.memory_space<vmem>>, vector<16xi32>,
    %get3A_112 = arith.constant 0 : i32
    %get3A_113 = arith.index_cast %get3A_112 : i32 to index
    %get3A_114 = arith.constant 96 : index
    %get3A_115 = tpu.vector_load %arg5[%get3A_113, %get3A_114] {strides = array<i32>} : memref<90x112xi32, #tpu.memory_space<vmem>>, vector<16xi32>,
    %shift_right_logical3A_116 = arith.constant 16 : i32
    %shift_right_logical3A_117 = vector.broadcast %shift_right_logical3A_116 : i32 to vector<16xi32>
    %shift_right_logical3A_118 = arith.shrui %get3A_115, %shift_right_logical3A_117 : vector<16xi32>
    %swap3A_119 = arith.constant 0 : i32
    %swap3A_120 = arith.index_cast %swap3A_119 : i32 to index
    %swap3A_121 = arith.constant 96 : index
    %swap3A_122 = tpu.vector_load %arg7[%swap3A_120, %swap3A_121] {strides = array<i32>} : memref<2x112xi32, #tpu.memory_space<vmem>>, vector<16xi32>,
    tpu.vector_store %arg7[%swap3A_120, %swap3A_121], %shift_right_logical3A_118 {strides = array<i32>} : memref<2x112xi32, #tpu.memory_space<vmem>>, vector<16xi32>,
    %and3A_123 = arith.constant 65535 : i32
    %and3A_124 = vector.broadcast %and3A_123 : i32 to vector<16xi32>
    %and3A_125 = arith.andi %get3A_115, %and3A_124 : vector<16xi32>
    %swap3A_126 = arith.constant 0 : i32
    %swap3A_127 = arith.index_cast %swap3A_126 : i32 to index
    %swap3A_128 = arith.constant 96 : index
    %swap3A_129 = tpu.vector_load %arg6[%swap3A_127, %swap3A_128] {strides = array<i32>} : memref<2x112xi32, #tpu.memory_space<vmem>>, vector<16xi32>,
    tpu.vector_store %arg6[%swap3A_127, %swap3A_128], %and3A_125 {strides = array<i32>} : memref<2x112xi32, #tpu.memory_space<vmem>>, vector<16xi32>,
    %dma_start3A = arith.constant 0 : i32
    %dma_start3A_130 = arith.constant 0 : i32
    %dma_start3A_131 = arith.constant 0 : i32
    %dma_start3A_132 = arith.constant 0 : i32
    %dma_start3A_133 = tpu.memref_slice %arg8[%dma_start3A_130, %dma_start3A_131, %dma_start3A_132] : memref<2x112x128xf32, #tpu.memory_space<vmem>> -> memref<1x112x128xf32, #tpu.memory_space<vmem>>
    %dma_start3A_134 = tpu.memref_squeeze %dma_start3A_133 : memref<1x112x128xf32, #tpu.memory_space<vmem>> -> memref<112x128xf32, #tpu.memory_space<vmem>>
    %dma_start3A_135 = arith.constant 0 : i32
    %dma_start3A_136 = tpu.memref_slice %arg6[%dma_start3A, %dma_start3A_135] : memref<2x112xi32, #tpu.memory_space<vmem>> -> memref<1x112xi32, #tpu.memory_space<vmem>>
    %dma_start3A_137 = tpu.memref_squeeze %dma_start3A_136 : memref<1x112xi32, #tpu.memory_space<vmem>> -> memref<112xi32, #tpu.memory_space<vmem>>
    %dma_start3A_138 = arith.constant 0 : i32
    %dma_start3A_139 = arith.constant 0 : i32
    %dma_start3A_140 = tpu.memref_slice %arg2[%dma_start3A_138, %dma_start3A_139] : memref<10240x128xf32, #tpu.memory_space<hbm>> -> memref<10240x128xf32, #tpu.memory_space<hbm>>
    tpu.enqueue_indirect_dma source(%dma_start3A_140 : memref<10240x128xf32, #tpu.memory_space<hbm>>) target(%dma_start3A_134 : memref<112x128xf32, #tpu.memory_space<vmem>>) offsets(%dma_start3A_137 : memref<112xi32, #tpu.memory_space<vmem>>) semaphore(%arg9 : memref<!tpu.dma_semaphore, #tpu.memory_space<semaphore_mem>>)
    %get3A_141 = arith.constant 1 : i32
    %get3A_142 = arith.index_cast %get3A_141 : i32 to index
    %get3A_143 = arith.constant 0 : index
    %get3A_144 = tpu.vector_load %arg5[%get3A_142, %get3A_143] {strides = array<i32>} : memref<90x112xi32, #tpu.memory_space<vmem>>, vector<16xi32>,
    %shift_right_logical3A_145 = arith.constant 16 : i32
    %shift_right_logical3A_146 = vector.broadcast %shift_right_logical3A_145 : i32 to vector<16xi32>
    %shift_right_logical3A_147 = arith.shrui %get3A_144, %shift_right_logical3A_146 : vector<16xi32>
    %swap3A_148 = arith.constant 1 : i32
    %swap3A_149 = arith.index_cast %swap3A_148 : i32 to index
    %swap3A_150 = arith.constant 0 : index
    %swap3A_151 = tpu.vector_load %arg7[%swap3A_149, %swap3A_150] {strides = array<i32>} : memref<2x112xi32, #tpu.memory_space<vmem>>, vector<16xi32>,
    tpu.vector_store %arg7[%swap3A_149, %swap3A_150], %shift_right_logical3A_147 {strides = array<i32>} : memref<2x112xi32, #tpu.memory_space<vmem>>, vector<16xi32>,
    %and3A_152 = arith.constant 65535 : i32
    %and3A_153 = vector.broadcast %and3A_152 : i32 to vector<16xi32>
    %and3A_154 = arith.andi %get3A_144, %and3A_153 : vector<16xi32>
    %swap3A_155 = arith.constant 1 : i32
    %swap3A_156 = arith.index_cast %swap3A_155 : i32 to index
    %swap3A_157 = arith.constant 0 : index
    %swap3A_158 = tpu.vector_load %arg6[%swap3A_156, %swap3A_157] {strides = array<i32>} : memref<2x112xi32, #tpu.memory_space<vmem>>, vector<16xi32>,
    tpu.vector_store %arg6[%swap3A_156, %swap3A_157], %and3A_154 {strides = array<i32>} : memref<2x112xi32, #tpu.memory_space<vmem>>, vector<16xi32>,
    %get3A_159 = arith.constant 1 : i32
    %get3A_160 = arith.index_cast %get3A_159 : i32 to index
    %get3A_161 = arith.constant 16 : index
    %get3A_162 = tpu.vector_load %arg5[%get3A_160, %get3A_161] {strides = array<i32>} : memref<90x112xi32, #tpu.memory_space<vmem>>, vector<16xi32>,
    %shift_right_logical3A_163 = arith.constant 16 : i32
    %shift_right_logical3A_164 = vector.broadcast %shift_right_logical3A_163 : i32 to vector<16xi32>
    %shift_right_logical3A_165 = arith.shrui %get3A_162, %shift_right_logical3A_164 : vector<16xi32>
    %swap3A_166 = arith.constant 1 : i32
    %swap3A_167 = arith.index_cast %swap3A_166 : i32 to index
    %swap3A_168 = arith.constant 16 : index
    %swap3A_169 = tpu.vector_load %arg7[%swap3A_167, %swap3A_168] {strides = array<i32>} : memref<2x112xi32, #tpu.memory_space<vmem>>, vector<16xi32>,
    tpu.vector_store %arg7[%swap3A_167, %swap3A_168], %shift_right_logical3A_165 {strides = array<i32>} : memref<2x112xi32, #tpu.memory_space<vmem>>, vector<16xi32>,
    %and3A_170 = arith.constant 65535 : i32
    %and3A_171 = vector.broadcast %and3A_170 : i32 to vector<16xi32>
    %and3A_172 = arith.andi %get3A_162, %and3A_171 : vector<16xi32>
    %swap3A_173 = arith.constant 1 : i32
    %swap3A_174 = arith.index_cast %swap3A_173 : i32 to index
    %swap3A_175 = arith.constant 16 : index
    %swap3A_176 = tpu.vector_load %arg6[%swap3A_174, %swap3A_175] {strides = array<i32>} : memref<2x112xi32, #tpu.memory_space<vmem>>, vector<16xi32>,
    tpu.vector_store %arg6[%swap3A_174, %swap3A_175], %and3A_172 {strides = array<i32>} : memref<2x112xi32, #tpu.memory_space<vmem>>, vector<16xi32>,
    %get3A_177 = arith.constant 1 : i32
    %get3A_178 = arith.index_cast %get3A_177 : i32 to index
    %get3A_179 = arith.constant 32 : index
    %get3A_180 = tpu.vector_load %arg5[%get3A_178, %get3A_179] {strides = array<i32>} : memref<90x112xi32, #tpu.memory_space<vmem>>, vector<16xi32>,
    %shift_right_logical3A_181 = arith.constant 16 : i32
    %shift_right_logical3A_182 = vector.broadcast %shift_right_logical3A_181 : i32 to vector<16xi32>
    %shift_right_logical3A_183 = arith.shrui %get3A_180, %shift_right_logical3A_182 : vector<16xi32>
    %swap3A_184 = arith.constant 1 : i32
    %swap3A_185 = arith.index_cast %swap3A_184 : i32 to index
    %swap3A_186 = arith.constant 32 : index
    %swap3A_187 = tpu.vector_load %arg7[%swap3A_185, %swap3A_186] {strides = array<i32>} : memref<2x112xi32, #tpu.memory_space<vmem>>, vector<16xi32>,
    tpu.vector_store %arg7[%swap3A_185, %swap3A_186], %shift_right_logical3A_183 {strides = array<i32>} : memref<2x112xi32, #tpu.memory_space<vmem>>, vector<16xi32>,
    %and3A_188 = arith.constant 65535 : i32
    %and3A_189 = vector.broadcast %and3A_188 : i32 to vector<16xi32>
    %and3A_190 = arith.andi %get3A_180, %and3A_189 : vector<16xi32>
    %swap3A_191 = arith.constant 1 : i32
    %swap3A_192 = arith.index_cast %swap3A_191 : i32 to index
    %swap3A_193 = arith.constant 32 : index
    %swap3A_194 = tpu.vector_load %arg6[%swap3A_192, %swap3A_193] {strides = array<i32>} : memref<2x112xi32, #tpu.memory_space<vmem>>, vector<16xi32>,
    tpu.vector_store %arg6[%swap3A_192, %swap3A_193], %and3A_190 {strides = array<i32>} : memref<2x112xi32, #tpu.memory_space<vmem>>, vector<16xi32>,
    %get3A_195 = arith.constant 1 : i32
    %get3A_196 = arith.index_cast %get3A_195 : i32 to index
    %get3A_197 = arith.constant 48 : index
    %get3A_198 = tpu.vector_load %arg5[%get3A_196, %get3A_197] {strides = array<i32>} : memref<90x112xi32, #tpu.memory_space<vmem>>, vector<16xi32>,
    %shift_right_logical3A_199 = arith.constant 16 : i32
    %shift_right_logical3A_200 = vector.broadcast %shift_right_logical3A_199 : i32 to vector<16xi32>
    %shift_right_logical3A_201 = arith.shrui %get3A_198, %shift_right_logical3A_200 : vector<16xi32>
    %swap3A_202 = arith.constant 1 : i32
    %swap3A_203 = arith.index_cast %swap3A_202 : i32 to index
    %swap3A_204 = arith.constant 48 : index
    %swap3A_205 = tpu.vector_load %arg7[%swap3A_203, %swap3A_204] {strides = array<i32>} : memref<2x112xi32, #tpu.memory_space<vmem>>, vector<16xi32>,
    tpu.vector_store %arg7[%swap3A_203, %swap3A_204], %shift_right_logical3A_201 {strides = array<i32>} : memref<2x112xi32, #tpu.memory_space<vmem>>, vector<16xi32>,
    %and3A_206 = arith.constant 65535 : i32
    %and3A_207 = vector.broadcast %and3A_206 : i32 to vector<16xi32>
    %and3A_208 = arith.andi %get3A_198, %and3A_207 : vector<16xi32>
    %swap3A_209 = arith.constant 1 : i32
    %swap3A_210 = arith.index_cast %swap3A_209 : i32 to index
    %swap3A_211 = arith.constant 48 : index
    %swap3A_212 = tpu.vector_load %arg6[%swap3A_210, %swap3A_211] {strides = array<i32>} : memref<2x112xi32, #tpu.memory_space<vmem>>, vector<16xi32>,
    tpu.vector_store %arg6[%swap3A_210, %swap3A_211], %and3A_208 {strides = array<i32>} : memref<2x112xi32, #tpu.memory_space<vmem>>, vector<16xi32>,
    %get3A_213 = arith.constant 1 : i32
    %get3A_214 = arith.index_cast %get3A_213 : i32 to index
    %get3A_215 = arith.constant 64 : index
    %get3A_216 = tpu.vector_load %arg5[%get3A_214, %get3A_215] {strides = array<i32>} : memref<90x112xi32, #tpu.memory_space<vmem>>, vector<16xi32>,
    %shift_right_logical3A_217 = arith.constant 16 : i32
    %shift_right_logical3A_218 = vector.broadcast %shift_right_logical3A_217 : i32 to vector<16xi32>
    %shift_right_logical3A_219 = arith.shrui %get3A_216, %shift_right_logical3A_218 : vector<16xi32>
    %swap3A_220 = arith.constant 1 : i32
    %swap3A_221 = arith.index_cast %swap3A_220 : i32 to index
    %swap3A_222 = arith.constant 64 : index
    %swap3A_223 = tpu.vector_load %arg7[%swap3A_221, %swap3A_222] {strides = array<i32>} : memref<2x112xi32, #tpu.memory_space<vmem>>, vector<16xi32>,
    tpu.vector_store %arg7[%swap3A_221, %swap3A_222], %shift_right_logical3A_219 {strides = array<i32>} : memref<2x112xi32, #tpu.memory_space<vmem>>, vector<16xi32>,
    %and3A_224 = arith.constant 65535 : i32
    %and3A_225 = vector.broadcast %and3A_224 : i32 to vector<16xi32>
    %and3A_226 = arith.andi %get3A_216, %and3A_225 : vector<16xi32>
    %swap3A_227 = arith.constant 1 : i32
    %swap3A_228 = arith.index_cast %swap3A_227 : i32 to index
    %swap3A_229 = arith.constant 64 : index
    %swap3A_230 = tpu.vector_load %arg6[%swap3A_228, %swap3A_229] {strides = array<i32>} : memref<2x112xi32, #tpu.memory_space<vmem>>, vector<16xi32>,
    tpu.vector_store %arg6[%swap3A_228, %swap3A_229], %and3A_226 {strides = array<i32>} : memref<2x112xi32, #tpu.memory_space<vmem>>, vector<16xi32>,
    %get3A_231 = arith.constant 1 : i32
    %get3A_232 = arith.index_cast %get3A_231 : i32 to index
    %get3A_233 = arith.constant 80 : index
    %get3A_234 = tpu.vector_load %arg5[%get3A_232, %get3A_233] {strides = array<i32>} : memref<90x112xi32, #tpu.memory_space<vmem>>, vector<16xi32>,
    %shift_right_logical3A_235 = arith.constant 16 : i32
    %shift_right_logical3A_236 = vector.broadcast %shift_right_logical3A_235 : i32 to vector<16xi32>
    %shift_right_logical3A_237 = arith.shrui %get3A_234, %shift_right_logical3A_236 : vector<16xi32>
    %swap3A_238 = arith.constant 1 : i32
    %swap3A_239 = arith.index_cast %swap3A_238 : i32 to index
    %swap3A_240 = arith.constant 80 : index
    %swap3A_241 = tpu.vector_load %arg7[%swap3A_239, %swap3A_240] {strides = array<i32>} : memref<2x112xi32, #tpu.memory_space<vmem>>, vector<16xi32>,
    tpu.vector_store %arg7[%swap3A_239, %swap3A_240], %shift_right_logical3A_237 {strides = array<i32>} : memref<2x112xi32, #tpu.memory_space<vmem>>, vector<16xi32>,
    %and3A_242 = arith.constant 65535 : i32
    %and3A_243 = vector.broadcast %and3A_242 : i32 to vector<16xi32>
    %and3A_244 = arith.andi %get3A_234, %and3A_243 : vector<16xi32>
    %swap3A_245 = arith.constant 1 : i32
    %swap3A_246 = arith.index_cast %swap3A_245 : i32 to index
    %swap3A_247 = arith.constant 80 : index
    %swap3A_248 = tpu.vector_load %arg6[%swap3A_246, %swap3A_247] {strides = array<i32>} : memref<2x112xi32, #tpu.memory_space<vmem>>, vector<16xi32>,
    tpu.vector_store %arg6[%swap3A_246, %swap3A_247], %and3A_244 {strides = array<i32>} : memref<2x112xi32, #tpu.memory_space<vmem>>, vector<16xi32>,
    %get3A_249 = arith.constant 1 : i32
    %get3A_250 = arith.index_cast %get3A_249 : i32 to index
    %get3A_251 = arith.constant 96 : index
    %get3A_252 = tpu.vector_load %arg5[%get3A_250, %get3A_251] {strides = array<i32>} : memref<90x112xi32, #tpu.memory_space<vmem>>, vector<16xi32>,
    %shift_right_logical3A_253 = arith.constant 16 : i32
    %shift_right_logical3A_254 = vector.broadcast %shift_right_logical3A_253 : i32 to vector<16xi32>
    %shift_right_logical3A_255 = arith.shrui %get3A_252, %shift_right_logical3A_254 : vector<16xi32>
    %swap3A_256 = arith.constant 1 : i32
    %swap3A_257 = arith.index_cast %swap3A_256 : i32 to index
    %swap3A_258 = arith.constant 96 : index
    %swap3A_259 = tpu.vector_load %arg7[%swap3A_257, %swap3A_258] {strides = array<i32>} : memref<2x112xi32, #tpu.memory_space<vmem>>, vector<16xi32>,
    tpu.vector_store %arg7[%swap3A_257, %swap3A_258], %shift_right_logical3A_255 {strides = array<i32>} : memref<2x112xi32, #tpu.memory_space<vmem>>, vector<16xi32>,
    %and3A_260 = arith.constant 65535 : i32
    %and3A_261 = vector.broadcast %and3A_260 : i32 to vector<16xi32>
    %and3A_262 = arith.andi %get3A_252, %and3A_261 : vector<16xi32>
    %swap3A_263 = arith.constant 1 : i32
    %swap3A_264 = arith.index_cast %swap3A_263 : i32 to index
    %swap3A_265 = arith.constant 96 : index
    %swap3A_266 = tpu.vector_load %arg6[%swap3A_264, %swap3A_265] {strides = array<i32>} : memref<2x112xi32, #tpu.memory_space<vmem>>, vector<16xi32>,
    tpu.vector_store %arg6[%swap3A_264, %swap3A_265], %and3A_262 {strides = array<i32>} : memref<2x112xi32, #tpu.memory_space<vmem>>, vector<16xi32>,
    %dma_start3A_267 = arith.constant 1 : i32
    %dma_start3A_268 = arith.constant 1 : i32
    %dma_start3A_269 = arith.constant 0 : i32
    %dma_start3A_270 = arith.constant 0 : i32
    %dma_start3A_271 = tpu.memref_slice %arg8[%dma_start3A_268, %dma_start3A_269, %dma_start3A_270] : memref<2x112x128xf32, #tpu.memory_space<vmem>> -> memref<1x112x128xf32, #tpu.memory_space<vmem>>
    %dma_start3A_272 = tpu.memref_squeeze %dma_start3A_271 : memref<1x112x128xf32, #tpu.memory_space<vmem>> -> memref<112x128xf32, #tpu.memory_space<vmem>>
    %dma_start3A_273 = arith.constant 0 : i32
    %dma_start3A_274 = tpu.memref_slice %arg6[%dma_start3A_267, %dma_start3A_273] : memref<2x112xi32, #tpu.memory_space<vmem>> -> memref<1x112xi32, #tpu.memory_space<vmem>>
    %dma_start3A_275 = tpu.memref_squeeze %dma_start3A_274 : memref<1x112xi32, #tpu.memory_space<vmem>> -> memref<112xi32, #tpu.memory_space<vmem>>
    %dma_start3A_276 = arith.constant 0 : i32
    %dma_start3A_277 = arith.constant 0 : i32
    %dma_start3A_278 = tpu.memref_slice %arg2[%dma_start3A_276, %dma_start3A_277] : memref<10240x128xf32, #tpu.memory_space<hbm>> -> memref<10240x128xf32, #tpu.memory_space<hbm>>
    tpu.enqueue_indirect_dma source(%dma_start3A_278 : memref<10240x128xf32, #tpu.memory_space<hbm>>) target(%dma_start3A_272 : memref<112x128xf32, #tpu.memory_space<vmem>>) offsets(%dma_start3A_275 : memref<112xi32, #tpu.memory_space<vmem>>) semaphore(%arg10 : memref<!tpu.dma_semaphore, #tpu.memory_space<semaphore_mem>>)
    %scan3A = arith.constant 0 : i32
    %scan3A_279 = arith.constant 0 : i32
    %scan3A_280 = arith.constant 45 : i32
    %scan3A_281 = arith.addi %scan3A_279, %scan3A_280 : i32
    %scan3A_282 = arith.constant 1 : i32
    %scan3A_283 = scf.for %scan3A_290 = %scan3A_279 to %scan3A_281 step %scan3A_282 iter_args(%scan3A_291 = %scan3A) -> (i32)  : i32 {
      %mul3A_292 = arith.constant 2 : i32
      %mul3A_293 = arith.muli %scan3A_290, %mul3A_292 : i32
      %add3A_294 = arith.constant 0 : i32
      %add3A_295 = arith.addi %mul3A_293, %add3A_294 : i32
      %dma_wait3A = arith.constant 0 : i32
      %dma_wait3A_296 = arith.constant 0 : i32
      %dma_wait3A_297 = arith.constant 0 : i32
      %dma_wait3A_298 = tpu.memref_slice %arg8[%dma_wait3A, %dma_wait3A_296, %dma_wait3A_297] : memref<2x112x128xf32, #tpu.memory_space<vmem>> -> memref<1x112x128xf32, #tpu.memory_space<vmem>>
      %dma_wait3A_299 = tpu.memref_squeeze %dma_wait3A_298 : memref<1x112x128xf32, #tpu.memory_space<vmem>> -> memref<112x128xf32, #tpu.memory_space<vmem>>
      %dma_wait3A_300 = arith.constant 0 : i32
      %dma_wait3A_301 = arith.constant 0 : i32
      %dma_wait3A_302 = tpu.memref_slice %arg2[%dma_wait3A_300, %dma_wait3A_301] : memref<10240x128xf32, #tpu.memory_space<hbm>> -> memref<112x128xf32, #tpu.memory_space<hbm>>
      %dma_wait3A_303 = arith.constant 0 : i32
      %dma_wait3A_304 = arith.constant 0 : i32
      %dma_wait3A_305 = tpu.memref_slice %arg8[%dma_wait3A, %dma_wait3A_303, %dma_wait3A_304] : memref<2x112x128xf32, #tpu.memory_space<vmem>> -> memref<1x112x128xf32, #tpu.memory_space<vmem>>
      %dma_wait3A_306 = tpu.memref_squeeze %dma_wait3A_305 : memref<1x112x128xf32, #tpu.memory_space<vmem>> -> memref<112x128xf32, #tpu.memory_space<vmem>>
      %dma_wait3A_307 = arith.constant 0 : i32
      %dma_wait3A_308 = arith.constant 0 : i32
      %dma_wait3A_309 = tpu.memref_slice %arg2[%dma_wait3A_307, %dma_wait3A_308] : memref<10240x128xf32, #tpu.memory_space<hbm>> -> memref<112x128xf32, #tpu.memory_space<hbm>>
      tpu.wait_dma2 semaphore(%arg9 : memref<!tpu.dma_semaphore, #tpu.memory_space<semaphore_mem>>) src(%dma_wait3A_309 : memref<112x128xf32, #tpu.memory_space<hbm>>) dst(%dma_wait3A_306 : memref<112x128xf32, #tpu.memory_space<vmem>>)
      %run_scoped3A = arith.constant 0 : i32
      %run_scoped3A_310 = arith.constant 0 : i32
      "tpu.region"() ({
        %run_scoped3A_346 = tpu.sem_alloc : memref<!tpu.dma_semaphore, #tpu.memory_space<semaphore_mem>>
        %dma_start3A_347 = arith.constant 0 : i32
        %dma_start3A_348 = arith.constant 0 : i32
        %dma_start3A_349 = tpu.memref_slice %arg8[%run_scoped3A, %dma_start3A_347, %dma_start3A_348] : memref<2x112x128xf32, #tpu.memory_space<vmem>> -> memref<1x112x128xf32, #tpu.memory_space<vmem>>
        %dma_start3A_350 = tpu.memref_squeeze %dma_start3A_349 : memref<1x112x128xf32, #tpu.memory_space<vmem>> -> memref<112x128xf32, #tpu.memory_space<vmem>>
        %dma_start3A_351 = arith.constant 0 : i32
        %dma_start3A_352 = tpu.memref_slice %arg7[%run_scoped3A_310, %dma_start3A_351] : memref<2x112xi32, #tpu.memory_space<vmem>> -> memref<1x112xi32, #tpu.memory_space<vmem>>
        %dma_start3A_353 = tpu.memref_squeeze %dma_start3A_352 : memref<1x112xi32, #tpu.memory_space<vmem>> -> memref<112xi32, #tpu.memory_space<vmem>>
        %dma_start3A_354 = arith.constant 0 : i32
        %dma_start3A_355 = arith.constant 0 : i32
        %dma_start3A_356 = tpu.memref_slice %arg11[%dma_start3A_354, %dma_start3A_355] : memref<10240x128xf32, #tpu.memory_space<vmem_shared>> -> memref<10240x128xf32, #tpu.memory_space<vmem_shared>>
        tpu.enqueue_indirect_dma source(%dma_start3A_350 : memref<112x128xf32, #tpu.memory_space<vmem>>) target(%dma_start3A_356 : memref<10240x128xf32, #tpu.memory_space<vmem_shared>>) offsets(%dma_start3A_353 : memref<112xi32, #tpu.memory_space<vmem>>) semaphore(%run_scoped3A_346 : memref<!tpu.dma_semaphore, #tpu.memory_space<semaphore_mem>>) {add = true}
        %dma_wait3A_357 = arith.constant 0 : i32
        %dma_wait3A_358 = arith.constant 0 : i32
        %dma_wait3A_359 = tpu.memref_slice %arg8[%run_scoped3A, %dma_wait3A_357, %dma_wait3A_358] : memref<2x112x128xf32, #tpu.memory_space<vmem>> -> memref<1x112x128xf32, #tpu.memory_space<vmem>>
        %dma_wait3A_360 = tpu.memref_squeeze %dma_wait3A_359 : memref<1x112x128xf32, #tpu.memory_space<vmem>> -> memref<112x128xf32, #tpu.memory_space<vmem>>
        %dma_wait3A_361 = arith.constant 0 : i32
        %dma_wait3A_362 = tpu.memref_slice %arg7[%run_scoped3A_310, %dma_wait3A_361] : memref<2x112xi32, #tpu.memory_space<vmem>> -> memref<1x112xi32, #tpu.memory_space<vmem>>
        %dma_wait3A_363 = tpu.memref_squeeze %dma_wait3A_362 : memref<1x112xi32, #tpu.memory_space<vmem>> -> memref<112xi32, #tpu.memory_space<vmem>>
        %dma_wait3A_364 = arith.constant 0 : i32
        %dma_wait3A_365 = arith.constant 0 : i32
        %dma_wait3A_366 = tpu.memref_slice %arg11[%dma_wait3A_364, %dma_wait3A_365] : memref<10240x128xf32, #tpu.memory_space<vmem_shared>> -> memref<10240x128xf32, #tpu.memory_space<vmem_shared>>
        tpu.wait_indirect_dma semaphore(%run_scoped3A_346 : memref<!tpu.dma_semaphore, #tpu.memory_space<semaphore_mem>>) src(%dma_wait3A_360 : memref<112x128xf32, #tpu.memory_space<vmem>>) dst(%dma_wait3A_366 : memref<10240x128xf32, #tpu.memory_space<vmem_shared>>)
        tpu.yield
      }) : () -> ()
      %add3A_311 = arith.constant 2 : i32
      %add3A_312 = arith.addi %add3A_295, %add3A_311 : i32
      %lt3A = arith.constant 90 : i32
      %lt3A_313 = arith.cmpi slt, %add3A_312, %lt3A : i32
      %convert_element_type3A_314 = arith.extui %lt3A_313 : i1 to i32
      %cond3A_315 = arith.constant 0 : i32
      %cond3A_316 = arith.cmpi ne, %convert_element_type3A_314, %cond3A_315 : i32
      scf.if %cond3A_316 {
        %add3A_346 = arith.constant 2 : i32
        %add3A_347 = arith.addi %add3A_295, %add3A_346 : i32
        %get3A_348 = arith.index_cast %add3A_347 : i32 to index
        %get3A_349 = arith.constant 0 : index
        %get3A_350 = tpu.vector_load %arg5[%get3A_348, %get3A_349] {strides = array<i32>} : memref<90x112xi32, #tpu.memory_space<vmem>>, vector<16xi32>,
        %shift_right_logical3A_351 = arith.constant 16 : i32
        %shift_right_logical3A_352 = vector.broadcast %shift_right_logical3A_351 : i32 to vector<16xi32>
        %shift_right_logical3A_353 = arith.shrui %get3A_350, %shift_right_logical3A_352 : vector<16xi32>
        %swap3A_354 = arith.constant 0 : i32
        %swap3A_355 = arith.index_cast %swap3A_354 : i32 to index
        %swap3A_356 = arith.constant 0 : index
        %swap3A_357 = tpu.vector_load %arg7[%swap3A_355, %swap3A_356] {strides = array<i32>} : memref<2x112xi32, #tpu.memory_space<vmem>>, vector<16xi32>,
        tpu.vector_store %arg7[%swap3A_355, %swap3A_356], %shift_right_logical3A_353 {strides = array<i32>} : memref<2x112xi32, #tpu.memory_space<vmem>>, vector<16xi32>,
        %and3A_358 = arith.constant 65535 : i32
        %and3A_359 = vector.broadcast %and3A_358 : i32 to vector<16xi32>
        %and3A_360 = arith.andi %get3A_350, %and3A_359 : vector<16xi32>
        %swap3A_361 = arith.constant 0 : i32
        %swap3A_362 = arith.index_cast %swap3A_361 : i32 to index
        %swap3A_363 = arith.constant 0 : index
        %swap3A_364 = tpu.vector_load %arg6[%swap3A_362, %swap3A_363] {strides = array<i32>} : memref<2x112xi32, #tpu.memory_space<vmem>>, vector<16xi32>,
        tpu.vector_store %arg6[%swap3A_362, %swap3A_363], %and3A_360 {strides = array<i32>} : memref<2x112xi32, #tpu.memory_space<vmem>>, vector<16xi32>,
        %get3A_365 = arith.index_cast %add3A_347 : i32 to index
        %get3A_366 = arith.constant 16 : index
        %get3A_367 = tpu.vector_load %arg5[%get3A_365, %get3A_366] {strides = array<i32>} : memref<90x112xi32, #tpu.memory_space<vmem>>, vector<16xi32>,
        %shift_right_logical3A_368 = arith.constant 16 : i32
        %shift_right_logical3A_369 = vector.broadcast %shift_right_logical3A_368 : i32 to vector<16xi32>
        %shift_right_logical3A_370 = arith.shrui %get3A_367, %shift_right_logical3A_369 : vector<16xi32>
        %swap3A_371 = arith.constant 0 : i32
        %swap3A_372 = arith.index_cast %swap3A_371 : i32 to index
        %swap3A_373 = arith.constant 16 : index
        %swap3A_374 = tpu.vector_load %arg7[%swap3A_372, %swap3A_373] {strides = array<i32>} : memref<2x112xi32, #tpu.memory_space<vmem>>, vector<16xi32>,
        tpu.vector_store %arg7[%swap3A_372, %swap3A_373], %shift_right_logical3A_370 {strides = array<i32>} : memref<2x112xi32, #tpu.memory_space<vmem>>, vector<16xi32>,
        %and3A_375 = arith.constant 65535 : i32
        %and3A_376 = vector.broadcast %and3A_375 : i32 to vector<16xi32>
        %and3A_377 = arith.andi %get3A_367, %and3A_376 : vector<16xi32>
        %swap3A_378 = arith.constant 0 : i32
        %swap3A_379 = arith.index_cast %swap3A_378 : i32 to index
        %swap3A_380 = arith.constant 16 : index
        %swap3A_381 = tpu.vector_load %arg6[%swap3A_379, %swap3A_380] {strides = array<i32>} : memref<2x112xi32, #tpu.memory_space<vmem>>, vector<16xi32>,
        tpu.vector_store %arg6[%swap3A_379, %swap3A_380], %and3A_377 {strides = array<i32>} : memref<2x112xi32, #tpu.memory_space<vmem>>, vector<16xi32>,
        %get3A_382 = arith.index_cast %add3A_347 : i32 to index
        %get3A_383 = arith.constant 32 : index
        %get3A_384 = tpu.vector_load %arg5[%get3A_382, %get3A_383] {strides = array<i32>} : memref<90x112xi32, #tpu.memory_space<vmem>>, vector<16xi32>,
        %shift_right_logical3A_385 = arith.constant 16 : i32
        %shift_right_logical3A_386 = vector.broadcast %shift_right_logical3A_385 : i32 to vector<16xi32>
        %shift_right_logical3A_387 = arith.shrui %get3A_384, %shift_right_logical3A_386 : vector<16xi32>
        %swap3A_388 = arith.constant 0 : i32
        %swap3A_389 = arith.index_cast %swap3A_388 : i32 to index
        %swap3A_390 = arith.constant 32 : index
        %swap3A_391 = tpu.vector_load %arg7[%swap3A_389, %swap3A_390] {strides = array<i32>} : memref<2x112xi32, #tpu.memory_space<vmem>>, vector<16xi32>,
        tpu.vector_store %arg7[%swap3A_389, %swap3A_390], %shift_right_logical3A_387 {strides = array<i32>} : memref<2x112xi32, #tpu.memory_space<vmem>>, vector<16xi32>,
        %and3A_392 = arith.constant 65535 : i32
        %and3A_393 = vector.broadcast %and3A_392 : i32 to vector<16xi32>
        %and3A_394 = arith.andi %get3A_384, %and3A_393 : vector<16xi32>
        %swap3A_395 = arith.constant 0 : i32
        %swap3A_396 = arith.index_cast %swap3A_395 : i32 to index
        %swap3A_397 = arith.constant 32 : index
        %swap3A_398 = tpu.vector_load %arg6[%swap3A_396, %swap3A_397] {strides = array<i32>} : memref<2x112xi32, #tpu.memory_space<vmem>>, vector<16xi32>,
        tpu.vector_store %arg6[%swap3A_396, %swap3A_397], %and3A_394 {strides = array<i32>} : memref<2x112xi32, #tpu.memory_space<vmem>>, vector<16xi32>,
        %get3A_399 = arith.index_cast %add3A_347 : i32 to index
        %get3A_400 = arith.constant 48 : index
        %get3A_401 = tpu.vector_load %arg5[%get3A_399, %get3A_400] {strides = array<i32>} : memref<90x112xi32, #tpu.memory_space<vmem>>, vector<16xi32>,
        %shift_right_logical3A_402 = arith.constant 16 : i32
        %shift_right_logical3A_403 = vector.broadcast %shift_right_logical3A_402 : i32 to vector<16xi32>
        %shift_right_logical3A_404 = arith.shrui %get3A_401, %shift_right_logical3A_403 : vector<16xi32>
        %swap3A_405 = arith.constant 0 : i32
        %swap3A_406 = arith.index_cast %swap3A_405 : i32 to index
        %swap3A_407 = arith.constant 48 : index
        %swap3A_408 = tpu.vector_load %arg7[%swap3A_406, %swap3A_407] {strides = array<i32>} : memref<2x112xi32, #tpu.memory_space<vmem>>, vector<16xi32>,
        tpu.vector_store %arg7[%swap3A_406, %swap3A_407], %shift_right_logical3A_404 {strides = array<i32>} : memref<2x112xi32, #tpu.memory_space<vmem>>, vector<16xi32>,
        %and3A_409 = arith.constant 65535 : i32
        %and3A_410 = vector.broadcast %and3A_409 : i32 to vector<16xi32>
        %and3A_411 = arith.andi %get3A_401, %and3A_410 : vector<16xi32>
        %swap3A_412 = arith.constant 0 : i32
        %swap3A_413 = arith.index_cast %swap3A_412 : i32 to index
        %swap3A_414 = arith.constant 48 : index
        %swap3A_415 = tpu.vector_load %arg6[%swap3A_413, %swap3A_414] {strides = array<i32>} : memref<2x112xi32, #tpu.memory_space<vmem>>, vector<16xi32>,
        tpu.vector_store %arg6[%swap3A_413, %swap3A_414], %and3A_411 {strides = array<i32>} : memref<2x112xi32, #tpu.memory_space<vmem>>, vector<16xi32>,
        %get3A_416 = arith.index_cast %add3A_347 : i32 to index
        %get3A_417 = arith.constant 64 : index
        %get3A_418 = tpu.vector_load %arg5[%get3A_416, %get3A_417] {strides = array<i32>} : memref<90x112xi32, #tpu.memory_space<vmem>>, vector<16xi32>,
        %shift_right_logical3A_419 = arith.constant 16 : i32
        %shift_right_logical3A_420 = vector.broadcast %shift_right_logical3A_419 : i32 to vector<16xi32>
        %shift_right_logical3A_421 = arith.shrui %get3A_418, %shift_right_logical3A_420 : vector<16xi32>
        %swap3A_422 = arith.constant 0 : i32
        %swap3A_423 = arith.index_cast %swap3A_422 : i32 to index
        %swap3A_424 = arith.constant 64 : index
        %swap3A_425 = tpu.vector_load %arg7[%swap3A_423, %swap3A_424] {strides = array<i32>} : memref<2x112xi32, #tpu.memory_space<vmem>>, vector<16xi32>,
        tpu.vector_store %arg7[%swap3A_423, %swap3A_424], %shift_right_logical3A_421 {strides = array<i32>} : memref<2x112xi32, #tpu.memory_space<vmem>>, vector<16xi32>,
        %and3A_426 = arith.constant 65535 : i32
        %and3A_427 = vector.broadcast %and3A_426 : i32 to vector<16xi32>
        %and3A_428 = arith.andi %get3A_418, %and3A_427 : vector<16xi32>
        %swap3A_429 = arith.constant 0 : i32
        %swap3A_430 = arith.index_cast %swap3A_429 : i32 to index
        %swap3A_431 = arith.constant 64 : index
        %swap3A_432 = tpu.vector_load %arg6[%swap3A_430, %swap3A_431] {strides = array<i32>} : memref<2x112xi32, #tpu.memory_space<vmem>>, vector<16xi32>,
        tpu.vector_store %arg6[%swap3A_430, %swap3A_431], %and3A_428 {strides = array<i32>} : memref<2x112xi32, #tpu.memory_space<vmem>>, vector<16xi32>,
        %get3A_433 = arith.index_cast %add3A_347 : i32 to index
        %get3A_434 = arith.constant 80 : index
        %get3A_435 = tpu.vector_load %arg5[%get3A_433, %get3A_434] {strides = array<i32>} : memref<90x112xi32, #tpu.memory_space<vmem>>, vector<16xi32>,
        %shift_right_logical3A_436 = arith.constant 16 : i32
        %shift_right_logical3A_437 = vector.broadcast %shift_right_logical3A_436 : i32 to vector<16xi32>
        %shift_right_logical3A_438 = arith.shrui %get3A_435, %shift_right_logical3A_437 : vector<16xi32>
        %swap3A_439 = arith.constant 0 : i32
        %swap3A_440 = arith.index_cast %swap3A_439 : i32 to index
        %swap3A_441 = arith.constant 80 : index
        %swap3A_442 = tpu.vector_load %arg7[%swap3A_440, %swap3A_441] {strides = array<i32>} : memref<2x112xi32, #tpu.memory_space<vmem>>, vector<16xi32>,
        tpu.vector_store %arg7[%swap3A_440, %swap3A_441], %shift_right_logical3A_438 {strides = array<i32>} : memref<2x112xi32, #tpu.memory_space<vmem>>, vector<16xi32>,
        %and3A_443 = arith.constant 65535 : i32
        %and3A_444 = vector.broadcast %and3A_443 : i32 to vector<16xi32>
        %and3A_445 = arith.andi %get3A_435, %and3A_444 : vector<16xi32>
        %swap3A_446 = arith.constant 0 : i32
        %swap3A_447 = arith.index_cast %swap3A_446 : i32 to index
        %swap3A_448 = arith.constant 80 : index
        %swap3A_449 = tpu.vector_load %arg6[%swap3A_447, %swap3A_448] {strides = array<i32>} : memref<2x112xi32, #tpu.memory_space<vmem>>, vector<16xi32>,
        tpu.vector_store %arg6[%swap3A_447, %swap3A_448], %and3A_445 {strides = array<i32>} : memref<2x112xi32, #tpu.memory_space<vmem>>, vector<16xi32>,
        %get3A_450 = arith.index_cast %add3A_347 : i32 to index
        %get3A_451 = arith.constant 96 : index
        %get3A_452 = tpu.vector_load %arg5[%get3A_450, %get3A_451] {strides = array<i32>} : memref<90x112xi32, #tpu.memory_space<vmem>>, vector<16xi32>,
        %shift_right_logical3A_453 = arith.constant 16 : i32
        %shift_right_logical3A_454 = vector.broadcast %shift_right_logical3A_453 : i32 to vector<16xi32>
        %shift_right_logical3A_455 = arith.shrui %get3A_452, %shift_right_logical3A_454 : vector<16xi32>
        %swap3A_456 = arith.constant 0 : i32
        %swap3A_457 = arith.index_cast %swap3A_456 : i32 to index
        %swap3A_458 = arith.constant 96 : index
        %swap3A_459 = tpu.vector_load %arg7[%swap3A_457, %swap3A_458] {strides = array<i32>} : memref<2x112xi32, #tpu.memory_space<vmem>>, vector<16xi32>,
        tpu.vector_store %arg7[%swap3A_457, %swap3A_458], %shift_right_logical3A_455 {strides = array<i32>} : memref<2x112xi32, #tpu.memory_space<vmem>>, vector<16xi32>,
        %and3A_460 = arith.constant 65535 : i32
        %and3A_461 = vector.broadcast %and3A_460 : i32 to vector<16xi32>
        %and3A_462 = arith.andi %get3A_452, %and3A_461 : vector<16xi32>
        %swap3A_463 = arith.constant 0 : i32
        %swap3A_464 = arith.index_cast %swap3A_463 : i32 to index
        %swap3A_465 = arith.constant 96 : index
        %swap3A_466 = tpu.vector_load %arg6[%swap3A_464, %swap3A_465] {strides = array<i32>} : memref<2x112xi32, #tpu.memory_space<vmem>>, vector<16xi32>,
        tpu.vector_store %arg6[%swap3A_464, %swap3A_465], %and3A_462 {strides = array<i32>} : memref<2x112xi32, #tpu.memory_space<vmem>>, vector<16xi32>,
        %dma_start3A_467 = arith.constant 0 : i32
        %dma_start3A_468 = arith.constant 0 : i32
        %dma_start3A_469 = arith.constant 0 : i32
        %dma_start3A_470 = arith.constant 0 : i32
        %dma_start3A_471 = tpu.memref_slice %arg8[%dma_start3A_468, %dma_start3A_469, %dma_start3A_470] : memref<2x112x128xf32, #tpu.memory_space<vmem>> -> memref<1x112x128xf32, #tpu.memory_space<vmem>>
        %dma_start3A_472 = tpu.memref_squeeze %dma_start3A_471 : memref<1x112x128xf32, #tpu.memory_space<vmem>> -> memref<112x128xf32, #tpu.memory_space<vmem>>
        %dma_start3A_473 = arith.constant 0 : i32
        %dma_start3A_474 = tpu.memref_slice %arg6[%dma_start3A_467, %dma_start3A_473] : memref<2x112xi32, #tpu.memory_space<vmem>> -> memref<1x112xi32, #tpu.memory_space<vmem>>
        %dma_start3A_475 = tpu.memref_squeeze %dma_start3A_474 : memref<1x112xi32, #tpu.memory_space<vmem>> -> memref<112xi32, #tpu.memory_space<vmem>>
        %dma_start3A_476 = arith.constant 0 : i32
        %dma_start3A_477 = arith.constant 0 : i32
        %dma_start3A_478 = tpu.memref_slice %arg2[%dma_start3A_476, %dma_start3A_477] : memref<10240x128xf32, #tpu.memory_space<hbm>> -> memref<10240x128xf32, #tpu.memory_space<hbm>>
        tpu.enqueue_indirect_dma source(%dma_start3A_478 : memref<10240x128xf32, #tpu.memory_space<hbm>>) target(%dma_start3A_472 : memref<112x128xf32, #tpu.memory_space<vmem>>) offsets(%dma_start3A_475 : memref<112xi32, #tpu.memory_space<vmem>>) semaphore(%arg9 : memref<!tpu.dma_semaphore, #tpu.memory_space<semaphore_mem>>)
      } else {
      }
      %mul3A_317 = arith.constant 2 : i32
      %mul3A_318 = arith.muli %scan3A_290, %mul3A_317 : i32
      %add3A_319 = arith.constant 1 : i32
      %add3A_320 = arith.addi %mul3A_318, %add3A_319 : i32
      %dma_wait3A_321 = arith.constant 1 : i32
      %dma_wait3A_322 = arith.constant 0 : i32
      %dma_wait3A_323 = arith.constant 0 : i32
      %dma_wait3A_324 = tpu.memref_slice %arg8[%dma_wait3A_321, %dma_wait3A_322, %dma_wait3A_323] : memref<2x112x128xf32, #tpu.memory_space<vmem>> -> memref<1x112x128xf32, #tpu.memory_space<vmem>>
      %dma_wait3A_325 = tpu.memref_squeeze %dma_wait3A_324 : memref<1x112x128xf32, #tpu.memory_space<vmem>> -> memref<112x128xf32, #tpu.memory_space<vmem>>
      %dma_wait3A_326 = arith.constant 0 : i32
      %dma_wait3A_327 = arith.constant 0 : i32
      %dma_wait3A_328 = tpu.memref_slice %arg2[%dma_wait3A_326, %dma_wait3A_327] : memref<10240x128xf32, #tpu.memory_space<hbm>> -> memref<112x128xf32, #tpu.memory_space<hbm>>
      %dma_wait3A_329 = arith.constant 0 : i32
      %dma_wait3A_330 = arith.constant 0 : i32
      %dma_wait3A_331 = tpu.memref_slice %arg8[%dma_wait3A_321, %dma_wait3A_329, %dma_wait3A_330] : memref<2x112x128xf32, #tpu.memory_space<vmem>> -> memref<1x112x128xf32, #tpu.memory_space<vmem>>
      %dma_wait3A_332 = tpu.memref_squeeze %dma_wait3A_331 : memref<1x112x128xf32, #tpu.memory_space<vmem>> -> memref<112x128xf32, #tpu.memory_space<vmem>>
      %dma_wait3A_333 = arith.constant 0 : i32
      %dma_wait3A_334 = arith.constant 0 : i32
      %dma_wait3A_335 = tpu.memref_slice %arg2[%dma_wait3A_333, %dma_wait3A_334] : memref<10240x128xf32, #tpu.memory_space<hbm>> -> memref<112x128xf32, #tpu.memory_space<hbm>>
      tpu.wait_dma2 semaphore(%arg10 : memref<!tpu.dma_semaphore, #tpu.memory_space<semaphore_mem>>) src(%dma_wait3A_335 : memref<112x128xf32, #tpu.memory_space<hbm>>) dst(%dma_wait3A_332 : memref<112x128xf32, #tpu.memory_space<vmem>>)
      %run_scoped3A_336 = arith.constant 1 : i32
      %run_scoped3A_337 = arith.constant 1 : i32
      "tpu.region"() ({
        %run_scoped3A_346 = tpu.sem_alloc : memref<!tpu.dma_semaphore, #tpu.memory_space<semaphore_mem>>
        %dma_start3A_347 = arith.constant 0 : i32
        %dma_start3A_348 = arith.constant 0 : i32
        %dma_start3A_349 = tpu.memref_slice %arg8[%run_scoped3A_336, %dma_start3A_347, %dma_start3A_348] : memref<2x112x128xf32, #tpu.memory_space<vmem>> -> memref<1x112x128xf32, #tpu.memory_space<vmem>>
        %dma_start3A_350 = tpu.memref_squeeze %dma_start3A_349 : memref<1x112x128xf32, #tpu.memory_space<vmem>> -> memref<112x128xf32, #tpu.memory_space<vmem>>
        %dma_start3A_351 = arith.constant 0 : i32
        %dma_start3A_352 = tpu.memref_slice %arg7[%run_scoped3A_337, %dma_start3A_351] : memref<2x112xi32, #tpu.memory_space<vmem>> -> memref<1x112xi32, #tpu.memory_space<vmem>>
        %dma_start3A_353 = tpu.memref_squeeze %dma_start3A_352 : memref<1x112xi32, #tpu.memory_space<vmem>> -> memref<112xi32, #tpu.memory_space<vmem>>
        %dma_start3A_354 = arith.constant 0 : i32
        %dma_start3A_355 = arith.constant 0 : i32
        %dma_start3A_356 = tpu.memref_slice %arg11[%dma_start3A_354, %dma_start3A_355] : memref<10240x128xf32, #tpu.memory_space<vmem_shared>> -> memref<10240x128xf32, #tpu.memory_space<vmem_shared>>
        tpu.enqueue_indirect_dma source(%dma_start3A_350 : memref<112x128xf32, #tpu.memory_space<vmem>>) target(%dma_start3A_356 : memref<10240x128xf32, #tpu.memory_space<vmem_shared>>) offsets(%dma_start3A_353 : memref<112xi32, #tpu.memory_space<vmem>>) semaphore(%run_scoped3A_346 : memref<!tpu.dma_semaphore, #tpu.memory_space<semaphore_mem>>) {add = true}
        %dma_wait3A_357 = arith.constant 0 : i32
        %dma_wait3A_358 = arith.constant 0 : i32
        %dma_wait3A_359 = tpu.memref_slice %arg8[%run_scoped3A_336, %dma_wait3A_357, %dma_wait3A_358] : memref<2x112x128xf32, #tpu.memory_space<vmem>> -> memref<1x112x128xf32, #tpu.memory_space<vmem>>
        %dma_wait3A_360 = tpu.memref_squeeze %dma_wait3A_359 : memref<1x112x128xf32, #tpu.memory_space<vmem>> -> memref<112x128xf32, #tpu.memory_space<vmem>>
        %dma_wait3A_361 = arith.constant 0 : i32
        %dma_wait3A_362 = tpu.memref_slice %arg7[%run_scoped3A_337, %dma_wait3A_361] : memref<2x112xi32, #tpu.memory_space<vmem>> -> memref<1x112xi32, #tpu.memory_space<vmem>>
        %dma_wait3A_363 = tpu.memref_squeeze %dma_wait3A_362 : memref<1x112xi32, #tpu.memory_space<vmem>> -> memref<112xi32, #tpu.memory_space<vmem>>
        %dma_wait3A_364 = arith.constant 0 : i32
        %dma_wait3A_365 = arith.constant 0 : i32
        %dma_wait3A_366 = tpu.memref_slice %arg11[%dma_wait3A_364, %dma_wait3A_365] : memref<10240x128xf32, #tpu.memory_space<vmem_shared>> -> memref<10240x128xf32, #tpu.memory_space<vmem_shared>>
        tpu.wait_indirect_dma semaphore(%run_scoped3A_346 : memref<!tpu.dma_semaphore, #tpu.memory_space<semaphore_mem>>) src(%dma_wait3A_360 : memref<112x128xf32, #tpu.memory_space<vmem>>) dst(%dma_wait3A_366 : memref<10240x128xf32, #tpu.memory_space<vmem_shared>>)
        tpu.yield
      }) : () -> ()
      %add3A_338 = arith.constant 2 : i32
      %add3A_339 = arith.addi %add3A_320, %add3A_338 : i32
      %lt3A_340 = arith.constant 90 : i32
      %lt3A_341 = arith.cmpi slt, %add3A_339, %lt3A_340 : i32
      %convert_element_type3A_342 = arith.extui %lt3A_341 : i1 to i32
      %cond3A_343 = arith.constant 0 : i32
      %cond3A_344 = arith.cmpi ne, %convert_element_type3A_342, %cond3A_343 : i32
      scf.if %cond3A_344 {
        %add3A_346 = arith.constant 2 : i32
        %add3A_347 = arith.addi %add3A_320, %add3A_346 : i32
        %get3A_348 = arith.index_cast %add3A_347 : i32 to index
        %get3A_349 = arith.constant 0 : index
        %get3A_350 = tpu.vector_load %arg5[%get3A_348, %get3A_349] {strides = array<i32>} : memref<90x112xi32, #tpu.memory_space<vmem>>, vector<16xi32>,
        %shift_right_logical3A_351 = arith.constant 16 : i32
        %shift_right_logical3A_352 = vector.broadcast %shift_right_logical3A_351 : i32 to vector<16xi32>
        %shift_right_logical3A_353 = arith.shrui %get3A_350, %shift_right_logical3A_352 : vector<16xi32>
        %swap3A_354 = arith.constant 1 : i32
        %swap3A_355 = arith.index_cast %swap3A_354 : i32 to index
        %swap3A_356 = arith.constant 0 : index
        %swap3A_357 = tpu.vector_load %arg7[%swap3A_355, %swap3A_356] {strides = array<i32>} : memref<2x112xi32, #tpu.memory_space<vmem>>, vector<16xi32>,
        tpu.vector_store %arg7[%swap3A_355, %swap3A_356], %shift_right_logical3A_353 {strides = array<i32>} : memref<2x112xi32, #tpu.memory_space<vmem>>, vector<16xi32>,
        %and3A_358 = arith.constant 65535 : i32
        %and3A_359 = vector.broadcast %and3A_358 : i32 to vector<16xi32>
        %and3A_360 = arith.andi %get3A_350, %and3A_359 : vector<16xi32>
        %swap3A_361 = arith.constant 1 : i32
        %swap3A_362 = arith.index_cast %swap3A_361 : i32 to index
        %swap3A_363 = arith.constant 0 : index
        %swap3A_364 = tpu.vector_load %arg6[%swap3A_362, %swap3A_363] {strides = array<i32>} : memref<2x112xi32, #tpu.memory_space<vmem>>, vector<16xi32>,
        tpu.vector_store %arg6[%swap3A_362, %swap3A_363], %and3A_360 {strides = array<i32>} : memref<2x112xi32, #tpu.memory_space<vmem>>, vector<16xi32>,
        %get3A_365 = arith.index_cast %add3A_347 : i32 to index
        %get3A_366 = arith.constant 16 : index
        %get3A_367 = tpu.vector_load %arg5[%get3A_365, %get3A_366] {strides = array<i32>} : memref<90x112xi32, #tpu.memory_space<vmem>>, vector<16xi32>,
        %shift_right_logical3A_368 = arith.constant 16 : i32
        %shift_right_logical3A_369 = vector.broadcast %shift_right_logical3A_368 : i32 to vector<16xi32>
        %shift_right_logical3A_370 = arith.shrui %get3A_367, %shift_right_logical3A_369 : vector<16xi32>
        %swap3A_371 = arith.constant 1 : i32
        %swap3A_372 = arith.index_cast %swap3A_371 : i32 to index
        %swap3A_373 = arith.constant 16 : index
        %swap3A_374 = tpu.vector_load %arg7[%swap3A_372, %swap3A_373] {strides = array<i32>} : memref<2x112xi32, #tpu.memory_space<vmem>>, vector<16xi32>,
        tpu.vector_store %arg7[%swap3A_372, %swap3A_373], %shift_right_logical3A_370 {strides = array<i32>} : memref<2x112xi32, #tpu.memory_space<vmem>>, vector<16xi32>,
        %and3A_375 = arith.constant 65535 : i32
        %and3A_376 = vector.broadcast %and3A_375 : i32 to vector<16xi32>
        %and3A_377 = arith.andi %get3A_367, %and3A_376 : vector<16xi32>
        %swap3A_378 = arith.constant 1 : i32
        %swap3A_379 = arith.index_cast %swap3A_378 : i32 to index
        %swap3A_380 = arith.constant 16 : index
        %swap3A_381 = tpu.vector_load %arg6[%swap3A_379, %swap3A_380] {strides = array<i32>} : memref<2x112xi32, #tpu.memory_space<vmem>>, vector<16xi32>,
        tpu.vector_store %arg6[%swap3A_379, %swap3A_380], %and3A_377 {strides = array<i32>} : memref<2x112xi32, #tpu.memory_space<vmem>>, vector<16xi32>,
        %get3A_382 = arith.index_cast %add3A_347 : i32 to index
        %get3A_383 = arith.constant 32 : index
        %get3A_384 = tpu.vector_load %arg5[%get3A_382, %get3A_383] {strides = array<i32>} : memref<90x112xi32, #tpu.memory_space<vmem>>, vector<16xi32>,
        %shift_right_logical3A_385 = arith.constant 16 : i32
        %shift_right_logical3A_386 = vector.broadcast %shift_right_logical3A_385 : i32 to vector<16xi32>
        %shift_right_logical3A_387 = arith.shrui %get3A_384, %shift_right_logical3A_386 : vector<16xi32>
        %swap3A_388 = arith.constant 1 : i32
        %swap3A_389 = arith.index_cast %swap3A_388 : i32 to index
        %swap3A_390 = arith.constant 32 : index
        %swap3A_391 = tpu.vector_load %arg7[%swap3A_389, %swap3A_390] {strides = array<i32>} : memref<2x112xi32, #tpu.memory_space<vmem>>, vector<16xi32>,
        tpu.vector_store %arg7[%swap3A_389, %swap3A_390], %shift_right_logical3A_387 {strides = array<i32>} : memref<2x112xi32, #tpu.memory_space<vmem>>, vector<16xi32>,
        %and3A_392 = arith.constant 65535 : i32
        %and3A_393 = vector.broadcast %and3A_392 : i32 to vector<16xi32>
        %and3A_394 = arith.andi %get3A_384, %and3A_393 : vector<16xi32>
        %swap3A_395 = arith.constant 1 : i32
        %swap3A_396 = arith.index_cast %swap3A_395 : i32 to index
        %swap3A_397 = arith.constant 32 : index
        %swap3A_398 = tpu.vector_load %arg6[%swap3A_396, %swap3A_397] {strides = array<i32>} : memref<2x112xi32, #tpu.memory_space<vmem>>, vector<16xi32>,
        tpu.vector_store %arg6[%swap3A_396, %swap3A_397], %and3A_394 {strides = array<i32>} : memref<2x112xi32, #tpu.memory_space<vmem>>, vector<16xi32>,
        %get3A_399 = arith.index_cast %add3A_347 : i32 to index
        %get3A_400 = arith.constant 48 : index
        %get3A_401 = tpu.vector_load %arg5[%get3A_399, %get3A_400] {strides = array<i32>} : memref<90x112xi32, #tpu.memory_space<vmem>>, vector<16xi32>,
        %shift_right_logical3A_402 = arith.constant 16 : i32
        %shift_right_logical3A_403 = vector.broadcast %shift_right_logical3A_402 : i32 to vector<16xi32>
        %shift_right_logical3A_404 = arith.shrui %get3A_401, %shift_right_logical3A_403 : vector<16xi32>
        %swap3A_405 = arith.constant 1 : i32
        %swap3A_406 = arith.index_cast %swap3A_405 : i32 to index
        %swap3A_407 = arith.constant 48 : index
        %swap3A_408 = tpu.vector_load %arg7[%swap3A_406, %swap3A_407] {strides = array<i32>} : memref<2x112xi32, #tpu.memory_space<vmem>>, vector<16xi32>,
        tpu.vector_store %arg7[%swap3A_406, %swap3A_407], %shift_right_logical3A_404 {strides = array<i32>} : memref<2x112xi32, #tpu.memory_space<vmem>>, vector<16xi32>,
        %and3A_409 = arith.constant 65535 : i32
        %and3A_410 = vector.broadcast %and3A_409 : i32 to vector<16xi32>
        %and3A_411 = arith.andi %get3A_401, %and3A_410 : vector<16xi32>
        %swap3A_412 = arith.constant 1 : i32
        %swap3A_413 = arith.index_cast %swap3A_412 : i32 to index
        %swap3A_414 = arith.constant 48 : index
        %swap3A_415 = tpu.vector_load %arg6[%swap3A_413, %swap3A_414] {strides = array<i32>} : memref<2x112xi32, #tpu.memory_space<vmem>>, vector<16xi32>,
        tpu.vector_store %arg6[%swap3A_413, %swap3A_414], %and3A_411 {strides = array<i32>} : memref<2x112xi32, #tpu.memory_space<vmem>>, vector<16xi32>,
        %get3A_416 = arith.index_cast %add3A_347 : i32 to index
        %get3A_417 = arith.constant 64 : index
        %get3A_418 = tpu.vector_load %arg5[%get3A_416, %get3A_417] {strides = array<i32>} : memref<90x112xi32, #tpu.memory_space<vmem>>, vector<16xi32>,
        %shift_right_logical3A_419 = arith.constant 16 : i32
        %shift_right_logical3A_420 = vector.broadcast %shift_right_logical3A_419 : i32 to vector<16xi32>
        %shift_right_logical3A_421 = arith.shrui %get3A_418, %shift_right_logical3A_420 : vector<16xi32>
        %swap3A_422 = arith.constant 1 : i32
        %swap3A_423 = arith.index_cast %swap3A_422 : i32 to index
        %swap3A_424 = arith.constant 64 : index
        %swap3A_425 = tpu.vector_load %arg7[%swap3A_423, %swap3A_424] {strides = array<i32>} : memref<2x112xi32, #tpu.memory_space<vmem>>, vector<16xi32>,
        tpu.vector_store %arg7[%swap3A_423, %swap3A_424], %shift_right_logical3A_421 {strides = array<i32>} : memref<2x112xi32, #tpu.memory_space<vmem>>, vector<16xi32>,
        %and3A_426 = arith.constant 65535 : i32
        %and3A_427 = vector.broadcast %and3A_426 : i32 to vector<16xi32>
        %and3A_428 = arith.andi %get3A_418, %and3A_427 : vector<16xi32>
        %swap3A_429 = arith.constant 1 : i32
        %swap3A_430 = arith.index_cast %swap3A_429 : i32 to index
        %swap3A_431 = arith.constant 64 : index
        %swap3A_432 = tpu.vector_load %arg6[%swap3A_430, %swap3A_431] {strides = array<i32>} : memref<2x112xi32, #tpu.memory_space<vmem>>, vector<16xi32>,
        tpu.vector_store %arg6[%swap3A_430, %swap3A_431], %and3A_428 {strides = array<i32>} : memref<2x112xi32, #tpu.memory_space<vmem>>, vector<16xi32>,
        %get3A_433 = arith.index_cast %add3A_347 : i32 to index
        %get3A_434 = arith.constant 80 : index
        %get3A_435 = tpu.vector_load %arg5[%get3A_433, %get3A_434] {strides = array<i32>} : memref<90x112xi32, #tpu.memory_space<vmem>>, vector<16xi32>,
        %shift_right_logical3A_436 = arith.constant 16 : i32
        %shift_right_logical3A_437 = vector.broadcast %shift_right_logical3A_436 : i32 to vector<16xi32>
        %shift_right_logical3A_438 = arith.shrui %get3A_435, %shift_right_logical3A_437 : vector<16xi32>
        %swap3A_439 = arith.constant 1 : i32
        %swap3A_440 = arith.index_cast %swap3A_439 : i32 to index
        %swap3A_441 = arith.constant 80 : index
        %swap3A_442 = tpu.vector_load %arg7[%swap3A_440, %swap3A_441] {strides = array<i32>} : memref<2x112xi32, #tpu.memory_space<vmem>>, vector<16xi32>,
        tpu.vector_store %arg7[%swap3A_440, %swap3A_441], %shift_right_logical3A_438 {strides = array<i32>} : memref<2x112xi32, #tpu.memory_space<vmem>>, vector<16xi32>,
        %and3A_443 = arith.constant 65535 : i32
        %and3A_444 = vector.broadcast %and3A_443 : i32 to vector<16xi32>
        %and3A_445 = arith.andi %get3A_435, %and3A_444 : vector<16xi32>
        %swap3A_446 = arith.constant 1 : i32
        %swap3A_447 = arith.index_cast %swap3A_446 : i32 to index
        %swap3A_448 = arith.constant 80 : index
        %swap3A_449 = tpu.vector_load %arg6[%swap3A_447, %swap3A_448] {strides = array<i32>} : memref<2x112xi32, #tpu.memory_space<vmem>>, vector<16xi32>,
        tpu.vector_store %arg6[%swap3A_447, %swap3A_448], %and3A_445 {strides = array<i32>} : memref<2x112xi32, #tpu.memory_space<vmem>>, vector<16xi32>,
        %get3A_450 = arith.index_cast %add3A_347 : i32 to index
        %get3A_451 = arith.constant 96 : index
        %get3A_452 = tpu.vector_load %arg5[%get3A_450, %get3A_451] {strides = array<i32>} : memref<90x112xi32, #tpu.memory_space<vmem>>, vector<16xi32>,
        %shift_right_logical3A_453 = arith.constant 16 : i32
        %shift_right_logical3A_454 = vector.broadcast %shift_right_logical3A_453 : i32 to vector<16xi32>
        %shift_right_logical3A_455 = arith.shrui %get3A_452, %shift_right_logical3A_454 : vector<16xi32>
        %swap3A_456 = arith.constant 1 : i32
        %swap3A_457 = arith.index_cast %swap3A_456 : i32 to index
        %swap3A_458 = arith.constant 96 : index
        %swap3A_459 = tpu.vector_load %arg7[%swap3A_457, %swap3A_458] {strides = array<i32>} : memref<2x112xi32, #tpu.memory_space<vmem>>, vector<16xi32>,
        tpu.vector_store %arg7[%swap3A_457, %swap3A_458], %shift_right_logical3A_455 {strides = array<i32>} : memref<2x112xi32, #tpu.memory_space<vmem>>, vector<16xi32>,
        %and3A_460 = arith.constant 65535 : i32
        %and3A_461 = vector.broadcast %and3A_460 : i32 to vector<16xi32>
        %and3A_462 = arith.andi %get3A_452, %and3A_461 : vector<16xi32>
        %swap3A_463 = arith.constant 1 : i32
        %swap3A_464 = arith.index_cast %swap3A_463 : i32 to index
        %swap3A_465 = arith.constant 96 : index
        %swap3A_466 = tpu.vector_load %arg6[%swap3A_464, %swap3A_465] {strides = array<i32>} : memref<2x112xi32, #tpu.memory_space<vmem>>, vector<16xi32>,
        tpu.vector_store %arg6[%swap3A_464, %swap3A_465], %and3A_462 {strides = array<i32>} : memref<2x112xi32, #tpu.memory_space<vmem>>, vector<16xi32>,
        %dma_start3A_467 = arith.constant 1 : i32
        %dma_start3A_468 = arith.constant 1 : i32
        %dma_start3A_469 = arith.constant 0 : i32
        %dma_start3A_470 = arith.constant 0 : i32
        %dma_start3A_471 = tpu.memref_slice %arg8[%dma_start3A_468, %dma_start3A_469, %dma_start3A_470] : memref<2x112x128xf32, #tpu.memory_space<vmem>> -> memref<1x112x128xf32, #tpu.memory_space<vmem>>
        %dma_start3A_472 = tpu.memref_squeeze %dma_start3A_471 : memref<1x112x128xf32, #tpu.memory_space<vmem>> -> memref<112x128xf32, #tpu.memory_space<vmem>>
        %dma_start3A_473 = arith.constant 0 : i32
        %dma_start3A_474 = tpu.memref_slice %arg6[%dma_start3A_467, %dma_start3A_473] : memref<2x112xi32, #tpu.memory_space<vmem>> -> memref<1x112xi32, #tpu.memory_space<vmem>>
        %dma_start3A_475 = tpu.memref_squeeze %dma_start3A_474 : memref<1x112xi32, #tpu.memory_space<vmem>> -> memref<112xi32, #tpu.memory_space<vmem>>
        %dma_start3A_476 = arith.constant 0 : i32
        %dma_start3A_477 = arith.constant 0 : i32
        %dma_start3A_478 = tpu.memref_slice %arg2[%dma_start3A_476, %dma_start3A_477] : memref<10240x128xf32, #tpu.memory_space<hbm>> -> memref<10240x128xf32, #tpu.memory_space<hbm>>
        tpu.enqueue_indirect_dma source(%dma_start3A_478 : memref<10240x128xf32, #tpu.memory_space<hbm>>) target(%dma_start3A_472 : memref<112x128xf32, #tpu.memory_space<vmem>>) offsets(%dma_start3A_475 : memref<112xi32, #tpu.memory_space<vmem>>) semaphore(%arg10 : memref<!tpu.dma_semaphore, #tpu.memory_space<semaphore_mem>>)
      } else {
      }
      %scan3A_345 = arith.constant 0 : i32
      scf.yield %scan3A_345 : i32
    }
    %scan3A_284 = arith.constant 45 : i32
    %barrier3A_285 = arith.constant 0 : index
    tpu.barrier barrier_id(%barrier3A_285)
    %mul3A_286 = arith.constant 640 : i32
    %mul3A_287 = arith.muli %arg1, %mul3A_286 : i32
    %mul3A_288 = arith.constant 640 : i32
    %mul3A_289 = arith.muli %arg1, %mul3A_288 : i32
    "tpu.region"() ({
      %run_scoped3A = tpu.sem_alloc : memref<!tpu.dma_semaphore, #tpu.memory_space<semaphore_mem>>
      %dma_start3A_290 = arith.constant 0 : i32
      %dma_start3A_291 = tpu.memref_slice %arg4[%arg0, %mul3A_289, %dma_start3A_290] : memref<2x10240x128xf32, #tpu.memory_space<hbm>> -> memref<1x640x128xf32, #tpu.memory_space<hbm>>
      %dma_start3A_292 = tpu.memref_squeeze %dma_start3A_291 : memref<1x640x128xf32, #tpu.memory_space<hbm>> -> memref<640x128xf32, #tpu.memory_space<hbm>>
      %dma_start3A_293 = arith.constant 0 : i32
      %dma_start3A_294 = tpu.memref_slice %arg11[%mul3A_287, %dma_start3A_293] : memref<10240x128xf32, #tpu.memory_space<vmem_shared>> -> memref<640x128xf32, #tpu.memory_space<vmem_shared>>
      tpu.enqueue_dma source(%dma_start3A_294 : memref<640x128xf32, #tpu.memory_space<vmem_shared>>) target(%dma_start3A_292 : memref<640x128xf32, #tpu.memory_space<hbm>>) target_semaphore(%run_scoped3A : memref<!tpu.dma_semaphore, #tpu.memory_space<semaphore_mem>>)
      %dma_wait3A = arith.constant 0 : i32
      %dma_wait3A_295 = tpu.memref_slice %arg4[%arg0, %mul3A_289, %dma_wait3A] : memref<2x10240x128xf32, #tpu.memory_space<hbm>> -> memref<1x640x128xf32, #tpu.memory_space<hbm>>
      %dma_wait3A_296 = tpu.memref_squeeze %dma_wait3A_295 : memref<1x640x128xf32, #tpu.memory_space<hbm>> -> memref<640x128xf32, #tpu.memory_space<hbm>>
      %dma_wait3A_297 = arith.constant 0 : i32
      %dma_wait3A_298 = tpu.memref_slice %arg11[%mul3A_287, %dma_wait3A_297] : memref<10240x128xf32, #tpu.memory_space<vmem_shared>> -> memref<640x128xf32, #tpu.memory_space<vmem_shared>>
      tpu.wait_dma2 semaphore(%run_scoped3A : memref<!tpu.dma_semaphore, #tpu.memory_space<semaphore_mem>>) src(%dma_wait3A_298 : memref<640x128xf32, #tpu.memory_space<vmem_shared>>) dst(%dma_wait3A_296 : memref<640x128xf32, #tpu.memory_space<hbm>>)
      tpu.yield
    }) : () -> ()
    return
  }
}

#map = affine_map<(d0, d1) -> (0, 0, 0)>
#map1 = affine_map<(d0, d1) -> (0, 0)>
module attributes {stable_mosaic.version = 14 : i64} {
  func.func @_deg_body(%arg0: i32, %arg1: i32, %arg2: memref<32x90x112xi32, #tpu.memory_space<hbm>>, %arg3: memref<2x10240xf32, #tpu.memory_space<hbm>>, %arg4: memref<90x112xi32, #tpu.memory_space<vmem>>, %arg5: memref<10240xf32, #tpu.memory_space<vmem>>, %arg6: memref<640xf32, #tpu.memory_space<vmem>>, %arg7: memref<640xf32, #tpu.memory_space<vmem>>, %arg8: memref<16x10240xf32, #tpu.memory_space<vmem_shared>>) attributes {dimension_semantics = [#tpu.dimension_semantics<core_parallel>, #tpu.dimension_semantics<subcore_parallel>], iteration_bounds = array<i64: 2, 16>, scalar_prefetch = 0 : i64, scratch_operands = 5 : i64, tpu.core_type = #tpu.core_type<sc_vector_subcore>, window_params = [{transform_indices = #map}, {transform_indices = #map1}]} {
    %mul3A = arith.constant 2 : i32
    %mul3A_0 = arith.muli %arg1, %mul3A : i32
    %add3A = arith.addi %mul3A_0, %arg0 : i32
    "tpu.region"() ({
      %run_scoped3A = tpu.sem_alloc : memref<!tpu.dma_semaphore, #tpu.memory_space<semaphore_mem>>
      %dma_start3A = arith.constant 0 : i32
      %dma_start3A_31 = arith.constant 0 : i32
      %dma_start3A_32 = tpu.memref_slice %arg2[%add3A, %dma_start3A, %dma_start3A_31] : memref<32x90x112xi32, #tpu.memory_space<hbm>> -> memref<1x90x112xi32, #tpu.memory_space<hbm>>
      %dma_start3A_33 = tpu.memref_squeeze %dma_start3A_32 : memref<1x90x112xi32, #tpu.memory_space<hbm>> -> memref<90x112xi32, #tpu.memory_space<hbm>>
      %dma_start3A_34 = arith.constant 0 : i32
      %dma_start3A_35 = arith.constant 0 : i32
      %dma_start3A_36 = tpu.memref_slice %arg2[%add3A, %dma_start3A_34, %dma_start3A_35] : memref<32x90x112xi32, #tpu.memory_space<hbm>> -> memref<1x90x112xi32, #tpu.memory_space<hbm>>
      %dma_start3A_37 = tpu.memref_squeeze %dma_start3A_36 : memref<1x90x112xi32, #tpu.memory_space<hbm>> -> memref<90x112xi32, #tpu.memory_space<hbm>>
      tpu.enqueue_dma source(%dma_start3A_37 : memref<90x112xi32, #tpu.memory_space<hbm>>) target(%arg4 : memref<90x112xi32, #tpu.memory_space<vmem>>) target_semaphore(%run_scoped3A : memref<!tpu.dma_semaphore, #tpu.memory_space<semaphore_mem>>)
      %dma_wait3A = arith.constant 0 : i32
      %dma_wait3A_38 = arith.constant 0 : i32
      %dma_wait3A_39 = tpu.memref_slice %arg2[%add3A, %dma_wait3A, %dma_wait3A_38] : memref<32x90x112xi32, #tpu.memory_space<hbm>> -> memref<1x90x112xi32, #tpu.memory_space<hbm>>
      %dma_wait3A_40 = tpu.memref_squeeze %dma_wait3A_39 : memref<1x90x112xi32, #tpu.memory_space<hbm>> -> memref<90x112xi32, #tpu.memory_space<hbm>>
      %dma_wait3A_41 = arith.constant 0 : i32
      %dma_wait3A_42 = arith.constant 0 : i32
      %dma_wait3A_43 = tpu.memref_slice %arg2[%add3A, %dma_wait3A_41, %dma_wait3A_42] : memref<32x90x112xi32, #tpu.memory_space<hbm>> -> memref<1x90x112xi32, #tpu.memory_space<hbm>>
      %dma_wait3A_44 = tpu.memref_squeeze %dma_wait3A_43 : memref<1x90x112xi32, #tpu.memory_space<hbm>> -> memref<90x112xi32, #tpu.memory_space<hbm>>
      tpu.wait_dma2 semaphore(%run_scoped3A : memref<!tpu.dma_semaphore, #tpu.memory_space<semaphore_mem>>) src(%dma_wait3A_44 : memref<90x112xi32, #tpu.memory_space<hbm>>) dst(%arg4 : memref<90x112xi32, #tpu.memory_space<vmem>>)
      tpu.yield
    }) : () -> ()
    %scan3A = arith.constant 0 : i32
    %scan3A_1 = arith.constant 0 : i32
    %scan3A_2 = arith.constant 640 : i32
    %scan3A_3 = arith.addi %scan3A_1, %scan3A_2 : i32
    %scan3A_4 = arith.constant 1 : i32
    %scan3A_5 = scf.for %scan3A_31 = %scan3A_1 to %scan3A_3 step %scan3A_4 iter_args(%scan3A_32 = %scan3A) -> (i32)  : i32 {
      %broadcast_in_dim3A_33 = arith.constant 0.000000e+00 : f32
      %broadcast_in_dim3A_34 = vector.broadcast %broadcast_in_dim3A_33 : f32 to vector<16xf32>
      %mul3A_35 = arith.constant 16 : i32
      %mul3A_36 = arith.muli %scan3A_31, %mul3A_35 : i32
      %swap3A = arith.index_cast %mul3A_36 : i32 to index
      %swap3A_37 = tpu.vector_load %arg5[%swap3A] {strides = array<i32>} : memref<10240xf32, #tpu.memory_space<vmem>>, vector<16xf32>,
      tpu.vector_store %arg5[%swap3A], %broadcast_in_dim3A_34 {strides = array<i32>} : memref<10240xf32, #tpu.memory_space<vmem>>, vector<16xf32>,
      %scan3A_38 = arith.constant 0 : i32
      scf.yield %scan3A_38 : i32
    }
    %scan3A_6 = arith.constant 640 : i32
    %broadcast_in_dim3A = arith.constant 1.000000e+00 : f32
    %broadcast_in_dim3A_7 = vector.broadcast %broadcast_in_dim3A : f32 to vector<16xf32>
    %scan3A_8 = arith.constant 0 : i32
    %scan3A_9 = arith.constant 0 : i32
    %scan3A_10 = arith.constant 90 : i32
    %scan3A_11 = arith.addi %scan3A_9, %scan3A_10 : i32
    %scan3A_12 = arith.constant 1 : i32
    %scan3A_13 = scf.for %scan3A_31 = %scan3A_9 to %scan3A_11 step %scan3A_12 iter_args(%scan3A_32 = %scan3A_8) -> (i32)  : i32 {
      %get3A = arith.index_cast %scan3A_31 : i32 to index
      %get3A_33 = arith.constant 0 : index
      %get3A_34 = tpu.vector_load %arg4[%get3A, %get3A_33] {strides = array<i32>} : memref<90x112xi32, #tpu.memory_space<vmem>>, vector<16xi32>,
      tpu.vector_store_idx %arg5[%get3A_34], %broadcast_in_dim3A_7 {add = true} : memref<10240xf32, #tpu.memory_space<vmem>>[vector<16xi32>], vector<16xf32>,
      %get3A_35 = arith.index_cast %scan3A_31 : i32 to index
      %get3A_36 = arith.constant 16 : index
      %get3A_37 = tpu.vector_load %arg4[%get3A_35, %get3A_36] {strides = array<i32>} : memref<90x112xi32, #tpu.memory_space<vmem>>, vector<16xi32>,
      tpu.vector_store_idx %arg5[%get3A_37], %broadcast_in_dim3A_7 {add = true} : memref<10240xf32, #tpu.memory_space<vmem>>[vector<16xi32>], vector<16xf32>,
      %get3A_38 = arith.index_cast %scan3A_31 : i32 to index
      %get3A_39 = arith.constant 32 : index
      %get3A_40 = tpu.vector_load %arg4[%get3A_38, %get3A_39] {strides = array<i32>} : memref<90x112xi32, #tpu.memory_space<vmem>>, vector<16xi32>,
      tpu.vector_store_idx %arg5[%get3A_40], %broadcast_in_dim3A_7 {add = true} : memref<10240xf32, #tpu.memory_space<vmem>>[vector<16xi32>], vector<16xf32>,
      %get3A_41 = arith.index_cast %scan3A_31 : i32 to index
      %get3A_42 = arith.constant 48 : index
      %get3A_43 = tpu.vector_load %arg4[%get3A_41, %get3A_42] {strides = array<i32>} : memref<90x112xi32, #tpu.memory_space<vmem>>, vector<16xi32>,
      tpu.vector_store_idx %arg5[%get3A_43], %broadcast_in_dim3A_7 {add = true} : memref<10240xf32, #tpu.memory_space<vmem>>[vector<16xi32>], vector<16xf32>,
      %get3A_44 = arith.index_cast %scan3A_31 : i32 to index
      %get3A_45 = arith.constant 64 : index
      %get3A_46 = tpu.vector_load %arg4[%get3A_44, %get3A_45] {strides = array<i32>} : memref<90x112xi32, #tpu.memory_space<vmem>>, vector<16xi32>,
      tpu.vector_store_idx %arg5[%get3A_46], %broadcast_in_dim3A_7 {add = true} : memref<10240xf32, #tpu.memory_space<vmem>>[vector<16xi32>], vector<16xf32>,
      %get3A_47 = arith.index_cast %scan3A_31 : i32 to index
      %get3A_48 = arith.constant 80 : index
      %get3A_49 = tpu.vector_load %arg4[%get3A_47, %get3A_48] {strides = array<i32>} : memref<90x112xi32, #tpu.memory_space<vmem>>, vector<16xi32>,
      tpu.vector_store_idx %arg5[%get3A_49], %broadcast_in_dim3A_7 {add = true} : memref<10240xf32, #tpu.memory_space<vmem>>[vector<16xi32>], vector<16xf32>,
      %get3A_50 = arith.index_cast %scan3A_31 : i32 to index
      %get3A_51 = arith.constant 96 : index
      %get3A_52 = tpu.vector_load %arg4[%get3A_50, %get3A_51] {strides = array<i32>} : memref<90x112xi32, #tpu.memory_space<vmem>>, vector<16xi32>,
      tpu.vector_store_idx %arg5[%get3A_52], %broadcast_in_dim3A_7 {add = true} : memref<10240xf32, #tpu.memory_space<vmem>>[vector<16xi32>], vector<16xf32>,
      %scan3A_53 = arith.constant 0 : i32
      scf.yield %scan3A_53 : i32
    }
    %scan3A_14 = arith.constant 90 : i32
    "tpu.region"() ({
      %run_scoped3A = tpu.sem_alloc : memref<!tpu.dma_semaphore, #tpu.memory_space<semaphore_mem>>
      %dma_start3A = arith.constant 0 : i32
      %dma_start3A_31 = tpu.memref_slice %arg8[%arg1, %dma_start3A] : memref<16x10240xf32, #tpu.memory_space<vmem_shared>> -> memref<1x10240xf32, #tpu.memory_space<vmem_shared>>
      %dma_start3A_32 = tpu.memref_squeeze %dma_start3A_31 : memref<1x10240xf32, #tpu.memory_space<vmem_shared>> -> memref<10240xf32, #tpu.memory_space<vmem_shared>>
      %dma_start3A_33 = arith.constant 0 : i32
      %dma_start3A_34 = tpu.memref_slice %arg8[%arg1, %dma_start3A_33] : memref<16x10240xf32, #tpu.memory_space<vmem_shared>> -> memref<1x10240xf32, #tpu.memory_space<vmem_shared>>
      %dma_start3A_35 = tpu.memref_squeeze %dma_start3A_34 : memref<1x10240xf32, #tpu.memory_space<vmem_shared>> -> memref<10240xf32, #tpu.memory_space<vmem_shared>>
      tpu.enqueue_dma source(%arg5 : memref<10240xf32, #tpu.memory_space<vmem>>) target(%dma_start3A_35 : memref<10240xf32, #tpu.memory_space<vmem_shared>>) target_semaphore(%run_scoped3A : memref<!tpu.dma_semaphore, #tpu.memory_space<semaphore_mem>>)
      %dma_wait3A = arith.constant 0 : i32
      %dma_wait3A_36 = tpu.memref_slice %arg8[%arg1, %dma_wait3A] : memref<16x10240xf32, #tpu.memory_space<vmem_shared>> -> memref<1x10240xf32, #tpu.memory_space<vmem_shared>>
      %dma_wait3A_37 = tpu.memref_squeeze %dma_wait3A_36 : memref<1x10240xf32, #tpu.memory_space<vmem_shared>> -> memref<10240xf32, #tpu.memory_space<vmem_shared>>
      %dma_wait3A_38 = arith.constant 0 : i32
      %dma_wait3A_39 = tpu.memref_slice %arg8[%arg1, %dma_wait3A_38] : memref<16x10240xf32, #tpu.memory_space<vmem_shared>> -> memref<1x10240xf32, #tpu.memory_space<vmem_shared>>
      %dma_wait3A_40 = tpu.memref_squeeze %dma_wait3A_39 : memref<1x10240xf32, #tpu.memory_space<vmem_shared>> -> memref<10240xf32, #tpu.memory_space<vmem_shared>>
      tpu.wait_dma2 semaphore(%run_scoped3A : memref<!tpu.dma_semaphore, #tpu.memory_space<semaphore_mem>>) src(%arg5 : memref<10240xf32, #tpu.memory_space<vmem>>) dst(%dma_wait3A_40 : memref<10240xf32, #tpu.memory_space<vmem_shared>>)
      tpu.yield
    }) : () -> ()
    %barrier3A = arith.constant 0 : index
    tpu.barrier barrier_id(%barrier3A)
    %scan3A_15 = arith.constant 0 : i32
    %scan3A_16 = arith.constant 0 : i32
    %scan3A_17 = arith.constant 40 : i32
    %scan3A_18 = arith.addi %scan3A_16, %scan3A_17 : i32
    %scan3A_19 = arith.constant 1 : i32
    %scan3A_20 = scf.for %scan3A_31 = %scan3A_16 to %scan3A_18 step %scan3A_19 iter_args(%scan3A_32 = %scan3A_15) -> (i32)  : i32 {
      %broadcast_in_dim3A_33 = arith.constant 0.000000e+00 : f32
      %broadcast_in_dim3A_34 = vector.broadcast %broadcast_in_dim3A_33 : f32 to vector<16xf32>
      %mul3A_35 = arith.constant 16 : i32
      %mul3A_36 = arith.muli %scan3A_31, %mul3A_35 : i32
      %swap3A = arith.index_cast %mul3A_36 : i32 to index
      %swap3A_37 = tpu.vector_load %arg7[%swap3A] {strides = array<i32>} : memref<640xf32, #tpu.memory_space<vmem>>, vector<16xf32>,
      tpu.vector_store %arg7[%swap3A], %broadcast_in_dim3A_34 {strides = array<i32>} : memref<640xf32, #tpu.memory_space<vmem>>, vector<16xf32>,
      %scan3A_38 = arith.constant 0 : i32
      scf.yield %scan3A_38 : i32
    }
    %scan3A_21 = arith.constant 40 : i32
    %scan3A_22 = arith.constant 0 : i32
    %scan3A_23 = arith.constant 0 : i32
    %scan3A_24 = arith.constant 16 : i32
    %scan3A_25 = arith.addi %scan3A_23, %scan3A_24 : i32
    %scan3A_26 = arith.constant 1 : i32
    %scan3A_27 = scf.for %scan3A_31 = %scan3A_23 to %scan3A_25 step %scan3A_26 iter_args(%scan3A_32 = %scan3A_22) -> (i32)  : i32 {
      %mul3A_33 = arith.constant 640 : i32
      %mul3A_34 = arith.muli %arg1, %mul3A_33 : i32
      "tpu.region"() ({
        %run_scoped3A = tpu.sem_alloc : memref<!tpu.dma_semaphore, #tpu.memory_space<semaphore_mem>>
        %dma_start3A = tpu.memref_slice %arg8[%scan3A_31, %mul3A_34] : memref<16x10240xf32, #tpu.memory_space<vmem_shared>> -> memref<1x640xf32, #tpu.memory_space<vmem_shared>>
        %dma_start3A_43 = tpu.memref_squeeze %dma_start3A : memref<1x640xf32, #tpu.memory_space<vmem_shared>> -> memref<640xf32, #tpu.memory_space<vmem_shared>>
        %dma_start3A_44 = tpu.memref_slice %arg8[%scan3A_31, %mul3A_34] : memref<16x10240xf32, #tpu.memory_space<vmem_shared>> -> memref<1x640xf32, #tpu.memory_space<vmem_shared>>
        %dma_start3A_45 = tpu.memref_squeeze %dma_start3A_44 : memref<1x640xf32, #tpu.memory_space<vmem_shared>> -> memref<640xf32, #tpu.memory_space<vmem_shared>>
        tpu.enqueue_dma source(%dma_start3A_45 : memref<640xf32, #tpu.memory_space<vmem_shared>>) target(%arg6 : memref<640xf32, #tpu.memory_space<vmem>>) target_semaphore(%run_scoped3A : memref<!tpu.dma_semaphore, #tpu.memory_space<semaphore_mem>>)
        %dma_wait3A = tpu.memref_slice %arg8[%scan3A_31, %mul3A_34] : memref<16x10240xf32, #tpu.memory_space<vmem_shared>> -> memref<1x640xf32, #tpu.memory_space<vmem_shared>>
        %dma_wait3A_46 = tpu.memref_squeeze %dma_wait3A : memref<1x640xf32, #tpu.memory_space<vmem_shared>> -> memref<640xf32, #tpu.memory_space<vmem_shared>>
        %dma_wait3A_47 = tpu.memref_slice %arg8[%scan3A_31, %mul3A_34] : memref<16x10240xf32, #tpu.memory_space<vmem_shared>> -> memref<1x640xf32, #tpu.memory_space<vmem_shared>>
        %dma_wait3A_48 = tpu.memref_squeeze %dma_wait3A_47 : memref<1x640xf32, #tpu.memory_space<vmem_shared>> -> memref<640xf32, #tpu.memory_space<vmem_shared>>
        tpu.wait_dma2 semaphore(%run_scoped3A : memref<!tpu.dma_semaphore, #tpu.memory_space<semaphore_mem>>) src(%dma_wait3A_48 : memref<640xf32, #tpu.memory_space<vmem_shared>>) dst(%arg6 : memref<640xf32, #tpu.memory_space<vmem>>)
        tpu.yield
      }) : () -> ()
      %scan3A_35 = arith.constant 0 : i32
      %scan3A_36 = arith.constant 0 : i32
      %scan3A_37 = arith.constant 40 : i32
      %scan3A_38 = arith.addi %scan3A_36, %scan3A_37 : i32
      %scan3A_39 = arith.constant 1 : i32
      %scan3A_40 = scf.for %scan3A_43 = %scan3A_36 to %scan3A_38 step %scan3A_39 iter_args(%scan3A_44 = %scan3A_35) -> (i32)  : i32 {
        %mul3A_45 = arith.constant 16 : i32
        %mul3A_46 = arith.muli %scan3A_43, %mul3A_45 : i32
        %get3A = arith.index_cast %mul3A_46 : i32 to index
        %get3A_47 = tpu.vector_load %arg7[%get3A] {strides = array<i32>} : memref<640xf32, #tpu.memory_space<vmem>>, vector<16xf32>,
        %mul3A_48 = arith.constant 16 : i32
        %mul3A_49 = arith.muli %scan3A_43, %mul3A_48 : i32
        %get3A_50 = arith.index_cast %mul3A_49 : i32 to index
        %get3A_51 = tpu.vector_load %arg6[%get3A_50] {strides = array<i32>} : memref<640xf32, #tpu.memory_space<vmem>>, vector<16xf32>,
        %add3A_52 = arith.addf %get3A_47, %get3A_51 : vector<16xf32>
        %mul3A_53 = arith.constant 16 : i32
        %mul3A_54 = arith.muli %scan3A_43, %mul3A_53 : i32
        %swap3A = arith.index_cast %mul3A_54 : i32 to index
        %swap3A_55 = tpu.vector_load %arg7[%swap3A] {strides = array<i32>} : memref<640xf32, #tpu.memory_space<vmem>>, vector<16xf32>,
        tpu.vector_store %arg7[%swap3A], %add3A_52 {strides = array<i32>} : memref<640xf32, #tpu.memory_space<vmem>>, vector<16xf32>,
        %scan3A_56 = arith.constant 0 : i32
        scf.yield %scan3A_56 : i32
      }
      %scan3A_41 = arith.constant 40 : i32
      %scan3A_42 = arith.constant 0 : i32
      scf.yield %scan3A_42 : i32
    }
    %scan3A_28 = arith.constant 16 : i32
    %mul3A_29 = arith.constant 640 : i32
    %mul3A_30 = arith.muli %arg1, %mul3A_29 : i32
    "tpu.region"() ({
      %run_scoped3A = tpu.sem_alloc : memref<!tpu.dma_semaphore, #tpu.memory_space<semaphore_mem>>
      %dma_start3A = tpu.memref_slice %arg3[%arg0, %mul3A_30] : memref<2x10240xf32, #tpu.memory_space<hbm>> -> memref<1x640xf32, #tpu.memory_space<hbm>>
      %dma_start3A_31 = tpu.memref_squeeze %dma_start3A : memref<1x640xf32, #tpu.memory_space<hbm>> -> memref<640xf32, #tpu.memory_space<hbm>>
      %dma_start3A_32 = tpu.memref_slice %arg3[%arg0, %mul3A_30] : memref<2x10240xf32, #tpu.memory_space<hbm>> -> memref<1x640xf32, #tpu.memory_space<hbm>>
      %dma_start3A_33 = tpu.memref_squeeze %dma_start3A_32 : memref<1x640xf32, #tpu.memory_space<hbm>> -> memref<640xf32, #tpu.memory_space<hbm>>
      tpu.enqueue_dma source(%arg7 : memref<640xf32, #tpu.memory_space<vmem>>) target(%dma_start3A_33 : memref<640xf32, #tpu.memory_space<hbm>>) target_semaphore(%run_scoped3A : memref<!tpu.dma_semaphore, #tpu.memory_space<semaphore_mem>>)
      %dma_wait3A = tpu.memref_slice %arg3[%arg0, %mul3A_30] : memref<2x10240xf32, #tpu.memory_space<hbm>> -> memref<1x640xf32, #tpu.memory_space<hbm>>
      %dma_wait3A_34 = tpu.memref_squeeze %dma_wait3A : memref<1x640xf32, #tpu.memory_space<hbm>> -> memref<640xf32, #tpu.memory_space<hbm>>
      %dma_wait3A_35 = tpu.memref_slice %arg3[%arg0, %mul3A_30] : memref<2x10240xf32, #tpu.memory_space<hbm>> -> memref<1x640xf32, #tpu.memory_space<hbm>>
      %dma_wait3A_36 = tpu.memref_squeeze %dma_wait3A_35 : memref<1x640xf32, #tpu.memory_space<hbm>> -> memref<640xf32, #tpu.memory_space<hbm>>
      tpu.wait_dma2 semaphore(%run_scoped3A : memref<!tpu.dma_semaphore, #tpu.memory_space<semaphore_mem>>) src(%arg7 : memref<640xf32, #tpu.memory_space<vmem>>) dst(%dma_wait3A_36 : memref<640xf32, #tpu.memory_space<hbm>>)
      tpu.yield
    }) : () -> ()
    return
  }
}

#map = affine_map<(d0, d1) -> (0, 0)>
#map1 = affine_map<(d0, d1) -> (0, 0, 0)>
module attributes {stable_mosaic.version = 14 : i64} {
  func.func @_agg_body(%arg0: i32, %arg1: i32, %arg2: memref<10240x128xf32, #tpu.memory_space<hbm>>, %arg3: memref<32x90x112xi32, #tpu.memory_space<hbm>>, %arg4: memref<2x10240x128xf32, #tpu.memory_space<hbm>>, %arg5: memref<90x112xi32, #tpu.memory_space<vmem>>, %arg6: memref<2x112xi32, #tpu.memory_space<vmem>>, %arg7: memref<2x112xi32, #tpu.memory_space<vmem>>, %arg8: memref<2x112x128xf32, #tpu.memory_space<vmem>>, %arg9: memref<!tpu.dma_semaphore, #tpu.memory_space<semaphore_mem>>, %arg10: memref<!tpu.dma_semaphore, #tpu.memory_space<semaphore_mem>>, %arg11: memref<10240x128xf32, #tpu.memory_space<vmem_shared>>) attributes {dimension_semantics = [#tpu.dimension_semantics<core_parallel>, #tpu.dimension_semantics<subcore_parallel>], iteration_bounds = array<i64: 2, 16>, scalar_prefetch = 0 : i64, scratch_operands = 7 : i64, tpu.core_type = #tpu.core_type<sc_vector_subcore>, window_params = [{transform_indices = #map}, {transform_indices = #map1}, {transform_indices = #map1}]} {
    %mul3A = arith.constant 2 : i32
    %mul3A_0 = arith.muli %arg1, %mul3A : i32
    %add3A = arith.addi %mul3A_0, %arg0 : i32
    "tpu.region"() ({
      %run_scoped3A = tpu.sem_alloc : memref<!tpu.dma_semaphore, #tpu.memory_space<semaphore_mem>>
      %dma_start3A_290 = arith.constant 0 : i32
      %dma_start3A_291 = arith.constant 0 : i32
      %dma_start3A_292 = tpu.memref_slice %arg3[%add3A, %dma_start3A_290, %dma_start3A_291] : memref<32x90x112xi32, #tpu.memory_space<hbm>> -> memref<1x90x112xi32, #tpu.memory_space<hbm>>
      %dma_start3A_293 = tpu.memref_squeeze %dma_start3A_292 : memref<1x90x112xi32, #tpu.memory_space<hbm>> -> memref<90x112xi32, #tpu.memory_space<hbm>>
      %dma_start3A_294 = arith.constant 0 : i32
      %dma_start3A_295 = arith.constant 0 : i32
      %dma_start3A_296 = tpu.memref_slice %arg3[%add3A, %dma_start3A_294, %dma_start3A_295] : memref<32x90x112xi32, #tpu.memory_space<hbm>> -> memref<1x90x112xi32, #tpu.memory_space<hbm>>
      %dma_start3A_297 = tpu.memref_squeeze %dma_start3A_296 : memref<1x90x112xi32, #tpu.memory_space<hbm>> -> memref<90x112xi32, #tpu.memory_space<hbm>>
      tpu.enqueue_dma source(%dma_start3A_297 : memref<90x112xi32, #tpu.memory_space<hbm>>) target(%arg5 : memref<90x112xi32, #tpu.memory_space<vmem>>) target_semaphore(%run_scoped3A : memref<!tpu.dma_semaphore, #tpu.memory_space<semaphore_mem>>)
      %dma_wait3A = arith.constant 0 : i32
      %dma_wait3A_298 = arith.constant 0 : i32
      %dma_wait3A_299 = tpu.memref_slice %arg3[%add3A, %dma_wait3A, %dma_wait3A_298] : memref<32x90x112xi32, #tpu.memory_space<hbm>> -> memref<1x90x112xi32, #tpu.memory_space<hbm>>
      %dma_wait3A_300 = tpu.memref_squeeze %dma_wait3A_299 : memref<1x90x112xi32, #tpu.memory_space<hbm>> -> memref<90x112xi32, #tpu.memory_space<hbm>>
      %dma_wait3A_301 = arith.constant 0 : i32
      %dma_wait3A_302 = arith.constant 0 : i32
      %dma_wait3A_303 = tpu.memref_slice %arg3[%add3A, %dma_wait3A_301, %dma_wait3A_302] : memref<32x90x112xi32, #tpu.memory_space<hbm>> -> memref<1x90x112xi32, #tpu.memory_space<hbm>>
      %dma_wait3A_304 = tpu.memref_squeeze %dma_wait3A_303 : memref<1x90x112xi32, #tpu.memory_space<hbm>> -> memref<90x112xi32, #tpu.memory_space<hbm>>
      tpu.wait_dma2 semaphore(%run_scoped3A : memref<!tpu.dma_semaphore, #tpu.memory_space<semaphore_mem>>) src(%dma_wait3A_304 : memref<90x112xi32, #tpu.memory_space<hbm>>) dst(%arg5 : memref<90x112xi32, #tpu.memory_space<vmem>>)
      tpu.yield
    }) : () -> ()
    %eq3A = arith.constant 0 : i32
    %eq3A_1 = arith.cmpi eq, %arg0, %eq3A : i32
    %convert_element_type3A = arith.extui %eq3A_1 : i1 to i32
    %cond3A = arith.constant 0 : i32
    %cond3A_2 = arith.cmpi ne, %convert_element_type3A, %cond3A : i32
    scf.if %cond3A_2 {
      %mul3A_290 = arith.constant 640 : i32
      %mul3A_291 = arith.muli %arg1, %mul3A_290 : i32
      %mul3A_292 = arith.constant 640 : i32
      %mul3A_293 = arith.muli %arg1, %mul3A_292 : i32
      "tpu.region"() ({
        %run_scoped3A = tpu.sem_alloc : memref<!tpu.dma_semaphore, #tpu.memory_space<semaphore_mem>>
        %dma_start3A_294 = arith.constant 0 : i32
        %dma_start3A_295 = tpu.memref_slice %arg11[%mul3A_293, %dma_start3A_294] : memref<10240x128xf32, #tpu.memory_space<vmem_shared>> -> memref<640x128xf32, #tpu.memory_space<vmem_shared>>
        %dma_start3A_296 = arith.constant 0 : i32
        %dma_start3A_297 = tpu.memref_slice %arg2[%mul3A_291, %dma_start3A_296] : memref<10240x128xf32, #tpu.memory_space<hbm>> -> memref<640x128xf32, #tpu.memory_space<hbm>>
        tpu.enqueue_dma source(%dma_start3A_297 : memref<640x128xf32, #tpu.memory_space<hbm>>) target(%dma_start3A_295 : memref<640x128xf32, #tpu.memory_space<vmem_shared>>) target_semaphore(%run_scoped3A : memref<!tpu.dma_semaphore, #tpu.memory_space<semaphore_mem>>)
        %dma_wait3A = arith.constant 0 : i32
        %dma_wait3A_298 = tpu.memref_slice %arg11[%mul3A_293, %dma_wait3A] : memref<10240x128xf32, #tpu.memory_space<vmem_shared>> -> memref<640x128xf32, #tpu.memory_space<vmem_shared>>
        %dma_wait3A_299 = arith.constant 0 : i32
        %dma_wait3A_300 = tpu.memref_slice %arg2[%mul3A_291, %dma_wait3A_299] : memref<10240x128xf32, #tpu.memory_space<hbm>> -> memref<640x128xf32, #tpu.memory_space<hbm>>
        tpu.wait_dma2 semaphore(%run_scoped3A : memref<!tpu.dma_semaphore, #tpu.memory_space<semaphore_mem>>) src(%dma_wait3A_300 : memref<640x128xf32, #tpu.memory_space<hbm>>) dst(%dma_wait3A_298 : memref<640x128xf32, #tpu.memory_space<vmem_shared>>)
        tpu.yield
      }) : () -> ()
    } else {
    }
    %eq3A_3 = arith.constant 1 : i32
    %eq3A_4 = arith.cmpi eq, %arg0, %eq3A_3 : i32
    %convert_element_type3A_5 = arith.extui %eq3A_4 : i1 to i32
    %cond3A_6 = arith.constant 0 : i32
    %cond3A_7 = arith.cmpi ne, %convert_element_type3A_5, %cond3A_6 : i32
    scf.if %cond3A_7 {
      %scan3A_290 = arith.constant 0 : i32
      %scan3A_291 = arith.constant 0 : i32
      %scan3A_292 = arith.constant 80 : i32
      %scan3A_293 = arith.addi %scan3A_291, %scan3A_292 : i32
      %scan3A_294 = arith.constant 1 : i32
      %scan3A_295 = scf.for %scan3A_336 = %scan3A_291 to %scan3A_293 step %scan3A_294 iter_args(%scan3A_337 = %scan3A_290) -> (i32)  : i32 {
        %broadcast_in_dim3A = arith.constant 0.000000e+00 : f32
        %broadcast_in_dim3A_338 = vector.broadcast %broadcast_in_dim3A : f32 to vector<16xf32>
        %swap3A_339 = arith.constant 0 : i32
        %swap3A_340 = arith.index_cast %swap3A_339 : i32 to index
        %swap3A_341 = arith.index_cast %scan3A_336 : i32 to index
        %swap3A_342 = arith.constant 0 : index
        %swap3A_343 = tpu.vector_load %arg8[%swap3A_340, %swap3A_341, %swap3A_342] {strides = array<i32>} : memref<2x112x128xf32, #tpu.memory_space<vmem>>, vector<16xf32>,
        tpu.vector_store %arg8[%swap3A_340, %swap3A_341, %swap3A_342], %broadcast_in_dim3A_338 {strides = array<i32>} : memref<2x112x128xf32, #tpu.memory_space<vmem>>, vector<16xf32>,
        %broadcast_in_dim3A_344 = arith.constant 0.000000e+00 : f32
        %broadcast_in_dim3A_345 = vector.broadcast %broadcast_in_dim3A_344 : f32 to vector<16xf32>
        %swap3A_346 = arith.constant 0 : i32
        %swap3A_347 = arith.index_cast %swap3A_346 : i32 to index
        %swap3A_348 = arith.index_cast %scan3A_336 : i32 to index
        %swap3A_349 = arith.constant 16 : index
        %swap3A_350 = tpu.vector_load %arg8[%swap3A_347, %swap3A_348, %swap3A_349] {strides = array<i32>} : memref<2x112x128xf32, #tpu.memory_space<vmem>>, vector<16xf32>,
        tpu.vector_store %arg8[%swap3A_347, %swap3A_348, %swap3A_349], %broadcast_in_dim3A_345 {strides = array<i32>} : memref<2x112x128xf32, #tpu.memory_space<vmem>>, vector<16xf32>,
        %broadcast_in_dim3A_351 = arith.constant 0.000000e+00 : f32
        %broadcast_in_dim3A_352 = vector.broadcast %broadcast_in_dim3A_351 : f32 to vector<16xf32>
        %swap3A_353 = arith.constant 0 : i32
        %swap3A_354 = arith.index_cast %swap3A_353 : i32 to index
        %swap3A_355 = arith.index_cast %scan3A_336 : i32 to index
        %swap3A_356 = arith.constant 32 : index
        %swap3A_357 = tpu.vector_load %arg8[%swap3A_354, %swap3A_355, %swap3A_356] {strides = array<i32>} : memref<2x112x128xf32, #tpu.memory_space<vmem>>, vector<16xf32>,
        tpu.vector_store %arg8[%swap3A_354, %swap3A_355, %swap3A_356], %broadcast_in_dim3A_352 {strides = array<i32>} : memref<2x112x128xf32, #tpu.memory_space<vmem>>, vector<16xf32>,
        %broadcast_in_dim3A_358 = arith.constant 0.000000e+00 : f32
        %broadcast_in_dim3A_359 = vector.broadcast %broadcast_in_dim3A_358 : f32 to vector<16xf32>
        %swap3A_360 = arith.constant 0 : i32
        %swap3A_361 = arith.index_cast %swap3A_360 : i32 to index
        %swap3A_362 = arith.index_cast %scan3A_336 : i32 to index
        %swap3A_363 = arith.constant 48 : index
        %swap3A_364 = tpu.vector_load %arg8[%swap3A_361, %swap3A_362, %swap3A_363] {strides = array<i32>} : memref<2x112x128xf32, #tpu.memory_space<vmem>>, vector<16xf32>,
        tpu.vector_store %arg8[%swap3A_361, %swap3A_362, %swap3A_363], %broadcast_in_dim3A_359 {strides = array<i32>} : memref<2x112x128xf32, #tpu.memory_space<vmem>>, vector<16xf32>,
        %broadcast_in_dim3A_365 = arith.constant 0.000000e+00 : f32
        %broadcast_in_dim3A_366 = vector.broadcast %broadcast_in_dim3A_365 : f32 to vector<16xf32>
        %swap3A_367 = arith.constant 0 : i32
        %swap3A_368 = arith.index_cast %swap3A_367 : i32 to index
        %swap3A_369 = arith.index_cast %scan3A_336 : i32 to index
        %swap3A_370 = arith.constant 64 : index
        %swap3A_371 = tpu.vector_load %arg8[%swap3A_368, %swap3A_369, %swap3A_370] {strides = array<i32>} : memref<2x112x128xf32, #tpu.memory_space<vmem>>, vector<16xf32>,
        tpu.vector_store %arg8[%swap3A_368, %swap3A_369, %swap3A_370], %broadcast_in_dim3A_366 {strides = array<i32>} : memref<2x112x128xf32, #tpu.memory_space<vmem>>, vector<16xf32>,
        %broadcast_in_dim3A_372 = arith.constant 0.000000e+00 : f32
        %broadcast_in_dim3A_373 = vector.broadcast %broadcast_in_dim3A_372 : f32 to vector<16xf32>
        %swap3A_374 = arith.constant 0 : i32
        %swap3A_375 = arith.index_cast %swap3A_374 : i32 to index
        %swap3A_376 = arith.index_cast %scan3A_336 : i32 to index
        %swap3A_377 = arith.constant 80 : index
        %swap3A_378 = tpu.vector_load %arg8[%swap3A_375, %swap3A_376, %swap3A_377] {strides = array<i32>} : memref<2x112x128xf32, #tpu.memory_space<vmem>>, vector<16xf32>,
        tpu.vector_store %arg8[%swap3A_375, %swap3A_376, %swap3A_377], %broadcast_in_dim3A_373 {strides = array<i32>} : memref<2x112x128xf32, #tpu.memory_space<vmem>>, vector<16xf32>,
        %broadcast_in_dim3A_379 = arith.constant 0.000000e+00 : f32
        %broadcast_in_dim3A_380 = vector.broadcast %broadcast_in_dim3A_379 : f32 to vector<16xf32>
        %swap3A_381 = arith.constant 0 : i32
        %swap3A_382 = arith.index_cast %swap3A_381 : i32 to index
        %swap3A_383 = arith.index_cast %scan3A_336 : i32 to index
        %swap3A_384 = arith.constant 96 : index
        %swap3A_385 = tpu.vector_load %arg8[%swap3A_382, %swap3A_383, %swap3A_384] {strides = array<i32>} : memref<2x112x128xf32, #tpu.memory_space<vmem>>, vector<16xf32>,
        tpu.vector_store %arg8[%swap3A_382, %swap3A_383, %swap3A_384], %broadcast_in_dim3A_380 {strides = array<i32>} : memref<2x112x128xf32, #tpu.memory_space<vmem>>, vector<16xf32>,
        %broadcast_in_dim3A_386 = arith.constant 0.000000e+00 : f32
        %broadcast_in_dim3A_387 = vector.broadcast %broadcast_in_dim3A_386 : f32 to vector<16xf32>
        %swap3A_388 = arith.constant 0 : i32
        %swap3A_389 = arith.index_cast %swap3A_388 : i32 to index
        %swap3A_390 = arith.index_cast %scan3A_336 : i32 to index
        %swap3A_391 = arith.constant 112 : index
        %swap3A_392 = tpu.vector_load %arg8[%swap3A_389, %swap3A_390, %swap3A_391] {strides = array<i32>} : memref<2x112x128xf32, #tpu.memory_space<vmem>>, vector<16xf32>,
        tpu.vector_store %arg8[%swap3A_389, %swap3A_390, %swap3A_391], %broadcast_in_dim3A_387 {strides = array<i32>} : memref<2x112x128xf32, #tpu.memory_space<vmem>>, vector<16xf32>,
        %scan3A_393 = arith.constant 0 : i32
        scf.yield %scan3A_393 : i32
      }
      %scan3A_296 = arith.constant 80 : i32
      %mul3A_297 = arith.constant 640 : i32
      %mul3A_298 = arith.muli %arg1, %mul3A_297 : i32
      %add3A_299 = arith.constant 0 : i32
      %add3A_300 = arith.addi %mul3A_298, %add3A_299 : i32
      %run_scoped3A = arith.constant 0 : i32
      "tpu.region"() ({
        %run_scoped3A_336 = tpu.sem_alloc : memref<!tpu.dma_semaphore, #tpu.memory_space<semaphore_mem>>
        %dma_start3A_337 = arith.constant 0 : i32
        %dma_start3A_338 = arith.constant 0 : i32
        %dma_start3A_339 = tpu.memref_slice %arg8[%run_scoped3A, %dma_start3A_337, %dma_start3A_338] : memref<2x112x128xf32, #tpu.memory_space<vmem>> -> memref<1x80x128xf32, #tpu.memory_space<vmem>>
        %dma_start3A_340 = tpu.memref_squeeze %dma_start3A_339 : memref<1x80x128xf32, #tpu.memory_space<vmem>> -> memref<80x128xf32, #tpu.memory_space<vmem>>
        %dma_start3A_341 = arith.constant 0 : i32
        %dma_start3A_342 = tpu.memref_slice %arg11[%add3A_300, %dma_start3A_341] : memref<10240x128xf32, #tpu.memory_space<vmem_shared>> -> memref<80x128xf32, #tpu.memory_space<vmem_shared>>
        %dma_start3A_343 = arith.constant 0 : i32
        %dma_start3A_344 = tpu.memref_slice %arg11[%add3A_300, %dma_start3A_343] : memref<10240x128xf32, #tpu.memory_space<vmem_shared>> -> memref<80x128xf32, #tpu.memory_space<vmem_shared>>
        %dma_start3A_345 = arith.constant 0 : i32
        %dma_start3A_346 = arith.constant 0 : i32
        %dma_start3A_347 = tpu.memref_slice %arg8[%run_scoped3A, %dma_start3A_345, %dma_start3A_346] : memref<2x112x128xf32, #tpu.memory_space<vmem>> -> memref<1x80x128xf32, #tpu.memory_space<vmem>>
        %dma_start3A_348 = tpu.memref_squeeze %dma_start3A_347 : memref<1x80x128xf32, #tpu.memory_space<vmem>> -> memref<80x128xf32, #tpu.memory_space<vmem>>
        tpu.enqueue_dma source(%dma_start3A_348 : memref<80x128xf32, #tpu.memory_space<vmem>>) target(%dma_start3A_344 : memref<80x128xf32, #tpu.memory_space<vmem_shared>>) target_semaphore(%run_scoped3A_336 : memref<!tpu.dma_semaphore, #tpu.memory_space<semaphore_mem>>)
        %dma_wait3A = arith.constant 0 : i32
        %dma_wait3A_349 = arith.constant 0 : i32
        %dma_wait3A_350 = tpu.memref_slice %arg8[%run_scoped3A, %dma_wait3A, %dma_wait3A_349] : memref<2x112x128xf32, #tpu.memory_space<vmem>> -> memref<1x80x128xf32, #tpu.memory_space<vmem>>
        %dma_wait3A_351 = tpu.memref_squeeze %dma_wait3A_350 : memref<1x80x128xf32, #tpu.memory_space<vmem>> -> memref<80x128xf32, #tpu.memory_space<vmem>>
        %dma_wait3A_352 = arith.constant 0 : i32
        %dma_wait3A_353 = tpu.memref_slice %arg11[%add3A_300, %dma_wait3A_352] : memref<10240x128xf32, #tpu.memory_space<vmem_shared>> -> memref<80x128xf32, #tpu.memory_space<vmem_shared>>
        %dma_wait3A_354 = arith.constant 0 : i32
        %dma_wait3A_355 = tpu.memref_slice %arg11[%add3A_300, %dma_wait3A_354] : memref<10240x128xf32, #tpu.memory_space<vmem_shared>> -> memref<80x128xf32, #tpu.memory_space<vmem_shared>>
        %dma_wait3A_356 = arith.constant 0 : i32
        %dma_wait3A_357 = arith.constant 0 : i32
        %dma_wait3A_358 = tpu.memref_slice %arg8[%run_scoped3A, %dma_wait3A_356, %dma_wait3A_357] : memref<2x112x128xf32, #tpu.memory_space<vmem>> -> memref<1x80x128xf32, #tpu.memory_space<vmem>>
        %dma_wait3A_359 = tpu.memref_squeeze %dma_wait3A_358 : memref<1x80x128xf32, #tpu.memory_space<vmem>> -> memref<80x128xf32, #tpu.memory_space<vmem>>
        tpu.wait_dma2 semaphore(%run_scoped3A_336 : memref<!tpu.dma_semaphore, #tpu.memory_space<semaphore_mem>>) src(%dma_wait3A_359 : memref<80x128xf32, #tpu.memory_space<vmem>>) dst(%dma_wait3A_355 : memref<80x128xf32, #tpu.memory_space<vmem_shared>>)
        tpu.yield
      }) : () -> ()
      %mul3A_301 = arith.constant 640 : i32
      %mul3A_302 = arith.muli %arg1, %mul3A_301 : i32
      %add3A_303 = arith.constant 80 : i32
      %add3A_304 = arith.addi %mul3A_302, %add3A_303 : i32
      %run_scoped3A_305 = arith.constant 0 : i32
      "tpu.region"() ({
        %run_scoped3A_336 = tpu.sem_alloc : memref<!tpu.dma_semaphore, #tpu.memory_space<semaphore_mem>>
        %dma_start3A_337 = arith.constant 0 : i32
        %dma_start3A_338 = arith.constant 0 : i32
        %dma_start3A_339 = tpu.memref_slice %arg8[%run_scoped3A_305, %dma_start3A_337, %dma_start3A_338] : memref<2x112x128xf32, #tpu.memory_space<vmem>> -> memref<1x80x128xf32, #tpu.memory_space<vmem>>
        %dma_start3A_340 = tpu.memref_squeeze %dma_start3A_339 : memref<1x80x128xf32, #tpu.memory_space<vmem>> -> memref<80x128xf32, #tpu.memory_space<vmem>>
        %dma_start3A_341 = arith.constant 0 : i32
        %dma_start3A_342 = tpu.memref_slice %arg11[%add3A_304, %dma_start3A_341] : memref<10240x128xf32, #tpu.memory_space<vmem_shared>> -> memref<80x128xf32, #tpu.memory_space<vmem_shared>>
        %dma_start3A_343 = arith.constant 0 : i32
        %dma_start3A_344 = tpu.memref_slice %arg11[%add3A_304, %dma_start3A_343] : memref<10240x128xf32, #tpu.memory_space<vmem_shared>> -> memref<80x128xf32, #tpu.memory_space<vmem_shared>>
        %dma_start3A_345 = arith.constant 0 : i32
        %dma_start3A_346 = arith.constant 0 : i32
        %dma_start3A_347 = tpu.memref_slice %arg8[%run_scoped3A_305, %dma_start3A_345, %dma_start3A_346] : memref<2x112x128xf32, #tpu.memory_space<vmem>> -> memref<1x80x128xf32, #tpu.memory_space<vmem>>
        %dma_start3A_348 = tpu.memref_squeeze %dma_start3A_347 : memref<1x80x128xf32, #tpu.memory_space<vmem>> -> memref<80x128xf32, #tpu.memory_space<vmem>>
        tpu.enqueue_dma source(%dma_start3A_348 : memref<80x128xf32, #tpu.memory_space<vmem>>) target(%dma_start3A_344 : memref<80x128xf32, #tpu.memory_space<vmem_shared>>) target_semaphore(%run_scoped3A_336 : memref<!tpu.dma_semaphore, #tpu.memory_space<semaphore_mem>>)
        %dma_wait3A = arith.constant 0 : i32
        %dma_wait3A_349 = arith.constant 0 : i32
        %dma_wait3A_350 = tpu.memref_slice %arg8[%run_scoped3A_305, %dma_wait3A, %dma_wait3A_349] : memref<2x112x128xf32, #tpu.memory_space<vmem>> -> memref<1x80x128xf32, #tpu.memory_space<vmem>>
        %dma_wait3A_351 = tpu.memref_squeeze %dma_wait3A_350 : memref<1x80x128xf32, #tpu.memory_space<vmem>> -> memref<80x128xf32, #tpu.memory_space<vmem>>
        %dma_wait3A_352 = arith.constant 0 : i32
        %dma_wait3A_353 = tpu.memref_slice %arg11[%add3A_304, %dma_wait3A_352] : memref<10240x128xf32, #tpu.memory_space<vmem_shared>> -> memref<80x128xf32, #tpu.memory_space<vmem_shared>>
        %dma_wait3A_354 = arith.constant 0 : i32
        %dma_wait3A_355 = tpu.memref_slice %arg11[%add3A_304, %dma_wait3A_354] : memref<10240x128xf32, #tpu.memory_space<vmem_shared>> -> memref<80x128xf32, #tpu.memory_space<vmem_shared>>
        %dma_wait3A_356 = arith.constant 0 : i32
        %dma_wait3A_357 = arith.constant 0 : i32
        %dma_wait3A_358 = tpu.memref_slice %arg8[%run_scoped3A_305, %dma_wait3A_356, %dma_wait3A_357] : memref<2x112x128xf32, #tpu.memory_space<vmem>> -> memref<1x80x128xf32, #tpu.memory_space<vmem>>
        %dma_wait3A_359 = tpu.memref_squeeze %dma_wait3A_358 : memref<1x80x128xf32, #tpu.memory_space<vmem>> -> memref<80x128xf32, #tpu.memory_space<vmem>>
        tpu.wait_dma2 semaphore(%run_scoped3A_336 : memref<!tpu.dma_semaphore, #tpu.memory_space<semaphore_mem>>) src(%dma_wait3A_359 : memref<80x128xf32, #tpu.memory_space<vmem>>) dst(%dma_wait3A_355 : memref<80x128xf32, #tpu.memory_space<vmem_shared>>)
        tpu.yield
      }) : () -> ()
      %mul3A_306 = arith.constant 640 : i32
      %mul3A_307 = arith.muli %arg1, %mul3A_306 : i32
      %add3A_308 = arith.constant 160 : i32
      %add3A_309 = arith.addi %mul3A_307, %add3A_308 : i32
      %run_scoped3A_310 = arith.constant 0 : i32
      "tpu.region"() ({
        %run_scoped3A_336 = tpu.sem_alloc : memref<!tpu.dma_semaphore, #tpu.memory_space<semaphore_mem>>
        %dma_start3A_337 = arith.constant 0 : i32
        %dma_start3A_338 = arith.constant 0 : i32
        %dma_start3A_339 = tpu.memref_slice %arg8[%run_scoped3A_310, %dma_start3A_337, %dma_start3A_338] : memref<2x112x128xf32, #tpu.memory_space<vmem>> -> memref<1x80x128xf32, #tpu.memory_space<vmem>>
        %dma_start3A_340 = tpu.memref_squeeze %dma_start3A_339 : memref<1x80x128xf32, #tpu.memory_space<vmem>> -> memref<80x128xf32, #tpu.memory_space<vmem>>
        %dma_start3A_341 = arith.constant 0 : i32
        %dma_start3A_342 = tpu.memref_slice %arg11[%add3A_309, %dma_start3A_341] : memref<10240x128xf32, #tpu.memory_space<vmem_shared>> -> memref<80x128xf32, #tpu.memory_space<vmem_shared>>
        %dma_start3A_343 = arith.constant 0 : i32
        %dma_start3A_344 = tpu.memref_slice %arg11[%add3A_309, %dma_start3A_343] : memref<10240x128xf32, #tpu.memory_space<vmem_shared>> -> memref<80x128xf32, #tpu.memory_space<vmem_shared>>
        %dma_start3A_345 = arith.constant 0 : i32
        %dma_start3A_346 = arith.constant 0 : i32
        %dma_start3A_347 = tpu.memref_slice %arg8[%run_scoped3A_310, %dma_start3A_345, %dma_start3A_346] : memref<2x112x128xf32, #tpu.memory_space<vmem>> -> memref<1x80x128xf32, #tpu.memory_space<vmem>>
        %dma_start3A_348 = tpu.memref_squeeze %dma_start3A_347 : memref<1x80x128xf32, #tpu.memory_space<vmem>> -> memref<80x128xf32, #tpu.memory_space<vmem>>
        tpu.enqueue_dma source(%dma_start3A_348 : memref<80x128xf32, #tpu.memory_space<vmem>>) target(%dma_start3A_344 : memref<80x128xf32, #tpu.memory_space<vmem_shared>>) target_semaphore(%run_scoped3A_336 : memref<!tpu.dma_semaphore, #tpu.memory_space<semaphore_mem>>)
        %dma_wait3A = arith.constant 0 : i32
        %dma_wait3A_349 = arith.constant 0 : i32
        %dma_wait3A_350 = tpu.memref_slice %arg8[%run_scoped3A_310, %dma_wait3A, %dma_wait3A_349] : memref<2x112x128xf32, #tpu.memory_space<vmem>> -> memref<1x80x128xf32, #tpu.memory_space<vmem>>
        %dma_wait3A_351 = tpu.memref_squeeze %dma_wait3A_350 : memref<1x80x128xf32, #tpu.memory_space<vmem>> -> memref<80x128xf32, #tpu.memory_space<vmem>>
        %dma_wait3A_352 = arith.constant 0 : i32
        %dma_wait3A_353 = tpu.memref_slice %arg11[%add3A_309, %dma_wait3A_352] : memref<10240x128xf32, #tpu.memory_space<vmem_shared>> -> memref<80x128xf32, #tpu.memory_space<vmem_shared>>
        %dma_wait3A_354 = arith.constant 0 : i32
        %dma_wait3A_355 = tpu.memref_slice %arg11[%add3A_309, %dma_wait3A_354] : memref<10240x128xf32, #tpu.memory_space<vmem_shared>> -> memref<80x128xf32, #tpu.memory_space<vmem_shared>>
        %dma_wait3A_356 = arith.constant 0 : i32
        %dma_wait3A_357 = arith.constant 0 : i32
        %dma_wait3A_358 = tpu.memref_slice %arg8[%run_scoped3A_310, %dma_wait3A_356, %dma_wait3A_357] : memref<2x112x128xf32, #tpu.memory_space<vmem>> -> memref<1x80x128xf32, #tpu.memory_space<vmem>>
        %dma_wait3A_359 = tpu.memref_squeeze %dma_wait3A_358 : memref<1x80x128xf32, #tpu.memory_space<vmem>> -> memref<80x128xf32, #tpu.memory_space<vmem>>
        tpu.wait_dma2 semaphore(%run_scoped3A_336 : memref<!tpu.dma_semaphore, #tpu.memory_space<semaphore_mem>>) src(%dma_wait3A_359 : memref<80x128xf32, #tpu.memory_space<vmem>>) dst(%dma_wait3A_355 : memref<80x128xf32, #tpu.memory_space<vmem_shared>>)
        tpu.yield
      }) : () -> ()
      %mul3A_311 = arith.constant 640 : i32
      %mul3A_312 = arith.muli %arg1, %mul3A_311 : i32
      %add3A_313 = arith.constant 240 : i32
      %add3A_314 = arith.addi %mul3A_312, %add3A_313 : i32
      %run_scoped3A_315 = arith.constant 0 : i32
      "tpu.region"() ({
        %run_scoped3A_336 = tpu.sem_alloc : memref<!tpu.dma_semaphore, #tpu.memory_space<semaphore_mem>>
        %dma_start3A_337 = arith.constant 0 : i32
        %dma_start3A_338 = arith.constant 0 : i32
        %dma_start3A_339 = tpu.memref_slice %arg8[%run_scoped3A_315, %dma_start3A_337, %dma_start3A_338] : memref<2x112x128xf32, #tpu.memory_space<vmem>> -> memref<1x80x128xf32, #tpu.memory_space<vmem>>
        %dma_start3A_340 = tpu.memref_squeeze %dma_start3A_339 : memref<1x80x128xf32, #tpu.memory_space<vmem>> -> memref<80x128xf32, #tpu.memory_space<vmem>>
        %dma_start3A_341 = arith.constant 0 : i32
        %dma_start3A_342 = tpu.memref_slice %arg11[%add3A_314, %dma_start3A_341] : memref<10240x128xf32, #tpu.memory_space<vmem_shared>> -> memref<80x128xf32, #tpu.memory_space<vmem_shared>>
        %dma_start3A_343 = arith.constant 0 : i32
        %dma_start3A_344 = tpu.memref_slice %arg11[%add3A_314, %dma_start3A_343] : memref<10240x128xf32, #tpu.memory_space<vmem_shared>> -> memref<80x128xf32, #tpu.memory_space<vmem_shared>>
        %dma_start3A_345 = arith.constant 0 : i32
        %dma_start3A_346 = arith.constant 0 : i32
        %dma_start3A_347 = tpu.memref_slice %arg8[%run_scoped3A_315, %dma_start3A_345, %dma_start3A_346] : memref<2x112x128xf32, #tpu.memory_space<vmem>> -> memref<1x80x128xf32, #tpu.memory_space<vmem>>
        %dma_start3A_348 = tpu.memref_squeeze %dma_start3A_347 : memref<1x80x128xf32, #tpu.memory_space<vmem>> -> memref<80x128xf32, #tpu.memory_space<vmem>>
        tpu.enqueue_dma source(%dma_start3A_348 : memref<80x128xf32, #tpu.memory_space<vmem>>) target(%dma_start3A_344 : memref<80x128xf32, #tpu.memory_space<vmem_shared>>) target_semaphore(%run_scoped3A_336 : memref<!tpu.dma_semaphore, #tpu.memory_space<semaphore_mem>>)
        %dma_wait3A = arith.constant 0 : i32
        %dma_wait3A_349 = arith.constant 0 : i32
        %dma_wait3A_350 = tpu.memref_slice %arg8[%run_scoped3A_315, %dma_wait3A, %dma_wait3A_349] : memref<2x112x128xf32, #tpu.memory_space<vmem>> -> memref<1x80x128xf32, #tpu.memory_space<vmem>>
        %dma_wait3A_351 = tpu.memref_squeeze %dma_wait3A_350 : memref<1x80x128xf32, #tpu.memory_space<vmem>> -> memref<80x128xf32, #tpu.memory_space<vmem>>
        %dma_wait3A_352 = arith.constant 0 : i32
        %dma_wait3A_353 = tpu.memref_slice %arg11[%add3A_314, %dma_wait3A_352] : memref<10240x128xf32, #tpu.memory_space<vmem_shared>> -> memref<80x128xf32, #tpu.memory_space<vmem_shared>>
        %dma_wait3A_354 = arith.constant 0 : i32
        %dma_wait3A_355 = tpu.memref_slice %arg11[%add3A_314, %dma_wait3A_354] : memref<10240x128xf32, #tpu.memory_space<vmem_shared>> -> memref<80x128xf32, #tpu.memory_space<vmem_shared>>
        %dma_wait3A_356 = arith.constant 0 : i32
        %dma_wait3A_357 = arith.constant 0 : i32
        %dma_wait3A_358 = tpu.memref_slice %arg8[%run_scoped3A_315, %dma_wait3A_356, %dma_wait3A_357] : memref<2x112x128xf32, #tpu.memory_space<vmem>> -> memref<1x80x128xf32, #tpu.memory_space<vmem>>
        %dma_wait3A_359 = tpu.memref_squeeze %dma_wait3A_358 : memref<1x80x128xf32, #tpu.memory_space<vmem>> -> memref<80x128xf32, #tpu.memory_space<vmem>>
        tpu.wait_dma2 semaphore(%run_scoped3A_336 : memref<!tpu.dma_semaphore, #tpu.memory_space<semaphore_mem>>) src(%dma_wait3A_359 : memref<80x128xf32, #tpu.memory_space<vmem>>) dst(%dma_wait3A_355 : memref<80x128xf32, #tpu.memory_space<vmem_shared>>)
        tpu.yield
      }) : () -> ()
      %mul3A_316 = arith.constant 640 : i32
      %mul3A_317 = arith.muli %arg1, %mul3A_316 : i32
      %add3A_318 = arith.constant 320 : i32
      %add3A_319 = arith.addi %mul3A_317, %add3A_318 : i32
      %run_scoped3A_320 = arith.constant 0 : i32
      "tpu.region"() ({
        %run_scoped3A_336 = tpu.sem_alloc : memref<!tpu.dma_semaphore, #tpu.memory_space<semaphore_mem>>
        %dma_start3A_337 = arith.constant 0 : i32
        %dma_start3A_338 = arith.constant 0 : i32
        %dma_start3A_339 = tpu.memref_slice %arg8[%run_scoped3A_320, %dma_start3A_337, %dma_start3A_338] : memref<2x112x128xf32, #tpu.memory_space<vmem>> -> memref<1x80x128xf32, #tpu.memory_space<vmem>>
        %dma_start3A_340 = tpu.memref_squeeze %dma_start3A_339 : memref<1x80x128xf32, #tpu.memory_space<vmem>> -> memref<80x128xf32, #tpu.memory_space<vmem>>
        %dma_start3A_341 = arith.constant 0 : i32
        %dma_start3A_342 = tpu.memref_slice %arg11[%add3A_319, %dma_start3A_341] : memref<10240x128xf32, #tpu.memory_space<vmem_shared>> -> memref<80x128xf32, #tpu.memory_space<vmem_shared>>
        %dma_start3A_343 = arith.constant 0 : i32
        %dma_start3A_344 = tpu.memref_slice %arg11[%add3A_319, %dma_start3A_343] : memref<10240x128xf32, #tpu.memory_space<vmem_shared>> -> memref<80x128xf32, #tpu.memory_space<vmem_shared>>
        %dma_start3A_345 = arith.constant 0 : i32
        %dma_start3A_346 = arith.constant 0 : i32
        %dma_start3A_347 = tpu.memref_slice %arg8[%run_scoped3A_320, %dma_start3A_345, %dma_start3A_346] : memref<2x112x128xf32, #tpu.memory_space<vmem>> -> memref<1x80x128xf32, #tpu.memory_space<vmem>>
        %dma_start3A_348 = tpu.memref_squeeze %dma_start3A_347 : memref<1x80x128xf32, #tpu.memory_space<vmem>> -> memref<80x128xf32, #tpu.memory_space<vmem>>
        tpu.enqueue_dma source(%dma_start3A_348 : memref<80x128xf32, #tpu.memory_space<vmem>>) target(%dma_start3A_344 : memref<80x128xf32, #tpu.memory_space<vmem_shared>>) target_semaphore(%run_scoped3A_336 : memref<!tpu.dma_semaphore, #tpu.memory_space<semaphore_mem>>)
        %dma_wait3A = arith.constant 0 : i32
        %dma_wait3A_349 = arith.constant 0 : i32
        %dma_wait3A_350 = tpu.memref_slice %arg8[%run_scoped3A_320, %dma_wait3A, %dma_wait3A_349] : memref<2x112x128xf32, #tpu.memory_space<vmem>> -> memref<1x80x128xf32, #tpu.memory_space<vmem>>
        %dma_wait3A_351 = tpu.memref_squeeze %dma_wait3A_350 : memref<1x80x128xf32, #tpu.memory_space<vmem>> -> memref<80x128xf32, #tpu.memory_space<vmem>>
        %dma_wait3A_352 = arith.constant 0 : i32
        %dma_wait3A_353 = tpu.memref_slice %arg11[%add3A_319, %dma_wait3A_352] : memref<10240x128xf32, #tpu.memory_space<vmem_shared>> -> memref<80x128xf32, #tpu.memory_space<vmem_shared>>
        %dma_wait3A_354 = arith.constant 0 : i32
        %dma_wait3A_355 = tpu.memref_slice %arg11[%add3A_319, %dma_wait3A_354] : memref<10240x128xf32, #tpu.memory_space<vmem_shared>> -> memref<80x128xf32, #tpu.memory_space<vmem_shared>>
        %dma_wait3A_356 = arith.constant 0 : i32
        %dma_wait3A_357 = arith.constant 0 : i32
        %dma_wait3A_358 = tpu.memref_slice %arg8[%run_scoped3A_320, %dma_wait3A_356, %dma_wait3A_357] : memref<2x112x128xf32, #tpu.memory_space<vmem>> -> memref<1x80x128xf32, #tpu.memory_space<vmem>>
        %dma_wait3A_359 = tpu.memref_squeeze %dma_wait3A_358 : memref<1x80x128xf32, #tpu.memory_space<vmem>> -> memref<80x128xf32, #tpu.memory_space<vmem>>
        tpu.wait_dma2 semaphore(%run_scoped3A_336 : memref<!tpu.dma_semaphore, #tpu.memory_space<semaphore_mem>>) src(%dma_wait3A_359 : memref<80x128xf32, #tpu.memory_space<vmem>>) dst(%dma_wait3A_355 : memref<80x128xf32, #tpu.memory_space<vmem_shared>>)
        tpu.yield
      }) : () -> ()
      %mul3A_321 = arith.constant 640 : i32
      %mul3A_322 = arith.muli %arg1, %mul3A_321 : i32
      %add3A_323 = arith.constant 400 : i32
      %add3A_324 = arith.addi %mul3A_322, %add3A_323 : i32
      %run_scoped3A_325 = arith.constant 0 : i32
      "tpu.region"() ({
        %run_scoped3A_336 = tpu.sem_alloc : memref<!tpu.dma_semaphore, #tpu.memory_space<semaphore_mem>>
        %dma_start3A_337 = arith.constant 0 : i32
        %dma_start3A_338 = arith.constant 0 : i32
        %dma_start3A_339 = tpu.memref_slice %arg8[%run_scoped3A_325, %dma_start3A_337, %dma_start3A_338] : memref<2x112x128xf32, #tpu.memory_space<vmem>> -> memref<1x80x128xf32, #tpu.memory_space<vmem>>
        %dma_start3A_340 = tpu.memref_squeeze %dma_start3A_339 : memref<1x80x128xf32, #tpu.memory_space<vmem>> -> memref<80x128xf32, #tpu.memory_space<vmem>>
        %dma_start3A_341 = arith.constant 0 : i32
        %dma_start3A_342 = tpu.memref_slice %arg11[%add3A_324, %dma_start3A_341] : memref<10240x128xf32, #tpu.memory_space<vmem_shared>> -> memref<80x128xf32, #tpu.memory_space<vmem_shared>>
        %dma_start3A_343 = arith.constant 0 : i32
        %dma_start3A_344 = tpu.memref_slice %arg11[%add3A_324, %dma_start3A_343] : memref<10240x128xf32, #tpu.memory_space<vmem_shared>> -> memref<80x128xf32, #tpu.memory_space<vmem_shared>>
        %dma_start3A_345 = arith.constant 0 : i32
        %dma_start3A_346 = arith.constant 0 : i32
        %dma_start3A_347 = tpu.memref_slice %arg8[%run_scoped3A_325, %dma_start3A_345, %dma_start3A_346] : memref<2x112x128xf32, #tpu.memory_space<vmem>> -> memref<1x80x128xf32, #tpu.memory_space<vmem>>
        %dma_start3A_348 = tpu.memref_squeeze %dma_start3A_347 : memref<1x80x128xf32, #tpu.memory_space<vmem>> -> memref<80x128xf32, #tpu.memory_space<vmem>>
        tpu.enqueue_dma source(%dma_start3A_348 : memref<80x128xf32, #tpu.memory_space<vmem>>) target(%dma_start3A_344 : memref<80x128xf32, #tpu.memory_space<vmem_shared>>) target_semaphore(%run_scoped3A_336 : memref<!tpu.dma_semaphore, #tpu.memory_space<semaphore_mem>>)
        %dma_wait3A = arith.constant 0 : i32
        %dma_wait3A_349 = arith.constant 0 : i32
        %dma_wait3A_350 = tpu.memref_slice %arg8[%run_scoped3A_325, %dma_wait3A, %dma_wait3A_349] : memref<2x112x128xf32, #tpu.memory_space<vmem>> -> memref<1x80x128xf32, #tpu.memory_space<vmem>>
        %dma_wait3A_351 = tpu.memref_squeeze %dma_wait3A_350 : memref<1x80x128xf32, #tpu.memory_space<vmem>> -> memref<80x128xf32, #tpu.memory_space<vmem>>
        %dma_wait3A_352 = arith.constant 0 : i32
        %dma_wait3A_353 = tpu.memref_slice %arg11[%add3A_324, %dma_wait3A_352] : memref<10240x128xf32, #tpu.memory_space<vmem_shared>> -> memref<80x128xf32, #tpu.memory_space<vmem_shared>>
        %dma_wait3A_354 = arith.constant 0 : i32
        %dma_wait3A_355 = tpu.memref_slice %arg11[%add3A_324, %dma_wait3A_354] : memref<10240x128xf32, #tpu.memory_space<vmem_shared>> -> memref<80x128xf32, #tpu.memory_space<vmem_shared>>
        %dma_wait3A_356 = arith.constant 0 : i32
        %dma_wait3A_357 = arith.constant 0 : i32
        %dma_wait3A_358 = tpu.memref_slice %arg8[%run_scoped3A_325, %dma_wait3A_356, %dma_wait3A_357] : memref<2x112x128xf32, #tpu.memory_space<vmem>> -> memref<1x80x128xf32, #tpu.memory_space<vmem>>
        %dma_wait3A_359 = tpu.memref_squeeze %dma_wait3A_358 : memref<1x80x128xf32, #tpu.memory_space<vmem>> -> memref<80x128xf32, #tpu.memory_space<vmem>>
        tpu.wait_dma2 semaphore(%run_scoped3A_336 : memref<!tpu.dma_semaphore, #tpu.memory_space<semaphore_mem>>) src(%dma_wait3A_359 : memref<80x128xf32, #tpu.memory_space<vmem>>) dst(%dma_wait3A_355 : memref<80x128xf32, #tpu.memory_space<vmem_shared>>)
        tpu.yield
      }) : () -> ()
      %mul3A_326 = arith.constant 640 : i32
      %mul3A_327 = arith.muli %arg1, %mul3A_326 : i32
      %add3A_328 = arith.constant 480 : i32
      %add3A_329 = arith.addi %mul3A_327, %add3A_328 : i32
      %run_scoped3A_330 = arith.constant 0 : i32
      "tpu.region"() ({
        %run_scoped3A_336 = tpu.sem_alloc : memref<!tpu.dma_semaphore, #tpu.memory_space<semaphore_mem>>
        %dma_start3A_337 = arith.constant 0 : i32
        %dma_start3A_338 = arith.constant 0 : i32
        %dma_start3A_339 = tpu.memref_slice %arg8[%run_scoped3A_330, %dma_start3A_337, %dma_start3A_338] : memref<2x112x128xf32, #tpu.memory_space<vmem>> -> memref<1x80x128xf32, #tpu.memory_space<vmem>>
        %dma_start3A_340 = tpu.memref_squeeze %dma_start3A_339 : memref<1x80x128xf32, #tpu.memory_space<vmem>> -> memref<80x128xf32, #tpu.memory_space<vmem>>
        %dma_start3A_341 = arith.constant 0 : i32
        %dma_start3A_342 = tpu.memref_slice %arg11[%add3A_329, %dma_start3A_341] : memref<10240x128xf32, #tpu.memory_space<vmem_shared>> -> memref<80x128xf32, #tpu.memory_space<vmem_shared>>
        %dma_start3A_343 = arith.constant 0 : i32
        %dma_start3A_344 = tpu.memref_slice %arg11[%add3A_329, %dma_start3A_343] : memref<10240x128xf32, #tpu.memory_space<vmem_shared>> -> memref<80x128xf32, #tpu.memory_space<vmem_shared>>
        %dma_start3A_345 = arith.constant 0 : i32
        %dma_start3A_346 = arith.constant 0 : i32
        %dma_start3A_347 = tpu.memref_slice %arg8[%run_scoped3A_330, %dma_start3A_345, %dma_start3A_346] : memref<2x112x128xf32, #tpu.memory_space<vmem>> -> memref<1x80x128xf32, #tpu.memory_space<vmem>>
        %dma_start3A_348 = tpu.memref_squeeze %dma_start3A_347 : memref<1x80x128xf32, #tpu.memory_space<vmem>> -> memref<80x128xf32, #tpu.memory_space<vmem>>
        tpu.enqueue_dma source(%dma_start3A_348 : memref<80x128xf32, #tpu.memory_space<vmem>>) target(%dma_start3A_344 : memref<80x128xf32, #tpu.memory_space<vmem_shared>>) target_semaphore(%run_scoped3A_336 : memref<!tpu.dma_semaphore, #tpu.memory_space<semaphore_mem>>)
        %dma_wait3A = arith.constant 0 : i32
        %dma_wait3A_349 = arith.constant 0 : i32
        %dma_wait3A_350 = tpu.memref_slice %arg8[%run_scoped3A_330, %dma_wait3A, %dma_wait3A_349] : memref<2x112x128xf32, #tpu.memory_space<vmem>> -> memref<1x80x128xf32, #tpu.memory_space<vmem>>
        %dma_wait3A_351 = tpu.memref_squeeze %dma_wait3A_350 : memref<1x80x128xf32, #tpu.memory_space<vmem>> -> memref<80x128xf32, #tpu.memory_space<vmem>>
        %dma_wait3A_352 = arith.constant 0 : i32
        %dma_wait3A_353 = tpu.memref_slice %arg11[%add3A_329, %dma_wait3A_352] : memref<10240x128xf32, #tpu.memory_space<vmem_shared>> -> memref<80x128xf32, #tpu.memory_space<vmem_shared>>
        %dma_wait3A_354 = arith.constant 0 : i32
        %dma_wait3A_355 = tpu.memref_slice %arg11[%add3A_329, %dma_wait3A_354] : memref<10240x128xf32, #tpu.memory_space<vmem_shared>> -> memref<80x128xf32, #tpu.memory_space<vmem_shared>>
        %dma_wait3A_356 = arith.constant 0 : i32
        %dma_wait3A_357 = arith.constant 0 : i32
        %dma_wait3A_358 = tpu.memref_slice %arg8[%run_scoped3A_330, %dma_wait3A_356, %dma_wait3A_357] : memref<2x112x128xf32, #tpu.memory_space<vmem>> -> memref<1x80x128xf32, #tpu.memory_space<vmem>>
        %dma_wait3A_359 = tpu.memref_squeeze %dma_wait3A_358 : memref<1x80x128xf32, #tpu.memory_space<vmem>> -> memref<80x128xf32, #tpu.memory_space<vmem>>
        tpu.wait_dma2 semaphore(%run_scoped3A_336 : memref<!tpu.dma_semaphore, #tpu.memory_space<semaphore_mem>>) src(%dma_wait3A_359 : memref<80x128xf32, #tpu.memory_space<vmem>>) dst(%dma_wait3A_355 : memref<80x128xf32, #tpu.memory_space<vmem_shared>>)
        tpu.yield
      }) : () -> ()
      %mul3A_331 = arith.constant 640 : i32
      %mul3A_332 = arith.muli %arg1, %mul3A_331 : i32
      %add3A_333 = arith.constant 560 : i32
      %add3A_334 = arith.addi %mul3A_332, %add3A_333 : i32
      %run_scoped3A_335 = arith.constant 0 : i32
      "tpu.region"() ({
        %run_scoped3A_336 = tpu.sem_alloc : memref<!tpu.dma_semaphore, #tpu.memory_space<semaphore_mem>>
        %dma_start3A_337 = arith.constant 0 : i32
        %dma_start3A_338 = arith.constant 0 : i32
        %dma_start3A_339 = tpu.memref_slice %arg8[%run_scoped3A_335, %dma_start3A_337, %dma_start3A_338] : memref<2x112x128xf32, #tpu.memory_space<vmem>> -> memref<1x80x128xf32, #tpu.memory_space<vmem>>
        %dma_start3A_340 = tpu.memref_squeeze %dma_start3A_339 : memref<1x80x128xf32, #tpu.memory_space<vmem>> -> memref<80x128xf32, #tpu.memory_space<vmem>>
        %dma_start3A_341 = arith.constant 0 : i32
        %dma_start3A_342 = tpu.memref_slice %arg11[%add3A_334, %dma_start3A_341] : memref<10240x128xf32, #tpu.memory_space<vmem_shared>> -> memref<80x128xf32, #tpu.memory_space<vmem_shared>>
        %dma_start3A_343 = arith.constant 0 : i32
        %dma_start3A_344 = tpu.memref_slice %arg11[%add3A_334, %dma_start3A_343] : memref<10240x128xf32, #tpu.memory_space<vmem_shared>> -> memref<80x128xf32, #tpu.memory_space<vmem_shared>>
        %dma_start3A_345 = arith.constant 0 : i32
        %dma_start3A_346 = arith.constant 0 : i32
        %dma_start3A_347 = tpu.memref_slice %arg8[%run_scoped3A_335, %dma_start3A_345, %dma_start3A_346] : memref<2x112x128xf32, #tpu.memory_space<vmem>> -> memref<1x80x128xf32, #tpu.memory_space<vmem>>
        %dma_start3A_348 = tpu.memref_squeeze %dma_start3A_347 : memref<1x80x128xf32, #tpu.memory_space<vmem>> -> memref<80x128xf32, #tpu.memory_space<vmem>>
        tpu.enqueue_dma source(%dma_start3A_348 : memref<80x128xf32, #tpu.memory_space<vmem>>) target(%dma_start3A_344 : memref<80x128xf32, #tpu.memory_space<vmem_shared>>) target_semaphore(%run_scoped3A_336 : memref<!tpu.dma_semaphore, #tpu.memory_space<semaphore_mem>>)
        %dma_wait3A = arith.constant 0 : i32
        %dma_wait3A_349 = arith.constant 0 : i32
        %dma_wait3A_350 = tpu.memref_slice %arg8[%run_scoped3A_335, %dma_wait3A, %dma_wait3A_349] : memref<2x112x128xf32, #tpu.memory_space<vmem>> -> memref<1x80x128xf32, #tpu.memory_space<vmem>>
        %dma_wait3A_351 = tpu.memref_squeeze %dma_wait3A_350 : memref<1x80x128xf32, #tpu.memory_space<vmem>> -> memref<80x128xf32, #tpu.memory_space<vmem>>
        %dma_wait3A_352 = arith.constant 0 : i32
        %dma_wait3A_353 = tpu.memref_slice %arg11[%add3A_334, %dma_wait3A_352] : memref<10240x128xf32, #tpu.memory_space<vmem_shared>> -> memref<80x128xf32, #tpu.memory_space<vmem_shared>>
        %dma_wait3A_354 = arith.constant 0 : i32
        %dma_wait3A_355 = tpu.memref_slice %arg11[%add3A_334, %dma_wait3A_354] : memref<10240x128xf32, #tpu.memory_space<vmem_shared>> -> memref<80x128xf32, #tpu.memory_space<vmem_shared>>
        %dma_wait3A_356 = arith.constant 0 : i32
        %dma_wait3A_357 = arith.constant 0 : i32
        %dma_wait3A_358 = tpu.memref_slice %arg8[%run_scoped3A_335, %dma_wait3A_356, %dma_wait3A_357] : memref<2x112x128xf32, #tpu.memory_space<vmem>> -> memref<1x80x128xf32, #tpu.memory_space<vmem>>
        %dma_wait3A_359 = tpu.memref_squeeze %dma_wait3A_358 : memref<1x80x128xf32, #tpu.memory_space<vmem>> -> memref<80x128xf32, #tpu.memory_space<vmem>>
        tpu.wait_dma2 semaphore(%run_scoped3A_336 : memref<!tpu.dma_semaphore, #tpu.memory_space<semaphore_mem>>) src(%dma_wait3A_359 : memref<80x128xf32, #tpu.memory_space<vmem>>) dst(%dma_wait3A_355 : memref<80x128xf32, #tpu.memory_space<vmem_shared>>)
        tpu.yield
      }) : () -> ()
    } else {
    }
    %barrier3A = arith.constant 0 : index
    tpu.barrier barrier_id(%barrier3A)
    %get3A = arith.constant 0 : i32
    %get3A_8 = arith.index_cast %get3A : i32 to index
    %get3A_9 = arith.constant 0 : index
    %get3A_10 = tpu.vector_load %arg5[%get3A_8, %get3A_9] {strides = array<i32>} : memref<90x112xi32, #tpu.memory_space<vmem>>, vector<16xi32>,
    %shift_right_logical3A = arith.constant 16 : i32
    %shift_right_logical3A_11 = vector.broadcast %shift_right_logical3A : i32 to vector<16xi32>
    %shift_right_logical3A_12 = arith.shrui %get3A_10, %shift_right_logical3A_11 : vector<16xi32>
    %swap3A = arith.constant 0 : i32
    %swap3A_13 = arith.index_cast %swap3A : i32 to index
    %swap3A_14 = arith.constant 0 : index
    %swap3A_15 = tpu.vector_load %arg7[%swap3A_13, %swap3A_14] {strides = array<i32>} : memref<2x112xi32, #tpu.memory_space<vmem>>, vector<16xi32>,
    tpu.vector_store %arg7[%swap3A_13, %swap3A_14], %shift_right_logical3A_12 {strides = array<i32>} : memref<2x112xi32, #tpu.memory_space<vmem>>, vector<16xi32>,
    %and3A = arith.constant 65535 : i32
    %and3A_16 = vector.broadcast %and3A : i32 to vector<16xi32>
    %and3A_17 = arith.andi %get3A_10, %and3A_16 : vector<16xi32>
    %swap3A_18 = arith.constant 0 : i32
    %swap3A_19 = arith.index_cast %swap3A_18 : i32 to index
    %swap3A_20 = arith.constant 0 : index
    %swap3A_21 = tpu.vector_load %arg6[%swap3A_19, %swap3A_20] {strides = array<i32>} : memref<2x112xi32, #tpu.memory_space<vmem>>, vector<16xi32>,
    tpu.vector_store %arg6[%swap3A_19, %swap3A_20], %and3A_17 {strides = array<i32>} : memref<2x112xi32, #tpu.memory_space<vmem>>, vector<16xi32>,
    %get3A_22 = arith.constant 0 : i32
    %get3A_23 = arith.index_cast %get3A_22 : i32 to index
    %get3A_24 = arith.constant 16 : index
    %get3A_25 = tpu.vector_load %arg5[%get3A_23, %get3A_24] {strides = array<i32>} : memref<90x112xi32, #tpu.memory_space<vmem>>, vector<16xi32>,
    %shift_right_logical3A_26 = arith.constant 16 : i32
    %shift_right_logical3A_27 = vector.broadcast %shift_right_logical3A_26 : i32 to vector<16xi32>
    %shift_right_logical3A_28 = arith.shrui %get3A_25, %shift_right_logical3A_27 : vector<16xi32>
    %swap3A_29 = arith.constant 0 : i32
    %swap3A_30 = arith.index_cast %swap3A_29 : i32 to index
    %swap3A_31 = arith.constant 16 : index
    %swap3A_32 = tpu.vector_load %arg7[%swap3A_30, %swap3A_31] {strides = array<i32>} : memref<2x112xi32, #tpu.memory_space<vmem>>, vector<16xi32>,
    tpu.vector_store %arg7[%swap3A_30, %swap3A_31], %shift_right_logical3A_28 {strides = array<i32>} : memref<2x112xi32, #tpu.memory_space<vmem>>, vector<16xi32>,
    %and3A_33 = arith.constant 65535 : i32
    %and3A_34 = vector.broadcast %and3A_33 : i32 to vector<16xi32>
    %and3A_35 = arith.andi %get3A_25, %and3A_34 : vector<16xi32>
    %swap3A_36 = arith.constant 0 : i32
    %swap3A_37 = arith.index_cast %swap3A_36 : i32 to index
    %swap3A_38 = arith.constant 16 : index
    %swap3A_39 = tpu.vector_load %arg6[%swap3A_37, %swap3A_38] {strides = array<i32>} : memref<2x112xi32, #tpu.memory_space<vmem>>, vector<16xi32>,
    tpu.vector_store %arg6[%swap3A_37, %swap3A_38], %and3A_35 {strides = array<i32>} : memref<2x112xi32, #tpu.memory_space<vmem>>, vector<16xi32>,
    %get3A_40 = arith.constant 0 : i32
    %get3A_41 = arith.index_cast %get3A_40 : i32 to index
    %get3A_42 = arith.constant 32 : index
    %get3A_43 = tpu.vector_load %arg5[%get3A_41, %get3A_42] {strides = array<i32>} : memref<90x112xi32, #tpu.memory_space<vmem>>, vector<16xi32>,
    %shift_right_logical3A_44 = arith.constant 16 : i32
    %shift_right_logical3A_45 = vector.broadcast %shift_right_logical3A_44 : i32 to vector<16xi32>
    %shift_right_logical3A_46 = arith.shrui %get3A_43, %shift_right_logical3A_45 : vector<16xi32>
    %swap3A_47 = arith.constant 0 : i32
    %swap3A_48 = arith.index_cast %swap3A_47 : i32 to index
    %swap3A_49 = arith.constant 32 : index
    %swap3A_50 = tpu.vector_load %arg7[%swap3A_48, %swap3A_49] {strides = array<i32>} : memref<2x112xi32, #tpu.memory_space<vmem>>, vector<16xi32>,
    tpu.vector_store %arg7[%swap3A_48, %swap3A_49], %shift_right_logical3A_46 {strides = array<i32>} : memref<2x112xi32, #tpu.memory_space<vmem>>, vector<16xi32>,
    %and3A_51 = arith.constant 65535 : i32
    %and3A_52 = vector.broadcast %and3A_51 : i32 to vector<16xi32>
    %and3A_53 = arith.andi %get3A_43, %and3A_52 : vector<16xi32>
    %swap3A_54 = arith.constant 0 : i32
    %swap3A_55 = arith.index_cast %swap3A_54 : i32 to index
    %swap3A_56 = arith.constant 32 : index
    %swap3A_57 = tpu.vector_load %arg6[%swap3A_55, %swap3A_56] {strides = array<i32>} : memref<2x112xi32, #tpu.memory_space<vmem>>, vector<16xi32>,
    tpu.vector_store %arg6[%swap3A_55, %swap3A_56], %and3A_53 {strides = array<i32>} : memref<2x112xi32, #tpu.memory_space<vmem>>, vector<16xi32>,
    %get3A_58 = arith.constant 0 : i32
    %get3A_59 = arith.index_cast %get3A_58 : i32 to index
    %get3A_60 = arith.constant 48 : index
    %get3A_61 = tpu.vector_load %arg5[%get3A_59, %get3A_60] {strides = array<i32>} : memref<90x112xi32, #tpu.memory_space<vmem>>, vector<16xi32>,
    %shift_right_logical3A_62 = arith.constant 16 : i32
    %shift_right_logical3A_63 = vector.broadcast %shift_right_logical3A_62 : i32 to vector<16xi32>
    %shift_right_logical3A_64 = arith.shrui %get3A_61, %shift_right_logical3A_63 : vector<16xi32>
    %swap3A_65 = arith.constant 0 : i32
    %swap3A_66 = arith.index_cast %swap3A_65 : i32 to index
    %swap3A_67 = arith.constant 48 : index
    %swap3A_68 = tpu.vector_load %arg7[%swap3A_66, %swap3A_67] {strides = array<i32>} : memref<2x112xi32, #tpu.memory_space<vmem>>, vector<16xi32>,
    tpu.vector_store %arg7[%swap3A_66, %swap3A_67], %shift_right_logical3A_64 {strides = array<i32>} : memref<2x112xi32, #tpu.memory_space<vmem>>, vector<16xi32>,
    %and3A_69 = arith.constant 65535 : i32
    %and3A_70 = vector.broadcast %and3A_69 : i32 to vector<16xi32>
    %and3A_71 = arith.andi %get3A_61, %and3A_70 : vector<16xi32>
    %swap3A_72 = arith.constant 0 : i32
    %swap3A_73 = arith.index_cast %swap3A_72 : i32 to index
    %swap3A_74 = arith.constant 48 : index
    %swap3A_75 = tpu.vector_load %arg6[%swap3A_73, %swap3A_74] {strides = array<i32>} : memref<2x112xi32, #tpu.memory_space<vmem>>, vector<16xi32>,
    tpu.vector_store %arg6[%swap3A_73, %swap3A_74], %and3A_71 {strides = array<i32>} : memref<2x112xi32, #tpu.memory_space<vmem>>, vector<16xi32>,
    %get3A_76 = arith.constant 0 : i32
    %get3A_77 = arith.index_cast %get3A_76 : i32 to index
    %get3A_78 = arith.constant 64 : index
    %get3A_79 = tpu.vector_load %arg5[%get3A_77, %get3A_78] {strides = array<i32>} : memref<90x112xi32, #tpu.memory_space<vmem>>, vector<16xi32>,
    %shift_right_logical3A_80 = arith.constant 16 : i32
    %shift_right_logical3A_81 = vector.broadcast %shift_right_logical3A_80 : i32 to vector<16xi32>
    %shift_right_logical3A_82 = arith.shrui %get3A_79, %shift_right_logical3A_81 : vector<16xi32>
    %swap3A_83 = arith.constant 0 : i32
    %swap3A_84 = arith.index_cast %swap3A_83 : i32 to index
    %swap3A_85 = arith.constant 64 : index
    %swap3A_86 = tpu.vector_load %arg7[%swap3A_84, %swap3A_85] {strides = array<i32>} : memref<2x112xi32, #tpu.memory_space<vmem>>, vector<16xi32>,
    tpu.vector_store %arg7[%swap3A_84, %swap3A_85], %shift_right_logical3A_82 {strides = array<i32>} : memref<2x112xi32, #tpu.memory_space<vmem>>, vector<16xi32>,
    %and3A_87 = arith.constant 65535 : i32
    %and3A_88 = vector.broadcast %and3A_87 : i32 to vector<16xi32>
    %and3A_89 = arith.andi %get3A_79, %and3A_88 : vector<16xi32>
    %swap3A_90 = arith.constant 0 : i32
    %swap3A_91 = arith.index_cast %swap3A_90 : i32 to index
    %swap3A_92 = arith.constant 64 : index
    %swap3A_93 = tpu.vector_load %arg6[%swap3A_91, %swap3A_92] {strides = array<i32>} : memref<2x112xi32, #tpu.memory_space<vmem>>, vector<16xi32>,
    tpu.vector_store %arg6[%swap3A_91, %swap3A_92], %and3A_89 {strides = array<i32>} : memref<2x112xi32, #tpu.memory_space<vmem>>, vector<16xi32>,
    %get3A_94 = arith.constant 0 : i32
    %get3A_95 = arith.index_cast %get3A_94 : i32 to index
    %get3A_96 = arith.constant 80 : index
    %get3A_97 = tpu.vector_load %arg5[%get3A_95, %get3A_96] {strides = array<i32>} : memref<90x112xi32, #tpu.memory_space<vmem>>, vector<16xi32>,
    %shift_right_logical3A_98 = arith.constant 16 : i32
    %shift_right_logical3A_99 = vector.broadcast %shift_right_logical3A_98 : i32 to vector<16xi32>
    %shift_right_logical3A_100 = arith.shrui %get3A_97, %shift_right_logical3A_99 : vector<16xi32>
    %swap3A_101 = arith.constant 0 : i32
    %swap3A_102 = arith.index_cast %swap3A_101 : i32 to index
    %swap3A_103 = arith.constant 80 : index
    %swap3A_104 = tpu.vector_load %arg7[%swap3A_102, %swap3A_103] {strides = array<i32>} : memref<2x112xi32, #tpu.memory_space<vmem>>, vector<16xi32>,
    tpu.vector_store %arg7[%swap3A_102, %swap3A_103], %shift_right_logical3A_100 {strides = array<i32>} : memref<2x112xi32, #tpu.memory_space<vmem>>, vector<16xi32>,
    %and3A_105 = arith.constant 65535 : i32
    %and3A_106 = vector.broadcast %and3A_105 : i32 to vector<16xi32>
    %and3A_107 = arith.andi %get3A_97, %and3A_106 : vector<16xi32>
    %swap3A_108 = arith.constant 0 : i32
    %swap3A_109 = arith.index_cast %swap3A_108 : i32 to index
    %swap3A_110 = arith.constant 80 : index
    %swap3A_111 = tpu.vector_load %arg6[%swap3A_109, %swap3A_110] {strides = array<i32>} : memref<2x112xi32, #tpu.memory_space<vmem>>, vector<16xi32>,
    tpu.vector_store %arg6[%swap3A_109, %swap3A_110], %and3A_107 {strides = array<i32>} : memref<2x112xi32, #tpu.memory_space<vmem>>, vector<16xi32>,
    %get3A_112 = arith.constant 0 : i32
    %get3A_113 = arith.index_cast %get3A_112 : i32 to index
    %get3A_114 = arith.constant 96 : index
    %get3A_115 = tpu.vector_load %arg5[%get3A_113, %get3A_114] {strides = array<i32>} : memref<90x112xi32, #tpu.memory_space<vmem>>, vector<16xi32>,
    %shift_right_logical3A_116 = arith.constant 16 : i32
    %shift_right_logical3A_117 = vector.broadcast %shift_right_logical3A_116 : i32 to vector<16xi32>
    %shift_right_logical3A_118 = arith.shrui %get3A_115, %shift_right_logical3A_117 : vector<16xi32>
    %swap3A_119 = arith.constant 0 : i32
    %swap3A_120 = arith.index_cast %swap3A_119 : i32 to index
    %swap3A_121 = arith.constant 96 : index
    %swap3A_122 = tpu.vector_load %arg7[%swap3A_120, %swap3A_121] {strides = array<i32>} : memref<2x112xi32, #tpu.memory_space<vmem>>, vector<16xi32>,
    tpu.vector_store %arg7[%swap3A_120, %swap3A_121], %shift_right_logical3A_118 {strides = array<i32>} : memref<2x112xi32, #tpu.memory_space<vmem>>, vector<16xi32>,
    %and3A_123 = arith.constant 65535 : i32
    %and3A_124 = vector.broadcast %and3A_123 : i32 to vector<16xi32>
    %and3A_125 = arith.andi %get3A_115, %and3A_124 : vector<16xi32>
    %swap3A_126 = arith.constant 0 : i32
    %swap3A_127 = arith.index_cast %swap3A_126 : i32 to index
    %swap3A_128 = arith.constant 96 : index
    %swap3A_129 = tpu.vector_load %arg6[%swap3A_127, %swap3A_128] {strides = array<i32>} : memref<2x112xi32, #tpu.memory_space<vmem>>, vector<16xi32>,
    tpu.vector_store %arg6[%swap3A_127, %swap3A_128], %and3A_125 {strides = array<i32>} : memref<2x112xi32, #tpu.memory_space<vmem>>, vector<16xi32>,
    %dma_start3A = arith.constant 0 : i32
    %dma_start3A_130 = arith.constant 0 : i32
    %dma_start3A_131 = arith.constant 0 : i32
    %dma_start3A_132 = arith.constant 0 : i32
    %dma_start3A_133 = tpu.memref_slice %arg8[%dma_start3A_130, %dma_start3A_131, %dma_start3A_132] : memref<2x112x128xf32, #tpu.memory_space<vmem>> -> memref<1x112x128xf32, #tpu.memory_space<vmem>>
    %dma_start3A_134 = tpu.memref_squeeze %dma_start3A_133 : memref<1x112x128xf32, #tpu.memory_space<vmem>> -> memref<112x128xf32, #tpu.memory_space<vmem>>
    %dma_start3A_135 = arith.constant 0 : i32
    %dma_start3A_136 = tpu.memref_slice %arg6[%dma_start3A, %dma_start3A_135] : memref<2x112xi32, #tpu.memory_space<vmem>> -> memref<1x112xi32, #tpu.memory_space<vmem>>
    %dma_start3A_137 = tpu.memref_squeeze %dma_start3A_136 : memref<1x112xi32, #tpu.memory_space<vmem>> -> memref<112xi32, #tpu.memory_space<vmem>>
    %dma_start3A_138 = arith.constant 0 : i32
    %dma_start3A_139 = arith.constant 0 : i32
    %dma_start3A_140 = tpu.memref_slice %arg2[%dma_start3A_138, %dma_start3A_139] : memref<10240x128xf32, #tpu.memory_space<hbm>> -> memref<10240x128xf32, #tpu.memory_space<hbm>>
    tpu.enqueue_indirect_dma source(%dma_start3A_140 : memref<10240x128xf32, #tpu.memory_space<hbm>>) target(%dma_start3A_134 : memref<112x128xf32, #tpu.memory_space<vmem>>) offsets(%dma_start3A_137 : memref<112xi32, #tpu.memory_space<vmem>>) semaphore(%arg9 : memref<!tpu.dma_semaphore, #tpu.memory_space<semaphore_mem>>)
    %get3A_141 = arith.constant 1 : i32
    %get3A_142 = arith.index_cast %get3A_141 : i32 to index
    %get3A_143 = arith.constant 0 : index
    %get3A_144 = tpu.vector_load %arg5[%get3A_142, %get3A_143] {strides = array<i32>} : memref<90x112xi32, #tpu.memory_space<vmem>>, vector<16xi32>,
    %shift_right_logical3A_145 = arith.constant 16 : i32
    %shift_right_logical3A_146 = vector.broadcast %shift_right_logical3A_145 : i32 to vector<16xi32>
    %shift_right_logical3A_147 = arith.shrui %get3A_144, %shift_right_logical3A_146 : vector<16xi32>
    %swap3A_148 = arith.constant 1 : i32
    %swap3A_149 = arith.index_cast %swap3A_148 : i32 to index
    %swap3A_150 = arith.constant 0 : index
    %swap3A_151 = tpu.vector_load %arg7[%swap3A_149, %swap3A_150] {strides = array<i32>} : memref<2x112xi32, #tpu.memory_space<vmem>>, vector<16xi32>,
    tpu.vector_store %arg7[%swap3A_149, %swap3A_150], %shift_right_logical3A_147 {strides = array<i32>} : memref<2x112xi32, #tpu.memory_space<vmem>>, vector<16xi32>,
    %and3A_152 = arith.constant 65535 : i32
    %and3A_153 = vector.broadcast %and3A_152 : i32 to vector<16xi32>
    %and3A_154 = arith.andi %get3A_144, %and3A_153 : vector<16xi32>
    %swap3A_155 = arith.constant 1 : i32
    %swap3A_156 = arith.index_cast %swap3A_155 : i32 to index
    %swap3A_157 = arith.constant 0 : index
    %swap3A_158 = tpu.vector_load %arg6[%swap3A_156, %swap3A_157] {strides = array<i32>} : memref<2x112xi32, #tpu.memory_space<vmem>>, vector<16xi32>,
    tpu.vector_store %arg6[%swap3A_156, %swap3A_157], %and3A_154 {strides = array<i32>} : memref<2x112xi32, #tpu.memory_space<vmem>>, vector<16xi32>,
    %get3A_159 = arith.constant 1 : i32
    %get3A_160 = arith.index_cast %get3A_159 : i32 to index
    %get3A_161 = arith.constant 16 : index
    %get3A_162 = tpu.vector_load %arg5[%get3A_160, %get3A_161] {strides = array<i32>} : memref<90x112xi32, #tpu.memory_space<vmem>>, vector<16xi32>,
    %shift_right_logical3A_163 = arith.constant 16 : i32
    %shift_right_logical3A_164 = vector.broadcast %shift_right_logical3A_163 : i32 to vector<16xi32>
    %shift_right_logical3A_165 = arith.shrui %get3A_162, %shift_right_logical3A_164 : vector<16xi32>
    %swap3A_166 = arith.constant 1 : i32
    %swap3A_167 = arith.index_cast %swap3A_166 : i32 to index
    %swap3A_168 = arith.constant 16 : index
    %swap3A_169 = tpu.vector_load %arg7[%swap3A_167, %swap3A_168] {strides = array<i32>} : memref<2x112xi32, #tpu.memory_space<vmem>>, vector<16xi32>,
    tpu.vector_store %arg7[%swap3A_167, %swap3A_168], %shift_right_logical3A_165 {strides = array<i32>} : memref<2x112xi32, #tpu.memory_space<vmem>>, vector<16xi32>,
    %and3A_170 = arith.constant 65535 : i32
    %and3A_171 = vector.broadcast %and3A_170 : i32 to vector<16xi32>
    %and3A_172 = arith.andi %get3A_162, %and3A_171 : vector<16xi32>
    %swap3A_173 = arith.constant 1 : i32
    %swap3A_174 = arith.index_cast %swap3A_173 : i32 to index
    %swap3A_175 = arith.constant 16 : index
    %swap3A_176 = tpu.vector_load %arg6[%swap3A_174, %swap3A_175] {strides = array<i32>} : memref<2x112xi32, #tpu.memory_space<vmem>>, vector<16xi32>,
    tpu.vector_store %arg6[%swap3A_174, %swap3A_175], %and3A_172 {strides = array<i32>} : memref<2x112xi32, #tpu.memory_space<vmem>>, vector<16xi32>,
    %get3A_177 = arith.constant 1 : i32
    %get3A_178 = arith.index_cast %get3A_177 : i32 to index
    %get3A_179 = arith.constant 32 : index
    %get3A_180 = tpu.vector_load %arg5[%get3A_178, %get3A_179] {strides = array<i32>} : memref<90x112xi32, #tpu.memory_space<vmem>>, vector<16xi32>,
    %shift_right_logical3A_181 = arith.constant 16 : i32
    %shift_right_logical3A_182 = vector.broadcast %shift_right_logical3A_181 : i32 to vector<16xi32>
    %shift_right_logical3A_183 = arith.shrui %get3A_180, %shift_right_logical3A_182 : vector<16xi32>
    %swap3A_184 = arith.constant 1 : i32
    %swap3A_185 = arith.index_cast %swap3A_184 : i32 to index
    %swap3A_186 = arith.constant 32 : index
    %swap3A_187 = tpu.vector_load %arg7[%swap3A_185, %swap3A_186] {strides = array<i32>} : memref<2x112xi32, #tpu.memory_space<vmem>>, vector<16xi32>,
    tpu.vector_store %arg7[%swap3A_185, %swap3A_186], %shift_right_logical3A_183 {strides = array<i32>} : memref<2x112xi32, #tpu.memory_space<vmem>>, vector<16xi32>,
    %and3A_188 = arith.constant 65535 : i32
    %and3A_189 = vector.broadcast %and3A_188 : i32 to vector<16xi32>
    %and3A_190 = arith.andi %get3A_180, %and3A_189 : vector<16xi32>
    %swap3A_191 = arith.constant 1 : i32
    %swap3A_192 = arith.index_cast %swap3A_191 : i32 to index
    %swap3A_193 = arith.constant 32 : index
    %swap3A_194 = tpu.vector_load %arg6[%swap3A_192, %swap3A_193] {strides = array<i32>} : memref<2x112xi32, #tpu.memory_space<vmem>>, vector<16xi32>,
    tpu.vector_store %arg6[%swap3A_192, %swap3A_193], %and3A_190 {strides = array<i32>} : memref<2x112xi32, #tpu.memory_space<vmem>>, vector<16xi32>,
    %get3A_195 = arith.constant 1 : i32
    %get3A_196 = arith.index_cast %get3A_195 : i32 to index
    %get3A_197 = arith.constant 48 : index
    %get3A_198 = tpu.vector_load %arg5[%get3A_196, %get3A_197] {strides = array<i32>} : memref<90x112xi32, #tpu.memory_space<vmem>>, vector<16xi32>,
    %shift_right_logical3A_199 = arith.constant 16 : i32
    %shift_right_logical3A_200 = vector.broadcast %shift_right_logical3A_199 : i32 to vector<16xi32>
    %shift_right_logical3A_201 = arith.shrui %get3A_198, %shift_right_logical3A_200 : vector<16xi32>
    %swap3A_202 = arith.constant 1 : i32
    %swap3A_203 = arith.index_cast %swap3A_202 : i32 to index
    %swap3A_204 = arith.constant 48 : index
    %swap3A_205 = tpu.vector_load %arg7[%swap3A_203, %swap3A_204] {strides = array<i32>} : memref<2x112xi32, #tpu.memory_space<vmem>>, vector<16xi32>,
    tpu.vector_store %arg7[%swap3A_203, %swap3A_204], %shift_right_logical3A_201 {strides = array<i32>} : memref<2x112xi32, #tpu.memory_space<vmem>>, vector<16xi32>,
    %and3A_206 = arith.constant 65535 : i32
    %and3A_207 = vector.broadcast %and3A_206 : i32 to vector<16xi32>
    %and3A_208 = arith.andi %get3A_198, %and3A_207 : vector<16xi32>
    %swap3A_209 = arith.constant 1 : i32
    %swap3A_210 = arith.index_cast %swap3A_209 : i32 to index
    %swap3A_211 = arith.constant 48 : index
    %swap3A_212 = tpu.vector_load %arg6[%swap3A_210, %swap3A_211] {strides = array<i32>} : memref<2x112xi32, #tpu.memory_space<vmem>>, vector<16xi32>,
    tpu.vector_store %arg6[%swap3A_210, %swap3A_211], %and3A_208 {strides = array<i32>} : memref<2x112xi32, #tpu.memory_space<vmem>>, vector<16xi32>,
    %get3A_213 = arith.constant 1 : i32
    %get3A_214 = arith.index_cast %get3A_213 : i32 to index
    %get3A_215 = arith.constant 64 : index
    %get3A_216 = tpu.vector_load %arg5[%get3A_214, %get3A_215] {strides = array<i32>} : memref<90x112xi32, #tpu.memory_space<vmem>>, vector<16xi32>,
    %shift_right_logical3A_217 = arith.constant 16 : i32
    %shift_right_logical3A_218 = vector.broadcast %shift_right_logical3A_217 : i32 to vector<16xi32>
    %shift_right_logical3A_219 = arith.shrui %get3A_216, %shift_right_logical3A_218 : vector<16xi32>
    %swap3A_220 = arith.constant 1 : i32
    %swap3A_221 = arith.index_cast %swap3A_220 : i32 to index
    %swap3A_222 = arith.constant 64 : index
    %swap3A_223 = tpu.vector_load %arg7[%swap3A_221, %swap3A_222] {strides = array<i32>} : memref<2x112xi32, #tpu.memory_space<vmem>>, vector<16xi32>,
    tpu.vector_store %arg7[%swap3A_221, %swap3A_222], %shift_right_logical3A_219 {strides = array<i32>} : memref<2x112xi32, #tpu.memory_space<vmem>>, vector<16xi32>,
    %and3A_224 = arith.constant 65535 : i32
    %and3A_225 = vector.broadcast %and3A_224 : i32 to vector<16xi32>
    %and3A_226 = arith.andi %get3A_216, %and3A_225 : vector<16xi32>
    %swap3A_227 = arith.constant 1 : i32
    %swap3A_228 = arith.index_cast %swap3A_227 : i32 to index
    %swap3A_229 = arith.constant 64 : index
    %swap3A_230 = tpu.vector_load %arg6[%swap3A_228, %swap3A_229] {strides = array<i32>} : memref<2x112xi32, #tpu.memory_space<vmem>>, vector<16xi32>,
    tpu.vector_store %arg6[%swap3A_228, %swap3A_229], %and3A_226 {strides = array<i32>} : memref<2x112xi32, #tpu.memory_space<vmem>>, vector<16xi32>,
    %get3A_231 = arith.constant 1 : i32
    %get3A_232 = arith.index_cast %get3A_231 : i32 to index
    %get3A_233 = arith.constant 80 : index
    %get3A_234 = tpu.vector_load %arg5[%get3A_232, %get3A_233] {strides = array<i32>} : memref<90x112xi32, #tpu.memory_space<vmem>>, vector<16xi32>,
    %shift_right_logical3A_235 = arith.constant 16 : i32
    %shift_right_logical3A_236 = vector.broadcast %shift_right_logical3A_235 : i32 to vector<16xi32>
    %shift_right_logical3A_237 = arith.shrui %get3A_234, %shift_right_logical3A_236 : vector<16xi32>
    %swap3A_238 = arith.constant 1 : i32
    %swap3A_239 = arith.index_cast %swap3A_238 : i32 to index
    %swap3A_240 = arith.constant 80 : index
    %swap3A_241 = tpu.vector_load %arg7[%swap3A_239, %swap3A_240] {strides = array<i32>} : memref<2x112xi32, #tpu.memory_space<vmem>>, vector<16xi32>,
    tpu.vector_store %arg7[%swap3A_239, %swap3A_240], %shift_right_logical3A_237 {strides = array<i32>} : memref<2x112xi32, #tpu.memory_space<vmem>>, vector<16xi32>,
    %and3A_242 = arith.constant 65535 : i32
    %and3A_243 = vector.broadcast %and3A_242 : i32 to vector<16xi32>
    %and3A_244 = arith.andi %get3A_234, %and3A_243 : vector<16xi32>
    %swap3A_245 = arith.constant 1 : i32
    %swap3A_246 = arith.index_cast %swap3A_245 : i32 to index
    %swap3A_247 = arith.constant 80 : index
    %swap3A_248 = tpu.vector_load %arg6[%swap3A_246, %swap3A_247] {strides = array<i32>} : memref<2x112xi32, #tpu.memory_space<vmem>>, vector<16xi32>,
    tpu.vector_store %arg6[%swap3A_246, %swap3A_247], %and3A_244 {strides = array<i32>} : memref<2x112xi32, #tpu.memory_space<vmem>>, vector<16xi32>,
    %get3A_249 = arith.constant 1 : i32
    %get3A_250 = arith.index_cast %get3A_249 : i32 to index
    %get3A_251 = arith.constant 96 : index
    %get3A_252 = tpu.vector_load %arg5[%get3A_250, %get3A_251] {strides = array<i32>} : memref<90x112xi32, #tpu.memory_space<vmem>>, vector<16xi32>,
    %shift_right_logical3A_253 = arith.constant 16 : i32
    %shift_right_logical3A_254 = vector.broadcast %shift_right_logical3A_253 : i32 to vector<16xi32>
    %shift_right_logical3A_255 = arith.shrui %get3A_252, %shift_right_logical3A_254 : vector<16xi32>
    %swap3A_256 = arith.constant 1 : i32
    %swap3A_257 = arith.index_cast %swap3A_256 : i32 to index
    %swap3A_258 = arith.constant 96 : index
    %swap3A_259 = tpu.vector_load %arg7[%swap3A_257, %swap3A_258] {strides = array<i32>} : memref<2x112xi32, #tpu.memory_space<vmem>>, vector<16xi32>,
    tpu.vector_store %arg7[%swap3A_257, %swap3A_258], %shift_right_logical3A_255 {strides = array<i32>} : memref<2x112xi32, #tpu.memory_space<vmem>>, vector<16xi32>,
    %and3A_260 = arith.constant 65535 : i32
    %and3A_261 = vector.broadcast %and3A_260 : i32 to vector<16xi32>
    %and3A_262 = arith.andi %get3A_252, %and3A_261 : vector<16xi32>
    %swap3A_263 = arith.constant 1 : i32
    %swap3A_264 = arith.index_cast %swap3A_263 : i32 to index
    %swap3A_265 = arith.constant 96 : index
    %swap3A_266 = tpu.vector_load %arg6[%swap3A_264, %swap3A_265] {strides = array<i32>} : memref<2x112xi32, #tpu.memory_space<vmem>>, vector<16xi32>,
    tpu.vector_store %arg6[%swap3A_264, %swap3A_265], %and3A_262 {strides = array<i32>} : memref<2x112xi32, #tpu.memory_space<vmem>>, vector<16xi32>,
    %dma_start3A_267 = arith.constant 1 : i32
    %dma_start3A_268 = arith.constant 1 : i32
    %dma_start3A_269 = arith.constant 0 : i32
    %dma_start3A_270 = arith.constant 0 : i32
    %dma_start3A_271 = tpu.memref_slice %arg8[%dma_start3A_268, %dma_start3A_269, %dma_start3A_270] : memref<2x112x128xf32, #tpu.memory_space<vmem>> -> memref<1x112x128xf32, #tpu.memory_space<vmem>>
    %dma_start3A_272 = tpu.memref_squeeze %dma_start3A_271 : memref<1x112x128xf32, #tpu.memory_space<vmem>> -> memref<112x128xf32, #tpu.memory_space<vmem>>
    %dma_start3A_273 = arith.constant 0 : i32
    %dma_start3A_274 = tpu.memref_slice %arg6[%dma_start3A_267, %dma_start3A_273] : memref<2x112xi32, #tpu.memory_space<vmem>> -> memref<1x112xi32, #tpu.memory_space<vmem>>
    %dma_start3A_275 = tpu.memref_squeeze %dma_start3A_274 : memref<1x112xi32, #tpu.memory_space<vmem>> -> memref<112xi32, #tpu.memory_space<vmem>>
    %dma_start3A_276 = arith.constant 0 : i32
    %dma_start3A_277 = arith.constant 0 : i32
    %dma_start3A_278 = tpu.memref_slice %arg2[%dma_start3A_276, %dma_start3A_277] : memref<10240x128xf32, #tpu.memory_space<hbm>> -> memref<10240x128xf32, #tpu.memory_space<hbm>>
    tpu.enqueue_indirect_dma source(%dma_start3A_278 : memref<10240x128xf32, #tpu.memory_space<hbm>>) target(%dma_start3A_272 : memref<112x128xf32, #tpu.memory_space<vmem>>) offsets(%dma_start3A_275 : memref<112xi32, #tpu.memory_space<vmem>>) semaphore(%arg10 : memref<!tpu.dma_semaphore, #tpu.memory_space<semaphore_mem>>)
    %scan3A = arith.constant 0 : i32
    %scan3A_279 = arith.constant 0 : i32
    %scan3A_280 = arith.constant 45 : i32
    %scan3A_281 = arith.addi %scan3A_279, %scan3A_280 : i32
    %scan3A_282 = arith.constant 1 : i32
    %scan3A_283 = scf.for %scan3A_290 = %scan3A_279 to %scan3A_281 step %scan3A_282 iter_args(%scan3A_291 = %scan3A) -> (i32)  : i32 {
      %mul3A_292 = arith.constant 2 : i32
      %mul3A_293 = arith.muli %scan3A_290, %mul3A_292 : i32
      %add3A_294 = arith.constant 0 : i32
      %add3A_295 = arith.addi %mul3A_293, %add3A_294 : i32
      %dma_wait3A = arith.constant 0 : i32
      %dma_wait3A_296 = arith.constant 0 : i32
      %dma_wait3A_297 = arith.constant 0 : i32
      %dma_wait3A_298 = tpu.memref_slice %arg8[%dma_wait3A, %dma_wait3A_296, %dma_wait3A_297] : memref<2x112x128xf32, #tpu.memory_space<vmem>> -> memref<1x112x128xf32, #tpu.memory_space<vmem>>
      %dma_wait3A_299 = tpu.memref_squeeze %dma_wait3A_298 : memref<1x112x128xf32, #tpu.memory_space<vmem>> -> memref<112x128xf32, #tpu.memory_space<vmem>>
      %dma_wait3A_300 = arith.constant 0 : i32
      %dma_wait3A_301 = arith.constant 0 : i32
      %dma_wait3A_302 = tpu.memref_slice %arg2[%dma_wait3A_300, %dma_wait3A_301] : memref<10240x128xf32, #tpu.memory_space<hbm>> -> memref<112x128xf32, #tpu.memory_space<hbm>>
      %dma_wait3A_303 = arith.constant 0 : i32
      %dma_wait3A_304 = arith.constant 0 : i32
      %dma_wait3A_305 = tpu.memref_slice %arg8[%dma_wait3A, %dma_wait3A_303, %dma_wait3A_304] : memref<2x112x128xf32, #tpu.memory_space<vmem>> -> memref<1x112x128xf32, #tpu.memory_space<vmem>>
      %dma_wait3A_306 = tpu.memref_squeeze %dma_wait3A_305 : memref<1x112x128xf32, #tpu.memory_space<vmem>> -> memref<112x128xf32, #tpu.memory_space<vmem>>
      %dma_wait3A_307 = arith.constant 0 : i32
      %dma_wait3A_308 = arith.constant 0 : i32
      %dma_wait3A_309 = tpu.memref_slice %arg2[%dma_wait3A_307, %dma_wait3A_308] : memref<10240x128xf32, #tpu.memory_space<hbm>> -> memref<112x128xf32, #tpu.memory_space<hbm>>
      tpu.wait_dma2 semaphore(%arg9 : memref<!tpu.dma_semaphore, #tpu.memory_space<semaphore_mem>>) src(%dma_wait3A_309 : memref<112x128xf32, #tpu.memory_space<hbm>>) dst(%dma_wait3A_306 : memref<112x128xf32, #tpu.memory_space<vmem>>)
      %run_scoped3A = arith.constant 0 : i32
      %run_scoped3A_310 = arith.constant 0 : i32
      "tpu.region"() ({
        %run_scoped3A_346 = tpu.sem_alloc : memref<!tpu.dma_semaphore, #tpu.memory_space<semaphore_mem>>
        %dma_start3A_347 = arith.constant 0 : i32
        %dma_start3A_348 = arith.constant 0 : i32
        %dma_start3A_349 = tpu.memref_slice %arg8[%run_scoped3A, %dma_start3A_347, %dma_start3A_348] : memref<2x112x128xf32, #tpu.memory_space<vmem>> -> memref<1x112x128xf32, #tpu.memory_space<vmem>>
        %dma_start3A_350 = tpu.memref_squeeze %dma_start3A_349 : memref<1x112x128xf32, #tpu.memory_space<vmem>> -> memref<112x128xf32, #tpu.memory_space<vmem>>
        %dma_start3A_351 = arith.constant 0 : i32
        %dma_start3A_352 = tpu.memref_slice %arg7[%run_scoped3A_310, %dma_start3A_351] : memref<2x112xi32, #tpu.memory_space<vmem>> -> memref<1x112xi32, #tpu.memory_space<vmem>>
        %dma_start3A_353 = tpu.memref_squeeze %dma_start3A_352 : memref<1x112xi32, #tpu.memory_space<vmem>> -> memref<112xi32, #tpu.memory_space<vmem>>
        %dma_start3A_354 = arith.constant 0 : i32
        %dma_start3A_355 = arith.constant 0 : i32
        %dma_start3A_356 = tpu.memref_slice %arg11[%dma_start3A_354, %dma_start3A_355] : memref<10240x128xf32, #tpu.memory_space<vmem_shared>> -> memref<10240x128xf32, #tpu.memory_space<vmem_shared>>
        tpu.enqueue_indirect_dma source(%dma_start3A_350 : memref<112x128xf32, #tpu.memory_space<vmem>>) target(%dma_start3A_356 : memref<10240x128xf32, #tpu.memory_space<vmem_shared>>) offsets(%dma_start3A_353 : memref<112xi32, #tpu.memory_space<vmem>>) semaphore(%run_scoped3A_346 : memref<!tpu.dma_semaphore, #tpu.memory_space<semaphore_mem>>) {add = true}
        %dma_wait3A_357 = arith.constant 0 : i32
        %dma_wait3A_358 = arith.constant 0 : i32
        %dma_wait3A_359 = tpu.memref_slice %arg8[%run_scoped3A, %dma_wait3A_357, %dma_wait3A_358] : memref<2x112x128xf32, #tpu.memory_space<vmem>> -> memref<1x112x128xf32, #tpu.memory_space<vmem>>
        %dma_wait3A_360 = tpu.memref_squeeze %dma_wait3A_359 : memref<1x112x128xf32, #tpu.memory_space<vmem>> -> memref<112x128xf32, #tpu.memory_space<vmem>>
        %dma_wait3A_361 = arith.constant 0 : i32
        %dma_wait3A_362 = tpu.memref_slice %arg7[%run_scoped3A_310, %dma_wait3A_361] : memref<2x112xi32, #tpu.memory_space<vmem>> -> memref<1x112xi32, #tpu.memory_space<vmem>>
        %dma_wait3A_363 = tpu.memref_squeeze %dma_wait3A_362 : memref<1x112xi32, #tpu.memory_space<vmem>> -> memref<112xi32, #tpu.memory_space<vmem>>
        %dma_wait3A_364 = arith.constant 0 : i32
        %dma_wait3A_365 = arith.constant 0 : i32
        %dma_wait3A_366 = tpu.memref_slice %arg11[%dma_wait3A_364, %dma_wait3A_365] : memref<10240x128xf32, #tpu.memory_space<vmem_shared>> -> memref<10240x128xf32, #tpu.memory_space<vmem_shared>>
        tpu.wait_indirect_dma semaphore(%run_scoped3A_346 : memref<!tpu.dma_semaphore, #tpu.memory_space<semaphore_mem>>) src(%dma_wait3A_360 : memref<112x128xf32, #tpu.memory_space<vmem>>) dst(%dma_wait3A_366 : memref<10240x128xf32, #tpu.memory_space<vmem_shared>>)
        tpu.yield
      }) : () -> ()
      %add3A_311 = arith.constant 2 : i32
      %add3A_312 = arith.addi %add3A_295, %add3A_311 : i32
      %lt3A = arith.constant 90 : i32
      %lt3A_313 = arith.cmpi slt, %add3A_312, %lt3A : i32
      %convert_element_type3A_314 = arith.extui %lt3A_313 : i1 to i32
      %cond3A_315 = arith.constant 0 : i32
      %cond3A_316 = arith.cmpi ne, %convert_element_type3A_314, %cond3A_315 : i32
      scf.if %cond3A_316 {
        %add3A_346 = arith.constant 2 : i32
        %add3A_347 = arith.addi %add3A_295, %add3A_346 : i32
        %get3A_348 = arith.index_cast %add3A_347 : i32 to index
        %get3A_349 = arith.constant 0 : index
        %get3A_350 = tpu.vector_load %arg5[%get3A_348, %get3A_349] {strides = array<i32>} : memref<90x112xi32, #tpu.memory_space<vmem>>, vector<16xi32>,
        %shift_right_logical3A_351 = arith.constant 16 : i32
        %shift_right_logical3A_352 = vector.broadcast %shift_right_logical3A_351 : i32 to vector<16xi32>
        %shift_right_logical3A_353 = arith.shrui %get3A_350, %shift_right_logical3A_352 : vector<16xi32>
        %swap3A_354 = arith.constant 0 : i32
        %swap3A_355 = arith.index_cast %swap3A_354 : i32 to index
        %swap3A_356 = arith.constant 0 : index
        %swap3A_357 = tpu.vector_load %arg7[%swap3A_355, %swap3A_356] {strides = array<i32>} : memref<2x112xi32, #tpu.memory_space<vmem>>, vector<16xi32>,
        tpu.vector_store %arg7[%swap3A_355, %swap3A_356], %shift_right_logical3A_353 {strides = array<i32>} : memref<2x112xi32, #tpu.memory_space<vmem>>, vector<16xi32>,
        %and3A_358 = arith.constant 65535 : i32
        %and3A_359 = vector.broadcast %and3A_358 : i32 to vector<16xi32>
        %and3A_360 = arith.andi %get3A_350, %and3A_359 : vector<16xi32>
        %swap3A_361 = arith.constant 0 : i32
        %swap3A_362 = arith.index_cast %swap3A_361 : i32 to index
        %swap3A_363 = arith.constant 0 : index
        %swap3A_364 = tpu.vector_load %arg6[%swap3A_362, %swap3A_363] {strides = array<i32>} : memref<2x112xi32, #tpu.memory_space<vmem>>, vector<16xi32>,
        tpu.vector_store %arg6[%swap3A_362, %swap3A_363], %and3A_360 {strides = array<i32>} : memref<2x112xi32, #tpu.memory_space<vmem>>, vector<16xi32>,
        %get3A_365 = arith.index_cast %add3A_347 : i32 to index
        %get3A_366 = arith.constant 16 : index
        %get3A_367 = tpu.vector_load %arg5[%get3A_365, %get3A_366] {strides = array<i32>} : memref<90x112xi32, #tpu.memory_space<vmem>>, vector<16xi32>,
        %shift_right_logical3A_368 = arith.constant 16 : i32
        %shift_right_logical3A_369 = vector.broadcast %shift_right_logical3A_368 : i32 to vector<16xi32>
        %shift_right_logical3A_370 = arith.shrui %get3A_367, %shift_right_logical3A_369 : vector<16xi32>
        %swap3A_371 = arith.constant 0 : i32
        %swap3A_372 = arith.index_cast %swap3A_371 : i32 to index
        %swap3A_373 = arith.constant 16 : index
        %swap3A_374 = tpu.vector_load %arg7[%swap3A_372, %swap3A_373] {strides = array<i32>} : memref<2x112xi32, #tpu.memory_space<vmem>>, vector<16xi32>,
        tpu.vector_store %arg7[%swap3A_372, %swap3A_373], %shift_right_logical3A_370 {strides = array<i32>} : memref<2x112xi32, #tpu.memory_space<vmem>>, vector<16xi32>,
        %and3A_375 = arith.constant 65535 : i32
        %and3A_376 = vector.broadcast %and3A_375 : i32 to vector<16xi32>
        %and3A_377 = arith.andi %get3A_367, %and3A_376 : vector<16xi32>
        %swap3A_378 = arith.constant 0 : i32
        %swap3A_379 = arith.index_cast %swap3A_378 : i32 to index
        %swap3A_380 = arith.constant 16 : index
        %swap3A_381 = tpu.vector_load %arg6[%swap3A_379, %swap3A_380] {strides = array<i32>} : memref<2x112xi32, #tpu.memory_space<vmem>>, vector<16xi32>,
        tpu.vector_store %arg6[%swap3A_379, %swap3A_380], %and3A_377 {strides = array<i32>} : memref<2x112xi32, #tpu.memory_space<vmem>>, vector<16xi32>,
        %get3A_382 = arith.index_cast %add3A_347 : i32 to index
        %get3A_383 = arith.constant 32 : index
        %get3A_384 = tpu.vector_load %arg5[%get3A_382, %get3A_383] {strides = array<i32>} : memref<90x112xi32, #tpu.memory_space<vmem>>, vector<16xi32>,
        %shift_right_logical3A_385 = arith.constant 16 : i32
        %shift_right_logical3A_386 = vector.broadcast %shift_right_logical3A_385 : i32 to vector<16xi32>
        %shift_right_logical3A_387 = arith.shrui %get3A_384, %shift_right_logical3A_386 : vector<16xi32>
        %swap3A_388 = arith.constant 0 : i32
        %swap3A_389 = arith.index_cast %swap3A_388 : i32 to index
        %swap3A_390 = arith.constant 32 : index
        %swap3A_391 = tpu.vector_load %arg7[%swap3A_389, %swap3A_390] {strides = array<i32>} : memref<2x112xi32, #tpu.memory_space<vmem>>, vector<16xi32>,
        tpu.vector_store %arg7[%swap3A_389, %swap3A_390], %shift_right_logical3A_387 {strides = array<i32>} : memref<2x112xi32, #tpu.memory_space<vmem>>, vector<16xi32>,
        %and3A_392 = arith.constant 65535 : i32
        %and3A_393 = vector.broadcast %and3A_392 : i32 to vector<16xi32>
        %and3A_394 = arith.andi %get3A_384, %and3A_393 : vector<16xi32>
        %swap3A_395 = arith.constant 0 : i32
        %swap3A_396 = arith.index_cast %swap3A_395 : i32 to index
        %swap3A_397 = arith.constant 32 : index
        %swap3A_398 = tpu.vector_load %arg6[%swap3A_396, %swap3A_397] {strides = array<i32>} : memref<2x112xi32, #tpu.memory_space<vmem>>, vector<16xi32>,
        tpu.vector_store %arg6[%swap3A_396, %swap3A_397], %and3A_394 {strides = array<i32>} : memref<2x112xi32, #tpu.memory_space<vmem>>, vector<16xi32>,
        %get3A_399 = arith.index_cast %add3A_347 : i32 to index
        %get3A_400 = arith.constant 48 : index
        %get3A_401 = tpu.vector_load %arg5[%get3A_399, %get3A_400] {strides = array<i32>} : memref<90x112xi32, #tpu.memory_space<vmem>>, vector<16xi32>,
        %shift_right_logical3A_402 = arith.constant 16 : i32
        %shift_right_logical3A_403 = vector.broadcast %shift_right_logical3A_402 : i32 to vector<16xi32>
        %shift_right_logical3A_404 = arith.shrui %get3A_401, %shift_right_logical3A_403 : vector<16xi32>
        %swap3A_405 = arith.constant 0 : i32
        %swap3A_406 = arith.index_cast %swap3A_405 : i32 to index
        %swap3A_407 = arith.constant 48 : index
        %swap3A_408 = tpu.vector_load %arg7[%swap3A_406, %swap3A_407] {strides = array<i32>} : memref<2x112xi32, #tpu.memory_space<vmem>>, vector<16xi32>,
        tpu.vector_store %arg7[%swap3A_406, %swap3A_407], %shift_right_logical3A_404 {strides = array<i32>} : memref<2x112xi32, #tpu.memory_space<vmem>>, vector<16xi32>,
        %and3A_409 = arith.constant 65535 : i32
        %and3A_410 = vector.broadcast %and3A_409 : i32 to vector<16xi32>
        %and3A_411 = arith.andi %get3A_401, %and3A_410 : vector<16xi32>
        %swap3A_412 = arith.constant 0 : i32
        %swap3A_413 = arith.index_cast %swap3A_412 : i32 to index
        %swap3A_414 = arith.constant 48 : index
        %swap3A_415 = tpu.vector_load %arg6[%swap3A_413, %swap3A_414] {strides = array<i32>} : memref<2x112xi32, #tpu.memory_space<vmem>>, vector<16xi32>,
        tpu.vector_store %arg6[%swap3A_413, %swap3A_414], %and3A_411 {strides = array<i32>} : memref<2x112xi32, #tpu.memory_space<vmem>>, vector<16xi32>,
        %get3A_416 = arith.index_cast %add3A_347 : i32 to index
        %get3A_417 = arith.constant 64 : index
        %get3A_418 = tpu.vector_load %arg5[%get3A_416, %get3A_417] {strides = array<i32>} : memref<90x112xi32, #tpu.memory_space<vmem>>, vector<16xi32>,
        %shift_right_logical3A_419 = arith.constant 16 : i32
        %shift_right_logical3A_420 = vector.broadcast %shift_right_logical3A_419 : i32 to vector<16xi32>
        %shift_right_logical3A_421 = arith.shrui %get3A_418, %shift_right_logical3A_420 : vector<16xi32>
        %swap3A_422 = arith.constant 0 : i32
        %swap3A_423 = arith.index_cast %swap3A_422 : i32 to index
        %swap3A_424 = arith.constant 64 : index
        %swap3A_425 = tpu.vector_load %arg7[%swap3A_423, %swap3A_424] {strides = array<i32>} : memref<2x112xi32, #tpu.memory_space<vmem>>, vector<16xi32>,
        tpu.vector_store %arg7[%swap3A_423, %swap3A_424], %shift_right_logical3A_421 {strides = array<i32>} : memref<2x112xi32, #tpu.memory_space<vmem>>, vector<16xi32>,
        %and3A_426 = arith.constant 65535 : i32
        %and3A_427 = vector.broadcast %and3A_426 : i32 to vector<16xi32>
        %and3A_428 = arith.andi %get3A_418, %and3A_427 : vector<16xi32>
        %swap3A_429 = arith.constant 0 : i32
        %swap3A_430 = arith.index_cast %swap3A_429 : i32 to index
        %swap3A_431 = arith.constant 64 : index
        %swap3A_432 = tpu.vector_load %arg6[%swap3A_430, %swap3A_431] {strides = array<i32>} : memref<2x112xi32, #tpu.memory_space<vmem>>, vector<16xi32>,
        tpu.vector_store %arg6[%swap3A_430, %swap3A_431], %and3A_428 {strides = array<i32>} : memref<2x112xi32, #tpu.memory_space<vmem>>, vector<16xi32>,
        %get3A_433 = arith.index_cast %add3A_347 : i32 to index
        %get3A_434 = arith.constant 80 : index
        %get3A_435 = tpu.vector_load %arg5[%get3A_433, %get3A_434] {strides = array<i32>} : memref<90x112xi32, #tpu.memory_space<vmem>>, vector<16xi32>,
        %shift_right_logical3A_436 = arith.constant 16 : i32
        %shift_right_logical3A_437 = vector.broadcast %shift_right_logical3A_436 : i32 to vector<16xi32>
        %shift_right_logical3A_438 = arith.shrui %get3A_435, %shift_right_logical3A_437 : vector<16xi32>
        %swap3A_439 = arith.constant 0 : i32
        %swap3A_440 = arith.index_cast %swap3A_439 : i32 to index
        %swap3A_441 = arith.constant 80 : index
        %swap3A_442 = tpu.vector_load %arg7[%swap3A_440, %swap3A_441] {strides = array<i32>} : memref<2x112xi32, #tpu.memory_space<vmem>>, vector<16xi32>,
        tpu.vector_store %arg7[%swap3A_440, %swap3A_441], %shift_right_logical3A_438 {strides = array<i32>} : memref<2x112xi32, #tpu.memory_space<vmem>>, vector<16xi32>,
        %and3A_443 = arith.constant 65535 : i32
        %and3A_444 = vector.broadcast %and3A_443 : i32 to vector<16xi32>
        %and3A_445 = arith.andi %get3A_435, %and3A_444 : vector<16xi32>
        %swap3A_446 = arith.constant 0 : i32
        %swap3A_447 = arith.index_cast %swap3A_446 : i32 to index
        %swap3A_448 = arith.constant 80 : index
        %swap3A_449 = tpu.vector_load %arg6[%swap3A_447, %swap3A_448] {strides = array<i32>} : memref<2x112xi32, #tpu.memory_space<vmem>>, vector<16xi32>,
        tpu.vector_store %arg6[%swap3A_447, %swap3A_448], %and3A_445 {strides = array<i32>} : memref<2x112xi32, #tpu.memory_space<vmem>>, vector<16xi32>,
        %get3A_450 = arith.index_cast %add3A_347 : i32 to index
        %get3A_451 = arith.constant 96 : index
        %get3A_452 = tpu.vector_load %arg5[%get3A_450, %get3A_451] {strides = array<i32>} : memref<90x112xi32, #tpu.memory_space<vmem>>, vector<16xi32>,
        %shift_right_logical3A_453 = arith.constant 16 : i32
        %shift_right_logical3A_454 = vector.broadcast %shift_right_logical3A_453 : i32 to vector<16xi32>
        %shift_right_logical3A_455 = arith.shrui %get3A_452, %shift_right_logical3A_454 : vector<16xi32>
        %swap3A_456 = arith.constant 0 : i32
        %swap3A_457 = arith.index_cast %swap3A_456 : i32 to index
        %swap3A_458 = arith.constant 96 : index
        %swap3A_459 = tpu.vector_load %arg7[%swap3A_457, %swap3A_458] {strides = array<i32>} : memref<2x112xi32, #tpu.memory_space<vmem>>, vector<16xi32>,
        tpu.vector_store %arg7[%swap3A_457, %swap3A_458], %shift_right_logical3A_455 {strides = array<i32>} : memref<2x112xi32, #tpu.memory_space<vmem>>, vector<16xi32>,
        %and3A_460 = arith.constant 65535 : i32
        %and3A_461 = vector.broadcast %and3A_460 : i32 to vector<16xi32>
        %and3A_462 = arith.andi %get3A_452, %and3A_461 : vector<16xi32>
        %swap3A_463 = arith.constant 0 : i32
        %swap3A_464 = arith.index_cast %swap3A_463 : i32 to index
        %swap3A_465 = arith.constant 96 : index
        %swap3A_466 = tpu.vector_load %arg6[%swap3A_464, %swap3A_465] {strides = array<i32>} : memref<2x112xi32, #tpu.memory_space<vmem>>, vector<16xi32>,
        tpu.vector_store %arg6[%swap3A_464, %swap3A_465], %and3A_462 {strides = array<i32>} : memref<2x112xi32, #tpu.memory_space<vmem>>, vector<16xi32>,
        %dma_start3A_467 = arith.constant 0 : i32
        %dma_start3A_468 = arith.constant 0 : i32
        %dma_start3A_469 = arith.constant 0 : i32
        %dma_start3A_470 = arith.constant 0 : i32
        %dma_start3A_471 = tpu.memref_slice %arg8[%dma_start3A_468, %dma_start3A_469, %dma_start3A_470] : memref<2x112x128xf32, #tpu.memory_space<vmem>> -> memref<1x112x128xf32, #tpu.memory_space<vmem>>
        %dma_start3A_472 = tpu.memref_squeeze %dma_start3A_471 : memref<1x112x128xf32, #tpu.memory_space<vmem>> -> memref<112x128xf32, #tpu.memory_space<vmem>>
        %dma_start3A_473 = arith.constant 0 : i32
        %dma_start3A_474 = tpu.memref_slice %arg6[%dma_start3A_467, %dma_start3A_473] : memref<2x112xi32, #tpu.memory_space<vmem>> -> memref<1x112xi32, #tpu.memory_space<vmem>>
        %dma_start3A_475 = tpu.memref_squeeze %dma_start3A_474 : memref<1x112xi32, #tpu.memory_space<vmem>> -> memref<112xi32, #tpu.memory_space<vmem>>
        %dma_start3A_476 = arith.constant 0 : i32
        %dma_start3A_477 = arith.constant 0 : i32
        %dma_start3A_478 = tpu.memref_slice %arg2[%dma_start3A_476, %dma_start3A_477] : memref<10240x128xf32, #tpu.memory_space<hbm>> -> memref<10240x128xf32, #tpu.memory_space<hbm>>
        tpu.enqueue_indirect_dma source(%dma_start3A_478 : memref<10240x128xf32, #tpu.memory_space<hbm>>) target(%dma_start3A_472 : memref<112x128xf32, #tpu.memory_space<vmem>>) offsets(%dma_start3A_475 : memref<112xi32, #tpu.memory_space<vmem>>) semaphore(%arg9 : memref<!tpu.dma_semaphore, #tpu.memory_space<semaphore_mem>>)
      } else {
      }
      %mul3A_317 = arith.constant 2 : i32
      %mul3A_318 = arith.muli %scan3A_290, %mul3A_317 : i32
      %add3A_319 = arith.constant 1 : i32
      %add3A_320 = arith.addi %mul3A_318, %add3A_319 : i32
      %dma_wait3A_321 = arith.constant 1 : i32
      %dma_wait3A_322 = arith.constant 0 : i32
      %dma_wait3A_323 = arith.constant 0 : i32
      %dma_wait3A_324 = tpu.memref_slice %arg8[%dma_wait3A_321, %dma_wait3A_322, %dma_wait3A_323] : memref<2x112x128xf32, #tpu.memory_space<vmem>> -> memref<1x112x128xf32, #tpu.memory_space<vmem>>
      %dma_wait3A_325 = tpu.memref_squeeze %dma_wait3A_324 : memref<1x112x128xf32, #tpu.memory_space<vmem>> -> memref<112x128xf32, #tpu.memory_space<vmem>>
      %dma_wait3A_326 = arith.constant 0 : i32
      %dma_wait3A_327 = arith.constant 0 : i32
      %dma_wait3A_328 = tpu.memref_slice %arg2[%dma_wait3A_326, %dma_wait3A_327] : memref<10240x128xf32, #tpu.memory_space<hbm>> -> memref<112x128xf32, #tpu.memory_space<hbm>>
      %dma_wait3A_329 = arith.constant 0 : i32
      %dma_wait3A_330 = arith.constant 0 : i32
      %dma_wait3A_331 = tpu.memref_slice %arg8[%dma_wait3A_321, %dma_wait3A_329, %dma_wait3A_330] : memref<2x112x128xf32, #tpu.memory_space<vmem>> -> memref<1x112x128xf32, #tpu.memory_space<vmem>>
      %dma_wait3A_332 = tpu.memref_squeeze %dma_wait3A_331 : memref<1x112x128xf32, #tpu.memory_space<vmem>> -> memref<112x128xf32, #tpu.memory_space<vmem>>
      %dma_wait3A_333 = arith.constant 0 : i32
      %dma_wait3A_334 = arith.constant 0 : i32
      %dma_wait3A_335 = tpu.memref_slice %arg2[%dma_wait3A_333, %dma_wait3A_334] : memref<10240x128xf32, #tpu.memory_space<hbm>> -> memref<112x128xf32, #tpu.memory_space<hbm>>
      tpu.wait_dma2 semaphore(%arg10 : memref<!tpu.dma_semaphore, #tpu.memory_space<semaphore_mem>>) src(%dma_wait3A_335 : memref<112x128xf32, #tpu.memory_space<hbm>>) dst(%dma_wait3A_332 : memref<112x128xf32, #tpu.memory_space<vmem>>)
      %run_scoped3A_336 = arith.constant 1 : i32
      %run_scoped3A_337 = arith.constant 1 : i32
      "tpu.region"() ({
        %run_scoped3A_346 = tpu.sem_alloc : memref<!tpu.dma_semaphore, #tpu.memory_space<semaphore_mem>>
        %dma_start3A_347 = arith.constant 0 : i32
        %dma_start3A_348 = arith.constant 0 : i32
        %dma_start3A_349 = tpu.memref_slice %arg8[%run_scoped3A_336, %dma_start3A_347, %dma_start3A_348] : memref<2x112x128xf32, #tpu.memory_space<vmem>> -> memref<1x112x128xf32, #tpu.memory_space<vmem>>
        %dma_start3A_350 = tpu.memref_squeeze %dma_start3A_349 : memref<1x112x128xf32, #tpu.memory_space<vmem>> -> memref<112x128xf32, #tpu.memory_space<vmem>>
        %dma_start3A_351 = arith.constant 0 : i32
        %dma_start3A_352 = tpu.memref_slice %arg7[%run_scoped3A_337, %dma_start3A_351] : memref<2x112xi32, #tpu.memory_space<vmem>> -> memref<1x112xi32, #tpu.memory_space<vmem>>
        %dma_start3A_353 = tpu.memref_squeeze %dma_start3A_352 : memref<1x112xi32, #tpu.memory_space<vmem>> -> memref<112xi32, #tpu.memory_space<vmem>>
        %dma_start3A_354 = arith.constant 0 : i32
        %dma_start3A_355 = arith.constant 0 : i32
        %dma_start3A_356 = tpu.memref_slice %arg11[%dma_start3A_354, %dma_start3A_355] : memref<10240x128xf32, #tpu.memory_space<vmem_shared>> -> memref<10240x128xf32, #tpu.memory_space<vmem_shared>>
        tpu.enqueue_indirect_dma source(%dma_start3A_350 : memref<112x128xf32, #tpu.memory_space<vmem>>) target(%dma_start3A_356 : memref<10240x128xf32, #tpu.memory_space<vmem_shared>>) offsets(%dma_start3A_353 : memref<112xi32, #tpu.memory_space<vmem>>) semaphore(%run_scoped3A_346 : memref<!tpu.dma_semaphore, #tpu.memory_space<semaphore_mem>>) {add = true}
        %dma_wait3A_357 = arith.constant 0 : i32
        %dma_wait3A_358 = arith.constant 0 : i32
        %dma_wait3A_359 = tpu.memref_slice %arg8[%run_scoped3A_336, %dma_wait3A_357, %dma_wait3A_358] : memref<2x112x128xf32, #tpu.memory_space<vmem>> -> memref<1x112x128xf32, #tpu.memory_space<vmem>>
        %dma_wait3A_360 = tpu.memref_squeeze %dma_wait3A_359 : memref<1x112x128xf32, #tpu.memory_space<vmem>> -> memref<112x128xf32, #tpu.memory_space<vmem>>
        %dma_wait3A_361 = arith.constant 0 : i32
        %dma_wait3A_362 = tpu.memref_slice %arg7[%run_scoped3A_337, %dma_wait3A_361] : memref<2x112xi32, #tpu.memory_space<vmem>> -> memref<1x112xi32, #tpu.memory_space<vmem>>
        %dma_wait3A_363 = tpu.memref_squeeze %dma_wait3A_362 : memref<1x112xi32, #tpu.memory_space<vmem>> -> memref<112xi32, #tpu.memory_space<vmem>>
        %dma_wait3A_364 = arith.constant 0 : i32
        %dma_wait3A_365 = arith.constant 0 : i32
        %dma_wait3A_366 = tpu.memref_slice %arg11[%dma_wait3A_364, %dma_wait3A_365] : memref<10240x128xf32, #tpu.memory_space<vmem_shared>> -> memref<10240x128xf32, #tpu.memory_space<vmem_shared>>
        tpu.wait_indirect_dma semaphore(%run_scoped3A_346 : memref<!tpu.dma_semaphore, #tpu.memory_space<semaphore_mem>>) src(%dma_wait3A_360 : memref<112x128xf32, #tpu.memory_space<vmem>>) dst(%dma_wait3A_366 : memref<10240x128xf32, #tpu.memory_space<vmem_shared>>)
        tpu.yield
      }) : () -> ()
      %add3A_338 = arith.constant 2 : i32
      %add3A_339 = arith.addi %add3A_320, %add3A_338 : i32
      %lt3A_340 = arith.constant 90 : i32
      %lt3A_341 = arith.cmpi slt, %add3A_339, %lt3A_340 : i32
      %convert_element_type3A_342 = arith.extui %lt3A_341 : i1 to i32
      %cond3A_343 = arith.constant 0 : i32
      %cond3A_344 = arith.cmpi ne, %convert_element_type3A_342, %cond3A_343 : i32
      scf.if %cond3A_344 {
        %add3A_346 = arith.constant 2 : i32
        %add3A_347 = arith.addi %add3A_320, %add3A_346 : i32
        %get3A_348 = arith.index_cast %add3A_347 : i32 to index
        %get3A_349 = arith.constant 0 : index
        %get3A_350 = tpu.vector_load %arg5[%get3A_348, %get3A_349] {strides = array<i32>} : memref<90x112xi32, #tpu.memory_space<vmem>>, vector<16xi32>,
        %shift_right_logical3A_351 = arith.constant 16 : i32
        %shift_right_logical3A_352 = vector.broadcast %shift_right_logical3A_351 : i32 to vector<16xi32>
        %shift_right_logical3A_353 = arith.shrui %get3A_350, %shift_right_logical3A_352 : vector<16xi32>
        %swap3A_354 = arith.constant 1 : i32
        %swap3A_355 = arith.index_cast %swap3A_354 : i32 to index
        %swap3A_356 = arith.constant 0 : index
        %swap3A_357 = tpu.vector_load %arg7[%swap3A_355, %swap3A_356] {strides = array<i32>} : memref<2x112xi32, #tpu.memory_space<vmem>>, vector<16xi32>,
        tpu.vector_store %arg7[%swap3A_355, %swap3A_356], %shift_right_logical3A_353 {strides = array<i32>} : memref<2x112xi32, #tpu.memory_space<vmem>>, vector<16xi32>,
        %and3A_358 = arith.constant 65535 : i32
        %and3A_359 = vector.broadcast %and3A_358 : i32 to vector<16xi32>
        %and3A_360 = arith.andi %get3A_350, %and3A_359 : vector<16xi32>
        %swap3A_361 = arith.constant 1 : i32
        %swap3A_362 = arith.index_cast %swap3A_361 : i32 to index
        %swap3A_363 = arith.constant 0 : index
        %swap3A_364 = tpu.vector_load %arg6[%swap3A_362, %swap3A_363] {strides = array<i32>} : memref<2x112xi32, #tpu.memory_space<vmem>>, vector<16xi32>,
        tpu.vector_store %arg6[%swap3A_362, %swap3A_363], %and3A_360 {strides = array<i32>} : memref<2x112xi32, #tpu.memory_space<vmem>>, vector<16xi32>,
        %get3A_365 = arith.index_cast %add3A_347 : i32 to index
        %get3A_366 = arith.constant 16 : index
        %get3A_367 = tpu.vector_load %arg5[%get3A_365, %get3A_366] {strides = array<i32>} : memref<90x112xi32, #tpu.memory_space<vmem>>, vector<16xi32>,
        %shift_right_logical3A_368 = arith.constant 16 : i32
        %shift_right_logical3A_369 = vector.broadcast %shift_right_logical3A_368 : i32 to vector<16xi32>
        %shift_right_logical3A_370 = arith.shrui %get3A_367, %shift_right_logical3A_369 : vector<16xi32>
        %swap3A_371 = arith.constant 1 : i32
        %swap3A_372 = arith.index_cast %swap3A_371 : i32 to index
        %swap3A_373 = arith.constant 16 : index
        %swap3A_374 = tpu.vector_load %arg7[%swap3A_372, %swap3A_373] {strides = array<i32>} : memref<2x112xi32, #tpu.memory_space<vmem>>, vector<16xi32>,
        tpu.vector_store %arg7[%swap3A_372, %swap3A_373], %shift_right_logical3A_370 {strides = array<i32>} : memref<2x112xi32, #tpu.memory_space<vmem>>, vector<16xi32>,
        %and3A_375 = arith.constant 65535 : i32
        %and3A_376 = vector.broadcast %and3A_375 : i32 to vector<16xi32>
        %and3A_377 = arith.andi %get3A_367, %and3A_376 : vector<16xi32>
        %swap3A_378 = arith.constant 1 : i32
        %swap3A_379 = arith.index_cast %swap3A_378 : i32 to index
        %swap3A_380 = arith.constant 16 : index
        %swap3A_381 = tpu.vector_load %arg6[%swap3A_379, %swap3A_380] {strides = array<i32>} : memref<2x112xi32, #tpu.memory_space<vmem>>, vector<16xi32>,
        tpu.vector_store %arg6[%swap3A_379, %swap3A_380], %and3A_377 {strides = array<i32>} : memref<2x112xi32, #tpu.memory_space<vmem>>, vector<16xi32>,
        %get3A_382 = arith.index_cast %add3A_347 : i32 to index
        %get3A_383 = arith.constant 32 : index
        %get3A_384 = tpu.vector_load %arg5[%get3A_382, %get3A_383] {strides = array<i32>} : memref<90x112xi32, #tpu.memory_space<vmem>>, vector<16xi32>,
        %shift_right_logical3A_385 = arith.constant 16 : i32
        %shift_right_logical3A_386 = vector.broadcast %shift_right_logical3A_385 : i32 to vector<16xi32>
        %shift_right_logical3A_387 = arith.shrui %get3A_384, %shift_right_logical3A_386 : vector<16xi32>
        %swap3A_388 = arith.constant 1 : i32
        %swap3A_389 = arith.index_cast %swap3A_388 : i32 to index
        %swap3A_390 = arith.constant 32 : index
        %swap3A_391 = tpu.vector_load %arg7[%swap3A_389, %swap3A_390] {strides = array<i32>} : memref<2x112xi32, #tpu.memory_space<vmem>>, vector<16xi32>,
        tpu.vector_store %arg7[%swap3A_389, %swap3A_390], %shift_right_logical3A_387 {strides = array<i32>} : memref<2x112xi32, #tpu.memory_space<vmem>>, vector<16xi32>,
        %and3A_392 = arith.constant 65535 : i32
        %and3A_393 = vector.broadcast %and3A_392 : i32 to vector<16xi32>
        %and3A_394 = arith.andi %get3A_384, %and3A_393 : vector<16xi32>
        %swap3A_395 = arith.constant 1 : i32
        %swap3A_396 = arith.index_cast %swap3A_395 : i32 to index
        %swap3A_397 = arith.constant 32 : index
        %swap3A_398 = tpu.vector_load %arg6[%swap3A_396, %swap3A_397] {strides = array<i32>} : memref<2x112xi32, #tpu.memory_space<vmem>>, vector<16xi32>,
        tpu.vector_store %arg6[%swap3A_396, %swap3A_397], %and3A_394 {strides = array<i32>} : memref<2x112xi32, #tpu.memory_space<vmem>>, vector<16xi32>,
        %get3A_399 = arith.index_cast %add3A_347 : i32 to index
        %get3A_400 = arith.constant 48 : index
        %get3A_401 = tpu.vector_load %arg5[%get3A_399, %get3A_400] {strides = array<i32>} : memref<90x112xi32, #tpu.memory_space<vmem>>, vector<16xi32>,
        %shift_right_logical3A_402 = arith.constant 16 : i32
        %shift_right_logical3A_403 = vector.broadcast %shift_right_logical3A_402 : i32 to vector<16xi32>
        %shift_right_logical3A_404 = arith.shrui %get3A_401, %shift_right_logical3A_403 : vector<16xi32>
        %swap3A_405 = arith.constant 1 : i32
        %swap3A_406 = arith.index_cast %swap3A_405 : i32 to index
        %swap3A_407 = arith.constant 48 : index
        %swap3A_408 = tpu.vector_load %arg7[%swap3A_406, %swap3A_407] {strides = array<i32>} : memref<2x112xi32, #tpu.memory_space<vmem>>, vector<16xi32>,
        tpu.vector_store %arg7[%swap3A_406, %swap3A_407], %shift_right_logical3A_404 {strides = array<i32>} : memref<2x112xi32, #tpu.memory_space<vmem>>, vector<16xi32>,
        %and3A_409 = arith.constant 65535 : i32
        %and3A_410 = vector.broadcast %and3A_409 : i32 to vector<16xi32>
        %and3A_411 = arith.andi %get3A_401, %and3A_410 : vector<16xi32>
        %swap3A_412 = arith.constant 1 : i32
        %swap3A_413 = arith.index_cast %swap3A_412 : i32 to index
        %swap3A_414 = arith.constant 48 : index
        %swap3A_415 = tpu.vector_load %arg6[%swap3A_413, %swap3A_414] {strides = array<i32>} : memref<2x112xi32, #tpu.memory_space<vmem>>, vector<16xi32>,
        tpu.vector_store %arg6[%swap3A_413, %swap3A_414], %and3A_411 {strides = array<i32>} : memref<2x112xi32, #tpu.memory_space<vmem>>, vector<16xi32>,
        %get3A_416 = arith.index_cast %add3A_347 : i32 to index
        %get3A_417 = arith.constant 64 : index
        %get3A_418 = tpu.vector_load %arg5[%get3A_416, %get3A_417] {strides = array<i32>} : memref<90x112xi32, #tpu.memory_space<vmem>>, vector<16xi32>,
        %shift_right_logical3A_419 = arith.constant 16 : i32
        %shift_right_logical3A_420 = vector.broadcast %shift_right_logical3A_419 : i32 to vector<16xi32>
        %shift_right_logical3A_421 = arith.shrui %get3A_418, %shift_right_logical3A_420 : vector<16xi32>
        %swap3A_422 = arith.constant 1 : i32
        %swap3A_423 = arith.index_cast %swap3A_422 : i32 to index
        %swap3A_424 = arith.constant 64 : index
        %swap3A_425 = tpu.vector_load %arg7[%swap3A_423, %swap3A_424] {strides = array<i32>} : memref<2x112xi32, #tpu.memory_space<vmem>>, vector<16xi32>,
        tpu.vector_store %arg7[%swap3A_423, %swap3A_424], %shift_right_logical3A_421 {strides = array<i32>} : memref<2x112xi32, #tpu.memory_space<vmem>>, vector<16xi32>,
        %and3A_426 = arith.constant 65535 : i32
        %and3A_427 = vector.broadcast %and3A_426 : i32 to vector<16xi32>
        %and3A_428 = arith.andi %get3A_418, %and3A_427 : vector<16xi32>
        %swap3A_429 = arith.constant 1 : i32
        %swap3A_430 = arith.index_cast %swap3A_429 : i32 to index
        %swap3A_431 = arith.constant 64 : index
        %swap3A_432 = tpu.vector_load %arg6[%swap3A_430, %swap3A_431] {strides = array<i32>} : memref<2x112xi32, #tpu.memory_space<vmem>>, vector<16xi32>,
        tpu.vector_store %arg6[%swap3A_430, %swap3A_431], %and3A_428 {strides = array<i32>} : memref<2x112xi32, #tpu.memory_space<vmem>>, vector<16xi32>,
        %get3A_433 = arith.index_cast %add3A_347 : i32 to index
        %get3A_434 = arith.constant 80 : index
        %get3A_435 = tpu.vector_load %arg5[%get3A_433, %get3A_434] {strides = array<i32>} : memref<90x112xi32, #tpu.memory_space<vmem>>, vector<16xi32>,
        %shift_right_logical3A_436 = arith.constant 16 : i32
        %shift_right_logical3A_437 = vector.broadcast %shift_right_logical3A_436 : i32 to vector<16xi32>
        %shift_right_logical3A_438 = arith.shrui %get3A_435, %shift_right_logical3A_437 : vector<16xi32>
        %swap3A_439 = arith.constant 1 : i32
        %swap3A_440 = arith.index_cast %swap3A_439 : i32 to index
        %swap3A_441 = arith.constant 80 : index
        %swap3A_442 = tpu.vector_load %arg7[%swap3A_440, %swap3A_441] {strides = array<i32>} : memref<2x112xi32, #tpu.memory_space<vmem>>, vector<16xi32>,
        tpu.vector_store %arg7[%swap3A_440, %swap3A_441], %shift_right_logical3A_438 {strides = array<i32>} : memref<2x112xi32, #tpu.memory_space<vmem>>, vector<16xi32>,
        %and3A_443 = arith.constant 65535 : i32
        %and3A_444 = vector.broadcast %and3A_443 : i32 to vector<16xi32>
        %and3A_445 = arith.andi %get3A_435, %and3A_444 : vector<16xi32>
        %swap3A_446 = arith.constant 1 : i32
        %swap3A_447 = arith.index_cast %swap3A_446 : i32 to index
        %swap3A_448 = arith.constant 80 : index
        %swap3A_449 = tpu.vector_load %arg6[%swap3A_447, %swap3A_448] {strides = array<i32>} : memref<2x112xi32, #tpu.memory_space<vmem>>, vector<16xi32>,
        tpu.vector_store %arg6[%swap3A_447, %swap3A_448], %and3A_445 {strides = array<i32>} : memref<2x112xi32, #tpu.memory_space<vmem>>, vector<16xi32>,
        %get3A_450 = arith.index_cast %add3A_347 : i32 to index
        %get3A_451 = arith.constant 96 : index
        %get3A_452 = tpu.vector_load %arg5[%get3A_450, %get3A_451] {strides = array<i32>} : memref<90x112xi32, #tpu.memory_space<vmem>>, vector<16xi32>,
        %shift_right_logical3A_453 = arith.constant 16 : i32
        %shift_right_logical3A_454 = vector.broadcast %shift_right_logical3A_453 : i32 to vector<16xi32>
        %shift_right_logical3A_455 = arith.shrui %get3A_452, %shift_right_logical3A_454 : vector<16xi32>
        %swap3A_456 = arith.constant 1 : i32
        %swap3A_457 = arith.index_cast %swap3A_456 : i32 to index
        %swap3A_458 = arith.constant 96 : index
        %swap3A_459 = tpu.vector_load %arg7[%swap3A_457, %swap3A_458] {strides = array<i32>} : memref<2x112xi32, #tpu.memory_space<vmem>>, vector<16xi32>,
        tpu.vector_store %arg7[%swap3A_457, %swap3A_458], %shift_right_logical3A_455 {strides = array<i32>} : memref<2x112xi32, #tpu.memory_space<vmem>>, vector<16xi32>,
        %and3A_460 = arith.constant 65535 : i32
        %and3A_461 = vector.broadcast %and3A_460 : i32 to vector<16xi32>
        %and3A_462 = arith.andi %get3A_452, %and3A_461 : vector<16xi32>
        %swap3A_463 = arith.constant 1 : i32
        %swap3A_464 = arith.index_cast %swap3A_463 : i32 to index
        %swap3A_465 = arith.constant 96 : index
        %swap3A_466 = tpu.vector_load %arg6[%swap3A_464, %swap3A_465] {strides = array<i32>} : memref<2x112xi32, #tpu.memory_space<vmem>>, vector<16xi32>,
        tpu.vector_store %arg6[%swap3A_464, %swap3A_465], %and3A_462 {strides = array<i32>} : memref<2x112xi32, #tpu.memory_space<vmem>>, vector<16xi32>,
        %dma_start3A_467 = arith.constant 1 : i32
        %dma_start3A_468 = arith.constant 1 : i32
        %dma_start3A_469 = arith.constant 0 : i32
        %dma_start3A_470 = arith.constant 0 : i32
        %dma_start3A_471 = tpu.memref_slice %arg8[%dma_start3A_468, %dma_start3A_469, %dma_start3A_470] : memref<2x112x128xf32, #tpu.memory_space<vmem>> -> memref<1x112x128xf32, #tpu.memory_space<vmem>>
        %dma_start3A_472 = tpu.memref_squeeze %dma_start3A_471 : memref<1x112x128xf32, #tpu.memory_space<vmem>> -> memref<112x128xf32, #tpu.memory_space<vmem>>
        %dma_start3A_473 = arith.constant 0 : i32
        %dma_start3A_474 = tpu.memref_slice %arg6[%dma_start3A_467, %dma_start3A_473] : memref<2x112xi32, #tpu.memory_space<vmem>> -> memref<1x112xi32, #tpu.memory_space<vmem>>
        %dma_start3A_475 = tpu.memref_squeeze %dma_start3A_474 : memref<1x112xi32, #tpu.memory_space<vmem>> -> memref<112xi32, #tpu.memory_space<vmem>>
        %dma_start3A_476 = arith.constant 0 : i32
        %dma_start3A_477 = arith.constant 0 : i32
        %dma_start3A_478 = tpu.memref_slice %arg2[%dma_start3A_476, %dma_start3A_477] : memref<10240x128xf32, #tpu.memory_space<hbm>> -> memref<10240x128xf32, #tpu.memory_space<hbm>>
        tpu.enqueue_indirect_dma source(%dma_start3A_478 : memref<10240x128xf32, #tpu.memory_space<hbm>>) target(%dma_start3A_472 : memref<112x128xf32, #tpu.memory_space<vmem>>) offsets(%dma_start3A_475 : memref<112xi32, #tpu.memory_space<vmem>>) semaphore(%arg10 : memref<!tpu.dma_semaphore, #tpu.memory_space<semaphore_mem>>)
      } else {
      }
      %scan3A_345 = arith.constant 0 : i32
      scf.yield %scan3A_345 : i32
    }
    %scan3A_284 = arith.constant 45 : i32
    %barrier3A_285 = arith.constant 0 : index
    tpu.barrier barrier_id(%barrier3A_285)
    %mul3A_286 = arith.constant 640 : i32
    %mul3A_287 = arith.muli %arg1, %mul3A_286 : i32
    %mul3A_288 = arith.constant 640 : i32
    %mul3A_289 = arith.muli %arg1, %mul3A_288 : i32
    "tpu.region"() ({
      %run_scoped3A = tpu.sem_alloc : memref<!tpu.dma_semaphore, #tpu.memory_space<semaphore_mem>>
      %dma_start3A_290 = arith.constant 0 : i32
      %dma_start3A_291 = tpu.memref_slice %arg4[%arg0, %mul3A_289, %dma_start3A_290] : memref<2x10240x128xf32, #tpu.memory_space<hbm>> -> memref<1x640x128xf32, #tpu.memory_space<hbm>>
      %dma_start3A_292 = tpu.memref_squeeze %dma_start3A_291 : memref<1x640x128xf32, #tpu.memory_space<hbm>> -> memref<640x128xf32, #tpu.memory_space<hbm>>
      %dma_start3A_293 = arith.constant 0 : i32
      %dma_start3A_294 = tpu.memref_slice %arg11[%mul3A_287, %dma_start3A_293] : memref<10240x128xf32, #tpu.memory_space<vmem_shared>> -> memref<640x128xf32, #tpu.memory_space<vmem_shared>>
      tpu.enqueue_dma source(%dma_start3A_294 : memref<640x128xf32, #tpu.memory_space<vmem_shared>>) target(%dma_start3A_292 : memref<640x128xf32, #tpu.memory_space<hbm>>) target_semaphore(%run_scoped3A : memref<!tpu.dma_semaphore, #tpu.memory_space<semaphore_mem>>)
      %dma_wait3A = arith.constant 0 : i32
      %dma_wait3A_295 = tpu.memref_slice %arg4[%arg0, %mul3A_289, %dma_wait3A] : memref<2x10240x128xf32, #tpu.memory_space<hbm>> -> memref<1x640x128xf32, #tpu.memory_space<hbm>>
      %dma_wait3A_296 = tpu.memref_squeeze %dma_wait3A_295 : memref<1x640x128xf32, #tpu.memory_space<hbm>> -> memref<640x128xf32, #tpu.memory_space<hbm>>
      %dma_wait3A_297 = arith.constant 0 : i32
      %dma_wait3A_298 = tpu.memref_slice %arg11[%mul3A_287, %dma_wait3A_297] : memref<10240x128xf32, #tpu.memory_space<vmem_shared>> -> memref<640x128xf32, #tpu.memory_space<vmem_shared>>
      tpu.wait_dma2 semaphore(%run_scoped3A : memref<!tpu.dma_semaphore, #tpu.memory_space<semaphore_mem>>) src(%dma_wait3A_298 : memref<640x128xf32, #tpu.memory_space<vmem_shared>>) dst(%dma_wait3A_296 : memref<640x128xf32, #tpu.memory_space<hbm>>)
      tpu.yield
    }) : () -> ()
    return
  }
}

module attributes {stable_mosaic.version = 14 : i64} {
  func.func @_scale_body(%arg0: i32, %arg1: memref<256x128xf32, #tpu.memory_space<vmem>>, %arg2: memref<256x1xf32, #tpu.memory_space<vmem>>, %arg3: memref<256x1xf32, #tpu.memory_space<vmem>>, %arg4: memref<256x128xf32, #tpu.memory_space<vmem>>) attributes {dimension_semantics = [#tpu.dimension_semantics<arbitrary>], iteration_bounds = array<i64: 40>, scalar_prefetch = 0 : i64, scratch_operands = 0 : i64, tpu.core_type = #tpu.core_type<tc>, window_params = [{transform_indices = @transform_0, window_bounds = array<i64: 256, 128>}, {transform_indices = @transform_1, window_bounds = array<i64: 256, 1>}, {transform_indices = @transform_2, window_bounds = array<i64: 256, 1>}, {transform_indices = @transform_3, window_bounds = array<i64: 256, 128>}]} {
    %get3A = arith.constant 0 : index
    %get3A_0 = arith.constant 0 : index
    %get3A_1 = vector.load %arg1[%get3A, %get3A_0] : memref<256x128xf32, #tpu.memory_space<vmem>>, vector<256x128xf32>
    %mul3A = arith.constant 256 : i32
    %mul3A_2 = arith.muli %arg0, %mul3A : i32
    %iota3A = tpu.iota {dimensions = array<i32: 0>} : vector<256x1xi32>
    %add3A = vector.broadcast %mul3A_2 : i32 to vector<256x1xi32>
    %add3A_3 = arith.addi %add3A, %iota3A : vector<256x1xi32>
    %get3A_4 = arith.constant 0 : index
    %get3A_5 = arith.constant 0 : index
    %get3A_6 = vector.load %arg2[%get3A_4, %get3A_5] : memref<256x1xf32, #tpu.memory_space<vmem>>, vector<256x1xf32>
    %get3A_7 = arith.constant 0 : index
    %get3A_8 = arith.constant 0 : index
    %get3A_9 = vector.load %arg3[%get3A_7, %get3A_8] : memref<256x1xf32, #tpu.memory_space<vmem>>, vector<256x1xf32>
    %add3A_10 = arith.addf %get3A_6, %get3A_9 : vector<256x1xf32>
    %add3A_11 = arith.constant 1.000000e+00 : f32
    %add3A_12 = vector.broadcast %add3A_11 : f32 to vector<256x1xf32>
    %add3A_13 = arith.addf %add3A_10, %add3A_12 : vector<256x1xf32>
    %lt3A = arith.constant 10000 : i32
    %lt3A_14 = vector.broadcast %lt3A : i32 to vector<256x1xi32>
    %lt3A_15 = arith.cmpi slt, %add3A_3, %lt3A_14 : vector<256x1xi32>
    %rsqrt3A = math.rsqrt %add3A_13 : vector<256x1xf32>
    %jit3A = arith.constant 0.000000e+00 : f32
    %broadcast_in_dim3A = vector.broadcast %jit3A : f32 to vector<256x1xf32>
    %select_n3A = arith.select %lt3A_15, %rsqrt3A, %broadcast_in_dim3A : vector<256x1xi1>, vector<256x1xf32>
    %mul3A_16 = vector.broadcast %select_n3A : vector<256x1xf32> to vector<256x128xf32>
    %mul3A_17 = arith.mulf %get3A_1, %mul3A_16 : vector<256x128xf32>
    %swap3A = arith.constant 0 : index
    %swap3A_18 = arith.constant 0 : index
    %swap3A_19 = vector.load %arg4[%swap3A, %swap3A_18] : memref<256x128xf32, #tpu.memory_space<vmem>>, vector<256x128xf32>
    tpu.vector_store %arg4[%swap3A, %swap3A_18], %mul3A_17 {strides = array<i32>} : memref<256x128xf32, #tpu.memory_space<vmem>>, vector<256x128xf32>,
    return
  }
  func.func @transform_0(%arg0: i32) -> (i32, i32) {
    %c0_i32 = arith.constant 0 : i32
    %c0_i32_0 = arith.constant 0 : i32
    return %arg0, %c0_i32 : i32, i32
  }
  func.func @transform_1(%arg0: i32) -> (i32, i32) {
    %c0_i32 = arith.constant 0 : i32
    %c0_i32_0 = arith.constant 0 : i32
    return %arg0, %c0_i32 : i32, i32
  }
  func.func @transform_2(%arg0: i32) -> (i32, i32) {
    %c0_i32 = arith.constant 0 : i32
    %c0_i32_0 = arith.constant 0 : i32
    return %arg0, %c0_i32 : i32, i32
  }
  func.func @transform_3(%arg0: i32) -> (i32, i32) {
    %c0_i32 = arith.constant 0 : i32
    %c0_i32_0 = arith.constant 0 : i32
    return %arg0, %c0_i32 : i32, i32
  }
}

module attributes {stable_mosaic.version = 14 : i64} {
  func.func @_mm1_body(%arg0: i32, %arg1: memref<256x128xf32, #tpu.memory_space<vmem>>, %arg2: memref<256x128xf32, #tpu.memory_space<vmem>>, %arg3: memref<256x1xf32, #tpu.memory_space<vmem>>, %arg4: memref<256x1xf32, #tpu.memory_space<vmem>>, %arg5: memref<128x512xf32, #tpu.memory_space<vmem>>, %arg6: memref<1x512xf32, #tpu.memory_space<vmem>>, %arg7: memref<256x512xf32, #tpu.memory_space<vmem>>) attributes {dimension_semantics = [#tpu.dimension_semantics<arbitrary>], iteration_bounds = array<i64: 40>, scalar_prefetch = 0 : i64, scratch_operands = 0 : i64, tpu.core_type = #tpu.core_type<tc>, window_params = [{transform_indices = @transform_0, window_bounds = array<i64: 256, 128>}, {transform_indices = @transform_1, window_bounds = array<i64: 256, 128>}, {transform_indices = @transform_2, window_bounds = array<i64: 256, 1>}, {transform_indices = @transform_3, window_bounds = array<i64: 256, 1>}, {pipeline_mode = #tpu.pipeline_mode<synchronous>, transform_indices = @transform_4, window_bounds = array<i64: 128, 512>}, {pipeline_mode = #tpu.pipeline_mode<synchronous>, transform_indices = @transform_5, window_bounds = array<i64: 1, 512>}, {transform_indices = @transform_6, window_bounds = array<i64: 256, 512>}]} {
    %get3A = arith.constant 0 : index
    %get3A_0 = arith.constant 0 : index
    %get3A_1 = vector.load %arg1[%get3A, %get3A_0] : memref<256x128xf32, #tpu.memory_space<vmem>>, vector<256x128xf32>
    %get3A_2 = arith.constant 0 : index
    %get3A_3 = arith.constant 0 : index
    %get3A_4 = vector.load %arg2[%get3A_2, %get3A_3] : memref<256x128xf32, #tpu.memory_space<vmem>>, vector<256x128xf32>
    %add3A = arith.addf %get3A_1, %get3A_4 : vector<256x128xf32>
    %mul3A = arith.constant 256 : i32
    %mul3A_5 = arith.muli %arg0, %mul3A : i32
    %iota3A = tpu.iota {dimensions = array<i32: 0>} : vector<256x1xi32>
    %add3A_6 = vector.broadcast %mul3A_5 : i32 to vector<256x1xi32>
    %add3A_7 = arith.addi %add3A_6, %iota3A : vector<256x1xi32>
    %get3A_8 = arith.constant 0 : index
    %get3A_9 = arith.constant 0 : index
    %get3A_10 = vector.load %arg3[%get3A_8, %get3A_9] : memref<256x1xf32, #tpu.memory_space<vmem>>, vector<256x1xf32>
    %get3A_11 = arith.constant 0 : index
    %get3A_12 = arith.constant 0 : index
    %get3A_13 = vector.load %arg4[%get3A_11, %get3A_12] : memref<256x1xf32, #tpu.memory_space<vmem>>, vector<256x1xf32>
    %add3A_14 = arith.addf %get3A_10, %get3A_13 : vector<256x1xf32>
    %add3A_15 = arith.constant 1.000000e+00 : f32
    %add3A_16 = vector.broadcast %add3A_15 : f32 to vector<256x1xf32>
    %add3A_17 = arith.addf %add3A_14, %add3A_16 : vector<256x1xf32>
    %lt3A = arith.constant 10000 : i32
    %lt3A_18 = vector.broadcast %lt3A : i32 to vector<256x1xi32>
    %lt3A_19 = arith.cmpi slt, %add3A_7, %lt3A_18 : vector<256x1xi32>
    %rsqrt3A = math.rsqrt %add3A_17 : vector<256x1xf32>
    %jit3A = arith.constant 0.000000e+00 : f32
    %broadcast_in_dim3A = vector.broadcast %jit3A : f32 to vector<256x1xf32>
    %select_n3A = arith.select %lt3A_19, %rsqrt3A, %broadcast_in_dim3A : vector<256x1xi1>, vector<256x1xf32>
    %mul3A_20 = vector.broadcast %select_n3A : vector<256x1xf32> to vector<256x128xf32>
    %mul3A_21 = arith.mulf %add3A, %mul3A_20 : vector<256x128xf32>
    %get3A_22 = arith.constant 0 : index
    %get3A_23 = arith.constant 0 : index
    %get3A_24 = vector.load %arg5[%get3A_22, %get3A_23] : memref<128x512xf32, #tpu.memory_space<vmem>>, vector<128x512xf32>
    %dot_general3A = arith.constant dense<0.000000e+00> : vector<256x512xf32>
    %dot_general3A_25 = tpu.matmul %mul3A_21, %get3A_24, %dot_general3A {dimension_numbers = #tpu.dot_dimension_numbers<[1], [0], [0], [1], [0, 0, 1, 1], [], []>, transpose_lhs_hint = false} : vector<256x128xf32>, vector<128x512xf32>, vector<256x512xf32> -> vector<256x512xf32>
    %get3A_26 = arith.constant 0 : index
    %get3A_27 = arith.constant 0 : index
    %get3A_28 = vector.load %arg6[%get3A_26, %get3A_27] : memref<1x512xf32, #tpu.memory_space<vmem>>, vector<1x512xf32>
    %add3A_29 = vector.broadcast %get3A_28 : vector<1x512xf32> to vector<256x512xf32>
    %add3A_30 = arith.addf %dot_general3A_25, %add3A_29 : vector<256x512xf32>
    %max3A = arith.constant 0.000000e+00 : f32
    %max3A_31 = vector.broadcast %max3A : f32 to vector<256x512xf32>
    %max3A_32 = arith.maximumf %add3A_30, %max3A_31 : vector<256x512xf32>
    %swap3A = arith.constant 0 : index
    %swap3A_33 = arith.constant 0 : index
    %swap3A_34 = vector.load %arg7[%swap3A, %swap3A_33] : memref<256x512xf32, #tpu.memory_space<vmem>>, vector<256x512xf32>
    tpu.vector_store %arg7[%swap3A, %swap3A_33], %max3A_32 {strides = array<i32>} : memref<256x512xf32, #tpu.memory_space<vmem>>, vector<256x512xf32>,
    return
  }
  func.func @transform_0(%arg0: i32) -> (i32, i32) {
    %c0_i32 = arith.constant 0 : i32
    %c0_i32_0 = arith.constant 0 : i32
    return %arg0, %c0_i32 : i32, i32
  }
  func.func @transform_1(%arg0: i32) -> (i32, i32) {
    %c0_i32 = arith.constant 0 : i32
    %c0_i32_0 = arith.constant 0 : i32
    return %arg0, %c0_i32 : i32, i32
  }
  func.func @transform_2(%arg0: i32) -> (i32, i32) {
    %c0_i32 = arith.constant 0 : i32
    %c0_i32_0 = arith.constant 0 : i32
    return %arg0, %c0_i32 : i32, i32
  }
  func.func @transform_3(%arg0: i32) -> (i32, i32) {
    %c0_i32 = arith.constant 0 : i32
    %c0_i32_0 = arith.constant 0 : i32
    return %arg0, %c0_i32 : i32, i32
  }
  func.func @transform_4(%arg0: i32) -> (i32, i32) {
    %c0_i32 = arith.constant 0 : i32
    %c0_i32_0 = arith.constant 0 : i32
    %c0_i32_1 = arith.constant 0 : i32
    return %c0_i32, %c0_i32_0 : i32, i32
  }
  func.func @transform_5(%arg0: i32) -> (i32, i32) {
    %c0_i32 = arith.constant 0 : i32
    %c0_i32_0 = arith.constant 0 : i32
    %c0_i32_1 = arith.constant 0 : i32
    return %c0_i32, %c0_i32_0 : i32, i32
  }
  func.func @transform_6(%arg0: i32) -> (i32, i32) {
    %c0_i32 = arith.constant 0 : i32
    %c0_i32_0 = arith.constant 0 : i32
    return %arg0, %c0_i32 : i32, i32
  }
}

module attributes {stable_mosaic.version = 14 : i64} {
  func.func @_mm2_body(%arg0: i32, %arg1: memref<256x512xf32, #tpu.memory_space<vmem>>, %arg2: memref<256x1xf32, #tpu.memory_space<vmem>>, %arg3: memref<256x1xf32, #tpu.memory_space<vmem>>, %arg4: memref<512x128xf32, #tpu.memory_space<vmem>>, %arg5: memref<256x128xf32, #tpu.memory_space<vmem>>) attributes {dimension_semantics = [#tpu.dimension_semantics<arbitrary>], iteration_bounds = array<i64: 40>, scalar_prefetch = 0 : i64, scratch_operands = 0 : i64, tpu.core_type = #tpu.core_type<tc>, window_params = [{transform_indices = @transform_0, window_bounds = array<i64: 256, 512>}, {transform_indices = @transform_1, window_bounds = array<i64: 256, 1>}, {transform_indices = @transform_2, window_bounds = array<i64: 256, 1>}, {pipeline_mode = #tpu.pipeline_mode<synchronous>, transform_indices = @transform_3, window_bounds = array<i64: 512, 128>}, {transform_indices = @transform_4, window_bounds = array<i64: 256, 128>}]} {
    %get3A = arith.constant 0 : index
    %get3A_0 = arith.constant 0 : index
    %get3A_1 = vector.load %arg1[%get3A, %get3A_0] : memref<256x512xf32, #tpu.memory_space<vmem>>, vector<256x512xf32>
    %get3A_2 = arith.constant 0 : index
    %get3A_3 = arith.constant 0 : index
    %get3A_4 = vector.load %arg4[%get3A_2, %get3A_3] : memref<512x128xf32, #tpu.memory_space<vmem>>, vector<512x128xf32>
    %dot_general3A = arith.constant dense<0.000000e+00> : vector<256x128xf32>
    %dot_general3A_5 = tpu.matmul %get3A_1, %get3A_4, %dot_general3A {dimension_numbers = #tpu.dot_dimension_numbers<[1], [0], [0], [1], [0, 0, 1, 1], [], []>, transpose_lhs_hint = false} : vector<256x512xf32>, vector<512x128xf32>, vector<256x128xf32> -> vector<256x128xf32>
    %mul3A = arith.constant 256 : i32
    %mul3A_6 = arith.muli %arg0, %mul3A : i32
    %iota3A = tpu.iota {dimensions = array<i32: 0>} : vector<256x1xi32>
    %add3A = vector.broadcast %mul3A_6 : i32 to vector<256x1xi32>
    %add3A_7 = arith.addi %add3A, %iota3A : vector<256x1xi32>
    %get3A_8 = arith.constant 0 : index
    %get3A_9 = arith.constant 0 : index
    %get3A_10 = vector.load %arg2[%get3A_8, %get3A_9] : memref<256x1xf32, #tpu.memory_space<vmem>>, vector<256x1xf32>
    %get3A_11 = arith.constant 0 : index
    %get3A_12 = arith.constant 0 : index
    %get3A_13 = vector.load %arg3[%get3A_11, %get3A_12] : memref<256x1xf32, #tpu.memory_space<vmem>>, vector<256x1xf32>
    %add3A_14 = arith.addf %get3A_10, %get3A_13 : vector<256x1xf32>
    %add3A_15 = arith.constant 1.000000e+00 : f32
    %add3A_16 = vector.broadcast %add3A_15 : f32 to vector<256x1xf32>
    %add3A_17 = arith.addf %add3A_14, %add3A_16 : vector<256x1xf32>
    %lt3A = arith.constant 10000 : i32
    %lt3A_18 = vector.broadcast %lt3A : i32 to vector<256x1xi32>
    %lt3A_19 = arith.cmpi slt, %add3A_7, %lt3A_18 : vector<256x1xi32>
    %rsqrt3A = math.rsqrt %add3A_17 : vector<256x1xf32>
    %jit3A = arith.constant 0.000000e+00 : f32
    %broadcast_in_dim3A = vector.broadcast %jit3A : f32 to vector<256x1xf32>
    %select_n3A = arith.select %lt3A_19, %rsqrt3A, %broadcast_in_dim3A : vector<256x1xi1>, vector<256x1xf32>
    %mul3A_20 = vector.broadcast %select_n3A : vector<256x1xf32> to vector<256x128xf32>
    %mul3A_21 = arith.mulf %dot_general3A_5, %mul3A_20 : vector<256x128xf32>
    %swap3A = arith.constant 0 : index
    %swap3A_22 = arith.constant 0 : index
    %swap3A_23 = vector.load %arg5[%swap3A, %swap3A_22] : memref<256x128xf32, #tpu.memory_space<vmem>>, vector<256x128xf32>
    tpu.vector_store %arg5[%swap3A, %swap3A_22], %mul3A_21 {strides = array<i32>} : memref<256x128xf32, #tpu.memory_space<vmem>>, vector<256x128xf32>,
    return
  }
  func.func @transform_0(%arg0: i32) -> (i32, i32) {
    %c0_i32 = arith.constant 0 : i32
    %c0_i32_0 = arith.constant 0 : i32
    return %arg0, %c0_i32 : i32, i32
  }
  func.func @transform_1(%arg0: i32) -> (i32, i32) {
    %c0_i32 = arith.constant 0 : i32
    %c0_i32_0 = arith.constant 0 : i32
    return %arg0, %c0_i32 : i32, i32
  }
  func.func @transform_2(%arg0: i32) -> (i32, i32) {
    %c0_i32 = arith.constant 0 : i32
    %c0_i32_0 = arith.constant 0 : i32
    return %arg0, %c0_i32 : i32, i32
  }
  func.func @transform_3(%arg0: i32) -> (i32, i32) {
    %c0_i32 = arith.constant 0 : i32
    %c0_i32_0 = arith.constant 0 : i32
    %c0_i32_1 = arith.constant 0 : i32
    return %c0_i32, %c0_i32_0 : i32, i32
  }
  func.func @transform_4(%arg0: i32) -> (i32, i32) {
    %c0_i32 = arith.constant 0 : i32
    %c0_i32_0 = arith.constant 0 : i32
    return %arg0, %c0_i32 : i32, i32
  }
}

module attributes {stable_mosaic.version = 14 : i64} {
  func.func @_final_body(%arg0: i32, %arg1: memref<256x128xf32, #tpu.memory_space<vmem>>, %arg2: memref<256x128xf32, #tpu.memory_space<vmem>>, %arg3: memref<256x1xf32, #tpu.memory_space<vmem>>, %arg4: memref<256x1xf32, #tpu.memory_space<vmem>>, %arg5: memref<1x128xf32, #tpu.memory_space<vmem>>, %arg6: memref<128x128xf32, #tpu.memory_space<vmem>>, %arg7: memref<1x128xf32, #tpu.memory_space<vmem>>, %arg8: memref<1x128xf32, #tpu.memory_space<vmem>>, %arg9: memref<1x128xf32, #tpu.memory_space<vmem>>) attributes {dimension_semantics = [#tpu.dimension_semantics<arbitrary>], iteration_bounds = array<i64: 40>, scalar_prefetch = 0 : i64, scratch_operands = 1 : i64, tpu.core_type = #tpu.core_type<tc>, window_params = [{transform_indices = @transform_0, window_bounds = array<i64: 256, 128>}, {transform_indices = @transform_1, window_bounds = array<i64: 256, 128>}, {transform_indices = @transform_2, window_bounds = array<i64: 256, 1>}, {transform_indices = @transform_3, window_bounds = array<i64: 256, 1>}, {pipeline_mode = #tpu.pipeline_mode<synchronous>, transform_indices = @transform_4, window_bounds = array<i64: 1, 128>}, {pipeline_mode = #tpu.pipeline_mode<synchronous>, transform_indices = @transform_5, window_bounds = array<i64: 128, 128>}, {pipeline_mode = #tpu.pipeline_mode<synchronous>, transform_indices = @transform_6, window_bounds = array<i64: 1, 128>}, {pipeline_mode = #tpu.pipeline_mode<synchronous>, transform_indices = @transform_7, window_bounds = array<i64: 1, 128>}]} {
    %mul3A = arith.constant 256 : i32
    %mul3A_0 = arith.muli %arg0, %mul3A : i32
    %iota3A = tpu.iota {dimensions = array<i32: 0>} : vector<256x1xi32>
    %add3A = vector.broadcast %mul3A_0 : i32 to vector<256x1xi32>
    %add3A_1 = arith.addi %add3A, %iota3A : vector<256x1xi32>
    %get3A = arith.constant 0 : index
    %get3A_2 = arith.constant 0 : index
    %get3A_3 = vector.load %arg1[%get3A, %get3A_2] : memref<256x128xf32, #tpu.memory_space<vmem>>, vector<256x128xf32>
    %get3A_4 = arith.constant 0 : index
    %get3A_5 = arith.constant 0 : index
    %get3A_6 = vector.load %arg2[%get3A_4, %get3A_5] : memref<256x128xf32, #tpu.memory_space<vmem>>, vector<256x128xf32>
    %add3A_7 = arith.addf %get3A_3, %get3A_6 : vector<256x128xf32>
    %mul3A_8 = arith.constant 256 : i32
    %mul3A_9 = arith.muli %arg0, %mul3A_8 : i32
    %iota3A_10 = tpu.iota {dimensions = array<i32: 0>} : vector<256x1xi32>
    %add3A_11 = vector.broadcast %mul3A_9 : i32 to vector<256x1xi32>
    %add3A_12 = arith.addi %add3A_11, %iota3A_10 : vector<256x1xi32>
    %get3A_13 = arith.constant 0 : index
    %get3A_14 = arith.constant 0 : index
    %get3A_15 = vector.load %arg3[%get3A_13, %get3A_14] : memref<256x1xf32, #tpu.memory_space<vmem>>, vector<256x1xf32>
    %get3A_16 = arith.constant 0 : index
    %get3A_17 = arith.constant 0 : index
    %get3A_18 = vector.load %arg4[%get3A_16, %get3A_17] : memref<256x1xf32, #tpu.memory_space<vmem>>, vector<256x1xf32>
    %add3A_19 = arith.addf %get3A_15, %get3A_18 : vector<256x1xf32>
    %add3A_20 = arith.constant 1.000000e+00 : f32
    %add3A_21 = vector.broadcast %add3A_20 : f32 to vector<256x1xf32>
    %add3A_22 = arith.addf %add3A_19, %add3A_21 : vector<256x1xf32>
    %lt3A = arith.constant 10000 : i32
    %lt3A_23 = vector.broadcast %lt3A : i32 to vector<256x1xi32>
    %lt3A_24 = arith.cmpi slt, %add3A_12, %lt3A_23 : vector<256x1xi32>
    %rsqrt3A = math.rsqrt %add3A_22 : vector<256x1xf32>
    %jit3A = arith.constant 0.000000e+00 : f32
    %broadcast_in_dim3A = vector.broadcast %jit3A : f32 to vector<256x1xf32>
    %select_n3A = arith.select %lt3A_24, %rsqrt3A, %broadcast_in_dim3A : vector<256x1xi1>, vector<256x1xf32>
    %mul3A_25 = vector.broadcast %select_n3A : vector<256x1xf32> to vector<256x128xf32>
    %mul3A_26 = arith.mulf %add3A_7, %mul3A_25 : vector<256x128xf32>
    %get3A_27 = arith.constant 0 : index
    %get3A_28 = arith.constant 0 : index
    %get3A_29 = vector.load %arg5[%get3A_27, %get3A_28] : memref<1x128xf32, #tpu.memory_space<vmem>>, vector<1x128xf32>
    %add3A_30 = vector.broadcast %get3A_29 : vector<1x128xf32> to vector<256x128xf32>
    %add3A_31 = arith.addf %mul3A_26, %add3A_30 : vector<256x128xf32>
    %lt3A_32 = arith.constant 10000 : i32
    %lt3A_33 = vector.broadcast %lt3A_32 : i32 to vector<256x1xi32>
    %lt3A_34 = arith.cmpi slt, %add3A_1, %lt3A_33 : vector<256x1xi32>
    %max3A = arith.constant 0.000000e+00 : f32
    %max3A_35 = vector.broadcast %max3A : f32 to vector<256x128xf32>
    %max3A_36 = arith.maximumf %add3A_31, %max3A_35 : vector<256x128xf32>
    %jit3A_37 = arith.constant 0.000000e+00 : f32
    %broadcast_in_dim3A_38 = vector.shape_cast %lt3A_34 : vector<256x1xi1> to vector<256x1xi1>
    %broadcast_in_dim3A_39 = vector.broadcast %broadcast_in_dim3A_38 : vector<256x1xi1> to vector<256x128xi1>
    %broadcast_in_dim3A_40 = vector.broadcast %jit3A_37 : f32 to vector<256x128xf32>
    %select_n3A_41 = arith.select %broadcast_in_dim3A_39, %max3A_36, %broadcast_in_dim3A_40 : vector<256x128xi1>, vector<256x128xf32>
    %eq3A = arith.constant 0 : i32
    %eq3A_42 = arith.cmpi eq, %arg0, %eq3A : i32
    %convert_element_type3A = arith.extui %eq3A_42 : i1 to i32
    %cond3A = arith.constant 0 : i32
    %cond3A_43 = arith.cmpi ne, %convert_element_type3A, %cond3A : i32
    scf.if %cond3A_43 {
      %broadcast_in_dim3A_57 = arith.constant 0.000000e+00 : f32
      %broadcast_in_dim3A_58 = vector.broadcast %broadcast_in_dim3A_57 : f32 to vector<1x128xf32>
      %swap3A_59 = arith.constant 0 : index
      %swap3A_60 = arith.constant 0 : index
      %swap3A_61 = vector.load %arg9[%swap3A_59, %swap3A_60] : memref<1x128xf32, #tpu.memory_space<vmem>>, vector<1x128xf32>
      tpu.vector_store %arg9[%swap3A_59, %swap3A_60], %broadcast_in_dim3A_58 {strides = array<i32>} : memref<1x128xf32, #tpu.memory_space<vmem>>, vector<1x128xf32>,
    } else {
    }
    %get3A_44 = arith.constant 0 : index
    %get3A_45 = arith.constant 0 : index
    %get3A_46 = vector.load %arg9[%get3A_44, %get3A_45] : memref<1x128xf32, #tpu.memory_space<vmem>>, vector<1x128xf32>
    %reduce_sum3A = arith.constant dense<0.000000e+00> : vector<128xf32>
    %reduce_sum3A_47 = vector.multi_reduction <add>, %select_n3A_41, %reduce_sum3A [0] : vector<256x128xf32> to vector<128xf32>
    %broadcast_in_dim3A_48 = vector.shape_cast %reduce_sum3A_47 : vector<128xf32> to vector<1x128xf32>
    %add3A_49 = arith.addf %get3A_46, %broadcast_in_dim3A_48 : vector<1x128xf32>
    %swap3A = arith.constant 0 : index
    %swap3A_50 = arith.constant 0 : index
    %swap3A_51 = vector.load %arg9[%swap3A, %swap3A_50] : memref<1x128xf32, #tpu.memory_space<vmem>>, vector<1x128xf32>
    tpu.vector_store %arg9[%swap3A, %swap3A_50], %add3A_49 {strides = array<i32>} : memref<1x128xf32, #tpu.memory_space<vmem>>, vector<1x128xf32>,
    %eq3A_52 = arith.constant 39 : i32
    %eq3A_53 = arith.cmpi eq, %arg0, %eq3A_52 : i32
    %convert_element_type3A_54 = arith.extui %eq3A_53 : i1 to i32
    %cond3A_55 = arith.constant 0 : i32
    %cond3A_56 = arith.cmpi ne, %convert_element_type3A_54, %cond3A_55 : i32
    scf.if %cond3A_56 {
      %get3A_57 = arith.constant 0 : index
      %get3A_58 = arith.constant 0 : index
      %get3A_59 = vector.load %arg9[%get3A_57, %get3A_58] : memref<1x128xf32, #tpu.memory_space<vmem>>, vector<1x128xf32>
      %mul3A_60 = arith.constant 9.99999974E-5 : f32
      %mul3A_61 = vector.broadcast %mul3A_60 : f32 to vector<1x128xf32>
      %mul3A_62 = arith.mulf %get3A_59, %mul3A_61 : vector<1x128xf32>
      %get3A_63 = arith.constant 0 : index
      %get3A_64 = arith.constant 0 : index
      %get3A_65 = vector.load %arg6[%get3A_63, %get3A_64] : memref<128x128xf32, #tpu.memory_space<vmem>>, vector<128x128xf32>
      %dot_general3A = arith.constant dense<0.000000e+00> : vector<1x128xf32>
      %dot_general3A_66 = tpu.matmul %mul3A_62, %get3A_65, %dot_general3A {dimension_numbers = #tpu.dot_dimension_numbers<[1], [0], [0], [1], [0, 0, 1, 1], [], []>, transpose_lhs_hint = false} : vector<1x128xf32>, vector<128x128xf32>, vector<1x128xf32> -> vector<1x128xf32>
      %get3A_67 = arith.constant 0 : index
      %get3A_68 = arith.constant 0 : index
      %get3A_69 = vector.load %arg7[%get3A_67, %get3A_68] : memref<1x128xf32, #tpu.memory_space<vmem>>, vector<1x128xf32>
      %add3A_70 = arith.addf %dot_general3A_66, %get3A_69 : vector<1x128xf32>
      %logistic3A = arith.negf %add3A_70 : vector<1x128xf32>
      %logistic3A_71 = math.exp %logistic3A : vector<1x128xf32>
      %logistic3A_72 = arith.constant 1.000000e+00 : f32
      %logistic3A_73 = vector.broadcast %logistic3A_72 : f32 to vector<1x128xf32>
      %logistic3A_74 = arith.addf %logistic3A_73, %logistic3A_71 : vector<1x128xf32>
      %logistic3A_75 = arith.divf %logistic3A_73, %logistic3A_74 : vector<1x128xf32>
      %swap3A_76 = arith.constant 0 : index
      %swap3A_77 = arith.constant 0 : index
      %swap3A_78 = vector.load %arg8[%swap3A_76, %swap3A_77] : memref<1x128xf32, #tpu.memory_space<vmem>>, vector<1x128xf32>
      tpu.vector_store %arg8[%swap3A_76, %swap3A_77], %logistic3A_75 {strides = array<i32>} : memref<1x128xf32, #tpu.memory_space<vmem>>, vector<1x128xf32>,
    } else {
    }
    return
  }
  func.func @transform_0(%arg0: i32) -> (i32, i32) {
    %c0_i32 = arith.constant 0 : i32
    %c0_i32_0 = arith.constant 0 : i32
    return %arg0, %c0_i32 : i32, i32
  }
  func.func @transform_1(%arg0: i32) -> (i32, i32) {
    %c0_i32 = arith.constant 0 : i32
    %c0_i32_0 = arith.constant 0 : i32
    return %arg0, %c0_i32 : i32, i32
  }
  func.func @transform_2(%arg0: i32) -> (i32, i32) {
    %c0_i32 = arith.constant 0 : i32
    %c0_i32_0 = arith.constant 0 : i32
    return %arg0, %c0_i32 : i32, i32
  }
  func.func @transform_3(%arg0: i32) -> (i32, i32) {
    %c0_i32 = arith.constant 0 : i32
    %c0_i32_0 = arith.constant 0 : i32
    return %arg0, %c0_i32 : i32, i32
  }
  func.func @transform_4(%arg0: i32) -> (i32, i32) {
    %c0_i32 = arith.constant 0 : i32
    %c0_i32_0 = arith.constant 0 : i32
    %c0_i32_1 = arith.constant 0 : i32
    return %c0_i32, %c0_i32_0 : i32, i32
  }
  func.func @transform_5(%arg0: i32) -> (i32, i32) {
    %c0_i32 = arith.constant 0 : i32
    %c0_i32_0 = arith.constant 0 : i32
    %c0_i32_1 = arith.constant 0 : i32
    return %c0_i32, %c0_i32_0 : i32, i32
  }
  func.func @transform_6(%arg0: i32) -> (i32, i32) {
    %c0_i32 = arith.constant 0 : i32
    %c0_i32_0 = arith.constant 0 : i32
    %c0_i32_1 = arith.constant 0 : i32
    return %c0_i32, %c0_i32_0 : i32, i32
  }
  func.func @transform_7(%arg0: i32) -> (i32, i32) {
    %c0_i32 = arith.constant 0 : i32
    %c0_i32_0 = arith.constant 0 : i32
    %c0_i32_1 = arith.constant 0 : i32
    return %c0_i32, %c0_i32_0 : i32, i32
  }
}

</mosaic_0001>

<sc_bundles>
// kernel: kernel.12.cloned.1.call-start
scs
__scs_entry_jumppad:
0x0: {  	(pc) =	sbr.rel $0x88, $3  }
0x1: {  	(tag) =	ssettag $0x0;
	lr =	simm.s32 $0x1  }
0x2: {  	[smem:$0x3F99] =	sst lr;
	_ =	strace $0xD0000000  }
0x3: {  	_ = 	snop  }
0x4: {  	_ = 	snop  }
0x5: {  	_ = 	snop  }
0x6: {  	_ = 	snop  }
0x7: {  	_ = 	snop  }
__scs_overlays_trampoline_lowered:
0x8: {  	[smem:$0x3FA8] =	sst s0  }
0x9: {  	[smem:$0x3FA9] =	sst s1  }
0xa: {  	[smem:$0x3FAA] =	sst s2  }
0xb: {  	[smem:$0x3FAB] =	sst s3  }
0xc: {  	[smem:$0x3FAC] =	sst s4  }
0xd: {  	[smem:$0x3FAD] =	sst s5  }
0xe: {  	[smem:$0x3FAE] =	sst s6  }
0xf: {  	[smem:$0x3FAF] =	sst s7  }
0x10: {  	[smem:$0x3FB0] =	sst s8  }
0x11: {  	[smem:$0x3FB1] =	sst s9;
	s0 =	simm.s32 @!p0 $0x0  }
0x12: {  	s1 =	sld [smem:$0x3F97];
	s0 =	simm.s32 @p0 $0x1  }
0x13: {  	[smem:$0x3FB2] =	sst s0;
	s0 =	simm.s32 @!p1 $0x0  }
0x14: {  	s2 =	sld [smem:$0x3F96];
	s0 =	simm.s32 @p1 $0x1  }
0x15: {  	[smem:$0x3FB3] =	sst s0;
	s0 =	simm.s32 @!p2 $0x0  }
0x16: {  	s3 =	sld [smem:$0x3FDB];
	s0 =	simm.s32 @p2 $0x1  }
0x17: {  	s4 =	simm.s32 $0x1BF5;
	[smem:$0x3FB5] =	sst s0  }
0x18: {  	s0 =	sld [smem:$0x3F98];
	_ =	swait.ge [sflag:s4], $0x0  }
0x19: {  	s7 =	sld [smem:$0x3F99]  }
0x1a: {  	s8 =	sadd.s32 $0xFFFFE003, lr  }
0x1b: {  	s9 =	sadd.s32 $0xFFFFFEF7, lr;
	s5 =	simm.s32 $0xFFFFFFFF;
	p2 =	slt.u32 s8, $0xFFFFF086  }
0x1c: {  	p1 =	slt.u32 s9, $0xF7A;
	s5 =	simm.s32 @!p2 $0x0  }
0x1d: {  	s5 =	simm.s32 @p1 $0x1;
	p0 =	seq.s32 s7, s2  }
0x1e: {  	s7 =	smul.u32 @!p0 $0xF7A, s2;
	p2 =	seq.s32 @!p0 s5, $0x0  }
0x1f: {  	s9 =	smul.u32 $0xF7A, s1;
	s8 =	simm.s32 @!p0 $0x1BF5;
	p2 =	por !p2, p0  }
0x20: {  	[sflag:s8] =	ssyncset.s32 @!p0 $0xFFFFF086;
	s6 =	sadd.s32 @!p0 s3, s7;
	s7 =	simm.s32 @!p0 $0x108  }
0x21: {  	s3 =	sadd.s32 s3, s9;
	s6 =	sadd.s32 @!p0 $0x88, s6;
	s7 =	simm.s32 @p2 $0x1082  }
0x22: {  	[simem:s7], [sflag:s8] =	dma.local @!p0 [hbm:s6], $0xF7A  }
0x23: {  	s9 =	sor.u32 $0xD0000000, s2;
	s6 =	simm.s32 $0x108;
	_ =	swait.ge @!p0 [sflag:s8], $0x0  }
0x24: {  	s3 =	sadd.s32 $0x88, s3;
	s6 =	simm.s32 @!p1 $0x1082;
	[sflag:s4] =	ssyncset.s32 $0xFFFFF086  }
0x25: {  	[simem:s6], [sflag:s4] =	dma.local [hbm:s3], $0xF7A  }
0x26: {  	[smem:$0x3F99] =	sst s1;
	(tag) =	ssettag s2;
	_ =	strace s9  }
0x27: {  	s1 =	sld [smem:$0x3FA9]  }
0x28: {  	s2 =	sld [smem:$0x3FAA]  }
0x29: {  	s4 =	sld [smem:$0x3FAC]  }
0x2a: {  	p0 =	seq.s32 s5, $0x0;
	s5 =	sld [smem:$0x3FAD]  }
0x2b: {  	s6 =	sld [smem:$0x3FAE]  }
0x2c: {  	s7 =	sld [smem:$0x3FAF]  }
0x2d: {  	s3 =	simm.s32 $0x108;
	s8 =	sld [smem:$0x3FB0]  }
0x2e: {  	s3 =	simm.s32 @!p0 $0x1082;
	s9 =	sld [smem:$0x3FB1]  }
0x2f: {  	lr =	sadd.s32 s0, s3;
	s0 =	sld [smem:$0x3FA8]  }
0x30: {  	s3 =	sld [smem:$0x3FAB]  }
0x31: {  	[smem:$0x3FB4] =	sst s10  }
0x32: {  	s10 =	sld [smem:$0x3FB2];
	_ =	sdelay $0x3  }
0x33: {  	p0 =	seq.s32 s10, $0x1;
	s10 =	sld [smem:$0x3FB4];
	_ =	sdelay $0x3  }
0x34: {  	[smem:$0x3FB4] =	sst s10  }
0x35: {  	s10 =	sld [smem:$0x3FB3];
	_ =	sdelay $0x3  }
0x36: {  	p1 =	seq.s32 s10, $0x1;
	s10 =	sld [smem:$0x3FB4];
	_ =	sdelay $0x3  }
0x37: {  	[smem:$0x3FB4] =	sst s10  }
0x38: {  	s10 =	sld [smem:$0x3FB5]  }
0x39: {  	_ = 	snop;
	(pc) =	sbr.ind lr, $3  }
0x3a: {  	_ = 	snop  }
0x3b: {  	_ = 	snop  }
0x3c: {  	p2 =	seq.s32 s10, $0x1;
	s10 =	sld [smem:$0x3FB4]  }
0x3d: {  	_ =	shalt  }
0x3e: {  	_ =	shalt  }
0x3f: {  	_ =	shalt  }
0x40: {  	_ =	shalt  }
0x41: {  	_ =	shalt  }
0x42: {  	_ =	shalt  }
0x43: {  	_ =	shalt  }
0x44: {  	_ =	shalt  }
0x45: {  	_ =	shalt  }
0x46: {  	_ =	shalt  }
0x47: {  	_ =	shalt  }
0x48: {  	_ =	shalt  }
0x49: {  	_ =	shalt  }
0x4a: {  	_ =	shalt  }
0x4b: {  	_ =	shalt  }
0x4c: {  	_ =	shalt  }
0x4d: {  	_ =	shalt  }
0x4e: {  	_ =	shalt  }
0x4f: {  	_ =	shalt  }
0x50: {  	_ =	shalt  }
0x51: {  	_ =	shalt  }
0x52: {  	_ =	shalt  }
0x53: {  	_ =	shalt  }
0x54: {  	_ =	shalt  }
0x55: {  	_ =	shalt  }
0x56: {  	_ =	shalt  }
0x57: {  	_ =	shalt  }
0x58: {  	_ =	shalt  }
0x59: {  	_ =	shalt  }
0x5a: {  	_ =	shalt  }
0x5b: {  	_ =	shalt  }
0x5c: {  	_ =	shalt  }
0x5d: {  	_ =	shalt  }
0x5e: {  	_ =	shalt  }
0x5f: {  	_ =	shalt  }
0x60: {  	_ =	shalt  }
0x61: {  	_ =	shalt  }
0x62: {  	_ =	shalt  }
0x63: {  	_ =	shalt  }
0x64: {  	_ =	shalt  }
0x65: {  	_ =	shalt  }
0x66: {  	_ =	shalt  }
0x67: {  	_ =	shalt  }
0x68: {  	_ =	shalt  }
0x69: {  	_ =	shalt  }
0x6a: {  	_ =	shalt  }
0x6b: {  	_ =	shalt  }
0x6c: {  	_ =	shalt  }
0x6d: {  	_ =	shalt  }
0x6e: {  	_ =	shalt  }
0x6f: {  	_ =	shalt  }
0x70: {  	_ =	shalt  }
0x71: {  	_ =	shalt  }
0x72: {  	_ =	shalt  }
0x73: {  	_ =	shalt  }
0x74: {  	_ =	shalt  }
0x75: {  	_ =	shalt  }
0x76: {  	_ =	shalt  }
0x77: {  	_ =	shalt  }
0x78: {  	_ =	shalt  }
0x79: {  	_ =	shalt  }
0x7a: {  	_ =	shalt  }
0x7b: {  	_ =	shalt  }
0x7c: {  	_ =	shalt  }
0x7d: {  	_ =	shalt  }
0x7e: {  	_ =	shalt  }
0x7f: {  	_ =	shalt  }
0x80: {  	_ =	shalt  }
0x81: {  	_ =	shalt  }
0x82: {  	_ =	shalt  }
0x83: {  	_ =	shalt  }
0x84: {  	_ =	shalt  }
0x85: {  	_ =	shalt  }
0x86: {  	_ =	shalt  }
0x87: {  	_ =	shalt  }
.Lfunc_end0:
.L_simem_size_0:
called_computation.1_lowered:
.L_overlay_start_0:
0x88: {  	s2 =	sld [smem:$0x3FD9]  }
0x89: {  	s3 =	sld [smem:$0x3FFE];
	_ =	sdelay $0x1  }
0x8a: {  	s1 =	srdreg.scid  }
0x8b: {  	s0 =	sand.u32 $0x1, s1  }
0x8c: {  	s16 =	sshll.u32 s0, $0xA;
	s2 =	sadd.s32 s3, s2  }
0x8d: {  	s2 =	sadd.s32 s2, s16  }
0x8e: {  	[smem:$0x3FC0] =	sst s2  }
0x8f: {  	_ = 	snop  }
0x90: {  	(tm) =	ssettm $0x1  }
0x91: {  	s17 =	sld [smem:$0x3FFB];
	_ =	sdelay $0x3  }
0x92: {  	_ =	strace s17  }
0x93: {  	s2 =	sld [smem:$0x3FFC];
	_ =	sdelay $0x3  }
0x94: {  	_ =	strace s2  }
0x95: {  	s2 =	sld [smem:$0x3FFD];
	_ =	sdelay $0x3  }
0x96: {  	_ =	strace s2  }
0x97: {  	_ =	strace $0x8FFFFFFF  }
0x98: {  	s18 =	sld [smem:$0x3FDB];
	_ =	sdelay $0x1  }
0x99: {  	s19 =	simm.s32 $_scs_section_size  }
0x9a: {  	s4 =	simm.s32 $_size__tile_overlayer_lowered;
	s5 =	simm.s32 $_tile_overlayer_lowered  }
0x9b: {  	s22 =	simm.s32 $0x1BFF;
	s21 =	sshll.u32 s5, $0x1;
	s2 =	sadd.s32 s19, s18  }
0x9c: {  	s6 =	simm.s32 $0x0;
	s20 =	sshll.u32 s4, $0x1;
	s4 =	sadd.s32 s21, s2  }
0x9d: {  	[timem:s6], [sflag:s22] =	dma.local [hbm:s4], s20  }
0x9e: {  	_ =	swait.ge [sflag:s22], s20  }
0x9f: {  	s3 =	ssub.s32 $0x0, s20;
	[sflag:s22] =	ssyncset.done $0x0  }
0xa0: {  	[sflag:s22] =	ssyncadd.s32 s3;
	_ =	sdelay $0x1  }
0xa1: {  	s23 =	simm.s32 $0x1B8B  }
0xa2: {  	_ =	swait.ge [sflag:s23], $0x1  }
0xa3: {  	[sflag:s23] =	ssyncset.done $0x0  }
0xa4: {  	s25 =	simm.s32 $0x1B8E;
	s24 =	sld [smem:$0x3FFE];
	[sflag:s23] =	ssyncadd.s32 $0xFFFFFFFF  }
0xa5: {  	s26 =	simm.s32 $execute0_lowered;
	[smem:$0x3FD2] =	sst s25  }
0xa6: {  	s4 =	sshll.u32 s26, $0x1;
	_ =	strace $0x80000049;
	[dreg:$0x1] =	wrdreg $0xFFFFFFFF  }
0xa7: {  	s28 =	simm.s32 $_size_execute0_lowered;
	s2 =	sadd.s32 s2, s4;
	[dreg:$0x0] =	wrdreg $0x0  }
0xa8: {  	s4 =	sshll.u32 s28, $0x1;
	[dreg:$0x2] =	wrdreg s2  }
0xa9: {  	[dreg:$0x3] =	wrdreg s4  }
0xaa: {  	[dreg:$0x4] =	wrdreg $0xC0  }
0xab: {  	_ =	task [dreg:s6], $0x5FFFF  }
0xac: {  	[dreg:$0x1] =	wrdreg $0xFFFFFFFF  }
0xad: {  	[dreg:$0x0] =	wrdreg $0x60  }
0xae: {  	[dreg:$0x2] =	wrdreg s24  }
0xaf: {  	[dreg:$0x3] =	wrdreg $0xA2000  }
0xb0: {  	[dreg:$0x4] =	wrdreg $0x9  }
0xb1: {  	_ =	task.clear_ibuf [dreg:s6], $0x5FFFF;
	_ =	strace $0x90000049  }
0xb2: {  	s29 =	simm.s32 $0x9;
	_ =	strace $0x8000004B  }
0xb3: {  	_ =	swait.ge [sflag:s29], $0x1  }
0xb4: {  	[sflag:s29] =	ssyncadd.s32 $0xFFFFFFFF  }
0xb5: {  	_ =	strace $0x9000004B  }
0xb6: {  	_ =	sfence  }
0xb7: {  	s30 =	sld [smem:$0x0];
	_ =	sdelay $0x2  }
0xb8: {  	s31 =	sshll.u32 s1, $0xD;
	s1 =	sshrl.u32 s1, $0x2  }
0xb9: {  	s3 =	sand.u32 $0x4000, s31;
	s1 =	sadd.s32 s1, s30  }
0xba: {  	s0 =	sor.u32 s3, s0;
	s1 =	sshll.u32 s1, $0x11  }
0xbb: {  	s0 =	sor.u32 s1, s0  }
0xbc: {  	s0 =	sadd.s32 $0x8F2B, s0  }
0xbd: {  	[sflag:s0] =	ssyncadd.remote.s32 $0x1  }
0xbe: {  	_ =	sfence.sel $0xFFFF  }
0xbf: {  	[dreg:$0x0] =	wrdreg $0xFFFFFFFF;
	(pc) =	sbr.abs _section_cstart, $3  }
0xc0: {  	[dreg:$0x1] =	wrdreg $0xFFFFFFFF  }
0xc1: {  	_ =	task.clear_ibuf [dreg:s6], $0x2FFFF;
	_ =	strace $0x9FFFFFFF  }
0xc2: {  	(tm) =	ssettm $0x7FFFFFFF  }
0xc3: {  	_ =	shalt  }
tec
execute0_lowered:
.L_overlay_start_1:
0x0: {  	(tag) =	ssettag $0x1  }
0x1: {  	s5 =	rddreg [dreg:$0x0]  }
0x2: {  	s1 =	rddreg [dreg:$0x1]  }
0x3: {  	s2 =	srdreg.scid;
	s0 =	rddreg [dreg:$0x2]  }
0x4: {  	s3 =	simm.s32 $0x0;
	s17 =	simm.s32 $0x3;
	s18 =	simm.s32 $0x3200  }
0x5: {  	s19 =	simm.s32 $0x70;
	s20 =	simm.s32 $0x3000;
	s21 =	simm.s32 $0x3080  }
0x6: {  	s22 =	simm.s32 $0x6A00;
	s23 =	simm.s32 $0x1;
	s6 =	sand.u32 $0x1, s2  }
0x7: {  	s24 =	simm.s32 $0x3100;
	s2 =	stileid.u32;
	s7 =	smul.u32 $0x140000, s6  }
0x8: {  	s25 =	simm.s32 $0x2;
	s28 =	simm.s32 $0x0;
	s8 =	smul.u32 $0x14000, s2  }
0x9: {  	[smem:$0x7FF] =	sst s3;
	s4 =	sshll.u32 s2, $0x1;
	s10 =	smul.u32 $0x50000, s2  }
0xa: {  	_ =	strace $0x8000004A;
	s26 =	ssub.s32 $0x2, s6;
	s31 =	smul.u32 $0x2800, s2  }
0xb: {  	p0 =	seq.s32 s6, $0x1;
	s9 =	sor.u32 s6, s4;
	s4 =	sadd.s32 $0x1A800, s5  }
0xc: {  	s29 =	sshrl.u32 s26, $0x1;
	s9 =	smul.u32 $0x600, s9;
	s7 =	sadd.s32 s8, s7  }
0xd: {  	s16 =	ssub.s32 s26, s29;
	s30 =	sshrl.u32 s10, $0x2;
	s26 =	simm.s32 $0x3180  }
0xe: {  	s7 =	sshrl.u32 s7, $0x3;
	s6 =	sadd.s32 s30, s1;
	s16 =	smax.u32 s16, $0x1  }
0xf: {  	s9 =	sadd.s32 s9, s5;
	s15 =	sadd.s32 s7, s5;
	s7 =	sadd.s32 s4, s31  }
0x10: {  	s8 =	sadd.s32 $0x2800, s6;
	s10 =	sadd.s32 $0x7800, s6;
	s11 =	sadd.s32 $0xA000, s6  }
0x11: {  	s12 =	sadd.s32 $0xC800, s6;
	s13 =	sadd.s32 $0xF000, s6;
	s14 =	sadd.s32 $0x11800, s6  }
0x12: {  	v0 =	vimm.f32 $0.0e+00;
	s5 =	sadd.s32 $0xE800, s9;
	s9 =	sadd.s32 $0x5000, s6;
	s15 =	sadd.s32 $0x42800, s15  }
.LBB2_1:
.Ltmp0:
0x13: {  	(pc) =	sbr.rel @!p0 .LBB2_2-.Ltmp0, $4  }
0x14: {  	[tilespmem:s3], [sflag:$0x3] =	stream.linear.gather [hbm4b:s5+s3], $0x2D00, $0x38;
	[tilespmem:$0x1E200] =	vst v63  }
0x15: {  	_ =	swait.ge [sflag:s17], $0x2D00  }
0x16: {  	[sflag:s17] =	ssyncset.done $0x0  }
0x17: {  	[sflag:s17] =	ssyncadd.s32 $0xFFFFD300  }
0x18: {  	s29 =	sshra.s32 s3, $0x2;
	s30 =	sadd.s32 $0x200, s3  }
.LBB2_4:
0x19: {  	p1 =	sne.s32 s30, $0x9E00;
	[tilespmem:s29+$0x3270] =	vst v0  }
0x1a: {  	[tilespmem:s29+$0x3200] =	vst v0  }
0x1b: {  	[tilespmem:s29+$0x3210] =	vst v0  }
.Ltmp1:
0x1c: {  	[tilespmem:s29+$0x3220] =	vst v0;
	(pc) =	sbr.rel @p1 .LBB2_4-.Ltmp1, $4  }
0x1d: {  	[tilespmem:s29+$0x3230] =	vst v0  }
0x1e: {  	[tilespmem:s29+$0x3240] =	vst v0  }
0x1f: {  	[tilespmem:s29+$0x3250] =	vst v0  }
0x20: {  	[tilespmem:s29+$0x3260] =	vst v0;
	s29 =	sshra.s32 s30, $0x2;
	s30 =	sadd.s32 $0x200, s30  }
0x21: {  	[tilespmem:s29+$0x3270] =	vst v0  }
0x22: {  	[tilespmem:s29+$0x3200] =	vst v0  }
0x23: {  	[tilespmem:s29+$0x3210] =	vst v0  }
0x24: {  	[tilespmem:s29+$0x3220] =	vst v0  }
0x25: {  	[tilespmem:s29+$0x3230] =	vst v0  }
0x26: {  	[tilespmem:s29+$0x3240] =	vst v0  }
0x27: {  	[tilespmem:s29+$0x3250] =	vst v0  }
0x28: {  	[tilespmem:s29+$0x3260] =	vst v0  }
0x29: {  	[spmem:s6] =	stream.linear.scatter [tilespmem:s18], [sflag:$0x3], $0x2800, $0x38;
	[tilespmem:$0x1E200] =	vst v63  }
0x2a: {  	_ =	swait.ge [sflag:s17], $0x2800  }
0x2b: {  	[sflag:s17] =	ssyncset.done $0x0  }
0x2c: {  	[sflag:s17] =	ssyncadd.s32 $0xFFFFD800  }
0x2d: {  	[spmem:s8] =	stream.linear.scatter [tilespmem:s18], [sflag:$0x3], $0x2800, $0x38;
	[tilespmem:$0x1E200] =	vst v63  }
0x2e: {  	_ =	swait.ge [sflag:s17], $0x2800  }
0x2f: {  	[sflag:s17] =	ssyncset.done $0x0  }
0x30: {  	[sflag:s17] =	ssyncadd.s32 $0xFFFFD800  }
0x31: {  	[spmem:s9] =	stream.linear.scatter [tilespmem:s18], [sflag:$0x3], $0x2800, $0x38;
	[tilespmem:$0x1E200] =	vst v63  }
0x32: {  	_ =	swait.ge [sflag:s17], $0x2800  }
0x33: {  	[sflag:s17] =	ssyncset.done $0x0  }
0x34: {  	[sflag:s17] =	ssyncadd.s32 $0xFFFFD800  }
0x35: {  	[spmem:s10] =	stream.linear.scatter [tilespmem:s18], [sflag:$0x3], $0x2800, $0x38;
	[tilespmem:$0x1E200] =	vst v63  }
0x36: {  	_ =	swait.ge [sflag:s17], $0x2800  }
0x37: {  	[sflag:s17] =	ssyncset.done $0x0  }
0x38: {  	[sflag:s17] =	ssyncadd.s32 $0xFFFFD800  }
0x39: {  	[spmem:s11] =	stream.linear.scatter [tilespmem:s18], [sflag:$0x3], $0x2800, $0x38;
	[tilespmem:$0x1E200] =	vst v63  }
0x3a: {  	_ =	swait.ge [sflag:s17], $0x2800  }
0x3b: {  	[sflag:s17] =	ssyncset.done $0x0  }
0x3c: {  	[sflag:s17] =	ssyncadd.s32 $0xFFFFD800  }
0x3d: {  	[spmem:s12] =	stream.linear.scatter [tilespmem:s18], [sflag:$0x3], $0x2800, $0x38;
	[tilespmem:$0x1E200] =	vst v63  }
0x3e: {  	_ =	swait.ge [sflag:s17], $0x2800  }
0x3f: {  	[sflag:s17] =	ssyncset.done $0x0  }
0x40: {  	[sflag:s17] =	ssyncadd.s32 $0xFFFFD800  }
0x41: {  	[spmem:s13] =	stream.linear.scatter [tilespmem:s18], [sflag:$0x3], $0x2800, $0x38;
	[tilespmem:$0x1E200] =	vst v63  }
.Ltmp2:
0x42: {  	_ = 	snop;
	(pc) =	sbr.rel .LBB2_6-.Ltmp2, $4  }
0x43: {  	_ =	swait.ge [sflag:s17], $0x2800  }
0x44: {  	[sflag:s17] =	ssyncset.done $0x0  }
0x45: {  	[sflag:s17] =	ssyncadd.s32 $0xFFFFD800  }
0x46: {  	[spmem:s14] =	stream.linear.scatter [tilespmem:s18], [sflag:$0x3], $0x2800, $0x38;
	[tilespmem:$0x1E200] =	vst v63  }
.LBB2_2:
0x47: {  	s29 =	sshll.u32 s2, $0x6  }
0x48: {  	s30 =	sshrl.u32 s6, $0x3;
	s29 =	sor.u32 $0x1C03, s29  }
0x49: {  	[spmem:s30], [sflag:s29] =	dma.local [hbm:s7], $0x2800  }
.LBB2_6:
0x4a: {  	_ =	swait.ge [sflag:s17], $0x2800  }
0x4b: {  	[sflag:s17] =	ssyncset.done $0x0  }
0x4c: {  	[sflag:s17] =	ssyncadd.s32 $0xFFFFD800  }
0x4d: {  	[bflag:$0x0] =	sbarrier.arrive $0xFFFF  }
0x4e: {  	v1 =	vld [tilespmem:$0x0];
	_ =	sdelay $0x1  }
0x4f: {  	v2 =	vld [tilespmem:$0x10];
	_ =	sdelay $0x1  }
0x50: {  	v3 =	vld [tilespmem:$0x20]  }
0x51: {  	v4 =	vshrl.u32 v1, $0x10  }
0x52: {  	v59 =	vld [tilespmem:$0x30];
	v1 =	vand.u32 $0xFFFF, v1;
	[tilespmem:$0x3100] =	vst v4  }
0x53: {  	[tilespmem:$0x3000] =	vst v1;
	v1 =	vshrl.u32 v2, $0x10  }
0x54: {  	[tilespmem:$0x3110] =	vst v1;
	v1 =	vand.u32 $0xFFFF, v2;
	v2 =	vld [tilespmem:$0x40]  }
0x55: {  	[tilespmem:$0x3010] =	vst v1;
	v1 =	vshrl.u32 v3, $0x10  }
0x56: {  	[tilespmem:$0x3120] =	vst v1;
	v1 =	vand.u32 $0xFFFF, v3;
	v3 =	vld [tilespmem:$0x50]  }
0x57: {  	[tilespmem:$0x3020] =	vst v1;
	v1 =	vshrl.u32 v59, $0x10  }
0x58: {  	v60 =	vld [tilespmem:$0x60];
	[tilespmem:$0x3130] =	vst v1;
	v1 =	vand.u32 $0xFFFF, v59  }
0x59: {  	[tilespmem:$0x3030] =	vst v1;
	v1 =	vshrl.u32 v2, $0x10  }
0x5a: {  	[tilespmem:$0x3140] =	vst v1;
	v1 =	vand.u32 $0xFFFF, v2  }
0x5b: {  	[tilespmem:$0x3040] =	vst v1;
	v1 =	vshrl.u32 v3, $0x10  }
0x5c: {  	[tilespmem:$0x3150] =	vst v1;
	v1 =	vand.u32 $0xFFFF, v3  }
0x5d: {  	[tilespmem:$0x3050] =	vst v1;
	v1 =	vshrl.u32 v60, $0x10  }
0x5e: {  	[tilespmem:$0x3160] =	vst v1;
	v1 =	vand.u32 $0xFFFF, v60  }
0x5f: {  	[tilespmem:$0x3060] =	vst v1  }
0x60: {  	[tilespmem:s18], [sflag:$0x1] =	stream.indirect.gather [hbm4b:s4+s19], $0x80, s20, s19, $0xb8;
	[tilespmem:$0x1E200] =	vst v63  }
0x61: {  	v1 =	vld [tilespmem:$0x80];
	_ =	sdelay $0x1  }
0x62: {  	v2 =	vld [tilespmem:$0x90];
	_ =	sdelay $0x1  }
0x63: {  	v3 =	vld [tilespmem:$0xA0]  }
0x64: {  	v61 =	vshrl.u32 v1, $0x10  }
0x65: {  	v62 =	vld [tilespmem:$0xB0];
	v1 =	vand.u32 $0xFFFF, v1;
	[tilespmem:$0x3180] =	vst v61  }
0x66: {  	[tilespmem:$0x3080] =	vst v1;
	v1 =	vshrl.u32 v2, $0x10  }
0x67: {  	[tilespmem:$0x3190] =	vst v1;
	v1 =	vand.u32 $0xFFFF, v2;
	v2 =	vld [tilespmem:$0xC0]  }
0x68: {  	[tilespmem:$0x3090] =	vst v1;
	v1 =	vshrl.u32 v3, $0x10  }
0x69: {  	[tilespmem:$0x31A0] =	vst v1;
	v1 =	vand.u32 $0xFFFF, v3;
	v3 =	vld [tilespmem:$0xD0]  }
0x6a: {  	[tilespmem:$0x30A0] =	vst v1;
	v1 =	vshrl.u32 v62, $0x10  }
0x6b: {  	v63 =	vld [tilespmem:$0xE0];
	[tilespmem:$0x31B0] =	vst v1;
	v1 =	vand.u32 $0xFFFF, v62  }
0x6c: {  	[tilespmem:$0x30B0] =	vst v1;
	v1 =	vshrl.u32 v2, $0x10  }
0x6d: {  	[tilespmem:$0x31C0] =	vst v1;
	v1 =	vand.u32 $0xFFFF, v2  }
0x6e: {  	[tilespmem:$0x30C0] =	vst v1;
	v1 =	vshrl.u32 v3, $0x10  }
0x6f: {  	[tilespmem:$0x31D0] =	vst v1;
	v1 =	vand.u32 $0xFFFF, v3  }
0x70: {  	[tilespmem:$0x30D0] =	vst v1;
	v1 =	vshrl.u32 v63, $0x10  }
0x71: {  	[tilespmem:$0x31E0] =	vst v1;
	v1 =	vand.u32 $0xFFFF, v63  }
0x72: {  	[tilespmem:$0x30E0] =	vst v1  }
0x73: {  	[tilespmem:s22], [sflag:$0x2] =	stream.indirect.gather [hbm4b:s4+s19], $0x80, s21, s19, $0xb8;
	[tilespmem:$0x1E200] =	vst v63  }
0x74: {  	_ =	swait.ge [sflag:s23], $0x3800  }
0x75: {  	[sflag:s23] =	ssyncset.done $0x0  }
0x76: {  	[sflag:s23] =	ssyncadd.s32 $0xFFFFC800  }
0x77: {  	[spmem:s1] =	stream.indirect.scatter.add.f32 [tilespmem:s18], [sflag:$0x3], $0x80, s24, s19, $0xb8;
	[tilespmem:$0x1E200] =	vst v63  }
0x78: {  	_ =	swait.ge [sflag:s17], $0x3800  }
0x79: {  	[sflag:s17] =	ssyncset.done $0x0  }
0x7a: {  	s30 =	simm.s32 $0x1E0;
	[sflag:s17] =	ssyncadd.s32 $0xFFFFC800  }
0x7b: {  	v1 =	vld [tilespmem:s30+$0xFFFFFF20];
	_ =	sdelay $0x4  }
0x7c: {  	v2 =	vshrl.u32 v1, $0x10  }
0x7d: {  	v1 =	vand.u32 $0xFFFF, v1;
	[tilespmem:$0x3100] =	vst v2  }
0x7e: {  	[tilespmem:$0x3000] =	vst v1  }
0x7f: {  	v1 =	vld [tilespmem:s30+$0xFFFFFF30];
	_ =	sdelay $0x4  }
0x80: {  	v2 =	vshrl.u32 v1, $0x10  }
0x81: {  	v1 =	vand.u32 $0xFFFF, v1;
	[tilespmem:$0x3110] =	vst v2  }
0x82: {  	[tilespmem:$0x3010] =	vst v1  }
0x83: {  	v1 =	vld [tilespmem:s30+$0xFFFFFF40];
	_ =	sdelay $0x4  }
0x84: {  	v2 =	vshrl.u32 v1, $0x10  }
0x85: {  	v1 =	vand.u32 $0xFFFF, v1;
	[tilespmem:$0x3120] =	vst v2  }
0x86: {  	[tilespmem:$0x3020] =	vst v1  }
0x87: {  	v1 =	vld [tilespmem:s30+$0xFFFFFF50];
	_ =	sdelay $0x4  }
0x88: {  	v2 =	vshrl.u32 v1, $0x10  }
0x89: {  	v1 =	vand.u32 $0xFFFF, v1;
	[tilespmem:$0x3130] =	vst v2  }
0x8a: {  	[tilespmem:$0x3030] =	vst v1  }
0x8b: {  	v1 =	vld [tilespmem:s30+$0xFFFFFF60];
	_ =	sdelay $0x4  }
0x8c: {  	v2 =	vshrl.u32 v1, $0x10  }
0x8d: {  	v1 =	vand.u32 $0xFFFF, v1;
	[tilespmem:$0x3140] =	vst v2  }
0x8e: {  	[tilespmem:$0x3040] =	vst v1  }
0x8f: {  	v1 =	vld [tilespmem:s30+$0xFFFFFF70];
	_ =	sdelay $0x4  }
0x90: {  	v2 =	vshrl.u32 v1, $0x10  }
0x91: {  	v1 =	vand.u32 $0xFFFF, v1;
	[tilespmem:$0x3150] =	vst v2  }
0x92: {  	[tilespmem:$0x3050] =	vst v1  }
0x93: {  	v1 =	vld [tilespmem:s30+$0xFFFFFF80];
	_ =	sdelay $0x4  }
0x94: {  	v2 =	vshrl.u32 v1, $0x10  }
0x95: {  	v1 =	vand.u32 $0xFFFF, v1;
	[tilespmem:$0x3160] =	vst v2  }
0x96: {  	[tilespmem:$0x3060] =	vst v1  }
0x97: {  	[tilespmem:s18], [sflag:$0x1] =	stream.indirect.gather [hbm4b:s4+s19], $0x80, s20, s19, $0xb8;
	[tilespmem:$0x1E200] =	vst v63  }
0x98: {  	_ =	swait.ge [sflag:s25], $0x3800  }
0x99: {  	[sflag:s25] =	ssyncset.done $0x0  }
0x9a: {  	[sflag:s25] =	ssyncadd.s32 $0xFFFFC800  }
0x9b: {  	[spmem:s1] =	stream.indirect.scatter.add.f32 [tilespmem:s22], [sflag:$0x3], $0x80, s26, s19, $0xb8;
	[tilespmem:$0x1E200] =	vst v63  }
0x9c: {  	_ =	swait.ge [sflag:s17], $0x3800  }
0x9d: {  	[sflag:s17] =	ssyncset.done $0x0  }
0x9e: {  	[sflag:s17] =	ssyncadd.s32 $0xFFFFC800  }
0x9f: {  	v1 =	vld [tilespmem:s30+$0xFFFFFFA0];
	_ =	sdelay $0x4  }
0xa0: {  	v2 =	vshrl.u32 v1, $0x10  }
0xa1: {  	v1 =	vand.u32 $0xFFFF, v1;
	[tilespmem:$0x3180] =	vst v2  }
0xa2: {  	[tilespmem:$0x3080] =	vst v1  }
0xa3: {  	v1 =	vld [tilespmem:s30+$0xFFFFFFB0];
	_ =	sdelay $0x4  }
0xa4: {  	v2 =	vshrl.u32 v1, $0x10  }
0xa5: {  	v1 =	vand.u32 $0xFFFF, v1;
	[tilespmem:$0x3190] =	vst v2  }
0xa6: {  	[tilespmem:$0x3090] =	vst v1  }
0xa7: {  	v1 =	vld [tilespmem:s30+$0xFFFFFFC0];
	_ =	sdelay $0x4  }
0xa8: {  	v2 =	vshrl.u32 v1, $0x10  }
0xa9: {  	v1 =	vand.u32 $0xFFFF, v1;
	[tilespmem:$0x31A0] =	vst v2  }
0xaa: {  	[tilespmem:$0x30A0] =	vst v1  }
0xab: {  	v1 =	vld [tilespmem:s30+$0xFFFFFFD0];
	_ =	sdelay $0x4  }
0xac: {  	v2 =	vshrl.u32 v1, $0x10  }
0xad: {  	v1 =	vand.u32 $0xFFFF, v1;
	[tilespmem:$0x31B0] =	vst v2  }
0xae: {  	[tilespmem:$0x30B0] =	vst v1  }
0xaf: {  	v1 =	vld [tilespmem:s30+$0xFFFFFFE0];
	_ =	sdelay $0x4  }
0xb0: {  	v2 =	vshrl.u32 v1, $0x10  }
0xb1: {  	v1 =	vand.u32 $0xFFFF, v1;
	[tilespmem:$0x31C0] =	vst v2  }
0xb2: {  	[tilespmem:$0x30C0] =	vst v1  }
0xb3: {  	v1 =	vld [tilespmem:s30+$0xFFFFFFF0];
	_ =	sdelay $0x4  }
0xb4: {  	v2 =	vshrl.u32 v1, $0x10  }
0xb5: {  	v1 =	vand.u32 $0xFFFF, v1;
	[tilespmem:$0x31D0] =	vst v2  }
0xb6: {  	[tilespmem:$0x30D0] =	vst v1  }
0xb7: {  	s29 =	simm.s32 $0xB80;
	v1 =	vld [tilespmem:s30+$0x0]  }
.LBB2_7:
0xb8: {  	p1 =	sne.s32 s29, $0xB380;
	s30 =	smov.u32 s29;
	s29 =	sadd.s32 $0x400, s29  }
0xb9: {  	_ =	sdelay $0x2  }
0xba: {  	v2 =	vshrl.u32 v1, $0x10;
	v1 =	vand.u32 $0xFFFF, v1  }
0xbb: {  	[tilespmem:$0x31E0] =	vst v2  }
0xbc: {  	[tilespmem:$0x30E0] =	vst v1  }
0xbd: {  	[tilespmem:s22], [sflag:$0x2] =	stream.indirect.gather [hbm4b:s4+s19], $0x80, s21, s19, $0xb8;
	[tilespmem:$0x1E200] =	vst v63  }
0xbe: {  	_ =	swait.ge [sflag:s23], $0x3800  }
0xbf: {  	[sflag:s23] =	ssyncset.done $0x0  }
0xc0: {  	[sflag:s23] =	ssyncadd.s32 $0xFFFFC800  }
0xc1: {  	[spmem:s1] =	stream.indirect.scatter.add.f32 [tilespmem:s18], [sflag:$0x3], $0x80, s24, s19, $0xb8;
	[tilespmem:$0x1E200] =	vst v63  }
0xc2: {  	_ =	swait.ge [sflag:s17], $0x3800  }
0xc3: {  	[sflag:s17] =	ssyncset.done $0x0  }
0xc4: {  	s30 =	sshra.s32 s30, $0x2;
	[sflag:s17] =	ssyncadd.s32 $0xFFFFC800  }
0xc5: {  	v1 =	vld [tilespmem:s30+$0xFFFFFF20];
	_ =	sdelay $0x4  }
0xc6: {  	v2 =	vshrl.u32 v1, $0x10;
	v1 =	vand.u32 $0xFFFF, v1  }
0xc7: {  	[tilespmem:$0x3100] =	vst v2  }
0xc8: {  	[tilespmem:$0x3000] =	vst v1  }
0xc9: {  	v1 =	vld [tilespmem:s30+$0xFFFFFF30];
	_ =	sdelay $0x4  }
0xca: {  	v2 =	vshrl.u32 v1, $0x10;
	v1 =	vand.u32 $0xFFFF, v1  }
0xcb: {  	[tilespmem:$0x3110] =	vst v2  }
0xcc: {  	[tilespmem:$0x3010] =	vst v1  }
0xcd: {  	v1 =	vld [tilespmem:s30+$0xFFFFFF40];
	_ =	sdelay $0x4  }
0xce: {  	v2 =	vshrl.u32 v1, $0x10;
	v1 =	vand.u32 $0xFFFF, v1  }
0xcf: {  	[tilespmem:$0x3120] =	vst v2  }
0xd0: {  	[tilespmem:$0x3020] =	vst v1  }
0xd1: {  	v1 =	vld [tilespmem:s30+$0xFFFFFF50];
	_ =	sdelay $0x4  }
0xd2: {  	v2 =	vshrl.u32 v1, $0x10;
	v1 =	vand.u32 $0xFFFF, v1  }
0xd3: {  	[tilespmem:$0x3130] =	vst v2  }
0xd4: {  	[tilespmem:$0x3030] =	vst v1  }
0xd5: {  	v1 =	vld [tilespmem:s30+$0xFFFFFF60];
	_ =	sdelay $0x4  }
0xd6: {  	v2 =	vshrl.u32 v1, $0x10;
	v1 =	vand.u32 $0xFFFF, v1  }
0xd7: {  	[tilespmem:$0x3140] =	vst v2  }
0xd8: {  	[tilespmem:$0x3040] =	vst v1  }
0xd9: {  	v1 =	vld [tilespmem:s30+$0xFFFFFF70];
	_ =	sdelay $0x4  }
0xda: {  	v2 =	vshrl.u32 v1, $0x10;
	v1 =	vand.u32 $0xFFFF, v1  }
0xdb: {  	[tilespmem:$0x3150] =	vst v2  }
0xdc: {  	[tilespmem:$0x3050] =	vst v1  }
0xdd: {  	v1 =	vld [tilespmem:s30+$0xFFFFFF80];
	_ =	sdelay $0x4  }
0xde: {  	v2 =	vshrl.u32 v1, $0x10;
	v1 =	vand.u32 $0xFFFF, v1  }
0xdf: {  	[tilespmem:$0x3160] =	vst v2  }
0xe0: {  	[tilespmem:$0x3060] =	vst v1  }
0xe1: {  	[tilespmem:s18], [sflag:$0x1] =	stream.indirect.gather [hbm4b:s4+s19], $0x80, s20, s19, $0xb8;
	[tilespmem:$0x1E200] =	vst v63  }
0xe2: {  	_ =	swait.ge [sflag:s25], $0x3800  }
0xe3: {  	[sflag:s25] =	ssyncset.done $0x0  }
0xe4: {  	[sflag:s25] =	ssyncadd.s32 $0xFFFFC800  }
0xe5: {  	[spmem:s1] =	stream.indirect.scatter.add.f32 [tilespmem:s22], [sflag:$0x3], $0x80, s26, s19, $0xb8;
	[tilespmem:$0x1E200] =	vst v63  }
0xe6: {  	_ =	swait.ge [sflag:s17], $0x3800  }
0xe7: {  	[sflag:s17] =	ssyncset.done $0x0  }
0xe8: {  	[sflag:s17] =	ssyncadd.s32 $0xFFFFC800  }
0xe9: {  	v1 =	vld [tilespmem:s30+$0xFFFFFFA0];
	_ =	sdelay $0x4  }
0xea: {  	v2 =	vshrl.u32 v1, $0x10;
	v1 =	vand.u32 $0xFFFF, v1  }
0xeb: {  	[tilespmem:$0x3180] =	vst v2  }
0xec: {  	[tilespmem:$0x3080] =	vst v1  }
0xed: {  	v1 =	vld [tilespmem:s30+$0xFFFFFFB0];
	_ =	sdelay $0x4  }
0xee: {  	v2 =	vshrl.u32 v1, $0x10;
	v1 =	vand.u32 $0xFFFF, v1  }
0xef: {  	[tilespmem:$0x3190] =	vst v2  }
0xf0: {  	[tilespmem:$0x3090] =	vst v1  }
0xf1: {  	v1 =	vld [tilespmem:s30+$0xFFFFFFC0];
	_ =	sdelay $0x4  }
0xf2: {  	v2 =	vshrl.u32 v1, $0x10;
	v1 =	vand.u32 $0xFFFF, v1  }
0xf3: {  	[tilespmem:$0x31A0] =	vst v2  }
0xf4: {  	[tilespmem:$0x30A0] =	vst v1  }
0xf5: {  	v1 =	vld [tilespmem:s30+$0xFFFFFFD0];
	_ =	sdelay $0x4  }
0xf6: {  	v2 =	vshrl.u32 v1, $0x10;
	v1 =	vand.u32 $0xFFFF, v1  }
0xf7: {  	[tilespmem:$0x31B0] =	vst v2  }
0xf8: {  	[tilespmem:$0x30B0] =	vst v1  }
0xf9: {  	v1 =	vld [tilespmem:s30+$0xFFFFFFE0];
	_ =	sdelay $0x4  }
0xfa: {  	v2 =	vshrl.u32 v1, $0x10;
	v1 =	vand.u32 $0xFFFF, v1  }
0xfb: {  	[tilespmem:$0x31C0] =	vst v2  }
0xfc: {  	[tilespmem:$0x30C0] =	vst v1  }
0xfd: {  	v1 =	vld [tilespmem:s30+$0xFFFFFFF0];
	_ =	sdelay $0x3  }
.Ltmp3:
0xfe: {  	(pc) =	sbr.rel @p1 .LBB2_7-.Ltmp3, $4  }
0xff: {  	v2 =	vshrl.u32 v1, $0x10;
	v1 =	vand.u32 $0xFFFF, v1  }
0x100: {  	[tilespmem:$0x31D0] =	vst v2  }
0x101: {  	[tilespmem:$0x30D0] =	vst v1  }
0x102: {  	v1 =	vld [tilespmem:s30+$0x0]  }
0x103: {  	_ =	sdelay $0x3  }
0x104: {  	v2 =	vshrl.u32 v1, $0x10  }
0x105: {  	v1 =	vand.u32 $0xFFFF, v1;
	[tilespmem:$0x31E0] =	vst v2  }
0x106: {  	[tilespmem:$0x30E0] =	vst v1  }
0x107: {  	[tilespmem:s22], [sflag:$0x2] =	stream.indirect.gather [hbm4b:s4+s19], $0x80, s21, s19, $0xb8;
	[tilespmem:$0x1E200] =	vst v63  }
0x108: {  	_ =	swait.ge [sflag:s23], $0x3800  }
0x109: {  	[sflag:s23] =	ssyncset.done $0x0  }
0x10a: {  	[sflag:s23] =	ssyncadd.s32 $0xFFFFC800  }
0x10b: {  	[spmem:s1] =	stream.indirect.scatter.add.f32 [tilespmem:s18], [sflag:$0x3], $0x80, s24, s19, $0xb8;
	[tilespmem:$0x1E200] =	vst v63  }
0x10c: {  	_ =	swait.ge [sflag:s17], $0x3800  }
0x10d: {  	[sflag:s17] =	ssyncset.done $0x0  }
0x10e: {  	[sflag:s17] =	ssyncadd.s32 $0xFFFFC800  }
0x10f: {  	_ =	swait.ge [sflag:s25], $0x3800  }
0x110: {  	[sflag:s25] =	ssyncset.done $0x0  }
0x111: {  	[sflag:s25] =	ssyncadd.s32 $0xFFFFC800  }
0x112: {  	[spmem:s1] =	stream.indirect.scatter.add.f32 [tilespmem:s22], [sflag:$0x3], $0x80, s26, s19, $0xb8;
	[tilespmem:$0x1E200] =	vst v63  }
0x113: {  	_ =	swait.ge [sflag:s17], $0x3800  }
0x114: {  	s29 =	sshll.u32 s2, $0x6;
	s28 =	sadd.s32 $0x1, s28;
	[sflag:s17] =	ssyncset.done $0x0  }
0x115: {  	s30 =	sshrl.u32 s6, $0x3;
	p1 =	sne.s32 s28, s16;
	[sflag:s17] =	ssyncadd.s32 $0xFFFFC800  }
.Ltmp4:
0x116: {  	s29 =	sor.u32 $0x1C03, s29;
	[bflag:$0x0] =	sbarrier.arrive $0xFFFF;
	(pc) =	sbr.rel @p1 .LBB2_1-.Ltmp4, $4  }
0x117: {  	[hbm:s15], [sflag:s29] =	dma.local [spmem:s30], $0x2800  }
0x118: {  	_ =	swait.ge [sflag:s17], $0x2800  }
0x119: {  	[sflag:s17] =	ssyncset.done $0x0  }
0x11a: {  	[sflag:s17] =	ssyncadd.s32 $0xFFFFD800  }
0x11b: {  	_ =	sfence.sel $0x180000  }
0x11c: {  	[bflag:$0x0] =	sbarrier.arrive $0xFFFF  }
0x11d: {  	p0 =	sne.s32 s2, $0x0;
	_ =	strace $0x9000004A  }
0x11e: {  	s0 =	sadd.s32 @!p0 $0x100000, s0;
	[bflag:$0x2] =	sbarrier.arrive $0xFFFF  }
0x11f: {  	[sflag:s0] =	ssyncadd.tile.s32 @!p0 $0x1;
	_ =	shalt  }
.Lfunc_end2:
_tile_overlayer_lowered:
.L_overlay_start_2:
0x120: {  	(tag) =	ssettag $0x2  }
0x121: {  	s0 =	rddreg [dreg:$0x0];
	s2 =	stileid.u32  }
0x122: {  	s1 =	rddreg [dreg:$0x1];
	p0 =	sne.s32 s2, $0x0  }
0x123: {  	s3 =	rddreg [dreg:$0x2];
	[bflag:$0x3] =	sbarrier.arrive $0xFFFF;
	s2 =	simm.s32 @!p0 $0x1C03  }
0x124: {  	[timem:s3], [sflag:s2] =	dma.local @!p0 [hbm:s0], s1  }
0x125: {  	s0 =	simm.s32 @!p0 $0x3  }
0x126: {  	_ =	swait.ge @!p0 [sflag:s0], s1  }
0x127: {  	s1 =	ssub.s32 @!p0 $0x0, s1;
	[sflag:s0] =	ssyncset.done @!p0 $0x0  }
0x128: {  	[sflag:s0] =	ssyncadd.s32 @!p0 s1  }
0x129: {  	[bflag:$0x3] =	sbarrier.arrive $0xFFFF  }
0x12a: {  	_ =	shalt  }

// kernel: kernel.15.cloned.1.call-start
scs
__scs_entry_jumppad:
0x0: {  	(pc) =	sbr.rel $0x88, $3  }
0x1: {  	(tag) =	ssettag $0x0;
	lr =	simm.s32 $0x1  }
0x2: {  	[smem:$0x3F99] =	sst lr;
	_ =	strace $0xD0000000  }
0x3: {  	_ = 	snop  }
0x4: {  	_ = 	snop  }
0x5: {  	_ = 	snop  }
0x6: {  	_ = 	snop  }
0x7: {  	_ = 	snop  }
__scs_overlays_trampoline_lowered:
0x8: {  	[smem:$0x3FA8] =	sst s0  }
0x9: {  	[smem:$0x3FA9] =	sst s1  }
0xa: {  	[smem:$0x3FAA] =	sst s2  }
0xb: {  	[smem:$0x3FAB] =	sst s3  }
0xc: {  	[smem:$0x3FAC] =	sst s4  }
0xd: {  	[smem:$0x3FAD] =	sst s5  }
0xe: {  	[smem:$0x3FAE] =	sst s6  }
0xf: {  	[smem:$0x3FAF] =	sst s7  }
0x10: {  	[smem:$0x3FB0] =	sst s8  }
0x11: {  	[smem:$0x3FB1] =	sst s9;
	s0 =	simm.s32 @!p0 $0x0  }
0x12: {  	s1 =	sld [smem:$0x3F97];
	s0 =	simm.s32 @p0 $0x1  }
0x13: {  	[smem:$0x3FB2] =	sst s0;
	s0 =	simm.s32 @!p1 $0x0  }
0x14: {  	s2 =	sld [smem:$0x3F96];
	s0 =	simm.s32 @p1 $0x1  }
0x15: {  	[smem:$0x3FB3] =	sst s0;
	s0 =	simm.s32 @!p2 $0x0  }
0x16: {  	s3 =	sld [smem:$0x3FDB];
	s0 =	simm.s32 @p2 $0x1  }
0x17: {  	s4 =	simm.s32 $0x1BF5;
	[smem:$0x3FB5] =	sst s0  }
0x18: {  	s0 =	sld [smem:$0x3F98];
	_ =	swait.ge [sflag:s4], $0x0  }
0x19: {  	s7 =	sld [smem:$0x3F99]  }
0x1a: {  	s8 =	sadd.s32 $0xFFFFE003, lr  }
0x1b: {  	s9 =	sadd.s32 $0xFFFFFEF7, lr;
	s5 =	simm.s32 $0xFFFFFFFF;
	p2 =	slt.u32 s8, $0xFFFFF086  }
0x1c: {  	p1 =	slt.u32 s9, $0xF7A;
	s5 =	simm.s32 @!p2 $0x0  }
0x1d: {  	s5 =	simm.s32 @p1 $0x1;
	p0 =	seq.s32 s7, s2  }
0x1e: {  	s7 =	smul.u32 @!p0 $0xF7A, s2;
	p2 =	seq.s32 @!p0 s5, $0x0  }
0x1f: {  	s9 =	smul.u32 $0xF7A, s1;
	s8 =	simm.s32 @!p0 $0x1BF5;
	p2 =	por !p2, p0  }
0x20: {  	[sflag:s8] =	ssyncset.s32 @!p0 $0xFFFFF086;
	s6 =	sadd.s32 @!p0 s3, s7;
	s7 =	simm.s32 @!p0 $0x108  }
0x21: {  	s3 =	sadd.s32 s3, s9;
	s6 =	sadd.s32 @!p0 $0x88, s6;
	s7 =	simm.s32 @p2 $0x1082  }
0x22: {  	[simem:s7], [sflag:s8] =	dma.local @!p0 [hbm:s6], $0xF7A  }
0x23: {  	s9 =	sor.u32 $0xD0000000, s2;
	s6 =	simm.s32 $0x108;
	_ =	swait.ge @!p0 [sflag:s8], $0x0  }
0x24: {  	s3 =	sadd.s32 $0x88, s3;
	s6 =	simm.s32 @!p1 $0x1082;
	[sflag:s4] =	ssyncset.s32 $0xFFFFF086  }
0x25: {  	[simem:s6], [sflag:s4] =	dma.local [hbm:s3], $0xF7A  }
0x26: {  	[smem:$0x3F99] =	sst s1;
	(tag) =	ssettag s2;
	_ =	strace s9  }
0x27: {  	s1 =	sld [smem:$0x3FA9]  }
0x28: {  	s2 =	sld [smem:$0x3FAA]  }
0x29: {  	s4 =	sld [smem:$0x3FAC]  }
0x2a: {  	p0 =	seq.s32 s5, $0x0;
	s5 =	sld [smem:$0x3FAD]  }
0x2b: {  	s6 =	sld [smem:$0x3FAE]  }
0x2c: {  	s7 =	sld [smem:$0x3FAF]  }
0x2d: {  	s3 =	simm.s32 $0x108;
	s8 =	sld [smem:$0x3FB0]  }
0x2e: {  	s3 =	simm.s32 @!p0 $0x1082;
	s9 =	sld [smem:$0x3FB1]  }
0x2f: {  	lr =	sadd.s32 s0, s3;
	s0 =	sld [smem:$0x3FA8]  }
0x30: {  	s3 =	sld [smem:$0x3FAB]  }
0x31: {  	[smem:$0x3FB4] =	sst s10  }
0x32: {  	s10 =	sld [smem:$0x3FB2];
	_ =	sdelay $0x3  }
0x33: {  	p0 =	seq.s32 s10, $0x1;
	s10 =	sld [smem:$0x3FB4];
	_ =	sdelay $0x3  }
0x34: {  	[smem:$0x3FB4] =	sst s10  }
0x35: {  	s10 =	sld [smem:$0x3FB3];
	_ =	sdelay $0x3  }
0x36: {  	p1 =	seq.s32 s10, $0x1;
	s10 =	sld [smem:$0x3FB4];
	_ =	sdelay $0x3  }
0x37: {  	[smem:$0x3FB4] =	sst s10  }
0x38: {  	s10 =	sld [smem:$0x3FB5]  }
0x39: {  	_ = 	snop;
	(pc) =	sbr.ind lr, $3  }
0x3a: {  	_ = 	snop  }
0x3b: {  	_ = 	snop  }
0x3c: {  	p2 =	seq.s32 s10, $0x1;
	s10 =	sld [smem:$0x3FB4]  }
0x3d: {  	_ =	shalt  }
0x3e: {  	_ =	shalt  }
0x3f: {  	_ =	shalt  }
0x40: {  	_ =	shalt  }
0x41: {  	_ =	shalt  }
0x42: {  	_ =	shalt  }
0x43: {  	_ =	shalt  }
0x44: {  	_ =	shalt  }
0x45: {  	_ =	shalt  }
0x46: {  	_ =	shalt  }
0x47: {  	_ =	shalt  }
0x48: {  	_ =	shalt  }
0x49: {  	_ =	shalt  }
0x4a: {  	_ =	shalt  }
0x4b: {  	_ =	shalt  }
0x4c: {  	_ =	shalt  }
0x4d: {  	_ =	shalt  }
0x4e: {  	_ =	shalt  }
0x4f: {  	_ =	shalt  }
0x50: {  	_ =	shalt  }
0x51: {  	_ =	shalt  }
0x52: {  	_ =	shalt  }
0x53: {  	_ =	shalt  }
0x54: {  	_ =	shalt  }
0x55: {  	_ =	shalt  }
0x56: {  	_ =	shalt  }
0x57: {  	_ =	shalt  }
0x58: {  	_ =	shalt  }
0x59: {  	_ =	shalt  }
0x5a: {  	_ =	shalt  }
0x5b: {  	_ =	shalt  }
0x5c: {  	_ =	shalt  }
0x5d: {  	_ =	shalt  }
0x5e: {  	_ =	shalt  }
0x5f: {  	_ =	shalt  }
0x60: {  	_ =	shalt  }
0x61: {  	_ =	shalt  }
0x62: {  	_ =	shalt  }
0x63: {  	_ =	shalt  }
0x64: {  	_ =	shalt  }
0x65: {  	_ =	shalt  }
0x66: {  	_ =	shalt  }
0x67: {  	_ =	shalt  }
0x68: {  	_ =	shalt  }
0x69: {  	_ =	shalt  }
0x6a: {  	_ =	shalt  }
0x6b: {  	_ =	shalt  }
0x6c: {  	_ =	shalt  }
0x6d: {  	_ =	shalt  }
0x6e: {  	_ =	shalt  }
0x6f: {  	_ =	shalt  }
0x70: {  	_ =	shalt  }
0x71: {  	_ =	shalt  }
0x72: {  	_ =	shalt  }
0x73: {  	_ =	shalt  }
0x74: {  	_ =	shalt  }
0x75: {  	_ =	shalt  }
0x76: {  	_ =	shalt  }
0x77: {  	_ =	shalt  }
0x78: {  	_ =	shalt  }
0x79: {  	_ =	shalt  }
0x7a: {  	_ =	shalt  }
0x7b: {  	_ =	shalt  }
0x7c: {  	_ =	shalt  }
0x7d: {  	_ =	shalt  }
0x7e: {  	_ =	shalt  }
0x7f: {  	_ =	shalt  }
0x80: {  	_ =	shalt  }
0x81: {  	_ =	shalt  }
0x82: {  	_ =	shalt  }
0x83: {  	_ =	shalt  }
0x84: {  	_ =	shalt  }
0x85: {  	_ =	shalt  }
0x86: {  	_ =	shalt  }
0x87: {  	_ =	shalt  }
.Lfunc_end0:
.L_simem_size_0:
called_computation.2_lowered:
.L_overlay_start_0:
0x88: {  	s2 =	sld [smem:$0x3FD9]  }
0x89: {  	s3 =	sld [smem:$0x3FFE];
	_ =	sdelay $0x1  }
0x8a: {  	s1 =	srdreg.scid  }
0x8b: {  	s0 =	sand.u32 $0x1, s1  }
0x8c: {  	s16 =	sshll.u32 s0, $0xA;
	s2 =	sadd.s32 s3, s2  }
0x8d: {  	s2 =	sadd.s32 s2, s16  }
0x8e: {  	[smem:$0x3FC0] =	sst s2  }
0x8f: {  	_ = 	snop  }
0x90: {  	(tm) =	ssettm $0x1  }
0x91: {  	s17 =	sld [smem:$0x3FFB];
	_ =	sdelay $0x3  }
0x92: {  	_ =	strace s17  }
0x93: {  	s2 =	sld [smem:$0x3FFC];
	_ =	sdelay $0x3  }
0x94: {  	_ =	strace s2  }
0x95: {  	s2 =	sld [smem:$0x3FFD];
	_ =	sdelay $0x3  }
0x96: {  	_ =	strace s2  }
0x97: {  	_ =	strace $0x8FFFFFFF  }
0x98: {  	s18 =	sld [smem:$0x3FDB];
	_ =	sdelay $0x1  }
0x99: {  	s19 =	simm.s32 $_scs_section_size  }
0x9a: {  	s4 =	simm.s32 $_size__tile_overlayer_lowered;
	s5 =	simm.s32 $_tile_overlayer_lowered  }
0x9b: {  	s22 =	simm.s32 $0x1BFF;
	s21 =	sshll.u32 s5, $0x1;
	s2 =	sadd.s32 s19, s18  }
0x9c: {  	s6 =	simm.s32 $0x0;
	s20 =	sshll.u32 s4, $0x1;
	s4 =	sadd.s32 s21, s2  }
0x9d: {  	[timem:s6], [sflag:s22] =	dma.local [hbm:s4], s20  }
0x9e: {  	_ =	swait.ge [sflag:s22], s20  }
0x9f: {  	s3 =	ssub.s32 $0x0, s20;
	[sflag:s22] =	ssyncset.done $0x0  }
0xa0: {  	[sflag:s22] =	ssyncadd.s32 s3;
	_ =	sdelay $0x1  }
0xa1: {  	s23 =	simm.s32 $0x1B8B  }
0xa2: {  	_ =	swait.ge [sflag:s23], $0x1  }
0xa3: {  	[sflag:s23] =	ssyncset.done $0x0  }
0xa4: {  	s25 =	simm.s32 $0x1B8E;
	s24 =	sld [smem:$0x3FFE];
	[sflag:s23] =	ssyncadd.s32 $0xFFFFFFFF  }
0xa5: {  	s26 =	simm.s32 $execute0_lowered;
	[smem:$0x3FD2] =	sst s25  }
0xa6: {  	s4 =	sshll.u32 s26, $0x1;
	_ =	strace $0x8000004C;
	[dreg:$0x1] =	wrdreg $0xFFFFFFFF  }
0xa7: {  	s28 =	simm.s32 $_size_execute0_lowered;
	s2 =	sadd.s32 s2, s4;
	[dreg:$0x0] =	wrdreg $0x0  }
0xa8: {  	s4 =	sshll.u32 s28, $0x1;
	[dreg:$0x2] =	wrdreg s2  }
0xa9: {  	[dreg:$0x3] =	wrdreg s4  }
0xaa: {  	[dreg:$0x4] =	wrdreg $0xC0  }
0xab: {  	_ =	task [dreg:s6], $0x5FFFF  }
0xac: {  	[dreg:$0x1] =	wrdreg $0xFFFFFFFF  }
0xad: {  	[dreg:$0x0] =	wrdreg $0x60  }
0xae: {  	[dreg:$0x2] =	wrdreg s24  }
0xaf: {  	[dreg:$0x3] =	wrdreg $0xA2000  }
0xb0: {  	[dreg:$0x4] =	wrdreg $0x9  }
0xb1: {  	_ =	task.clear_ibuf [dreg:s6], $0x5FFFF;
	_ =	strace $0x9000004C  }
0xb2: {  	s29 =	simm.s32 $0x9;
	_ =	strace $0x8000004E  }
0xb3: {  	_ =	swait.ge [sflag:s29], $0x1  }
0xb4: {  	[sflag:s29] =	ssyncadd.s32 $0xFFFFFFFF  }
0xb5: {  	_ =	strace $0x9000004E  }
0xb6: {  	_ =	sfence  }
0xb7: {  	s30 =	sld [smem:$0x0];
	_ =	sdelay $0x2  }
0xb8: {  	s31 =	sshll.u32 s1, $0xD;
	s1 =	sshrl.u32 s1, $0x2  }
0xb9: {  	s3 =	sand.u32 $0x4000, s31;
	s1 =	sadd.s32 s1, s30  }
0xba: {  	s0 =	sor.u32 s3, s0;
	s1 =	sshll.u32 s1, $0x11  }
0xbb: {  	s0 =	sor.u32 s1, s0  }
0xbc: {  	s0 =	sadd.s32 $0x8F2B, s0  }
0xbd: {  	[sflag:s0] =	ssyncadd.remote.s32 $0x1  }
0xbe: {  	_ =	sfence.sel $0xFFFF  }
0xbf: {  	[dreg:$0x0] =	wrdreg $0xFFFFFFFF;
	(pc) =	sbr.abs _section_cstart, $3  }
0xc0: {  	[dreg:$0x1] =	wrdreg $0xFFFFFFFF  }
0xc1: {  	_ =	task.clear_ibuf [dreg:s6], $0x2FFFF;
	_ =	strace $0x9FFFFFFF  }
0xc2: {  	(tm) =	ssettm $0x7FFFFFFF  }
0xc3: {  	_ =	shalt  }
tec
execute0_lowered:
.L_overlay_start_1:
0x0: {  	(tag) =	ssettag $0x1  }
0x1: {  	s5 =	rddreg [dreg:$0x0]  }
0x2: {  	s1 =	rddreg [dreg:$0x1]  }
0x3: {  	s2 =	srdreg.scid;
	s0 =	rddreg [dreg:$0x2]  }
0x4: {  	s3 =	simm.s32 $0x0;
	s17 =	simm.s32 $0x3;
	s18 =	simm.s32 $0x3200  }
0x5: {  	s19 =	simm.s32 $0x70;
	s20 =	simm.s32 $0x3000;
	s21 =	simm.s32 $0x3080  }
0x6: {  	s22 =	simm.s32 $0x6A00;
	s23 =	simm.s32 $0x1;
	s6 =	sand.u32 $0x1, s2  }
0x7: {  	s24 =	simm.s32 $0x3100;
	s2 =	stileid.u32;
	s7 =	smul.u32 $0x140000, s6  }
0x8: {  	s25 =	simm.s32 $0x2;
	s28 =	simm.s32 $0x0;
	s8 =	smul.u32 $0x14000, s2  }
0x9: {  	[smem:$0x7FF] =	sst s3;
	s4 =	sshll.u32 s2, $0x1;
	s10 =	smul.u32 $0x50000, s2  }
0xa: {  	_ =	strace $0x8000004D;
	s26 =	ssub.s32 $0x2, s6;
	s31 =	smul.u32 $0x2800, s2  }
0xb: {  	p0 =	seq.s32 s6, $0x1;
	s9 =	sor.u32 s6, s4;
	s4 =	sadd.s32 $0x1A800, s5  }
0xc: {  	s29 =	sshrl.u32 s26, $0x1;
	s9 =	smul.u32 $0x600, s9;
	s7 =	sadd.s32 s8, s7  }
0xd: {  	s16 =	ssub.s32 s26, s29;
	s30 =	sshrl.u32 s10, $0x2;
	s26 =	simm.s32 $0x3180  }
0xe: {  	s7 =	sshrl.u32 s7, $0x3;
	s6 =	sadd.s32 s30, s1;
	s16 =	smax.u32 s16, $0x1  }
0xf: {  	s9 =	sadd.s32 s9, s5;
	s15 =	sadd.s32 s7, s5;
	s7 =	sadd.s32 s4, s31  }
0x10: {  	s8 =	sadd.s32 $0x2800, s6;
	s10 =	sadd.s32 $0x7800, s6;
	s11 =	sadd.s32 $0xA000, s6  }
0x11: {  	s12 =	sadd.s32 $0xC800, s6;
	s13 =	sadd.s32 $0xF000, s6;
	s14 =	sadd.s32 $0x11800, s6  }
0x12: {  	v0 =	vimm.f32 $0.0e+00;
	s5 =	sadd.s32 $0xE800, s9;
	s9 =	sadd.s32 $0x5000, s6;
	s15 =	sadd.s32 $0x42800, s15  }
.LBB2_1:
.Ltmp0:
0x13: {  	(pc) =	sbr.rel @!p0 .LBB2_2-.Ltmp0, $4  }
0x14: {  	[tilespmem:s3], [sflag:$0x3] =	stream.linear.gather [hbm4b:s5+s3], $0x2D00, $0x38;
	[tilespmem:$0x1E200] =	vst v63  }
0x15: {  	_ =	swait.ge [sflag:s17], $0x2D00  }
0x16: {  	[sflag:s17] =	ssyncset.done $0x0  }
0x17: {  	[sflag:s17] =	ssyncadd.s32 $0xFFFFD300  }
0x18: {  	s29 =	sshra.s32 s3, $0x2;
	s30 =	sadd.s32 $0x200, s3  }
.LBB2_4:
0x19: {  	p1 =	sne.s32 s30, $0x9E00;
	[tilespmem:s29+$0x3270] =	vst v0  }
0x1a: {  	[tilespmem:s29+$0x3200] =	vst v0  }
0x1b: {  	[tilespmem:s29+$0x3210] =	vst v0  }
.Ltmp1:
0x1c: {  	[tilespmem:s29+$0x3220] =	vst v0;
	(pc) =	sbr.rel @p1 .LBB2_4-.Ltmp1, $4  }
0x1d: {  	[tilespmem:s29+$0x3230] =	vst v0  }
0x1e: {  	[tilespmem:s29+$0x3240] =	vst v0  }
0x1f: {  	[tilespmem:s29+$0x3250] =	vst v0  }
0x20: {  	[tilespmem:s29+$0x3260] =	vst v0;
	s29 =	sshra.s32 s30, $0x2;
	s30 =	sadd.s32 $0x200, s30  }
0x21: {  	[tilespmem:s29+$0x3270] =	vst v0  }
0x22: {  	[tilespmem:s29+$0x3200] =	vst v0  }
0x23: {  	[tilespmem:s29+$0x3210] =	vst v0  }
0x24: {  	[tilespmem:s29+$0x3220] =	vst v0  }
0x25: {  	[tilespmem:s29+$0x3230] =	vst v0  }
0x26: {  	[tilespmem:s29+$0x3240] =	vst v0  }
0x27: {  	[tilespmem:s29+$0x3250] =	vst v0  }
0x28: {  	[tilespmem:s29+$0x3260] =	vst v0  }
0x29: {  	[spmem:s6] =	stream.linear.scatter [tilespmem:s18], [sflag:$0x3], $0x2800, $0x38;
	[tilespmem:$0x1E200] =	vst v63  }
0x2a: {  	_ =	swait.ge [sflag:s17], $0x2800  }
0x2b: {  	[sflag:s17] =	ssyncset.done $0x0  }
0x2c: {  	[sflag:s17] =	ssyncadd.s32 $0xFFFFD800  }
0x2d: {  	[spmem:s8] =	stream.linear.scatter [tilespmem:s18], [sflag:$0x3], $0x2800, $0x38;
	[tilespmem:$0x1E200] =	vst v63  }
0x2e: {  	_ =	swait.ge [sflag:s17], $0x2800  }
0x2f: {  	[sflag:s17] =	ssyncset.done $0x0  }
0x30: {  	[sflag:s17] =	ssyncadd.s32 $0xFFFFD800  }
0x31: {  	[spmem:s9] =	stream.linear.scatter [tilespmem:s18], [sflag:$0x3], $0x2800, $0x38;
	[tilespmem:$0x1E200] =	vst v63  }
0x32: {  	_ =	swait.ge [sflag:s17], $0x2800  }
0x33: {  	[sflag:s17] =	ssyncset.done $0x0  }
0x34: {  	[sflag:s17] =	ssyncadd.s32 $0xFFFFD800  }
0x35: {  	[spmem:s10] =	stream.linear.scatter [tilespmem:s18], [sflag:$0x3], $0x2800, $0x38;
	[tilespmem:$0x1E200] =	vst v63  }
0x36: {  	_ =	swait.ge [sflag:s17], $0x2800  }
0x37: {  	[sflag:s17] =	ssyncset.done $0x0  }
0x38: {  	[sflag:s17] =	ssyncadd.s32 $0xFFFFD800  }
0x39: {  	[spmem:s11] =	stream.linear.scatter [tilespmem:s18], [sflag:$0x3], $0x2800, $0x38;
	[tilespmem:$0x1E200] =	vst v63  }
0x3a: {  	_ =	swait.ge [sflag:s17], $0x2800  }
0x3b: {  	[sflag:s17] =	ssyncset.done $0x0  }
0x3c: {  	[sflag:s17] =	ssyncadd.s32 $0xFFFFD800  }
0x3d: {  	[spmem:s12] =	stream.linear.scatter [tilespmem:s18], [sflag:$0x3], $0x2800, $0x38;
	[tilespmem:$0x1E200] =	vst v63  }
0x3e: {  	_ =	swait.ge [sflag:s17], $0x2800  }
0x3f: {  	[sflag:s17] =	ssyncset.done $0x0  }
0x40: {  	[sflag:s17] =	ssyncadd.s32 $0xFFFFD800  }
0x41: {  	[spmem:s13] =	stream.linear.scatter [tilespmem:s18], [sflag:$0x3], $0x2800, $0x38;
	[tilespmem:$0x1E200] =	vst v63  }
.Ltmp2:
0x42: {  	_ = 	snop;
	(pc) =	sbr.rel .LBB2_6-.Ltmp2, $4  }
0x43: {  	_ =	swait.ge [sflag:s17], $0x2800  }
0x44: {  	[sflag:s17] =	ssyncset.done $0x0  }
0x45: {  	[sflag:s17] =	ssyncadd.s32 $0xFFFFD800  }
0x46: {  	[spmem:s14] =	stream.linear.scatter [tilespmem:s18], [sflag:$0x3], $0x2800, $0x38;
	[tilespmem:$0x1E200] =	vst v63  }
.LBB2_2:
0x47: {  	s29 =	sshll.u32 s2, $0x6  }
0x48: {  	s30 =	sshrl.u32 s6, $0x3;
	s29 =	sor.u32 $0x1C03, s29  }
0x49: {  	[spmem:s30], [sflag:s29] =	dma.local [hbm:s7], $0x2800  }
.LBB2_6:
0x4a: {  	_ =	swait.ge [sflag:s17], $0x2800  }
0x4b: {  	[sflag:s17] =	ssyncset.done $0x0  }
0x4c: {  	[sflag:s17] =	ssyncadd.s32 $0xFFFFD800  }
0x4d: {  	[bflag:$0x0] =	sbarrier.arrive $0xFFFF  }
0x4e: {  	v1 =	vld [tilespmem:$0x0];
	_ =	sdelay $0x1  }
0x4f: {  	v2 =	vld [tilespmem:$0x10];
	_ =	sdelay $0x1  }
0x50: {  	v3 =	vld [tilespmem:$0x20]  }
0x51: {  	v4 =	vshrl.u32 v1, $0x10  }
0x52: {  	v59 =	vld [tilespmem:$0x30];
	v1 =	vand.u32 $0xFFFF, v1;
	[tilespmem:$0x3100] =	vst v4  }
0x53: {  	[tilespmem:$0x3000] =	vst v1;
	v1 =	vshrl.u32 v2, $0x10  }
0x54: {  	[tilespmem:$0x3110] =	vst v1;
	v1 =	vand.u32 $0xFFFF, v2;
	v2 =	vld [tilespmem:$0x40]  }
0x55: {  	[tilespmem:$0x3010] =	vst v1;
	v1 =	vshrl.u32 v3, $0x10  }
0x56: {  	[tilespmem:$0x3120] =	vst v1;
	v1 =	vand.u32 $0xFFFF, v3;
	v3 =	vld [tilespmem:$0x50]  }
0x57: {  	[tilespmem:$0x3020] =	vst v1;
	v1 =	vshrl.u32 v59, $0x10  }
0x58: {  	v60 =	vld [tilespmem:$0x60];
	[tilespmem:$0x3130] =	vst v1;
	v1 =	vand.u32 $0xFFFF, v59  }
0x59: {  	[tilespmem:$0x3030] =	vst v1;
	v1 =	vshrl.u32 v2, $0x10  }
0x5a: {  	[tilespmem:$0x3140] =	vst v1;
	v1 =	vand.u32 $0xFFFF, v2  }
0x5b: {  	[tilespmem:$0x3040] =	vst v1;
	v1 =	vshrl.u32 v3, $0x10  }
0x5c: {  	[tilespmem:$0x3150] =	vst v1;
	v1 =	vand.u32 $0xFFFF, v3  }
0x5d: {  	[tilespmem:$0x3050] =	vst v1;
	v1 =	vshrl.u32 v60, $0x10  }
0x5e: {  	[tilespmem:$0x3160] =	vst v1;
	v1 =	vand.u32 $0xFFFF, v60  }
0x5f: {  	[tilespmem:$0x3060] =	vst v1  }
0x60: {  	[tilespmem:s18], [sflag:$0x1] =	stream.indirect.gather [hbm4b:s4+s19], $0x80, s20, s19, $0xb8;
	[tilespmem:$0x1E200] =	vst v63  }
0x61: {  	v1 =	vld [tilespmem:$0x80];
	_ =	sdelay $0x1  }
0x62: {  	v2 =	vld [tilespmem:$0x90];
	_ =	sdelay $0x1  }
0x63: {  	v3 =	vld [tilespmem:$0xA0]  }
0x64: {  	v61 =	vshrl.u32 v1, $0x10  }
0x65: {  	v62 =	vld [tilespmem:$0xB0];
	v1 =	vand.u32 $0xFFFF, v1;
	[tilespmem:$0x3180] =	vst v61  }
0x66: {  	[tilespmem:$0x3080] =	vst v1;
	v1 =	vshrl.u32 v2, $0x10  }
0x67: {  	[tilespmem:$0x3190] =	vst v1;
	v1 =	vand.u32 $0xFFFF, v2;
	v2 =	vld [tilespmem:$0xC0]  }
0x68: {  	[tilespmem:$0x3090] =	vst v1;
	v1 =	vshrl.u32 v3, $0x10  }
0x69: {  	[tilespmem:$0x31A0] =	vst v1;
	v1 =	vand.u32 $0xFFFF, v3;
	v3 =	vld [tilespmem:$0xD0]  }
0x6a: {  	[tilespmem:$0x30A0] =	vst v1;
	v1 =	vshrl.u32 v62, $0x10  }
0x6b: {  	v63 =	vld [tilespmem:$0xE0];
	[tilespmem:$0x31B0] =	vst v1;
	v1 =	vand.u32 $0xFFFF, v62  }
0x6c: {  	[tilespmem:$0x30B0] =	vst v1;
	v1 =	vshrl.u32 v2, $0x10  }
0x6d: {  	[tilespmem:$0x31C0] =	vst v1;
	v1 =	vand.u32 $0xFFFF, v2  }
0x6e: {  	[tilespmem:$0x30C0] =	vst v1;
	v1 =	vshrl.u32 v3, $0x10  }
0x6f: {  	[tilespmem:$0x31D0] =	vst v1;
	v1 =	vand.u32 $0xFFFF, v3  }
0x70: {  	[tilespmem:$0x30D0] =	vst v1;
	v1 =	vshrl.u32 v63, $0x10  }
0x71: {  	[tilespmem:$0x31E0] =	vst v1;
	v1 =	vand.u32 $0xFFFF, v63  }
0x72: {  	[tilespmem:$0x30E0] =	vst v1  }
0x73: {  	[tilespmem:s22], [sflag:$0x2] =	stream.indirect.gather [hbm4b:s4+s19], $0x80, s21, s19, $0xb8;
	[tilespmem:$0x1E200] =	vst v63  }
0x74: {  	_ =	swait.ge [sflag:s23], $0x3800  }
0x75: {  	[sflag:s23] =	ssyncset.done $0x0  }
0x76: {  	[sflag:s23] =	ssyncadd.s32 $0xFFFFC800  }
0x77: {  	[spmem:s1] =	stream.indirect.scatter.add.f32 [tilespmem:s18], [sflag:$0x3], $0x80, s24, s19, $0xb8;
	[tilespmem:$0x1E200] =	vst v63  }
0x78: {  	_ =	swait.ge [sflag:s17], $0x3800  }
0x79: {  	[sflag:s17] =	ssyncset.done $0x0  }
0x7a: {  	s30 =	simm.s32 $0x1E0;
	[sflag:s17] =	ssyncadd.s32 $0xFFFFC800  }
0x7b: {  	v1 =	vld [tilespmem:s30+$0xFFFFFF20];
	_ =	sdelay $0x4  }
0x7c: {  	v2 =	vshrl.u32 v1, $0x10  }
0x7d: {  	v1 =	vand.u32 $0xFFFF, v1;
	[tilespmem:$0x3100] =	vst v2  }
0x7e: {  	[tilespmem:$0x3000] =	vst v1  }
0x7f: {  	v1 =	vld [tilespmem:s30+$0xFFFFFF30];
	_ =	sdelay $0x4  }
0x80: {  	v2 =	vshrl.u32 v1, $0x10  }
0x81: {  	v1 =	vand.u32 $0xFFFF, v1;
	[tilespmem:$0x3110] =	vst v2  }
0x82: {  	[tilespmem:$0x3010] =	vst v1  }
0x83: {  	v1 =	vld [tilespmem:s30+$0xFFFFFF40];
	_ =	sdelay $0x4  }
0x84: {  	v2 =	vshrl.u32 v1, $0x10  }
0x85: {  	v1 =	vand.u32 $0xFFFF, v1;
	[tilespmem:$0x3120] =	vst v2  }
0x86: {  	[tilespmem:$0x3020] =	vst v1  }
0x87: {  	v1 =	vld [tilespmem:s30+$0xFFFFFF50];
	_ =	sdelay $0x4  }
0x88: {  	v2 =	vshrl.u32 v1, $0x10  }
0x89: {  	v1 =	vand.u32 $0xFFFF, v1;
	[tilespmem:$0x3130] =	vst v2  }
0x8a: {  	[tilespmem:$0x3030] =	vst v1  }
0x8b: {  	v1 =	vld [tilespmem:s30+$0xFFFFFF60];
	_ =	sdelay $0x4  }
0x8c: {  	v2 =	vshrl.u32 v1, $0x10  }
0x8d: {  	v1 =	vand.u32 $0xFFFF, v1;
	[tilespmem:$0x3140] =	vst v2  }
0x8e: {  	[tilespmem:$0x3040] =	vst v1  }
0x8f: {  	v1 =	vld [tilespmem:s30+$0xFFFFFF70];
	_ =	sdelay $0x4  }
0x90: {  	v2 =	vshrl.u32 v1, $0x10  }
0x91: {  	v1 =	vand.u32 $0xFFFF, v1;
	[tilespmem:$0x3150] =	vst v2  }
0x92: {  	[tilespmem:$0x3050] =	vst v1  }
0x93: {  	v1 =	vld [tilespmem:s30+$0xFFFFFF80];
	_ =	sdelay $0x4  }
0x94: {  	v2 =	vshrl.u32 v1, $0x10  }
0x95: {  	v1 =	vand.u32 $0xFFFF, v1;
	[tilespmem:$0x3160] =	vst v2  }
0x96: {  	[tilespmem:$0x3060] =	vst v1  }
0x97: {  	[tilespmem:s18], [sflag:$0x1] =	stream.indirect.gather [hbm4b:s4+s19], $0x80, s20, s19, $0xb8;
	[tilespmem:$0x1E200] =	vst v63  }
0x98: {  	_ =	swait.ge [sflag:s25], $0x3800  }
0x99: {  	[sflag:s25] =	ssyncset.done $0x0  }
0x9a: {  	[sflag:s25] =	ssyncadd.s32 $0xFFFFC800  }
0x9b: {  	[spmem:s1] =	stream.indirect.scatter.add.f32 [tilespmem:s22], [sflag:$0x3], $0x80, s26, s19, $0xb8;
	[tilespmem:$0x1E200] =	vst v63  }
0x9c: {  	_ =	swait.ge [sflag:s17], $0x3800  }
0x9d: {  	[sflag:s17] =	ssyncset.done $0x0  }
0x9e: {  	[sflag:s17] =	ssyncadd.s32 $0xFFFFC800  }
0x9f: {  	v1 =	vld [tilespmem:s30+$0xFFFFFFA0];
	_ =	sdelay $0x4  }
0xa0: {  	v2 =	vshrl.u32 v1, $0x10  }
0xa1: {  	v1 =	vand.u32 $0xFFFF, v1;
	[tilespmem:$0x3180] =	vst v2  }
0xa2: {  	[tilespmem:$0x3080] =	vst v1  }
0xa3: {  	v1 =	vld [tilespmem:s30+$0xFFFFFFB0];
	_ =	sdelay $0x4  }
0xa4: {  	v2 =	vshrl.u32 v1, $0x10  }
0xa5: {  	v1 =	vand.u32 $0xFFFF, v1;
	[tilespmem:$0x3190] =	vst v2  }
0xa6: {  	[tilespmem:$0x3090] =	vst v1  }
0xa7: {  	v1 =	vld [tilespmem:s30+$0xFFFFFFC0];
	_ =	sdelay $0x4  }
0xa8: {  	v2 =	vshrl.u32 v1, $0x10  }
0xa9: {  	v1 =	vand.u32 $0xFFFF, v1;
	[tilespmem:$0x31A0] =	vst v2  }
0xaa: {  	[tilespmem:$0x30A0] =	vst v1  }
0xab: {  	v1 =	vld [tilespmem:s30+$0xFFFFFFD0];
	_ =	sdelay $0x4  }
0xac: {  	v2 =	vshrl.u32 v1, $0x10  }
0xad: {  	v1 =	vand.u32 $0xFFFF, v1;
	[tilespmem:$0x31B0] =	vst v2  }
0xae: {  	[tilespmem:$0x30B0] =	vst v1  }
0xaf: {  	v1 =	vld [tilespmem:s30+$0xFFFFFFE0];
	_ =	sdelay $0x4  }
0xb0: {  	v2 =	vshrl.u32 v1, $0x10  }
0xb1: {  	v1 =	vand.u32 $0xFFFF, v1;
	[tilespmem:$0x31C0] =	vst v2  }
0xb2: {  	[tilespmem:$0x30C0] =	vst v1  }
0xb3: {  	v1 =	vld [tilespmem:s30+$0xFFFFFFF0];
	_ =	sdelay $0x4  }
0xb4: {  	v2 =	vshrl.u32 v1, $0x10  }
0xb5: {  	v1 =	vand.u32 $0xFFFF, v1;
	[tilespmem:$0x31D0] =	vst v2  }
0xb6: {  	[tilespmem:$0x30D0] =	vst v1  }
0xb7: {  	s29 =	simm.s32 $0xB80;
	v1 =	vld [tilespmem:s30+$0x0]  }
.LBB2_7:
0xb8: {  	p1 =	sne.s32 s29, $0xB380;
	s30 =	smov.u32 s29;
	s29 =	sadd.s32 $0x400, s29  }
0xb9: {  	_ =	sdelay $0x2  }
0xba: {  	v2 =	vshrl.u32 v1, $0x10;
	v1 =	vand.u32 $0xFFFF, v1  }
0xbb: {  	[tilespmem:$0x31E0] =	vst v2  }
0xbc: {  	[tilespmem:$0x30E0] =	vst v1  }
0xbd: {  	[tilespmem:s22], [sflag:$0x2] =	stream.indirect.gather [hbm4b:s4+s19], $0x80, s21, s19, $0xb8;
	[tilespmem:$0x1E200] =	vst v63  }
0xbe: {  	_ =	swait.ge [sflag:s23], $0x3800  }
0xbf: {  	[sflag:s23] =	ssyncset.done $0x0  }
0xc0: {  	[sflag:s23] =	ssyncadd.s32 $0xFFFFC800  }
0xc1: {  	[spmem:s1] =	stream.indirect.scatter.add.f32 [tilespmem:s18], [sflag:$0x3], $0x80, s24, s19, $0xb8;
	[tilespmem:$0x1E200] =	vst v63  }
0xc2: {  	_ =	swait.ge [sflag:s17], $0x3800  }
0xc3: {  	[sflag:s17] =	ssyncset.done $0x0  }
0xc4: {  	s30 =	sshra.s32 s30, $0x2;
	[sflag:s17] =	ssyncadd.s32 $0xFFFFC800  }
0xc5: {  	v1 =	vld [tilespmem:s30+$0xFFFFFF20];
	_ =	sdelay $0x4  }
0xc6: {  	v2 =	vshrl.u32 v1, $0x10;
	v1 =	vand.u32 $0xFFFF, v1  }
0xc7: {  	[tilespmem:$0x3100] =	vst v2  }
0xc8: {  	[tilespmem:$0x3000] =	vst v1  }
0xc9: {  	v1 =	vld [tilespmem:s30+$0xFFFFFF30];
	_ =	sdelay $0x4  }
0xca: {  	v2 =	vshrl.u32 v1, $0x10;
	v1 =	vand.u32 $0xFFFF, v1  }
0xcb: {  	[tilespmem:$0x3110] =	vst v2  }
0xcc: {  	[tilespmem:$0x3010] =	vst v1  }
0xcd: {  	v1 =	vld [tilespmem:s30+$0xFFFFFF40];
	_ =	sdelay $0x4  }
0xce: {  	v2 =	vshrl.u32 v1, $0x10;
	v1 =	vand.u32 $0xFFFF, v1  }
0xcf: {  	[tilespmem:$0x3120] =	vst v2  }
0xd0: {  	[tilespmem:$0x3020] =	vst v1  }
0xd1: {  	v1 =	vld [tilespmem:s30+$0xFFFFFF50];
	_ =	sdelay $0x4  }
0xd2: {  	v2 =	vshrl.u32 v1, $0x10;
	v1 =	vand.u32 $0xFFFF, v1  }
0xd3: {  	[tilespmem:$0x3130] =	vst v2  }
0xd4: {  	[tilespmem:$0x3030] =	vst v1  }
0xd5: {  	v1 =	vld [tilespmem:s30+$0xFFFFFF60];
	_ =	sdelay $0x4  }
0xd6: {  	v2 =	vshrl.u32 v1, $0x10;
	v1 =	vand.u32 $0xFFFF, v1  }
0xd7: {  	[tilespmem:$0x3140] =	vst v2  }
0xd8: {  	[tilespmem:$0x3040] =	vst v1  }
0xd9: {  	v1 =	vld [tilespmem:s30+$0xFFFFFF70];
	_ =	sdelay $0x4  }
0xda: {  	v2 =	vshrl.u32 v1, $0x10;
	v1 =	vand.u32 $0xFFFF, v1  }
0xdb: {  	[tilespmem:$0x3150] =	vst v2  }
0xdc: {  	[tilespmem:$0x3050] =	vst v1  }
0xdd: {  	v1 =	vld [tilespmem:s30+$0xFFFFFF80];
	_ =	sdelay $0x4  }
0xde: {  	v2 =	vshrl.u32 v1, $0x10;
	v1 =	vand.u32 $0xFFFF, v1  }
0xdf: {  	[tilespmem:$0x3160] =	vst v2  }
0xe0: {  	[tilespmem:$0x3060] =	vst v1  }
0xe1: {  	[tilespmem:s18], [sflag:$0x1] =	stream.indirect.gather [hbm4b:s4+s19], $0x80, s20, s19, $0xb8;
	[tilespmem:$0x1E200] =	vst v63  }
0xe2: {  	_ =	swait.ge [sflag:s25], $0x3800  }
0xe3: {  	[sflag:s25] =	ssyncset.done $0x0  }
0xe4: {  	[sflag:s25] =	ssyncadd.s32 $0xFFFFC800  }
0xe5: {  	[spmem:s1] =	stream.indirect.scatter.add.f32 [tilespmem:s22], [sflag:$0x3], $0x80, s26, s19, $0xb8;
	[tilespmem:$0x1E200] =	vst v63  }
0xe6: {  	_ =	swait.ge [sflag:s17], $0x3800  }
0xe7: {  	[sflag:s17] =	ssyncset.done $0x0  }
0xe8: {  	[sflag:s17] =	ssyncadd.s32 $0xFFFFC800  }
0xe9: {  	v1 =	vld [tilespmem:s30+$0xFFFFFFA0];
	_ =	sdelay $0x4  }
0xea: {  	v2 =	vshrl.u32 v1, $0x10;
	v1 =	vand.u32 $0xFFFF, v1  }
0xeb: {  	[tilespmem:$0x3180] =	vst v2  }
0xec: {  	[tilespmem:$0x3080] =	vst v1  }
0xed: {  	v1 =	vld [tilespmem:s30+$0xFFFFFFB0];
	_ =	sdelay $0x4  }
0xee: {  	v2 =	vshrl.u32 v1, $0x10;
	v1 =	vand.u32 $0xFFFF, v1  }
0xef: {  	[tilespmem:$0x3190] =	vst v2  }
0xf0: {  	[tilespmem:$0x3090] =	vst v1  }
0xf1: {  	v1 =	vld [tilespmem:s30+$0xFFFFFFC0];
	_ =	sdelay $0x4  }
0xf2: {  	v2 =	vshrl.u32 v1, $0x10;
	v1 =	vand.u32 $0xFFFF, v1  }
0xf3: {  	[tilespmem:$0x31A0] =	vst v2  }
0xf4: {  	[tilespmem:$0x30A0] =	vst v1  }
0xf5: {  	v1 =	vld [tilespmem:s30+$0xFFFFFFD0];
	_ =	sdelay $0x4  }
0xf6: {  	v2 =	vshrl.u32 v1, $0x10;
	v1 =	vand.u32 $0xFFFF, v1  }
0xf7: {  	[tilespmem:$0x31B0] =	vst v2  }
0xf8: {  	[tilespmem:$0x30B0] =	vst v1  }
0xf9: {  	v1 =	vld [tilespmem:s30+$0xFFFFFFE0];
	_ =	sdelay $0x4  }
0xfa: {  	v2 =	vshrl.u32 v1, $0x10;
	v1 =	vand.u32 $0xFFFF, v1  }
0xfb: {  	[tilespmem:$0x31C0] =	vst v2  }
0xfc: {  	[tilespmem:$0x30C0] =	vst v1  }
0xfd: {  	v1 =	vld [tilespmem:s30+$0xFFFFFFF0];
	_ =	sdelay $0x3  }
.Ltmp3:
0xfe: {  	(pc) =	sbr.rel @p1 .LBB2_7-.Ltmp3, $4  }
0xff: {  	v2 =	vshrl.u32 v1, $0x10;
	v1 =	vand.u32 $0xFFFF, v1  }
0x100: {  	[tilespmem:$0x31D0] =	vst v2  }
0x101: {  	[tilespmem:$0x30D0] =	vst v1  }
0x102: {  	v1 =	vld [tilespmem:s30+$0x0]  }
0x103: {  	_ =	sdelay $0x3  }
0x104: {  	v2 =	vshrl.u32 v1, $0x10  }
0x105: {  	v1 =	vand.u32 $0xFFFF, v1;
	[tilespmem:$0x31E0] =	vst v2  }
0x106: {  	[tilespmem:$0x30E0] =	vst v1  }
0x107: {  	[tilespmem:s22], [sflag:$0x2] =	stream.indirect.gather [hbm4b:s4+s19], $0x80, s21, s19, $0xb8;
	[tilespmem:$0x1E200] =	vst v63  }
0x108: {  	_ =	swait.ge [sflag:s23], $0x3800  }
0x109: {  	[sflag:s23] =	ssyncset.done $0x0  }
0x10a: {  	[sflag:s23] =	ssyncadd.s32 $0xFFFFC800  }
0x10b: {  	[spmem:s1] =	stream.indirect.scatter.add.f32 [tilespmem:s18], [sflag:$0x3], $0x80, s24, s19, $0xb8;
	[tilespmem:$0x1E200] =	vst v63  }
0x10c: {  	_ =	swait.ge [sflag:s17], $0x3800  }
0x10d: {  	[sflag:s17] =	ssyncset.done $0x0  }
0x10e: {  	[sflag:s17] =	ssyncadd.s32 $0xFFFFC800  }
0x10f: {  	_ =	swait.ge [sflag:s25], $0x3800  }
0x110: {  	[sflag:s25] =	ssyncset.done $0x0  }
0x111: {  	[sflag:s25] =	ssyncadd.s32 $0xFFFFC800  }
0x112: {  	[spmem:s1] =	stream.indirect.scatter.add.f32 [tilespmem:s22], [sflag:$0x3], $0x80, s26, s19, $0xb8;
	[tilespmem:$0x1E200] =	vst v63  }
0x113: {  	_ =	swait.ge [sflag:s17], $0x3800  }
0x114: {  	s29 =	sshll.u32 s2, $0x6;
	s28 =	sadd.s32 $0x1, s28;
	[sflag:s17] =	ssyncset.done $0x0  }
0x115: {  	s30 =	sshrl.u32 s6, $0x3;
	p1 =	sne.s32 s28, s16;
	[sflag:s17] =	ssyncadd.s32 $0xFFFFC800  }
.Ltmp4:
0x116: {  	s29 =	sor.u32 $0x1C03, s29;
	[bflag:$0x0] =	sbarrier.arrive $0xFFFF;
	(pc) =	sbr.rel @p1 .LBB2_1-.Ltmp4, $4  }
0x117: {  	[hbm:s15], [sflag:s29] =	dma.local [spmem:s30], $0x2800  }
0x118: {  	_ =	swait.ge [sflag:s17], $0x2800  }
0x119: {  	[sflag:s17] =	ssyncset.done $0x0  }
0x11a: {  	[sflag:s17] =	ssyncadd.s32 $0xFFFFD800  }
0x11b: {  	_ =	sfence.sel $0x180000  }
0x11c: {  	[bflag:$0x0] =	sbarrier.arrive $0xFFFF  }
0x11d: {  	p0 =	sne.s32 s2, $0x0;
	_ =	strace $0x9000004D  }
0x11e: {  	s0 =	sadd.s32 @!p0 $0x100000, s0;
	[bflag:$0x2] =	sbarrier.arrive $0xFFFF  }
0x11f: {  	[sflag:s0] =	ssyncadd.tile.s32 @!p0 $0x1;
	_ =	shalt  }
.Lfunc_end2:
_tile_overlayer_lowered:
.L_overlay_start_2:
0x120: {  	(tag) =	ssettag $0x2  }
0x121: {  	s0 =	rddreg [dreg:$0x0];
	s2 =	stileid.u32  }
0x122: {  	s1 =	rddreg [dreg:$0x1];
	p0 =	sne.s32 s2, $0x0  }
0x123: {  	s3 =	rddreg [dreg:$0x2];
	[bflag:$0x3] =	sbarrier.arrive $0xFFFF;
	s2 =	simm.s32 @!p0 $0x1C03  }
0x124: {  	[timem:s3], [sflag:s2] =	dma.local @!p0 [hbm:s0], s1  }
0x125: {  	s0 =	simm.s32 @!p0 $0x3  }
0x126: {  	_ =	swait.ge @!p0 [sflag:s0], s1  }
0x127: {  	s1 =	ssub.s32 @!p0 $0x0, s1;
	[sflag:s0] =	ssyncset.done @!p0 $0x0  }
0x128: {  	[sflag:s0] =	ssyncadd.s32 @!p0 s1  }
0x129: {  	[bflag:$0x3] =	sbarrier.arrive $0xFFFF  }
0x12a: {  	_ =	shalt  }

// kernel: kernel.9.cloned.1.call-start
scs
__scs_entry_jumppad:
0x0: {  	(pc) =	sbr.rel $0x88, $3  }
0x1: {  	(tag) =	ssettag $0x0;
	lr =	simm.s32 $0x1  }
0x2: {  	[smem:$0x3F99] =	sst lr;
	_ =	strace $0xD0000000  }
0x3: {  	_ = 	snop  }
0x4: {  	_ = 	snop  }
0x5: {  	_ = 	snop  }
0x6: {  	_ = 	snop  }
0x7: {  	_ = 	snop  }
__scs_overlays_trampoline_lowered:
0x8: {  	[smem:$0x3FA8] =	sst s0  }
0x9: {  	[smem:$0x3FA9] =	sst s1  }
0xa: {  	[smem:$0x3FAA] =	sst s2  }
0xb: {  	[smem:$0x3FAB] =	sst s3  }
0xc: {  	[smem:$0x3FAC] =	sst s4  }
0xd: {  	[smem:$0x3FAD] =	sst s5  }
0xe: {  	[smem:$0x3FAE] =	sst s6  }
0xf: {  	[smem:$0x3FAF] =	sst s7  }
0x10: {  	[smem:$0x3FB0] =	sst s8  }
0x11: {  	[smem:$0x3FB1] =	sst s9;
	s0 =	simm.s32 @!p0 $0x0  }
0x12: {  	s1 =	sld [smem:$0x3F97];
	s0 =	simm.s32 @p0 $0x1  }
0x13: {  	[smem:$0x3FB2] =	sst s0;
	s0 =	simm.s32 @!p1 $0x0  }
0x14: {  	s2 =	sld [smem:$0x3F96];
	s0 =	simm.s32 @p1 $0x1  }
0x15: {  	[smem:$0x3FB3] =	sst s0;
	s0 =	simm.s32 @!p2 $0x0  }
0x16: {  	s3 =	sld [smem:$0x3FDB];
	s0 =	simm.s32 @p2 $0x1  }
0x17: {  	s4 =	simm.s32 $0x1BF5;
	[smem:$0x3FB5] =	sst s0  }
0x18: {  	s0 =	sld [smem:$0x3F98];
	_ =	swait.ge [sflag:s4], $0x0  }
0x19: {  	s7 =	sld [smem:$0x3F99]  }
0x1a: {  	s8 =	sadd.s32 $0xFFFFE003, lr  }
0x1b: {  	s9 =	sadd.s32 $0xFFFFFEF7, lr;
	s5 =	simm.s32 $0xFFFFFFFF;
	p2 =	slt.u32 s8, $0xFFFFF086  }
0x1c: {  	p1 =	slt.u32 s9, $0xF7A;
	s5 =	simm.s32 @!p2 $0x0  }
0x1d: {  	s5 =	simm.s32 @p1 $0x1;
	p0 =	seq.s32 s7, s2  }
0x1e: {  	s7 =	smul.u32 @!p0 $0xF7A, s2;
	p2 =	seq.s32 @!p0 s5, $0x0  }
0x1f: {  	s9 =	smul.u32 $0xF7A, s1;
	s8 =	simm.s32 @!p0 $0x1BF5;
	p2 =	por !p2, p0  }
0x20: {  	[sflag:s8] =	ssyncset.s32 @!p0 $0xFFFFF086;
	s6 =	sadd.s32 @!p0 s3, s7;
	s7 =	simm.s32 @!p0 $0x108  }
0x21: {  	s3 =	sadd.s32 s3, s9;
	s6 =	sadd.s32 @!p0 $0x88, s6;
	s7 =	simm.s32 @p2 $0x1082  }
0x22: {  	[simem:s7], [sflag:s8] =	dma.local @!p0 [hbm:s6], $0xF7A  }
0x23: {  	s9 =	sor.u32 $0xD0000000, s2;
	s6 =	simm.s32 $0x108;
	_ =	swait.ge @!p0 [sflag:s8], $0x0  }
0x24: {  	s3 =	sadd.s32 $0x88, s3;
	s6 =	simm.s32 @!p1 $0x1082;
	[sflag:s4] =	ssyncset.s32 $0xFFFFF086  }
0x25: {  	[simem:s6], [sflag:s4] =	dma.local [hbm:s3], $0xF7A  }
0x26: {  	[smem:$0x3F99] =	sst s1;
	(tag) =	ssettag s2;
	_ =	strace s9  }
0x27: {  	s1 =	sld [smem:$0x3FA9]  }
0x28: {  	s2 =	sld [smem:$0x3FAA]  }
0x29: {  	s4 =	sld [smem:$0x3FAC]  }
0x2a: {  	p0 =	seq.s32 s5, $0x0;
	s5 =	sld [smem:$0x3FAD]  }
0x2b: {  	s6 =	sld [smem:$0x3FAE]  }
0x2c: {  	s7 =	sld [smem:$0x3FAF]  }
0x2d: {  	s3 =	simm.s32 $0x108;
	s8 =	sld [smem:$0x3FB0]  }
0x2e: {  	s3 =	simm.s32 @!p0 $0x1082;
	s9 =	sld [smem:$0x3FB1]  }
0x2f: {  	lr =	sadd.s32 s0, s3;
	s0 =	sld [smem:$0x3FA8]  }
0x30: {  	s3 =	sld [smem:$0x3FAB]  }
0x31: {  	[smem:$0x3FB4] =	sst s10  }
0x32: {  	s10 =	sld [smem:$0x3FB2];
	_ =	sdelay $0x3  }
0x33: {  	p0 =	seq.s32 s10, $0x1;
	s10 =	sld [smem:$0x3FB4];
	_ =	sdelay $0x3  }
0x34: {  	[smem:$0x3FB4] =	sst s10  }
0x35: {  	s10 =	sld [smem:$0x3FB3];
	_ =	sdelay $0x3  }
0x36: {  	p1 =	seq.s32 s10, $0x1;
	s10 =	sld [smem:$0x3FB4];
	_ =	sdelay $0x3  }
0x37: {  	[smem:$0x3FB4] =	sst s10  }
0x38: {  	s10 =	sld [smem:$0x3FB5]  }
0x39: {  	_ = 	snop;
	(pc) =	sbr.ind lr, $3  }
0x3a: {  	_ = 	snop  }
0x3b: {  	_ = 	snop  }
0x3c: {  	p2 =	seq.s32 s10, $0x1;
	s10 =	sld [smem:$0x3FB4]  }
0x3d: {  	_ =	shalt  }
0x3e: {  	_ =	shalt  }
0x3f: {  	_ =	shalt  }
0x40: {  	_ =	shalt  }
0x41: {  	_ =	shalt  }
0x42: {  	_ =	shalt  }
0x43: {  	_ =	shalt  }
0x44: {  	_ =	shalt  }
0x45: {  	_ =	shalt  }
0x46: {  	_ =	shalt  }
0x47: {  	_ =	shalt  }
0x48: {  	_ =	shalt  }
0x49: {  	_ =	shalt  }
0x4a: {  	_ =	shalt  }
0x4b: {  	_ =	shalt  }
0x4c: {  	_ =	shalt  }
0x4d: {  	_ =	shalt  }
0x4e: {  	_ =	shalt  }
0x4f: {  	_ =	shalt  }
0x50: {  	_ =	shalt  }
0x51: {  	_ =	shalt  }
0x52: {  	_ =	shalt  }
0x53: {  	_ =	shalt  }
0x54: {  	_ =	shalt  }
0x55: {  	_ =	shalt  }
0x56: {  	_ =	shalt  }
0x57: {  	_ =	shalt  }
0x58: {  	_ =	shalt  }
0x59: {  	_ =	shalt  }
0x5a: {  	_ =	shalt  }
0x5b: {  	_ =	shalt  }
0x5c: {  	_ =	shalt  }
0x5d: {  	_ =	shalt  }
0x5e: {  	_ =	shalt  }
0x5f: {  	_ =	shalt  }
0x60: {  	_ =	shalt  }
0x61: {  	_ =	shalt  }
0x62: {  	_ =	shalt  }
0x63: {  	_ =	shalt  }
0x64: {  	_ =	shalt  }
0x65: {  	_ =	shalt  }
0x66: {  	_ =	shalt  }
0x67: {  	_ =	shalt  }
0x68: {  	_ =	shalt  }
0x69: {  	_ =	shalt  }
0x6a: {  	_ =	shalt  }
0x6b: {  	_ =	shalt  }
0x6c: {  	_ =	shalt  }
0x6d: {  	_ =	shalt  }
0x6e: {  	_ =	shalt  }
0x6f: {  	_ =	shalt  }
0x70: {  	_ =	shalt  }
0x71: {  	_ =	shalt  }
0x72: {  	_ =	shalt  }
0x73: {  	_ =	shalt  }
0x74: {  	_ =	shalt  }
0x75: {  	_ =	shalt  }
0x76: {  	_ =	shalt  }
0x77: {  	_ =	shalt  }
0x78: {  	_ =	shalt  }
0x79: {  	_ =	shalt  }
0x7a: {  	_ =	shalt  }
0x7b: {  	_ =	shalt  }
0x7c: {  	_ =	shalt  }
0x7d: {  	_ =	shalt  }
0x7e: {  	_ =	shalt  }
0x7f: {  	_ =	shalt  }
0x80: {  	_ =	shalt  }
0x81: {  	_ =	shalt  }
0x82: {  	_ =	shalt  }
0x83: {  	_ =	shalt  }
0x84: {  	_ =	shalt  }
0x85: {  	_ =	shalt  }
0x86: {  	_ =	shalt  }
0x87: {  	_ =	shalt  }
.Lfunc_end0:
.L_simem_size_0:
called_computation_lowered:
.L_overlay_start_0:
0x88: {  	s2 =	sld [smem:$0x3FD9]  }
0x89: {  	s3 =	sld [smem:$0x3FFE];
	_ =	sdelay $0x1  }
0x8a: {  	s1 =	srdreg.scid  }
0x8b: {  	s0 =	sand.u32 $0x1, s1  }
0x8c: {  	s16 =	sshll.u32 s0, $0xA;
	s2 =	sadd.s32 s3, s2  }
0x8d: {  	s2 =	sadd.s32 s2, s16  }
0x8e: {  	[smem:$0x3FC0] =	sst s2  }
0x8f: {  	_ = 	snop  }
0x90: {  	(tm) =	ssettm $0x1  }
0x91: {  	s17 =	sld [smem:$0x3FFB];
	_ =	sdelay $0x3  }
0x92: {  	_ =	strace s17  }
0x93: {  	s2 =	sld [smem:$0x3FFC];
	_ =	sdelay $0x3  }
0x94: {  	_ =	strace s2  }
0x95: {  	s2 =	sld [smem:$0x3FFD];
	_ =	sdelay $0x3  }
0x96: {  	_ =	strace s2  }
0x97: {  	_ =	strace $0x8FFFFFFF  }
0x98: {  	s18 =	sld [smem:$0x3FDB];
	_ =	sdelay $0x1  }
0x99: {  	s19 =	simm.s32 $_scs_section_size  }
0x9a: {  	s4 =	simm.s32 $_size__tile_overlayer_lowered;
	s5 =	simm.s32 $_tile_overlayer_lowered  }
0x9b: {  	s22 =	simm.s32 $0x1BFF;
	s21 =	sshll.u32 s5, $0x1;
	s2 =	sadd.s32 s19, s18  }
0x9c: {  	s6 =	simm.s32 $0x0;
	s20 =	sshll.u32 s4, $0x1;
	s4 =	sadd.s32 s21, s2  }
0x9d: {  	[timem:s6], [sflag:s22] =	dma.local [hbm:s4], s20  }
0x9e: {  	_ =	swait.ge [sflag:s22], s20  }
0x9f: {  	s3 =	ssub.s32 $0x0, s20;
	[sflag:s22] =	ssyncset.done $0x0  }
0xa0: {  	[sflag:s22] =	ssyncadd.s32 s3;
	_ =	sdelay $0x1  }
0xa1: {  	s23 =	simm.s32 $0x1B8B  }
0xa2: {  	_ =	swait.ge [sflag:s23], $0x1  }
0xa3: {  	[sflag:s23] =	ssyncset.done $0x0  }
0xa4: {  	s25 =	simm.s32 $0x1B8E;
	s24 =	sld [smem:$0x3FFE];
	[sflag:s23] =	ssyncadd.s32 $0xFFFFFFFF  }
0xa5: {  	s26 =	simm.s32 $execute0_lowered;
	[smem:$0x3FD2] =	sst s25  }
0xa6: {  	s4 =	sshll.u32 s26, $0x1;
	_ =	strace $0x80000046;
	[dreg:$0x1] =	wrdreg $0xFFFFFFFF  }
0xa7: {  	s28 =	simm.s32 $_size_execute0_lowered;
	s2 =	sadd.s32 s2, s4;
	[dreg:$0x0] =	wrdreg $0x0  }
0xa8: {  	s4 =	sshll.u32 s28, $0x1;
	[dreg:$0x2] =	wrdreg s2  }
0xa9: {  	[dreg:$0x3] =	wrdreg s4  }
0xaa: {  	[dreg:$0x4] =	wrdreg $0xC0  }
0xab: {  	_ =	task [dreg:s6], $0x5FFFF  }
0xac: {  	[dreg:$0x1] =	wrdreg $0xFFFFFFFF  }
0xad: {  	[dreg:$0x0] =	wrdreg $0x60  }
0xae: {  	[dreg:$0x2] =	wrdreg s24  }
0xaf: {  	[dreg:$0x3] =	wrdreg $0x5D000  }
0xb0: {  	[dreg:$0x4] =	wrdreg $0x9  }
0xb1: {  	_ =	task.clear_ibuf [dreg:s6], $0x5FFFF;
	_ =	strace $0x90000046  }
0xb2: {  	s29 =	simm.s32 $0x9;
	_ =	strace $0x80000048  }
0xb3: {  	_ =	swait.ge [sflag:s29], $0x1  }
0xb4: {  	[sflag:s29] =	ssyncadd.s32 $0xFFFFFFFF  }
0xb5: {  	_ =	strace $0x90000048  }
0xb6: {  	_ =	sfence  }
0xb7: {  	s30 =	sld [smem:$0x0];
	_ =	sdelay $0x2  }
0xb8: {  	s31 =	sshll.u32 s1, $0xD;
	s1 =	sshrl.u32 s1, $0x2  }
0xb9: {  	s3 =	sand.u32 $0x4000, s31;
	s1 =	sadd.s32 s1, s30  }
0xba: {  	s0 =	sor.u32 s3, s0;
	s1 =	sshll.u32 s1, $0x11  }
0xbb: {  	s0 =	sor.u32 s1, s0  }
0xbc: {  	s0 =	sadd.s32 $0x8F2B, s0  }
0xbd: {  	[sflag:s0] =	ssyncadd.remote.s32 $0x1  }
0xbe: {  	_ =	sfence.sel $0xFFFF  }
0xbf: {  	[dreg:$0x0] =	wrdreg $0xFFFFFFFF;
	(pc) =	sbr.abs _section_cstart, $3  }
0xc0: {  	[dreg:$0x1] =	wrdreg $0xFFFFFFFF  }
0xc1: {  	_ =	task.clear_ibuf [dreg:s6], $0x2FFFF;
	_ =	strace $0x9FFFFFFF  }
0xc2: {  	(tm) =	ssettm $0x7FFFFFFF  }
0xc3: {  	_ =	shalt  }
tec
execute0_lowered:
.L_overlay_start_1:
0x0: {  	(tag) =	ssettag $0x1  }
0x1: {  	s1 =	srdreg.scid  }
0x2: {  	s0 =	stileid.u32;
	s3 =	rddreg [dreg:$0x0]  }
0x3: {  	s5 =	rddreg [dreg:$0x1];
	s2 =	simm.s32 $0x0;
	s11 =	simm.s32 $0x400  }
0x4: {  	s12 =	simm.s32 $0x5800;
	s13 =	simm.s32 $0x100;
	s14 =	simm.s32 $0x5A80  }
0x5: {  	s15 =	simm.s32 $0x0;
	s4 =	sand.u32 $0x1, s1;
	s1 =	rddreg [dreg:$0x2]  }
0x6: {  	s28 =	sshll.u32 s0, $0x1;
	[smem:$0x7FF] =	sst s2;
	s7 =	smul.u32 $0x500, s0  }
0x7: {  	s29 =	sshrl.u32 s0, $0x3;
	s30 =	smul.u32 $0x5000, s0;
	s31 =	sshll.u32 s0, $0x7  }
0x8: {  	s6 =	sor.u32 s4, s28;
	_ =	strace $0x80000047;
	s8 =	sshll.u32 s4, $0x7  }
0x9: {  	s4 =	ssub.s32 $0x2, s4;
	s6 =	smul.u32 $0x600, s6;
	s7 =	sor.u32 s8, s7  }
0xa: {  	s9 =	sshrl.u32 s4, $0x1;
	s8 =	smul.u32 $0x50000, s29;
	s10 =	sshrl.u32 s30, $0x2  }
0xb: {  	s7 =	sshrl.u32 s7, $0x3;
	s9 =	ssub.s32 s4, s9;
	s6 =	sadd.s32 s6, s3  }
0xc: {  	s7 =	sadd.s32 s7, s3;
	s8 =	sshrl.u32 s8, $0x2;
	s3 =	sadd.s32 $0x1E00, s6  }
0xd: {  	s6 =	sand.u32 $0x380, s31;
	s8 =	sadd.s32 s8, s5;
	s5 =	sadd.s32 s10, s5  }
0xe: {  	s10 =	simm.s32 $0x80;
	s4 =	sadd.s32 s6, s8;
	s6 =	sadd.s32 $0xDE00, s7  }
0xf: {  	v0 =	vimm.f32 $0.0e+00;
	v1 =	vimm.f32 $1.000000000e+00;
	s7 =	smax.u32 s9, $0x1;
	s8 =	simm.s32 $0x1;
	s9 =	simm.s32 $0x3000  }
.LBB2_1:
0x10: {  	[tilespmem:s2], [sflag:$0x1] =	stream.linear.gather [hbm4b:s3+s2], $0x2D00, $0x38;
	[tilespmem:$0x8500] =	vst v63  }
0x11: {  	_ =	swait.ge [sflag:s8], $0x2D00  }
0x12: {  	[sflag:s8] =	ssyncset.done $0x0  }
0x13: {  	s16 =	simm.s32 $0x0;
	[sflag:s8] =	ssyncadd.s32 $0xFFFFD300  }
.LBB2_2:
0x14: {  	p0 =	sne.s32 s16, $0x9FC0  }
.Ltmp0:
0x15: {  	_ = 	snop;
	(pc) =	sbr.rel @p0 .LBB2_2-.Ltmp0, $3  }
0x16: {  	_ =	sdelay $0x1  }
0x17: {  	s17 =	sshra.s32 s16, $0x2  }
0x18: {  	s16 =	sadd.s32 $0x40, s16;
	[tilespmem:s17+$0x3000] =	vst v0  }
0x19: {  	s16 =	simm.s32 $0x0  }
.LBB2_4:
0x1a: {  	s17 =	sshra.s32 s16, $0x2  }
0x1b: {  	v2 =	vld [tilespmem:s17+$0x0];
	_ =	sdelay $0x7  }
0x1c: {  	[tilespmem:v2+s9+$0x0] =	vst.idx.add.f32.msk $0xffff, v1  }
0x1d: {  	v2 =	vld [tilespmem:s17+$0x10];
	_ =	sdelay $0x7  }
0x1e: {  	[tilespmem:v2+s9+$0x0] =	vst.idx.add.f32.msk $0xffff, v1  }
0x1f: {  	v2 =	vld [tilespmem:s17+$0x20];
	_ =	sdelay $0x7  }
0x20: {  	[tilespmem:v2+s9+$0x0] =	vst.idx.add.f32.msk $0xffff, v1  }
0x21: {  	v2 =	vld [tilespmem:s17+$0x30];
	_ =	sdelay $0x7  }
0x22: {  	[tilespmem:v2+s9+$0x0] =	vst.idx.add.f32.msk $0xffff, v1  }
0x23: {  	v2 =	vld [tilespmem:s17+$0x40];
	_ =	sdelay $0x7  }
0x24: {  	[tilespmem:v2+s9+$0x0] =	vst.idx.add.f32.msk $0xffff, v1  }
0x25: {  	v2 =	vld [tilespmem:s17+$0x50];
	_ =	sdelay $0x7  }
0x26: {  	[tilespmem:v2+s9+$0x0] =	vst.idx.add.f32.msk $0xffff, v1  }
0x27: {  	v2 =	vld [tilespmem:s17+$0x60];
	_ =	sdelay $0x2  }
0x28: {  	p0 =	sne.s32 s16, $0xB200  }
.Ltmp1:
0x29: {  	_ = 	snop;
	(pc) =	sbr.rel @p0 .LBB2_4-.Ltmp1, $2  }
0x2a: {  	_ =	sdelay $0x2  }
0x2b: {  	s16 =	sadd.s32 $0x200, s16;
	[tilespmem:v2+s9+$0x0] =	vst.idx.add.f32.msk $0xffff, v1  }
0x2c: {  	[spmem:s4] =	stream.strided.scatter [tilespmem:s9], [sflag:$0x1], $0x2800, s11, s10, $0x38;
	[tilespmem:$0x8500] =	vst v63  }
0x2d: {  	_ =	swait.ge [sflag:s8], $0x2800  }
0x2e: {  	[sflag:s8] =	ssyncset.done $0x0  }
0x2f: {  	[sflag:s8] =	ssyncadd.s32 $0xFFFFD800  }
0x30: {  	[bflag:$0x0] =	sbarrier.arrive $0xFFFF  }
0x31: {  	[tilespmem:$0x5A80] =	vst v0  }
0x32: {  	[tilespmem:$0x5A90] =	vst v0  }
0x33: {  	[tilespmem:$0x5AA0] =	vst v0  }
0x34: {  	[tilespmem:$0x5AB0] =	vst v0  }
0x35: {  	[tilespmem:$0x5AC0] =	vst v0  }
0x36: {  	[tilespmem:$0x5AD0] =	vst v0  }
0x37: {  	[tilespmem:$0x5AE0] =	vst v0  }
0x38: {  	[tilespmem:$0x5AF0] =	vst v0  }
0x39: {  	[tilespmem:$0x5B00] =	vst v0  }
0x3a: {  	[tilespmem:$0x5B10] =	vst v0  }
0x3b: {  	[tilespmem:$0x5B20] =	vst v0  }
0x3c: {  	[tilespmem:$0x5B30] =	vst v0  }
0x3d: {  	[tilespmem:$0x5B40] =	vst v0  }
0x3e: {  	[tilespmem:$0x5B50] =	vst v0  }
0x3f: {  	[tilespmem:$0x5B60] =	vst v0  }
0x40: {  	[tilespmem:$0x5B70] =	vst v0  }
0x41: {  	[tilespmem:$0x5B80] =	vst v0  }
0x42: {  	[tilespmem:$0x5B90] =	vst v0  }
0x43: {  	[tilespmem:$0x5BA0] =	vst v0  }
0x44: {  	[tilespmem:$0x5BB0] =	vst v0  }
0x45: {  	[tilespmem:$0x5BC0] =	vst v0  }
0x46: {  	[tilespmem:$0x5BD0] =	vst v0  }
0x47: {  	[tilespmem:$0x5BE0] =	vst v0  }
0x48: {  	[tilespmem:$0x5BF0] =	vst v0  }
0x49: {  	[tilespmem:$0x5C00] =	vst v0  }
0x4a: {  	[tilespmem:$0x5C10] =	vst v0  }
0x4b: {  	[tilespmem:$0x5C20] =	vst v0  }
0x4c: {  	[tilespmem:$0x5C30] =	vst v0  }
0x4d: {  	[tilespmem:$0x5C40] =	vst v0  }
0x4e: {  	[tilespmem:$0x5C50] =	vst v0  }
0x4f: {  	[tilespmem:$0x5C60] =	vst v0  }
0x50: {  	[tilespmem:$0x5C70] =	vst v0  }
0x51: {  	[tilespmem:$0x5C80] =	vst v0  }
0x52: {  	[tilespmem:$0x5C90] =	vst v0  }
0x53: {  	[tilespmem:$0x5CA0] =	vst v0  }
0x54: {  	[tilespmem:$0x5CB0] =	vst v0  }
0x55: {  	[tilespmem:$0x5CC0] =	vst v0  }
0x56: {  	[tilespmem:$0x5CD0] =	vst v0  }
0x57: {  	[tilespmem:$0x5CE0] =	vst v0  }
0x58: {  	s16 =	simm.s32 $0x0;
	[tilespmem:$0x5CF0] =	vst v0  }
.LBB2_6:
0x59: {  	s17 =	sshrl.u32 s16, $0x3  }
0x5a: {  	s17 =	smul.u32 $0x50000, s17;
	_ =	sdelay $0x1  }
0x5b: {  	s18 =	sshll.u32 s16, $0x7;
	s17 =	sshra.s32 s17, $0x2  }
0x5c: {  	s18 =	sand.u32 $0x380, s18;
	s17 =	sadd.s32 s17, s5  }
0x5d: {  	s17 =	sadd.s32 s18, s17  }
0x5e: {  	[tilespmem:s12], [sflag:$0x1] =	stream.strided.gather [spmem:s17], $0x280, s11, s10, $0x38;
	[tilespmem:$0x8500] =	vst v63  }
0x5f: {  	_ =	swait.ge [sflag:s8], $0x280  }
0x60: {  	[sflag:s8] =	ssyncset.done $0x0  }
0x61: {  	s17 =	simm.s32 $0x0;
	[sflag:s8] =	ssyncadd.s32 $0xFFFFFD80  }
0x62: {  	s18 =	simm.s32 $0x40;
	v2 =	vld [tilespmem:s17+$0x5800]  }
.LBB2_7:
0x63: {  	p0 =	sne.s32 s18, $0x9C0;
	v3 =	vld [tilespmem:s17+$0x5A80];
	_ =	sdelay $0x2  }
.Ltmp2:
0x64: {  	(pc) =	sbr.rel @p0 .LBB2_7-.Ltmp2, $4  }
0x65: {  	_ = 	snop  }
0x66: {  	v3 =	vadd.f32 v2, v3  }
0x67: {  	s19 =	sshra.s32 s18, $0x2  }
0x68: {  	s18 =	sadd.s32 $0x40, s18;
	v2 =	vld [tilespmem:s19+$0x5800];
	[tilespmem:s17+$0x5A80] =	vst v3;
	s17 =	smov.u32 s19  }
0x69: {  	v3 =	vld [tilespmem:s17+$0x5A80]  }
0x6a: {  	s16 =	sadd.s32 $0x1, s16  }
0x6b: {  	p0 =	sne.s32 s16, $0x10  }
.Ltmp3:
0x6c: {  	_ = 	snop;
	(pc) =	sbr.rel @p0 .LBB2_6-.Ltmp3, $3  }
0x6d: {  	_ = 	snop  }
0x6e: {  	v2 =	vadd.f32 v2, v3;
	_ =	sdelay $0x1  }
0x6f: {  	[tilespmem:s17+$0x5A80] =	vst v2  }
0x70: {  	s15 =	sadd.s32 $0x1, s15  }
0x71: {  	p0 =	sne.s32 s15, s7  }
.Ltmp4:
0x72: {  	_ = 	snop;
	(pc) =	sbr.rel @p0 .LBB2_1-.Ltmp4, $4  }
0x73: {  	[hbm4b:s6+s10] =	stream.strided.scatter [tilespmem:s14], [sflag:$0x1], $0x280, s13, s10, $0x38;
	[tilespmem:$0x8500] =	vst v63  }
0x74: {  	_ =	swait.ge [sflag:s8], $0x280  }
0x75: {  	[sflag:s8] =	ssyncset.done $0x0  }
0x76: {  	[sflag:s8] =	ssyncadd.s32 $0xFFFFFD80  }
0x77: {  	_ =	sfence.sel $0x180000  }
0x78: {  	[bflag:$0x0] =	sbarrier.arrive $0xFFFF  }
0x79: {  	p0 =	sne.s32 s0, $0x0;
	_ =	strace $0x90000047  }
0x7a: {  	s0 =	sadd.s32 @!p0 $0x100000, s1;
	[bflag:$0x2] =	sbarrier.arrive $0xFFFF  }
0x7b: {  	[sflag:s0] =	ssyncadd.tile.s32 @!p0 $0x1;
	_ =	shalt  }
.Lfunc_end2:
_tile_overlayer_lowered:
.L_overlay_start_2:
0x7c: {  	(tag) =	ssettag $0x2  }
0x7d: {  	s0 =	rddreg [dreg:$0x0];
	s2 =	stileid.u32  }
0x7e: {  	s1 =	rddreg [dreg:$0x1];
	p0 =	sne.s32 s2, $0x0  }
0x7f: {  	s3 =	rddreg [dreg:$0x2];
	[bflag:$0x3] =	sbarrier.arrive $0xFFFF;
	s2 =	simm.s32 @!p0 $0x1C01  }
0x80: {  	[timem:s3], [sflag:s2] =	dma.local @!p0 [hbm:s0], s1  }
0x81: {  	s0 =	simm.s32 @!p0 $0x1  }
0x82: {  	_ =	swait.ge @!p0 [sflag:s0], s1  }
0x83: {  	s1 =	ssub.s32 @!p0 $0x0, s1;
	[sflag:s0] =	ssyncset.done @!p0 $0x0  }
0x84: {  	[sflag:s0] =	ssyncadd.s32 @!p0 s1  }
0x85: {  	[bflag:$0x3] =	sbarrier.arrive $0xFFFF  }
0x86: {  	_ =	shalt  }

</sc_bundles>
